<compile_context>
chip_gen: v7x
topology: tpu7x:2x2x1
jax: 0.10.2.dev20260603
libtpu: 0.0.44.dev20260713+nightly
codegen_flags: <defaults>
</compile_context>

<pallas_src>
import functools

import jax
import jax.numpy as jnp
from jax import lax
from jax.experimental import pallas as pl
from jax.experimental.pallas import tpu as pltpu
from jax.experimental.pallas import tpu_sc as plsc

_NC = 2
_NS = 16


def kernel(x, pe):
    batch, seq_len = x.shape
    max_len, d_model = pe.shape
    flat = seq_len * d_model
    pe_flat = pe.reshape(1, flat)
    nw = _NC * _NS
    rows_per_w = batch // nw

    mesh = plsc.VectorSubcoreMesh(core_axis_name="c", subcore_axis_name="s")

    @functools.partial(
        pl.kernel,
        mesh=mesh,
        out_type=jax.ShapeDtypeStruct((batch, flat), jnp.float32),
        scratch_types=[
            pltpu.VMEM((1, flat), jnp.float32),
            pltpu.SemaphoreType.DMA,
        ],
    )
    def sc_bcast(pe_hbm, out_hbm, buf, sem):
        wid = lax.axis_index("s") * _NC + lax.axis_index("c")
        base = wid * rows_per_w
        pltpu.sync_copy(pe_hbm.at[0], buf.at[0])
        for j in range(rows_per_w):
            pltpu.make_async_copy(
                buf, out_hbm.at[pl.ds(base + j, 1)], sem
            ).start()
        for j in range(rows_per_w):
            pltpu.make_async_copy(
                buf, out_hbm.at[pl.ds(base + j, 1)], sem
            ).wait()

    out = sc_bcast(pe_flat)
    return out.reshape(batch, seq_len, d_model)

# --- scband reference (transcript-rebuilt; emitter-appended) ---
"""Pipeline reference for scband-positional-embedding-87797721464909 (READ-ONLY COPY).

The authoritative reference and input builder live on the scoring server;
editing this copy changes nothing except your own understanding.
"""

import jax, jax.numpy as jnp
import numpy as np


def setup_inputs(seed: int = 0) -> dict:
    key = jax.random.key(seed)
    k1, k2 = jax.random.split(key)
    batch, seq_len = 4096, 200
    max_len, d_model = 200, 64
    x = jax.random.randint(k1, (batch, seq_len), 0, 200, dtype=jnp.int64) if jax.config.jax_enable_x64 else jax.random.randint(k1, (batch, seq_len), 0, 200, dtype=jnp.int32)
    pe = jax.random.normal(k2, (max_len, d_model), dtype=jnp.float32) * 0.02
    return {"x": x, "pe": pe}


def reference(x, pe):
    batch_size, seq_len = x.shape
    position_ids = jnp.broadcast_to(
        jnp.arange(seq_len, dtype=jnp.int32)[None, :], (batch_size, seq_len)
    )
    return jnp.take(pe, position_ids, axis=0)

if __name__ == "__main__":
    import jax
    _d = setup_inputs()
    print(jax.jit(kernel)(*tuple(_d.values())))

</pallas_src>

<mosaic_0001>
#map = affine_map<(d0, d1) -> (0, 0)>
module attributes {stable_mosaic.version = 14 : i64} {
  func.func @sc_bcast(%arg0: i32, %arg1: i32, %arg2: memref<1x12800xf32, #tpu.memory_space<hbm>>, %arg3: memref<4096x12800xf32, #tpu.memory_space<hbm>>, %arg4: memref<1x12800xf32, #tpu.memory_space<vmem>>, %arg5: memref<!tpu.dma_semaphore, #tpu.memory_space<semaphore_mem>>) attributes {dimension_semantics = [#tpu.dimension_semantics<core_parallel>, #tpu.dimension_semantics<subcore_parallel>], iteration_bounds = array<i64: 2, 16>, scalar_prefetch = 0 : i64, scratch_operands = 2 : i64, tpu.core_type = #tpu.core_type<sc_vector_subcore>, window_params = [{transform_indices = #map}, {transform_indices = #map}]} {
    %mul3A = arith.constant 2 : i32
    %mul3A_0 = arith.muli %arg1, %mul3A : i32
    %add3A = arith.addi %mul3A_0, %arg0 : i32
    %mul3A_1 = arith.constant 128 : i32
    %mul3A_2 = arith.muli %add3A, %mul3A_1 : i32
    %run_scoped3A = arith.constant 0 : i32
    %run_scoped3A_3 = arith.constant 0 : i32
    "tpu.region"() ({
      %run_scoped3A_1538 = tpu.sem_alloc : memref<!tpu.dma_semaphore, #tpu.memory_space<semaphore_mem>>
      %dma_start3A_1539 = arith.constant 0 : i32
      %dma_start3A_1540 = tpu.memref_slice %arg4[%run_scoped3A_3, %dma_start3A_1539] : memref<1x12800xf32, #tpu.memory_space<vmem>> -> memref<1x12800xf32, #tpu.memory_space<vmem>>
      %dma_start3A_1541 = tpu.memref_squeeze %dma_start3A_1540 : memref<1x12800xf32, #tpu.memory_space<vmem>> -> memref<12800xf32, #tpu.memory_space<vmem>>
      %dma_start3A_1542 = arith.constant 0 : i32
      %dma_start3A_1543 = tpu.memref_slice %arg2[%run_scoped3A, %dma_start3A_1542] : memref<1x12800xf32, #tpu.memory_space<hbm>> -> memref<1x12800xf32, #tpu.memory_space<hbm>>
      %dma_start3A_1544 = tpu.memref_squeeze %dma_start3A_1543 : memref<1x12800xf32, #tpu.memory_space<hbm>> -> memref<12800xf32, #tpu.memory_space<hbm>>
      %dma_start3A_1545 = arith.constant 0 : i32
      %dma_start3A_1546 = tpu.memref_slice %arg4[%run_scoped3A_3, %dma_start3A_1545] : memref<1x12800xf32, #tpu.memory_space<vmem>> -> memref<1x12800xf32, #tpu.memory_space<vmem>>
      %dma_start3A_1547 = tpu.memref_squeeze %dma_start3A_1546 : memref<1x12800xf32, #tpu.memory_space<vmem>> -> memref<12800xf32, #tpu.memory_space<vmem>>
      %dma_start3A_1548 = arith.constant 0 : i32
      %dma_start3A_1549 = tpu.memref_slice %arg2[%run_scoped3A, %dma_start3A_1548] : memref<1x12800xf32, #tpu.memory_space<hbm>> -> memref<1x12800xf32, #tpu.memory_space<hbm>>
      %dma_start3A_1550 = tpu.memref_squeeze %dma_start3A_1549 : memref<1x12800xf32, #tpu.memory_space<hbm>> -> memref<12800xf32, #tpu.memory_space<hbm>>
      tpu.enqueue_dma source(%dma_start3A_1550 : memref<12800xf32, #tpu.memory_space<hbm>>) target(%dma_start3A_1547 : memref<12800xf32, #tpu.memory_space<vmem>>) target_semaphore(%run_scoped3A_1538 : memref<!tpu.dma_semaphore, #tpu.memory_space<semaphore_mem>>)
      %dma_wait3A_1551 = arith.constant 0 : i32
      %dma_wait3A_1552 = tpu.memref_slice %arg4[%run_scoped3A_3, %dma_wait3A_1551] : memref<1x12800xf32, #tpu.memory_space<vmem>> -> memref<1x12800xf32, #tpu.memory_space<vmem>>
      %dma_wait3A_1553 = tpu.memref_squeeze %dma_wait3A_1552 : memref<1x12800xf32, #tpu.memory_space<vmem>> -> memref<12800xf32, #tpu.memory_space<vmem>>
      %dma_wait3A_1554 = arith.constant 0 : i32
      %dma_wait3A_1555 = tpu.memref_slice %arg2[%run_scoped3A, %dma_wait3A_1554] : memref<1x12800xf32, #tpu.memory_space<hbm>> -> memref<1x12800xf32, #tpu.memory_space<hbm>>
      %dma_wait3A_1556 = tpu.memref_squeeze %dma_wait3A_1555 : memref<1x12800xf32, #tpu.memory_space<hbm>> -> memref<12800xf32, #tpu.memory_space<hbm>>
      %dma_wait3A_1557 = arith.constant 0 : i32
      %dma_wait3A_1558 = tpu.memref_slice %arg4[%run_scoped3A_3, %dma_wait3A_1557] : memref<1x12800xf32, #tpu.memory_space<vmem>> -> memref<1x12800xf32, #tpu.memory_space<vmem>>
      %dma_wait3A_1559 = tpu.memref_squeeze %dma_wait3A_1558 : memref<1x12800xf32, #tpu.memory_space<vmem>> -> memref<12800xf32, #tpu.memory_space<vmem>>
      %dma_wait3A_1560 = arith.constant 0 : i32
      %dma_wait3A_1561 = tpu.memref_slice %arg2[%run_scoped3A, %dma_wait3A_1560] : memref<1x12800xf32, #tpu.memory_space<hbm>> -> memref<1x12800xf32, #tpu.memory_space<hbm>>
      %dma_wait3A_1562 = tpu.memref_squeeze %dma_wait3A_1561 : memref<1x12800xf32, #tpu.memory_space<hbm>> -> memref<12800xf32, #tpu.memory_space<hbm>>
      tpu.wait_dma2 semaphore(%run_scoped3A_1538 : memref<!tpu.dma_semaphore, #tpu.memory_space<semaphore_mem>>) src(%dma_wait3A_1562 : memref<12800xf32, #tpu.memory_space<hbm>>) dst(%dma_wait3A_1559 : memref<12800xf32, #tpu.memory_space<vmem>>)
      tpu.yield
    }) : () -> ()
    %add3A_4 = arith.constant 0 : i32
    %add3A_5 = arith.addi %mul3A_2, %add3A_4 : i32
    %dma_start3A = arith.constant 0 : i32
    %dma_start3A_6 = tpu.memref_slice %arg3[%add3A_5, %dma_start3A] : memref<4096x12800xf32, #tpu.memory_space<hbm>> -> memref<1x12800xf32, #tpu.memory_space<hbm>>
    %dma_start3A_7 = arith.constant 0 : i32
    %dma_start3A_8 = tpu.memref_slice %arg3[%add3A_5, %dma_start3A_7] : memref<4096x12800xf32, #tpu.memory_space<hbm>> -> memref<1x12800xf32, #tpu.memory_space<hbm>>
    tpu.enqueue_dma source(%arg4 : memref<1x12800xf32, #tpu.memory_space<vmem>>) target(%dma_start3A_8 : memref<1x12800xf32, #tpu.memory_space<hbm>>) target_semaphore(%arg5 : memref<!tpu.dma_semaphore, #tpu.memory_space<semaphore_mem>>)
    %add3A_9 = arith.constant 1 : i32
    %add3A_10 = arith.addi %mul3A_2, %add3A_9 : i32
    %dma_start3A_11 = arith.constant 0 : i32
    %dma_start3A_12 = tpu.memref_slice %arg3[%add3A_10, %dma_start3A_11] : memref<4096x12800xf32, #tpu.memory_space<hbm>> -> memref<1x12800xf32, #tpu.memory_space<hbm>>
    %dma_start3A_13 = arith.constant 0 : i32
    %dma_start3A_14 = tpu.memref_slice %arg3[%add3A_10, %dma_start3A_13] : memref<4096x12800xf32, #tpu.memory_space<hbm>> -> memref<1x12800xf32, #tpu.memory_space<hbm>>
    tpu.enqueue_dma source(%arg4 : memref<1x12800xf32, #tpu.memory_space<vmem>>) target(%dma_start3A_14 : memref<1x12800xf32, #tpu.memory_space<hbm>>) target_semaphore(%arg5 : memref<!tpu.dma_semaphore, #tpu.memory_space<semaphore_mem>>)
    %add3A_15 = arith.constant 2 : i32
    %add3A_16 = arith.addi %mul3A_2, %add3A_15 : i32
    %dma_start3A_17 = arith.constant 0 : i32
    %dma_start3A_18 = tpu.memref_slice %arg3[%add3A_16, %dma_start3A_17] : memref<4096x12800xf32, #tpu.memory_space<hbm>> -> memref<1x12800xf32, #tpu.memory_space<hbm>>
    %dma_start3A_19 = arith.constant 0 : i32
    %dma_start3A_20 = tpu.memref_slice %arg3[%add3A_16, %dma_start3A_19] : memref<4096x12800xf32, #tpu.memory_space<hbm>> -> memref<1x12800xf32, #tpu.memory_space<hbm>>
    tpu.enqueue_dma source(%arg4 : memref<1x12800xf32, #tpu.memory_space<vmem>>) target(%dma_start3A_20 : memref<1x12800xf32, #tpu.memory_space<hbm>>) target_semaphore(%arg5 : memref<!tpu.dma_semaphore, #tpu.memory_space<semaphore_mem>>)
    %add3A_21 = arith.constant 3 : i32
    %add3A_22 = arith.addi %mul3A_2, %add3A_21 : i32
    %dma_start3A_23 = arith.constant 0 : i32
    %dma_start3A_24 = tpu.memref_slice %arg3[%add3A_22, %dma_start3A_23] : memref<4096x12800xf32, #tpu.memory_space<hbm>> -> memref<1x12800xf32, #tpu.memory_space<hbm>>
    %dma_start3A_25 = arith.constant 0 : i32
    %dma_start3A_26 = tpu.memref_slice %arg3[%add3A_22, %dma_start3A_25] : memref<4096x12800xf32, #tpu.memory_space<hbm>> -> memref<1x12800xf32, #tpu.memory_space<hbm>>
    tpu.enqueue_dma source(%arg4 : memref<1x12800xf32, #tpu.memory_space<vmem>>) target(%dma_start3A_26 : memref<1x12800xf32, #tpu.memory_space<hbm>>) target_semaphore(%arg5 : memref<!tpu.dma_semaphore, #tpu.memory_space<semaphore_mem>>)
    %add3A_27 = arith.constant 4 : i32
    %add3A_28 = arith.addi %mul3A_2, %add3A_27 : i32
    %dma_start3A_29 = arith.constant 0 : i32
    %dma_start3A_30 = tpu.memref_slice %arg3[%add3A_28, %dma_start3A_29] : memref<4096x12800xf32, #tpu.memory_space<hbm>> -> memref<1x12800xf32, #tpu.memory_space<hbm>>
    %dma_start3A_31 = arith.constant 0 : i32
    %dma_start3A_32 = tpu.memref_slice %arg3[%add3A_28, %dma_start3A_31] : memref<4096x12800xf32, #tpu.memory_space<hbm>> -> memref<1x12800xf32, #tpu.memory_space<hbm>>
    tpu.enqueue_dma source(%arg4 : memref<1x12800xf32, #tpu.memory_space<vmem>>) target(%dma_start3A_32 : memref<1x12800xf32, #tpu.memory_space<hbm>>) target_semaphore(%arg5 : memref<!tpu.dma_semaphore, #tpu.memory_space<semaphore_mem>>)
    %add3A_33 = arith.constant 5 : i32
    %add3A_34 = arith.addi %mul3A_2, %add3A_33 : i32
    %dma_start3A_35 = arith.constant 0 : i32
    %dma_start3A_36 = tpu.memref_slice %arg3[%add3A_34, %dma_start3A_35] : memref<4096x12800xf32, #tpu.memory_space<hbm>> -> memref<1x12800xf32, #tpu.memory_space<hbm>>
    %dma_start3A_37 = arith.constant 0 : i32
    %dma_start3A_38 = tpu.memref_slice %arg3[%add3A_34, %dma_start3A_37] : memref<4096x12800xf32, #tpu.memory_space<hbm>> -> memref<1x12800xf32, #tpu.memory_space<hbm>>
    tpu.enqueue_dma source(%arg4 : memref<1x12800xf32, #tpu.memory_space<vmem>>) target(%dma_start3A_38 : memref<1x12800xf32, #tpu.memory_space<hbm>>) target_semaphore(%arg5 : memref<!tpu.dma_semaphore, #tpu.memory_space<semaphore_mem>>)
    %add3A_39 = arith.constant 6 : i32
    %add3A_40 = arith.addi %mul3A_2, %add3A_39 : i32
    %dma_start3A_41 = arith.constant 0 : i32
    %dma_start3A_42 = tpu.memref_slice %arg3[%add3A_40, %dma_start3A_41] : memref<4096x12800xf32, #tpu.memory_space<hbm>> -> memref<1x12800xf32, #tpu.memory_space<hbm>>
    %dma_start3A_43 = arith.constant 0 : i32
    %dma_start3A_44 = tpu.memref_slice %arg3[%add3A_40, %dma_start3A_43] : memref<4096x12800xf32, #tpu.memory_space<hbm>> -> memref<1x12800xf32, #tpu.memory_space<hbm>>
    tpu.enqueue_dma source(%arg4 : memref<1x12800xf32, #tpu.memory_space<vmem>>) target(%dma_start3A_44 : memref<1x12800xf32, #tpu.memory_space<hbm>>) target_semaphore(%arg5 : memref<!tpu.dma_semaphore, #tpu.memory_space<semaphore_mem>>)
    %add3A_45 = arith.constant 7 : i32
    %add3A_46 = arith.addi %mul3A_2, %add3A_45 : i32
    %dma_start3A_47 = arith.constant 0 : i32
    %dma_start3A_48 = tpu.memref_slice %arg3[%add3A_46, %dma_start3A_47] : memref<4096x12800xf32, #tpu.memory_space<hbm>> -> memref<1x12800xf32, #tpu.memory_space<hbm>>
    %dma_start3A_49 = arith.constant 0 : i32
    %dma_start3A_50 = tpu.memref_slice %arg3[%add3A_46, %dma_start3A_49] : memref<4096x12800xf32, #tpu.memory_space<hbm>> -> memref<1x12800xf32, #tpu.memory_space<hbm>>
    tpu.enqueue_dma source(%arg4 : memref<1x12800xf32, #tpu.memory_space<vmem>>) target(%dma_start3A_50 : memref<1x12800xf32, #tpu.memory_space<hbm>>) target_semaphore(%arg5 : memref<!tpu.dma_semaphore, #tpu.memory_space<semaphore_mem>>)
    %add3A_51 = arith.constant 8 : i32
    %add3A_52 = arith.addi %mul3A_2, %add3A_51 : i32
    %dma_start3A_53 = arith.constant 0 : i32
    %dma_start3A_54 = tpu.memref_slice %arg3[%add3A_52, %dma_start3A_53] : memref<4096x12800xf32, #tpu.memory_space<hbm>> -> memref<1x12800xf32, #tpu.memory_space<hbm>>
    %dma_start3A_55 = arith.constant 0 : i32
    %dma_start3A_56 = tpu.memref_slice %arg3[%add3A_52, %dma_start3A_55] : memref<4096x12800xf32, #tpu.memory_space<hbm>> -> memref<1x12800xf32, #tpu.memory_space<hbm>>
    tpu.enqueue_dma source(%arg4 : memref<1x12800xf32, #tpu.memory_space<vmem>>) target(%dma_start3A_56 : memref<1x12800xf32, #tpu.memory_space<hbm>>) target_semaphore(%arg5 : memref<!tpu.dma_semaphore, #tpu.memory_space<semaphore_mem>>)
    %add3A_57 = arith.constant 9 : i32
    %add3A_58 = arith.addi %mul3A_2, %add3A_57 : i32
    %dma_start3A_59 = arith.constant 0 : i32
    %dma_start3A_60 = tpu.memref_slice %arg3[%add3A_58, %dma_start3A_59] : memref<4096x12800xf32, #tpu.memory_space<hbm>> -> memref<1x12800xf32, #tpu.memory_space<hbm>>
    %dma_start3A_61 = arith.constant 0 : i32
    %dma_start3A_62 = tpu.memref_slice %arg3[%add3A_58, %dma_start3A_61] : memref<4096x12800xf32, #tpu.memory_space<hbm>> -> memref<1x12800xf32, #tpu.memory_space<hbm>>
    tpu.enqueue_dma source(%arg4 : memref<1x12800xf32, #tpu.memory_space<vmem>>) target(%dma_start3A_62 : memref<1x12800xf32, #tpu.memory_space<hbm>>) target_semaphore(%arg5 : memref<!tpu.dma_semaphore, #tpu.memory_space<semaphore_mem>>)
    %add3A_63 = arith.constant 10 : i32
    %add3A_64 = arith.addi %mul3A_2, %add3A_63 : i32
    %dma_start3A_65 = arith.constant 0 : i32
    %dma_start3A_66 = tpu.memref_slice %arg3[%add3A_64, %dma_start3A_65] : memref<4096x12800xf32, #tpu.memory_space<hbm>> -> memref<1x12800xf32, #tpu.memory_space<hbm>>
    %dma_start3A_67 = arith.constant 0 : i32
    %dma_start3A_68 = tpu.memref_slice %arg3[%add3A_64, %dma_start3A_67] : memref<4096x12800xf32, #tpu.memory_space<hbm>> -> memref<1x12800xf32, #tpu.memory_space<hbm>>
    tpu.enqueue_dma source(%arg4 : memref<1x12800xf32, #tpu.memory_space<vmem>>) target(%dma_start3A_68 : memref<1x12800xf32, #tpu.memory_space<hbm>>) target_semaphore(%arg5 : memref<!tpu.dma_semaphore, #tpu.memory_space<semaphore_mem>>)
    %add3A_69 = arith.constant 11 : i32
    %add3A_70 = arith.addi %mul3A_2, %add3A_69 : i32
    %dma_start3A_71 = arith.constant 0 : i32
    %dma_start3A_72 = tpu.memref_slice %arg3[%add3A_70, %dma_start3A_71] : memref<4096x12800xf32, #tpu.memory_space<hbm>> -> memref<1x12800xf32, #tpu.memory_space<hbm>>
    %dma_start3A_73 = arith.constant 0 : i32
    %dma_start3A_74 = tpu.memref_slice %arg3[%add3A_70, %dma_start3A_73] : memref<4096x12800xf32, #tpu.memory_space<hbm>> -> memref<1x12800xf32, #tpu.memory_space<hbm>>
    tpu.enqueue_dma source(%arg4 : memref<1x12800xf32, #tpu.memory_space<vmem>>) target(%dma_start3A_74 : memref<1x12800xf32, #tpu.memory_space<hbm>>) target_semaphore(%arg5 : memref<!tpu.dma_semaphore, #tpu.memory_space<semaphore_mem>>)
    %add3A_75 = arith.constant 12 : i32
    %add3A_76 = arith.addi %mul3A_2, %add3A_75 : i32
    %dma_start3A_77 = arith.constant 0 : i32
    %dma_start3A_78 = tpu.memref_slice %arg3[%add3A_76, %dma_start3A_77] : memref<4096x12800xf32, #tpu.memory_space<hbm>> -> memref<1x12800xf32, #tpu.memory_space<hbm>>
    %dma_start3A_79 = arith.constant 0 : i32
    %dma_start3A_80 = tpu.memref_slice %arg3[%add3A_76, %dma_start3A_79] : memref<4096x12800xf32, #tpu.memory_space<hbm>> -> memref<1x12800xf32, #tpu.memory_space<hbm>>
    tpu.enqueue_dma source(%arg4 : memref<1x12800xf32, #tpu.memory_space<vmem>>) target(%dma_start3A_80 : memref<1x12800xf32, #tpu.memory_space<hbm>>) target_semaphore(%arg5 : memref<!tpu.dma_semaphore, #tpu.memory_space<semaphore_mem>>)
    %add3A_81 = arith.constant 13 : i32
    %add3A_82 = arith.addi %mul3A_2, %add3A_81 : i32
    %dma_start3A_83 = arith.constant 0 : i32
    %dma_start3A_84 = tpu.memref_slice %arg3[%add3A_82, %dma_start3A_83] : memref<4096x12800xf32, #tpu.memory_space<hbm>> -> memref<1x12800xf32, #tpu.memory_space<hbm>>
    %dma_start3A_85 = arith.constant 0 : i32
    %dma_start3A_86 = tpu.memref_slice %arg3[%add3A_82, %dma_start3A_85] : memref<4096x12800xf32, #tpu.memory_space<hbm>> -> memref<1x12800xf32, #tpu.memory_space<hbm>>
    tpu.enqueue_dma source(%arg4 : memref<1x12800xf32, #tpu.memory_space<vmem>>) target(%dma_start3A_86 : memref<1x12800xf32, #tpu.memory_space<hbm>>) target_semaphore(%arg5 : memref<!tpu.dma_semaphore, #tpu.memory_space<semaphore_mem>>)
    %add3A_87 = arith.constant 14 : i32
    %add3A_88 = arith.addi %mul3A_2, %add3A_87 : i32
    %dma_start3A_89 = arith.constant 0 : i32
    %dma_start3A_90 = tpu.memref_slice %arg3[%add3A_88, %dma_start3A_89] : memref<4096x12800xf32, #tpu.memory_space<hbm>> -> memref<1x12800xf32, #tpu.memory_space<hbm>>
    %dma_start3A_91 = arith.constant 0 : i32
    %dma_start3A_92 = tpu.memref_slice %arg3[%add3A_88, %dma_start3A_91] : memref<4096x12800xf32, #tpu.memory_space<hbm>> -> memref<1x12800xf32, #tpu.memory_space<hbm>>
    tpu.enqueue_dma source(%arg4 : memref<1x12800xf32, #tpu.memory_space<vmem>>) target(%dma_start3A_92 : memref<1x12800xf32, #tpu.memory_space<hbm>>) target_semaphore(%arg5 : memref<!tpu.dma_semaphore, #tpu.memory_space<semaphore_mem>>)
    %add3A_93 = arith.constant 15 : i32
    %add3A_94 = arith.addi %mul3A_2, %add3A_93 : i32
    %dma_start3A_95 = arith.constant 0 : i32
    %dma_start3A_96 = tpu.memref_slice %arg3[%add3A_94, %dma_start3A_95] : memref<4096x12800xf32, #tpu.memory_space<hbm>> -> memref<1x12800xf32, #tpu.memory_space<hbm>>
    %dma_start3A_97 = arith.constant 0 : i32
    %dma_start3A_98 = tpu.memref_slice %arg3[%add3A_94, %dma_start3A_97] : memref<4096x12800xf32, #tpu.memory_space<hbm>> -> memref<1x12800xf32, #tpu.memory_space<hbm>>
    tpu.enqueue_dma source(%arg4 : memref<1x12800xf32, #tpu.memory_space<vmem>>) target(%dma_start3A_98 : memref<1x12800xf32, #tpu.memory_space<hbm>>) target_semaphore(%arg5 : memref<!tpu.dma_semaphore, #tpu.memory_space<semaphore_mem>>)
    %add3A_99 = arith.constant 16 : i32
    %add3A_100 = arith.addi %mul3A_2, %add3A_99 : i32
    %dma_start3A_101 = arith.constant 0 : i32
    %dma_start3A_102 = tpu.memref_slice %arg3[%add3A_100, %dma_start3A_101] : memref<4096x12800xf32, #tpu.memory_space<hbm>> -> memref<1x12800xf32, #tpu.memory_space<hbm>>
    %dma_start3A_103 = arith.constant 0 : i32
    %dma_start3A_104 = tpu.memref_slice %arg3[%add3A_100, %dma_start3A_103] : memref<4096x12800xf32, #tpu.memory_space<hbm>> -> memref<1x12800xf32, #tpu.memory_space<hbm>>
    tpu.enqueue_dma source(%arg4 : memref<1x12800xf32, #tpu.memory_space<vmem>>) target(%dma_start3A_104 : memref<1x12800xf32, #tpu.memory_space<hbm>>) target_semaphore(%arg5 : memref<!tpu.dma_semaphore, #tpu.memory_space<semaphore_mem>>)
    %add3A_105 = arith.constant 17 : i32
    %add3A_106 = arith.addi %mul3A_2, %add3A_105 : i32
    %dma_start3A_107 = arith.constant 0 : i32
    %dma_start3A_108 = tpu.memref_slice %arg3[%add3A_106, %dma_start3A_107] : memref<4096x12800xf32, #tpu.memory_space<hbm>> -> memref<1x12800xf32, #tpu.memory_space<hbm>>
    %dma_start3A_109 = arith.constant 0 : i32
    %dma_start3A_110 = tpu.memref_slice %arg3[%add3A_106, %dma_start3A_109] : memref<4096x12800xf32, #tpu.memory_space<hbm>> -> memref<1x12800xf32, #tpu.memory_space<hbm>>
    tpu.enqueue_dma source(%arg4 : memref<1x12800xf32, #tpu.memory_space<vmem>>) target(%dma_start3A_110 : memref<1x12800xf32, #tpu.memory_space<hbm>>) target_semaphore(%arg5 : memref<!tpu.dma_semaphore, #tpu.memory_space<semaphore_mem>>)
    %add3A_111 = arith.constant 18 : i32
    %add3A_112 = arith.addi %mul3A_2, %add3A_111 : i32
    %dma_start3A_113 = arith.constant 0 : i32
    %dma_start3A_114 = tpu.memref_slice %arg3[%add3A_112, %dma_start3A_113] : memref<4096x12800xf32, #tpu.memory_space<hbm>> -> memref<1x12800xf32, #tpu.memory_space<hbm>>
    %dma_start3A_115 = arith.constant 0 : i32
    %dma_start3A_116 = tpu.memref_slice %arg3[%add3A_112, %dma_start3A_115] : memref<4096x12800xf32, #tpu.memory_space<hbm>> -> memref<1x12800xf32, #tpu.memory_space<hbm>>
    tpu.enqueue_dma source(%arg4 : memref<1x12800xf32, #tpu.memory_space<vmem>>) target(%dma_start3A_116 : memref<1x12800xf32, #tpu.memory_space<hbm>>) target_semaphore(%arg5 : memref<!tpu.dma_semaphore, #tpu.memory_space<semaphore_mem>>)
    %add3A_117 = arith.constant 19 : i32
    %add3A_118 = arith.addi %mul3A_2, %add3A_117 : i32
    %dma_start3A_119 = arith.constant 0 : i32
    %dma_start3A_120 = tpu.memref_slice %arg3[%add3A_118, %dma_start3A_119] : memref<4096x12800xf32, #tpu.memory_space<hbm>> -> memref<1x12800xf32, #tpu.memory_space<hbm>>
    %dma_start3A_121 = arith.constant 0 : i32
    %dma_start3A_122 = tpu.memref_slice %arg3[%add3A_118, %dma_start3A_121] : memref<4096x12800xf32, #tpu.memory_space<hbm>> -> memref<1x12800xf32, #tpu.memory_space<hbm>>
    tpu.enqueue_dma source(%arg4 : memref<1x12800xf32, #tpu.memory_space<vmem>>) target(%dma_start3A_122 : memref<1x12800xf32, #tpu.memory_space<hbm>>) target_semaphore(%arg5 : memref<!tpu.dma_semaphore, #tpu.memory_space<semaphore_mem>>)
    %add3A_123 = arith.constant 20 : i32
    %add3A_124 = arith.addi %mul3A_2, %add3A_123 : i32
    %dma_start3A_125 = arith.constant 0 : i32
    %dma_start3A_126 = tpu.memref_slice %arg3[%add3A_124, %dma_start3A_125] : memref<4096x12800xf32, #tpu.memory_space<hbm>> -> memref<1x12800xf32, #tpu.memory_space<hbm>>
    %dma_start3A_127 = arith.constant 0 : i32
    %dma_start3A_128 = tpu.memref_slice %arg3[%add3A_124, %dma_start3A_127] : memref<4096x12800xf32, #tpu.memory_space<hbm>> -> memref<1x12800xf32, #tpu.memory_space<hbm>>
    tpu.enqueue_dma source(%arg4 : memref<1x12800xf32, #tpu.memory_space<vmem>>) target(%dma_start3A_128 : memref<1x12800xf32, #tpu.memory_space<hbm>>) target_semaphore(%arg5 : memref<!tpu.dma_semaphore, #tpu.memory_space<semaphore_mem>>)
    %add3A_129 = arith.constant 21 : i32
    %add3A_130 = arith.addi %mul3A_2, %add3A_129 : i32
    %dma_start3A_131 = arith.constant 0 : i32
    %dma_start3A_132 = tpu.memref_slice %arg3[%add3A_130, %dma_start3A_131] : memref<4096x12800xf32, #tpu.memory_space<hbm>> -> memref<1x12800xf32, #tpu.memory_space<hbm>>
    %dma_start3A_133 = arith.constant 0 : i32
    %dma_start3A_134 = tpu.memref_slice %arg3[%add3A_130, %dma_start3A_133] : memref<4096x12800xf32, #tpu.memory_space<hbm>> -> memref<1x12800xf32, #tpu.memory_space<hbm>>
    tpu.enqueue_dma source(%arg4 : memref<1x12800xf32, #tpu.memory_space<vmem>>) target(%dma_start3A_134 : memref<1x12800xf32, #tpu.memory_space<hbm>>) target_semaphore(%arg5 : memref<!tpu.dma_semaphore, #tpu.memory_space<semaphore_mem>>)
    %add3A_135 = arith.constant 22 : i32
    %add3A_136 = arith.addi %mul3A_2, %add3A_135 : i32
    %dma_start3A_137 = arith.constant 0 : i32
    %dma_start3A_138 = tpu.memref_slice %arg3[%add3A_136, %dma_start3A_137] : memref<4096x12800xf32, #tpu.memory_space<hbm>> -> memref<1x12800xf32, #tpu.memory_space<hbm>>
    %dma_start3A_139 = arith.constant 0 : i32
    %dma_start3A_140 = tpu.memref_slice %arg3[%add3A_136, %dma_start3A_139] : memref<4096x12800xf32, #tpu.memory_space<hbm>> -> memref<1x12800xf32, #tpu.memory_space<hbm>>
    tpu.enqueue_dma source(%arg4 : memref<1x12800xf32, #tpu.memory_space<vmem>>) target(%dma_start3A_140 : memref<1x12800xf32, #tpu.memory_space<hbm>>) target_semaphore(%arg5 : memref<!tpu.dma_semaphore, #tpu.memory_space<semaphore_mem>>)
    %add3A_141 = arith.constant 23 : i32
    %add3A_142 = arith.addi %mul3A_2, %add3A_141 : i32
    %dma_start3A_143 = arith.constant 0 : i32
    %dma_start3A_144 = tpu.memref_slice %arg3[%add3A_142, %dma_start3A_143] : memref<4096x12800xf32, #tpu.memory_space<hbm>> -> memref<1x12800xf32, #tpu.memory_space<hbm>>
    %dma_start3A_145 = arith.constant 0 : i32
    %dma_start3A_146 = tpu.memref_slice %arg3[%add3A_142, %dma_start3A_145] : memref<4096x12800xf32, #tpu.memory_space<hbm>> -> memref<1x12800xf32, #tpu.memory_space<hbm>>
    tpu.enqueue_dma source(%arg4 : memref<1x12800xf32, #tpu.memory_space<vmem>>) target(%dma_start3A_146 : memref<1x12800xf32, #tpu.memory_space<hbm>>) target_semaphore(%arg5 : memref<!tpu.dma_semaphore, #tpu.memory_space<semaphore_mem>>)
    %add3A_147 = arith.constant 24 : i32
    %add3A_148 = arith.addi %mul3A_2, %add3A_147 : i32
    %dma_start3A_149 = arith.constant 0 : i32
    %dma_start3A_150 = tpu.memref_slice %arg3[%add3A_148, %dma_start3A_149] : memref<4096x12800xf32, #tpu.memory_space<hbm>> -> memref<1x12800xf32, #tpu.memory_space<hbm>>
    %dma_start3A_151 = arith.constant 0 : i32
    %dma_start3A_152 = tpu.memref_slice %arg3[%add3A_148, %dma_start3A_151] : memref<4096x12800xf32, #tpu.memory_space<hbm>> -> memref<1x12800xf32, #tpu.memory_space<hbm>>
    tpu.enqueue_dma source(%arg4 : memref<1x12800xf32, #tpu.memory_space<vmem>>) target(%dma_start3A_152 : memref<1x12800xf32, #tpu.memory_space<hbm>>) target_semaphore(%arg5 : memref<!tpu.dma_semaphore, #tpu.memory_space<semaphore_mem>>)
    %add3A_153 = arith.constant 25 : i32
    %add3A_154 = arith.addi %mul3A_2, %add3A_153 : i32
    %dma_start3A_155 = arith.constant 0 : i32
    %dma_start3A_156 = tpu.memref_slice %arg3[%add3A_154, %dma_start3A_155] : memref<4096x12800xf32, #tpu.memory_space<hbm>> -> memref<1x12800xf32, #tpu.memory_space<hbm>>
    %dma_start3A_157 = arith.constant 0 : i32
    %dma_start3A_158 = tpu.memref_slice %arg3[%add3A_154, %dma_start3A_157] : memref<4096x12800xf32, #tpu.memory_space<hbm>> -> memref<1x12800xf32, #tpu.memory_space<hbm>>
    tpu.enqueue_dma source(%arg4 : memref<1x12800xf32, #tpu.memory_space<vmem>>) target(%dma_start3A_158 : memref<1x12800xf32, #tpu.memory_space<hbm>>) target_semaphore(%arg5 : memref<!tpu.dma_semaphore, #tpu.memory_space<semaphore_mem>>)
    %add3A_159 = arith.constant 26 : i32
    %add3A_160 = arith.addi %mul3A_2, %add3A_159 : i32
    %dma_start3A_161 = arith.constant 0 : i32
    %dma_start3A_162 = tpu.memref_slice %arg3[%add3A_160, %dma_start3A_161] : memref<4096x12800xf32, #tpu.memory_space<hbm>> -> memref<1x12800xf32, #tpu.memory_space<hbm>>
    %dma_start3A_163 = arith.constant 0 : i32
    %dma_start3A_164 = tpu.memref_slice %arg3[%add3A_160, %dma_start3A_163] : memref<4096x12800xf32, #tpu.memory_space<hbm>> -> memref<1x12800xf32, #tpu.memory_space<hbm>>
    tpu.enqueue_dma source(%arg4 : memref<1x12800xf32, #tpu.memory_space<vmem>>) target(%dma_start3A_164 : memref<1x12800xf32, #tpu.memory_space<hbm>>) target_semaphore(%arg5 : memref<!tpu.dma_semaphore, #tpu.memory_space<semaphore_mem>>)
    %add3A_165 = arith.constant 27 : i32
    %add3A_166 = arith.addi %mul3A_2, %add3A_165 : i32
    %dma_start3A_167 = arith.constant 0 : i32
    %dma_start3A_168 = tpu.memref_slice %arg3[%add3A_166, %dma_start3A_167] : memref<4096x12800xf32, #tpu.memory_space<hbm>> -> memref<1x12800xf32, #tpu.memory_space<hbm>>
    %dma_start3A_169 = arith.constant 0 : i32
    %dma_start3A_170 = tpu.memref_slice %arg3[%add3A_166, %dma_start3A_169] : memref<4096x12800xf32, #tpu.memory_space<hbm>> -> memref<1x12800xf32, #tpu.memory_space<hbm>>
    tpu.enqueue_dma source(%arg4 : memref<1x12800xf32, #tpu.memory_space<vmem>>) target(%dma_start3A_170 : memref<1x12800xf32, #tpu.memory_space<hbm>>) target_semaphore(%arg5 : memref<!tpu.dma_semaphore, #tpu.memory_space<semaphore_mem>>)
    %add3A_171 = arith.constant 28 : i32
    %add3A_172 = arith.addi %mul3A_2, %add3A_171 : i32
    %dma_start3A_173 = arith.constant 0 : i32
    %dma_start3A_174 = tpu.memref_slice %arg3[%add3A_172, %dma_start3A_173] : memref<4096x12800xf32, #tpu.memory_space<hbm>> -> memref<1x12800xf32, #tpu.memory_space<hbm>>
    %dma_start3A_175 = arith.constant 0 : i32
    %dma_start3A_176 = tpu.memref_slice %arg3[%add3A_172, %dma_start3A_175] : memref<4096x12800xf32, #tpu.memory_space<hbm>> -> memref<1x12800xf32, #tpu.memory_space<hbm>>
    tpu.enqueue_dma source(%arg4 : memref<1x12800xf32, #tpu.memory_space<vmem>>) target(%dma_start3A_176 : memref<1x12800xf32, #tpu.memory_space<hbm>>) target_semaphore(%arg5 : memref<!tpu.dma_semaphore, #tpu.memory_space<semaphore_mem>>)
    %add3A_177 = arith.constant 29 : i32
    %add3A_178 = arith.addi %mul3A_2, %add3A_177 : i32
    %dma_start3A_179 = arith.constant 0 : i32
    %dma_start3A_180 = tpu.memref_slice %arg3[%add3A_178, %dma_start3A_179] : memref<4096x12800xf32, #tpu.memory_space<hbm>> -> memref<1x12800xf32, #tpu.memory_space<hbm>>
    %dma_start3A_181 = arith.constant 0 : i32
    %dma_start3A_182 = tpu.memref_slice %arg3[%add3A_178, %dma_start3A_181] : memref<4096x12800xf32, #tpu.memory_space<hbm>> -> memref<1x12800xf32, #tpu.memory_space<hbm>>
    tpu.enqueue_dma source(%arg4 : memref<1x12800xf32, #tpu.memory_space<vmem>>) target(%dma_start3A_182 : memref<1x12800xf32, #tpu.memory_space<hbm>>) target_semaphore(%arg5 : memref<!tpu.dma_semaphore, #tpu.memory_space<semaphore_mem>>)
    %add3A_183 = arith.constant 30 : i32
    %add3A_184 = arith.addi %mul3A_2, %add3A_183 : i32
    %dma_start3A_185 = arith.constant 0 : i32
    %dma_start3A_186 = tpu.memref_slice %arg3[%add3A_184, %dma_start3A_185] : memref<4096x12800xf32, #tpu.memory_space<hbm>> -> memref<1x12800xf32, #tpu.memory_space<hbm>>
    %dma_start3A_187 = arith.constant 0 : i32
    %dma_start3A_188 = tpu.memref_slice %arg3[%add3A_184, %dma_start3A_187] : memref<4096x12800xf32, #tpu.memory_space<hbm>> -> memref<1x12800xf32, #tpu.memory_space<hbm>>
    tpu.enqueue_dma source(%arg4 : memref<1x12800xf32, #tpu.memory_space<vmem>>) target(%dma_start3A_188 : memref<1x12800xf32, #tpu.memory_space<hbm>>) target_semaphore(%arg5 : memref<!tpu.dma_semaphore, #tpu.memory_space<semaphore_mem>>)
    %add3A_189 = arith.constant 31 : i32
    %add3A_190 = arith.addi %mul3A_2, %add3A_189 : i32
    %dma_start3A_191 = arith.constant 0 : i32
    %dma_start3A_192 = tpu.memref_slice %arg3[%add3A_190, %dma_start3A_191] : memref<4096x12800xf32, #tpu.memory_space<hbm>> -> memref<1x12800xf32, #tpu.memory_space<hbm>>
    %dma_start3A_193 = arith.constant 0 : i32
    %dma_start3A_194 = tpu.memref_slice %arg3[%add3A_190, %dma_start3A_193] : memref<4096x12800xf32, #tpu.memory_space<hbm>> -> memref<1x12800xf32, #tpu.memory_space<hbm>>
    tpu.enqueue_dma source(%arg4 : memref<1x12800xf32, #tpu.memory_space<vmem>>) target(%dma_start3A_194 : memref<1x12800xf32, #tpu.memory_space<hbm>>) target_semaphore(%arg5 : memref<!tpu.dma_semaphore, #tpu.memory_space<semaphore_mem>>)
    %add3A_195 = arith.constant 32 : i32
    %add3A_196 = arith.addi %mul3A_2, %add3A_195 : i32
    %dma_start3A_197 = arith.constant 0 : i32
    %dma_start3A_198 = tpu.memref_slice %arg3[%add3A_196, %dma_start3A_197] : memref<4096x12800xf32, #tpu.memory_space<hbm>> -> memref<1x12800xf32, #tpu.memory_space<hbm>>
    %dma_start3A_199 = arith.constant 0 : i32
    %dma_start3A_200 = tpu.memref_slice %arg3[%add3A_196, %dma_start3A_199] : memref<4096x12800xf32, #tpu.memory_space<hbm>> -> memref<1x12800xf32, #tpu.memory_space<hbm>>
    tpu.enqueue_dma source(%arg4 : memref<1x12800xf32, #tpu.memory_space<vmem>>) target(%dma_start3A_200 : memref<1x12800xf32, #tpu.memory_space<hbm>>) target_semaphore(%arg5 : memref<!tpu.dma_semaphore, #tpu.memory_space<semaphore_mem>>)
    %add3A_201 = arith.constant 33 : i32
    %add3A_202 = arith.addi %mul3A_2, %add3A_201 : i32
    %dma_start3A_203 = arith.constant 0 : i32
    %dma_start3A_204 = tpu.memref_slice %arg3[%add3A_202, %dma_start3A_203] : memref<4096x12800xf32, #tpu.memory_space<hbm>> -> memref<1x12800xf32, #tpu.memory_space<hbm>>
    %dma_start3A_205 = arith.constant 0 : i32
    %dma_start3A_206 = tpu.memref_slice %arg3[%add3A_202, %dma_start3A_205] : memref<4096x12800xf32, #tpu.memory_space<hbm>> -> memref<1x12800xf32, #tpu.memory_space<hbm>>
    tpu.enqueue_dma source(%arg4 : memref<1x12800xf32, #tpu.memory_space<vmem>>) target(%dma_start3A_206 : memref<1x12800xf32, #tpu.memory_space<hbm>>) target_semaphore(%arg5 : memref<!tpu.dma_semaphore, #tpu.memory_space<semaphore_mem>>)
    %add3A_207 = arith.constant 34 : i32
    %add3A_208 = arith.addi %mul3A_2, %add3A_207 : i32
    %dma_start3A_209 = arith.constant 0 : i32
    %dma_start3A_210 = tpu.memref_slice %arg3[%add3A_208, %dma_start3A_209] : memref<4096x12800xf32, #tpu.memory_space<hbm>> -> memref<1x12800xf32, #tpu.memory_space<hbm>>
    %dma_start3A_211 = arith.constant 0 : i32
    %dma_start3A_212 = tpu.memref_slice %arg3[%add3A_208, %dma_start3A_211] : memref<4096x12800xf32, #tpu.memory_space<hbm>> -> memref<1x12800xf32, #tpu.memory_space<hbm>>
    tpu.enqueue_dma source(%arg4 : memref<1x12800xf32, #tpu.memory_space<vmem>>) target(%dma_start3A_212 : memref<1x12800xf32, #tpu.memory_space<hbm>>) target_semaphore(%arg5 : memref<!tpu.dma_semaphore, #tpu.memory_space<semaphore_mem>>)
    %add3A_213 = arith.constant 35 : i32
    %add3A_214 = arith.addi %mul3A_2, %add3A_213 : i32
    %dma_start3A_215 = arith.constant 0 : i32
    %dma_start3A_216 = tpu.memref_slice %arg3[%add3A_214, %dma_start3A_215] : memref<4096x12800xf32, #tpu.memory_space<hbm>> -> memref<1x12800xf32, #tpu.memory_space<hbm>>
    %dma_start3A_217 = arith.constant 0 : i32
    %dma_start3A_218 = tpu.memref_slice %arg3[%add3A_214, %dma_start3A_217] : memref<4096x12800xf32, #tpu.memory_space<hbm>> -> memref<1x12800xf32, #tpu.memory_space<hbm>>
    tpu.enqueue_dma source(%arg4 : memref<1x12800xf32, #tpu.memory_space<vmem>>) target(%dma_start3A_218 : memref<1x12800xf32, #tpu.memory_space<hbm>>) target_semaphore(%arg5 : memref<!tpu.dma_semaphore, #tpu.memory_space<semaphore_mem>>)
    %add3A_219 = arith.constant 36 : i32
    %add3A_220 = arith.addi %mul3A_2, %add3A_219 : i32
    %dma_start3A_221 = arith.constant 0 : i32
    %dma_start3A_222 = tpu.memref_slice %arg3[%add3A_220, %dma_start3A_221] : memref<4096x12800xf32, #tpu.memory_space<hbm>> -> memref<1x12800xf32, #tpu.memory_space<hbm>>
    %dma_start3A_223 = arith.constant 0 : i32
    %dma_start3A_224 = tpu.memref_slice %arg3[%add3A_220, %dma_start3A_223] : memref<4096x12800xf32, #tpu.memory_space<hbm>> -> memref<1x12800xf32, #tpu.memory_space<hbm>>
    tpu.enqueue_dma source(%arg4 : memref<1x12800xf32, #tpu.memory_space<vmem>>) target(%dma_start3A_224 : memref<1x12800xf32, #tpu.memory_space<hbm>>) target_semaphore(%arg5 : memref<!tpu.dma_semaphore, #tpu.memory_space<semaphore_mem>>)
    %add3A_225 = arith.constant 37 : i32
    %add3A_226 = arith.addi %mul3A_2, %add3A_225 : i32
    %dma_start3A_227 = arith.constant 0 : i32
    %dma_start3A_228 = tpu.memref_slice %arg3[%add3A_226, %dma_start3A_227] : memref<4096x12800xf32, #tpu.memory_space<hbm>> -> memref<1x12800xf32, #tpu.memory_space<hbm>>
    %dma_start3A_229 = arith.constant 0 : i32
    %dma_start3A_230 = tpu.memref_slice %arg3[%add3A_226, %dma_start3A_229] : memref<4096x12800xf32, #tpu.memory_space<hbm>> -> memref<1x12800xf32, #tpu.memory_space<hbm>>
    tpu.enqueue_dma source(%arg4 : memref<1x12800xf32, #tpu.memory_space<vmem>>) target(%dma_start3A_230 : memref<1x12800xf32, #tpu.memory_space<hbm>>) target_semaphore(%arg5 : memref<!tpu.dma_semaphore, #tpu.memory_space<semaphore_mem>>)
    %add3A_231 = arith.constant 38 : i32
    %add3A_232 = arith.addi %mul3A_2, %add3A_231 : i32
    %dma_start3A_233 = arith.constant 0 : i32
    %dma_start3A_234 = tpu.memref_slice %arg3[%add3A_232, %dma_start3A_233] : memref<4096x12800xf32, #tpu.memory_space<hbm>> -> memref<1x12800xf32, #tpu.memory_space<hbm>>
    %dma_start3A_235 = arith.constant 0 : i32
    %dma_start3A_236 = tpu.memref_slice %arg3[%add3A_232, %dma_start3A_235] : memref<4096x12800xf32, #tpu.memory_space<hbm>> -> memref<1x12800xf32, #tpu.memory_space<hbm>>
    tpu.enqueue_dma source(%arg4 : memref<1x12800xf32, #tpu.memory_space<vmem>>) target(%dma_start3A_236 : memref<1x12800xf32, #tpu.memory_space<hbm>>) target_semaphore(%arg5 : memref<!tpu.dma_semaphore, #tpu.memory_space<semaphore_mem>>)
    %add3A_237 = arith.constant 39 : i32
    %add3A_238 = arith.addi %mul3A_2, %add3A_237 : i32
    %dma_start3A_239 = arith.constant 0 : i32
    %dma_start3A_240 = tpu.memref_slice %arg3[%add3A_238, %dma_start3A_239] : memref<4096x12800xf32, #tpu.memory_space<hbm>> -> memref<1x12800xf32, #tpu.memory_space<hbm>>
    %dma_start3A_241 = arith.constant 0 : i32
    %dma_start3A_242 = tpu.memref_slice %arg3[%add3A_238, %dma_start3A_241] : memref<4096x12800xf32, #tpu.memory_space<hbm>> -> memref<1x12800xf32, #tpu.memory_space<hbm>>
    tpu.enqueue_dma source(%arg4 : memref<1x12800xf32, #tpu.memory_space<vmem>>) target(%dma_start3A_242 : memref<1x12800xf32, #tpu.memory_space<hbm>>) target_semaphore(%arg5 : memref<!tpu.dma_semaphore, #tpu.memory_space<semaphore_mem>>)
    %add3A_243 = arith.constant 40 : i32
    %add3A_244 = arith.addi %mul3A_2, %add3A_243 : i32
    %dma_start3A_245 = arith.constant 0 : i32
    %dma_start3A_246 = tpu.memref_slice %arg3[%add3A_244, %dma_start3A_245] : memref<4096x12800xf32, #tpu.memory_space<hbm>> -> memref<1x12800xf32, #tpu.memory_space<hbm>>
    %dma_start3A_247 = arith.constant 0 : i32
    %dma_start3A_248 = tpu.memref_slice %arg3[%add3A_244, %dma_start3A_247] : memref<4096x12800xf32, #tpu.memory_space<hbm>> -> memref<1x12800xf32, #tpu.memory_space<hbm>>
    tpu.enqueue_dma source(%arg4 : memref<1x12800xf32, #tpu.memory_space<vmem>>) target(%dma_start3A_248 : memref<1x12800xf32, #tpu.memory_space<hbm>>) target_semaphore(%arg5 : memref<!tpu.dma_semaphore, #tpu.memory_space<semaphore_mem>>)
    %add3A_249 = arith.constant 41 : i32
    %add3A_250 = arith.addi %mul3A_2, %add3A_249 : i32
    %dma_start3A_251 = arith.constant 0 : i32
    %dma_start3A_252 = tpu.memref_slice %arg3[%add3A_250, %dma_start3A_251] : memref<4096x12800xf32, #tpu.memory_space<hbm>> -> memref<1x12800xf32, #tpu.memory_space<hbm>>
    %dma_start3A_253 = arith.constant 0 : i32
    %dma_start3A_254 = tpu.memref_slice %arg3[%add3A_250, %dma_start3A_253] : memref<4096x12800xf32, #tpu.memory_space<hbm>> -> memref<1x12800xf32, #tpu.memory_space<hbm>>
    tpu.enqueue_dma source(%arg4 : memref<1x12800xf32, #tpu.memory_space<vmem>>) target(%dma_start3A_254 : memref<1x12800xf32, #tpu.memory_space<hbm>>) target_semaphore(%arg5 : memref<!tpu.dma_semaphore, #tpu.memory_space<semaphore_mem>>)
    %add3A_255 = arith.constant 42 : i32
    %add3A_256 = arith.addi %mul3A_2, %add3A_255 : i32
    %dma_start3A_257 = arith.constant 0 : i32
    %dma_start3A_258 = tpu.memref_slice %arg3[%add3A_256, %dma_start3A_257] : memref<4096x12800xf32, #tpu.memory_space<hbm>> -> memref<1x12800xf32, #tpu.memory_space<hbm>>
    %dma_start3A_259 = arith.constant 0 : i32
    %dma_start3A_260 = tpu.memref_slice %arg3[%add3A_256, %dma_start3A_259] : memref<4096x12800xf32, #tpu.memory_space<hbm>> -> memref<1x12800xf32, #tpu.memory_space<hbm>>
    tpu.enqueue_dma source(%arg4 : memref<1x12800xf32, #tpu.memory_space<vmem>>) target(%dma_start3A_260 : memref<1x12800xf32, #tpu.memory_space<hbm>>) target_semaphore(%arg5 : memref<!tpu.dma_semaphore, #tpu.memory_space<semaphore_mem>>)
    %add3A_261 = arith.constant 43 : i32
    %add3A_262 = arith.addi %mul3A_2, %add3A_261 : i32
    %dma_start3A_263 = arith.constant 0 : i32
    %dma_start3A_264 = tpu.memref_slice %arg3[%add3A_262, %dma_start3A_263] : memref<4096x12800xf32, #tpu.memory_space<hbm>> -> memref<1x12800xf32, #tpu.memory_space<hbm>>
    %dma_start3A_265 = arith.constant 0 : i32
    %dma_start3A_266 = tpu.memref_slice %arg3[%add3A_262, %dma_start3A_265] : memref<4096x12800xf32, #tpu.memory_space<hbm>> -> memref<1x12800xf32, #tpu.memory_space<hbm>>
    tpu.enqueue_dma source(%arg4 : memref<1x12800xf32, #tpu.memory_space<vmem>>) target(%dma_start3A_266 : memref<1x12800xf32, #tpu.memory_space<hbm>>) target_semaphore(%arg5 : memref<!tpu.dma_semaphore, #tpu.memory_space<semaphore_mem>>)
    %add3A_267 = arith.constant 44 : i32
    %add3A_268 = arith.addi %mul3A_2, %add3A_267 : i32
    %dma_start3A_269 = arith.constant 0 : i32
    %dma_start3A_270 = tpu.memref_slice %arg3[%add3A_268, %dma_start3A_269] : memref<4096x12800xf32, #tpu.memory_space<hbm>> -> memref<1x12800xf32, #tpu.memory_space<hbm>>
    %dma_start3A_271 = arith.constant 0 : i32
    %dma_start3A_272 = tpu.memref_slice %arg3[%add3A_268, %dma_start3A_271] : memref<4096x12800xf32, #tpu.memory_space<hbm>> -> memref<1x12800xf32, #tpu.memory_space<hbm>>
    tpu.enqueue_dma source(%arg4 : memref<1x12800xf32, #tpu.memory_space<vmem>>) target(%dma_start3A_272 : memref<1x12800xf32, #tpu.memory_space<hbm>>) target_semaphore(%arg5 : memref<!tpu.dma_semaphore, #tpu.memory_space<semaphore_mem>>)
    %add3A_273 = arith.constant 45 : i32
    %add3A_274 = arith.addi %mul3A_2, %add3A_273 : i32
    %dma_start3A_275 = arith.constant 0 : i32
    %dma_start3A_276 = tpu.memref_slice %arg3[%add3A_274, %dma_start3A_275] : memref<4096x12800xf32, #tpu.memory_space<hbm>> -> memref<1x12800xf32, #tpu.memory_space<hbm>>
    %dma_start3A_277 = arith.constant 0 : i32
    %dma_start3A_278 = tpu.memref_slice %arg3[%add3A_274, %dma_start3A_277] : memref<4096x12800xf32, #tpu.memory_space<hbm>> -> memref<1x12800xf32, #tpu.memory_space<hbm>>
    tpu.enqueue_dma source(%arg4 : memref<1x12800xf32, #tpu.memory_space<vmem>>) target(%dma_start3A_278 : memref<1x12800xf32, #tpu.memory_space<hbm>>) target_semaphore(%arg5 : memref<!tpu.dma_semaphore, #tpu.memory_space<semaphore_mem>>)
    %add3A_279 = arith.constant 46 : i32
    %add3A_280 = arith.addi %mul3A_2, %add3A_279 : i32
    %dma_start3A_281 = arith.constant 0 : i32
    %dma_start3A_282 = tpu.memref_slice %arg3[%add3A_280, %dma_start3A_281] : memref<4096x12800xf32, #tpu.memory_space<hbm>> -> memref<1x12800xf32, #tpu.memory_space<hbm>>
    %dma_start3A_283 = arith.constant 0 : i32
    %dma_start3A_284 = tpu.memref_slice %arg3[%add3A_280, %dma_start3A_283] : memref<4096x12800xf32, #tpu.memory_space<hbm>> -> memref<1x12800xf32, #tpu.memory_space<hbm>>
    tpu.enqueue_dma source(%arg4 : memref<1x12800xf32, #tpu.memory_space<vmem>>) target(%dma_start3A_284 : memref<1x12800xf32, #tpu.memory_space<hbm>>) target_semaphore(%arg5 : memref<!tpu.dma_semaphore, #tpu.memory_space<semaphore_mem>>)
    %add3A_285 = arith.constant 47 : i32
    %add3A_286 = arith.addi %mul3A_2, %add3A_285 : i32
    %dma_start3A_287 = arith.constant 0 : i32
    %dma_start3A_288 = tpu.memref_slice %arg3[%add3A_286, %dma_start3A_287] : memref<4096x12800xf32, #tpu.memory_space<hbm>> -> memref<1x12800xf32, #tpu.memory_space<hbm>>
    %dma_start3A_289 = arith.constant 0 : i32
    %dma_start3A_290 = tpu.memref_slice %arg3[%add3A_286, %dma_start3A_289] : memref<4096x12800xf32, #tpu.memory_space<hbm>> -> memref<1x12800xf32, #tpu.memory_space<hbm>>
    tpu.enqueue_dma source(%arg4 : memref<1x12800xf32, #tpu.memory_space<vmem>>) target(%dma_start3A_290 : memref<1x12800xf32, #tpu.memory_space<hbm>>) target_semaphore(%arg5 : memref<!tpu.dma_semaphore, #tpu.memory_space<semaphore_mem>>)
    %add3A_291 = arith.constant 48 : i32
    %add3A_292 = arith.addi %mul3A_2, %add3A_291 : i32
    %dma_start3A_293 = arith.constant 0 : i32
    %dma_start3A_294 = tpu.memref_slice %arg3[%add3A_292, %dma_start3A_293] : memref<4096x12800xf32, #tpu.memory_space<hbm>> -> memref<1x12800xf32, #tpu.memory_space<hbm>>
    %dma_start3A_295 = arith.constant 0 : i32
    %dma_start3A_296 = tpu.memref_slice %arg3[%add3A_292, %dma_start3A_295] : memref<4096x12800xf32, #tpu.memory_space<hbm>> -> memref<1x12800xf32, #tpu.memory_space<hbm>>
    tpu.enqueue_dma source(%arg4 : memref<1x12800xf32, #tpu.memory_space<vmem>>) target(%dma_start3A_296 : memref<1x12800xf32, #tpu.memory_space<hbm>>) target_semaphore(%arg5 : memref<!tpu.dma_semaphore, #tpu.memory_space<semaphore_mem>>)
    %add3A_297 = arith.constant 49 : i32
    %add3A_298 = arith.addi %mul3A_2, %add3A_297 : i32
    %dma_start3A_299 = arith.constant 0 : i32
    %dma_start3A_300 = tpu.memref_slice %arg3[%add3A_298, %dma_start3A_299] : memref<4096x12800xf32, #tpu.memory_space<hbm>> -> memref<1x12800xf32, #tpu.memory_space<hbm>>
    %dma_start3A_301 = arith.constant 0 : i32
    %dma_start3A_302 = tpu.memref_slice %arg3[%add3A_298, %dma_start3A_301] : memref<4096x12800xf32, #tpu.memory_space<hbm>> -> memref<1x12800xf32, #tpu.memory_space<hbm>>
    tpu.enqueue_dma source(%arg4 : memref<1x12800xf32, #tpu.memory_space<vmem>>) target(%dma_start3A_302 : memref<1x12800xf32, #tpu.memory_space<hbm>>) target_semaphore(%arg5 : memref<!tpu.dma_semaphore, #tpu.memory_space<semaphore_mem>>)
    %add3A_303 = arith.constant 50 : i32
    %add3A_304 = arith.addi %mul3A_2, %add3A_303 : i32
    %dma_start3A_305 = arith.constant 0 : i32
    %dma_start3A_306 = tpu.memref_slice %arg3[%add3A_304, %dma_start3A_305] : memref<4096x12800xf32, #tpu.memory_space<hbm>> -> memref<1x12800xf32, #tpu.memory_space<hbm>>
    %dma_start3A_307 = arith.constant 0 : i32
    %dma_start3A_308 = tpu.memref_slice %arg3[%add3A_304, %dma_start3A_307] : memref<4096x12800xf32, #tpu.memory_space<hbm>> -> memref<1x12800xf32, #tpu.memory_space<hbm>>
    tpu.enqueue_dma source(%arg4 : memref<1x12800xf32, #tpu.memory_space<vmem>>) target(%dma_start3A_308 : memref<1x12800xf32, #tpu.memory_space<hbm>>) target_semaphore(%arg5 : memref<!tpu.dma_semaphore, #tpu.memory_space<semaphore_mem>>)
    %add3A_309 = arith.constant 51 : i32
    %add3A_310 = arith.addi %mul3A_2, %add3A_309 : i32
    %dma_start3A_311 = arith.constant 0 : i32
    %dma_start3A_312 = tpu.memref_slice %arg3[%add3A_310, %dma_start3A_311] : memref<4096x12800xf32, #tpu.memory_space<hbm>> -> memref<1x12800xf32, #tpu.memory_space<hbm>>
    %dma_start3A_313 = arith.constant 0 : i32
    %dma_start3A_314 = tpu.memref_slice %arg3[%add3A_310, %dma_start3A_313] : memref<4096x12800xf32, #tpu.memory_space<hbm>> -> memref<1x12800xf32, #tpu.memory_space<hbm>>
    tpu.enqueue_dma source(%arg4 : memref<1x12800xf32, #tpu.memory_space<vmem>>) target(%dma_start3A_314 : memref<1x12800xf32, #tpu.memory_space<hbm>>) target_semaphore(%arg5 : memref<!tpu.dma_semaphore, #tpu.memory_space<semaphore_mem>>)
    %add3A_315 = arith.constant 52 : i32
    %add3A_316 = arith.addi %mul3A_2, %add3A_315 : i32
    %dma_start3A_317 = arith.constant 0 : i32
    %dma_start3A_318 = tpu.memref_slice %arg3[%add3A_316, %dma_start3A_317] : memref<4096x12800xf32, #tpu.memory_space<hbm>> -> memref<1x12800xf32, #tpu.memory_space<hbm>>
    %dma_start3A_319 = arith.constant 0 : i32
    %dma_start3A_320 = tpu.memref_slice %arg3[%add3A_316, %dma_start3A_319] : memref<4096x12800xf32, #tpu.memory_space<hbm>> -> memref<1x12800xf32, #tpu.memory_space<hbm>>
    tpu.enqueue_dma source(%arg4 : memref<1x12800xf32, #tpu.memory_space<vmem>>) target(%dma_start3A_320 : memref<1x12800xf32, #tpu.memory_space<hbm>>) target_semaphore(%arg5 : memref<!tpu.dma_semaphore, #tpu.memory_space<semaphore_mem>>)
    %add3A_321 = arith.constant 53 : i32
    %add3A_322 = arith.addi %mul3A_2, %add3A_321 : i32
    %dma_start3A_323 = arith.constant 0 : i32
    %dma_start3A_324 = tpu.memref_slice %arg3[%add3A_322, %dma_start3A_323] : memref<4096x12800xf32, #tpu.memory_space<hbm>> -> memref<1x12800xf32, #tpu.memory_space<hbm>>
    %dma_start3A_325 = arith.constant 0 : i32
    %dma_start3A_326 = tpu.memref_slice %arg3[%add3A_322, %dma_start3A_325] : memref<4096x12800xf32, #tpu.memory_space<hbm>> -> memref<1x12800xf32, #tpu.memory_space<hbm>>
    tpu.enqueue_dma source(%arg4 : memref<1x12800xf32, #tpu.memory_space<vmem>>) target(%dma_start3A_326 : memref<1x12800xf32, #tpu.memory_space<hbm>>) target_semaphore(%arg5 : memref<!tpu.dma_semaphore, #tpu.memory_space<semaphore_mem>>)
    %add3A_327 = arith.constant 54 : i32
    %add3A_328 = arith.addi %mul3A_2, %add3A_327 : i32
    %dma_start3A_329 = arith.constant 0 : i32
    %dma_start3A_330 = tpu.memref_slice %arg3[%add3A_328, %dma_start3A_329] : memref<4096x12800xf32, #tpu.memory_space<hbm>> -> memref<1x12800xf32, #tpu.memory_space<hbm>>
    %dma_start3A_331 = arith.constant 0 : i32
    %dma_start3A_332 = tpu.memref_slice %arg3[%add3A_328, %dma_start3A_331] : memref<4096x12800xf32, #tpu.memory_space<hbm>> -> memref<1x12800xf32, #tpu.memory_space<hbm>>
    tpu.enqueue_dma source(%arg4 : memref<1x12800xf32, #tpu.memory_space<vmem>>) target(%dma_start3A_332 : memref<1x12800xf32, #tpu.memory_space<hbm>>) target_semaphore(%arg5 : memref<!tpu.dma_semaphore, #tpu.memory_space<semaphore_mem>>)
    %add3A_333 = arith.constant 55 : i32
    %add3A_334 = arith.addi %mul3A_2, %add3A_333 : i32
    %dma_start3A_335 = arith.constant 0 : i32
    %dma_start3A_336 = tpu.memref_slice %arg3[%add3A_334, %dma_start3A_335] : memref<4096x12800xf32, #tpu.memory_space<hbm>> -> memref<1x12800xf32, #tpu.memory_space<hbm>>
    %dma_start3A_337 = arith.constant 0 : i32
    %dma_start3A_338 = tpu.memref_slice %arg3[%add3A_334, %dma_start3A_337] : memref<4096x12800xf32, #tpu.memory_space<hbm>> -> memref<1x12800xf32, #tpu.memory_space<hbm>>
    tpu.enqueue_dma source(%arg4 : memref<1x12800xf32, #tpu.memory_space<vmem>>) target(%dma_start3A_338 : memref<1x12800xf32, #tpu.memory_space<hbm>>) target_semaphore(%arg5 : memref<!tpu.dma_semaphore, #tpu.memory_space<semaphore_mem>>)
    %add3A_339 = arith.constant 56 : i32
    %add3A_340 = arith.addi %mul3A_2, %add3A_339 : i32
    %dma_start3A_341 = arith.constant 0 : i32
    %dma_start3A_342 = tpu.memref_slice %arg3[%add3A_340, %dma_start3A_341] : memref<4096x12800xf32, #tpu.memory_space<hbm>> -> memref<1x12800xf32, #tpu.memory_space<hbm>>
    %dma_start3A_343 = arith.constant 0 : i32
    %dma_start3A_344 = tpu.memref_slice %arg3[%add3A_340, %dma_start3A_343] : memref<4096x12800xf32, #tpu.memory_space<hbm>> -> memref<1x12800xf32, #tpu.memory_space<hbm>>
    tpu.enqueue_dma source(%arg4 : memref<1x12800xf32, #tpu.memory_space<vmem>>) target(%dma_start3A_344 : memref<1x12800xf32, #tpu.memory_space<hbm>>) target_semaphore(%arg5 : memref<!tpu.dma_semaphore, #tpu.memory_space<semaphore_mem>>)
    %add3A_345 = arith.constant 57 : i32
    %add3A_346 = arith.addi %mul3A_2, %add3A_345 : i32
    %dma_start3A_347 = arith.constant 0 : i32
    %dma_start3A_348 = tpu.memref_slice %arg3[%add3A_346, %dma_start3A_347] : memref<4096x12800xf32, #tpu.memory_space<hbm>> -> memref<1x12800xf32, #tpu.memory_space<hbm>>
    %dma_start3A_349 = arith.constant 0 : i32
    %dma_start3A_350 = tpu.memref_slice %arg3[%add3A_346, %dma_start3A_349] : memref<4096x12800xf32, #tpu.memory_space<hbm>> -> memref<1x12800xf32, #tpu.memory_space<hbm>>
    tpu.enqueue_dma source(%arg4 : memref<1x12800xf32, #tpu.memory_space<vmem>>) target(%dma_start3A_350 : memref<1x12800xf32, #tpu.memory_space<hbm>>) target_semaphore(%arg5 : memref<!tpu.dma_semaphore, #tpu.memory_space<semaphore_mem>>)
    %add3A_351 = arith.constant 58 : i32
    %add3A_352 = arith.addi %mul3A_2, %add3A_351 : i32
    %dma_start3A_353 = arith.constant 0 : i32
    %dma_start3A_354 = tpu.memref_slice %arg3[%add3A_352, %dma_start3A_353] : memref<4096x12800xf32, #tpu.memory_space<hbm>> -> memref<1x12800xf32, #tpu.memory_space<hbm>>
    %dma_start3A_355 = arith.constant 0 : i32
    %dma_start3A_356 = tpu.memref_slice %arg3[%add3A_352, %dma_start3A_355] : memref<4096x12800xf32, #tpu.memory_space<hbm>> -> memref<1x12800xf32, #tpu.memory_space<hbm>>
    tpu.enqueue_dma source(%arg4 : memref<1x12800xf32, #tpu.memory_space<vmem>>) target(%dma_start3A_356 : memref<1x12800xf32, #tpu.memory_space<hbm>>) target_semaphore(%arg5 : memref<!tpu.dma_semaphore, #tpu.memory_space<semaphore_mem>>)
    %add3A_357 = arith.constant 59 : i32
    %add3A_358 = arith.addi %mul3A_2, %add3A_357 : i32
    %dma_start3A_359 = arith.constant 0 : i32
    %dma_start3A_360 = tpu.memref_slice %arg3[%add3A_358, %dma_start3A_359] : memref<4096x12800xf32, #tpu.memory_space<hbm>> -> memref<1x12800xf32, #tpu.memory_space<hbm>>
    %dma_start3A_361 = arith.constant 0 : i32
    %dma_start3A_362 = tpu.memref_slice %arg3[%add3A_358, %dma_start3A_361] : memref<4096x12800xf32, #tpu.memory_space<hbm>> -> memref<1x12800xf32, #tpu.memory_space<hbm>>
    tpu.enqueue_dma source(%arg4 : memref<1x12800xf32, #tpu.memory_space<vmem>>) target(%dma_start3A_362 : memref<1x12800xf32, #tpu.memory_space<hbm>>) target_semaphore(%arg5 : memref<!tpu.dma_semaphore, #tpu.memory_space<semaphore_mem>>)
    %add3A_363 = arith.constant 60 : i32
    %add3A_364 = arith.addi %mul3A_2, %add3A_363 : i32
    %dma_start3A_365 = arith.constant 0 : i32
    %dma_start3A_366 = tpu.memref_slice %arg3[%add3A_364, %dma_start3A_365] : memref<4096x12800xf32, #tpu.memory_space<hbm>> -> memref<1x12800xf32, #tpu.memory_space<hbm>>
    %dma_start3A_367 = arith.constant 0 : i32
    %dma_start3A_368 = tpu.memref_slice %arg3[%add3A_364, %dma_start3A_367] : memref<4096x12800xf32, #tpu.memory_space<hbm>> -> memref<1x12800xf32, #tpu.memory_space<hbm>>
    tpu.enqueue_dma source(%arg4 : memref<1x12800xf32, #tpu.memory_space<vmem>>) target(%dma_start3A_368 : memref<1x12800xf32, #tpu.memory_space<hbm>>) target_semaphore(%arg5 : memref<!tpu.dma_semaphore, #tpu.memory_space<semaphore_mem>>)
    %add3A_369 = arith.constant 61 : i32
    %add3A_370 = arith.addi %mul3A_2, %add3A_369 : i32
    %dma_start3A_371 = arith.constant 0 : i32
    %dma_start3A_372 = tpu.memref_slice %arg3[%add3A_370, %dma_start3A_371] : memref<4096x12800xf32, #tpu.memory_space<hbm>> -> memref<1x12800xf32, #tpu.memory_space<hbm>>
    %dma_start3A_373 = arith.constant 0 : i32
    %dma_start3A_374 = tpu.memref_slice %arg3[%add3A_370, %dma_start3A_373] : memref<4096x12800xf32, #tpu.memory_space<hbm>> -> memref<1x12800xf32, #tpu.memory_space<hbm>>
    tpu.enqueue_dma source(%arg4 : memref<1x12800xf32, #tpu.memory_space<vmem>>) target(%dma_start3A_374 : memref<1x12800xf32, #tpu.memory_space<hbm>>) target_semaphore(%arg5 : memref<!tpu.dma_semaphore, #tpu.memory_space<semaphore_mem>>)
    %add3A_375 = arith.constant 62 : i32
    %add3A_376 = arith.addi %mul3A_2, %add3A_375 : i32
    %dma_start3A_377 = arith.constant 0 : i32
    %dma_start3A_378 = tpu.memref_slice %arg3[%add3A_376, %dma_start3A_377] : memref<4096x12800xf32, #tpu.memory_space<hbm>> -> memref<1x12800xf32, #tpu.memory_space<hbm>>
    %dma_start3A_379 = arith.constant 0 : i32
    %dma_start3A_380 = tpu.memref_slice %arg3[%add3A_376, %dma_start3A_379] : memref<4096x12800xf32, #tpu.memory_space<hbm>> -> memref<1x12800xf32, #tpu.memory_space<hbm>>
    tpu.enqueue_dma source(%arg4 : memref<1x12800xf32, #tpu.memory_space<vmem>>) target(%dma_start3A_380 : memref<1x12800xf32, #tpu.memory_space<hbm>>) target_semaphore(%arg5 : memref<!tpu.dma_semaphore, #tpu.memory_space<semaphore_mem>>)
    %add3A_381 = arith.constant 63 : i32
    %add3A_382 = arith.addi %mul3A_2, %add3A_381 : i32
    %dma_start3A_383 = arith.constant 0 : i32
    %dma_start3A_384 = tpu.memref_slice %arg3[%add3A_382, %dma_start3A_383] : memref<4096x12800xf32, #tpu.memory_space<hbm>> -> memref<1x12800xf32, #tpu.memory_space<hbm>>
    %dma_start3A_385 = arith.constant 0 : i32
    %dma_start3A_386 = tpu.memref_slice %arg3[%add3A_382, %dma_start3A_385] : memref<4096x12800xf32, #tpu.memory_space<hbm>> -> memref<1x12800xf32, #tpu.memory_space<hbm>>
    tpu.enqueue_dma source(%arg4 : memref<1x12800xf32, #tpu.memory_space<vmem>>) target(%dma_start3A_386 : memref<1x12800xf32, #tpu.memory_space<hbm>>) target_semaphore(%arg5 : memref<!tpu.dma_semaphore, #tpu.memory_space<semaphore_mem>>)
    %add3A_387 = arith.constant 64 : i32
    %add3A_388 = arith.addi %mul3A_2, %add3A_387 : i32
    %dma_start3A_389 = arith.constant 0 : i32
    %dma_start3A_390 = tpu.memref_slice %arg3[%add3A_388, %dma_start3A_389] : memref<4096x12800xf32, #tpu.memory_space<hbm>> -> memref<1x12800xf32, #tpu.memory_space<hbm>>
    %dma_start3A_391 = arith.constant 0 : i32
    %dma_start3A_392 = tpu.memref_slice %arg3[%add3A_388, %dma_start3A_391] : memref<4096x12800xf32, #tpu.memory_space<hbm>> -> memref<1x12800xf32, #tpu.memory_space<hbm>>
    tpu.enqueue_dma source(%arg4 : memref<1x12800xf32, #tpu.memory_space<vmem>>) target(%dma_start3A_392 : memref<1x12800xf32, #tpu.memory_space<hbm>>) target_semaphore(%arg5 : memref<!tpu.dma_semaphore, #tpu.memory_space<semaphore_mem>>)
    %add3A_393 = arith.constant 65 : i32
    %add3A_394 = arith.addi %mul3A_2, %add3A_393 : i32
    %dma_start3A_395 = arith.constant 0 : i32
    %dma_start3A_396 = tpu.memref_slice %arg3[%add3A_394, %dma_start3A_395] : memref<4096x12800xf32, #tpu.memory_space<hbm>> -> memref<1x12800xf32, #tpu.memory_space<hbm>>
    %dma_start3A_397 = arith.constant 0 : i32
    %dma_start3A_398 = tpu.memref_slice %arg3[%add3A_394, %dma_start3A_397] : memref<4096x12800xf32, #tpu.memory_space<hbm>> -> memref<1x12800xf32, #tpu.memory_space<hbm>>
    tpu.enqueue_dma source(%arg4 : memref<1x12800xf32, #tpu.memory_space<vmem>>) target(%dma_start3A_398 : memref<1x12800xf32, #tpu.memory_space<hbm>>) target_semaphore(%arg5 : memref<!tpu.dma_semaphore, #tpu.memory_space<semaphore_mem>>)
    %add3A_399 = arith.constant 66 : i32
    %add3A_400 = arith.addi %mul3A_2, %add3A_399 : i32
    %dma_start3A_401 = arith.constant 0 : i32
    %dma_start3A_402 = tpu.memref_slice %arg3[%add3A_400, %dma_start3A_401] : memref<4096x12800xf32, #tpu.memory_space<hbm>> -> memref<1x12800xf32, #tpu.memory_space<hbm>>
    %dma_start3A_403 = arith.constant 0 : i32
    %dma_start3A_404 = tpu.memref_slice %arg3[%add3A_400, %dma_start3A_403] : memref<4096x12800xf32, #tpu.memory_space<hbm>> -> memref<1x12800xf32, #tpu.memory_space<hbm>>
    tpu.enqueue_dma source(%arg4 : memref<1x12800xf32, #tpu.memory_space<vmem>>) target(%dma_start3A_404 : memref<1x12800xf32, #tpu.memory_space<hbm>>) target_semaphore(%arg5 : memref<!tpu.dma_semaphore, #tpu.memory_space<semaphore_mem>>)
    %add3A_405 = arith.constant 67 : i32
    %add3A_406 = arith.addi %mul3A_2, %add3A_405 : i32
    %dma_start3A_407 = arith.constant 0 : i32
    %dma_start3A_408 = tpu.memref_slice %arg3[%add3A_406, %dma_start3A_407] : memref<4096x12800xf32, #tpu.memory_space<hbm>> -> memref<1x12800xf32, #tpu.memory_space<hbm>>
    %dma_start3A_409 = arith.constant 0 : i32
    %dma_start3A_410 = tpu.memref_slice %arg3[%add3A_406, %dma_start3A_409] : memref<4096x12800xf32, #tpu.memory_space<hbm>> -> memref<1x12800xf32, #tpu.memory_space<hbm>>
    tpu.enqueue_dma source(%arg4 : memref<1x12800xf32, #tpu.memory_space<vmem>>) target(%dma_start3A_410 : memref<1x12800xf32, #tpu.memory_space<hbm>>) target_semaphore(%arg5 : memref<!tpu.dma_semaphore, #tpu.memory_space<semaphore_mem>>)
    %add3A_411 = arith.constant 68 : i32
    %add3A_412 = arith.addi %mul3A_2, %add3A_411 : i32
    %dma_start3A_413 = arith.constant 0 : i32
    %dma_start3A_414 = tpu.memref_slice %arg3[%add3A_412, %dma_start3A_413] : memref<4096x12800xf32, #tpu.memory_space<hbm>> -> memref<1x12800xf32, #tpu.memory_space<hbm>>
    %dma_start3A_415 = arith.constant 0 : i32
    %dma_start3A_416 = tpu.memref_slice %arg3[%add3A_412, %dma_start3A_415] : memref<4096x12800xf32, #tpu.memory_space<hbm>> -> memref<1x12800xf32, #tpu.memory_space<hbm>>
    tpu.enqueue_dma source(%arg4 : memref<1x12800xf32, #tpu.memory_space<vmem>>) target(%dma_start3A_416 : memref<1x12800xf32, #tpu.memory_space<hbm>>) target_semaphore(%arg5 : memref<!tpu.dma_semaphore, #tpu.memory_space<semaphore_mem>>)
    %add3A_417 = arith.constant 69 : i32
    %add3A_418 = arith.addi %mul3A_2, %add3A_417 : i32
    %dma_start3A_419 = arith.constant 0 : i32
    %dma_start3A_420 = tpu.memref_slice %arg3[%add3A_418, %dma_start3A_419] : memref<4096x12800xf32, #tpu.memory_space<hbm>> -> memref<1x12800xf32, #tpu.memory_space<hbm>>
    %dma_start3A_421 = arith.constant 0 : i32
    %dma_start3A_422 = tpu.memref_slice %arg3[%add3A_418, %dma_start3A_421] : memref<4096x12800xf32, #tpu.memory_space<hbm>> -> memref<1x12800xf32, #tpu.memory_space<hbm>>
    tpu.enqueue_dma source(%arg4 : memref<1x12800xf32, #tpu.memory_space<vmem>>) target(%dma_start3A_422 : memref<1x12800xf32, #tpu.memory_space<hbm>>) target_semaphore(%arg5 : memref<!tpu.dma_semaphore, #tpu.memory_space<semaphore_mem>>)
    %add3A_423 = arith.constant 70 : i32
    %add3A_424 = arith.addi %mul3A_2, %add3A_423 : i32
    %dma_start3A_425 = arith.constant 0 : i32
    %dma_start3A_426 = tpu.memref_slice %arg3[%add3A_424, %dma_start3A_425] : memref<4096x12800xf32, #tpu.memory_space<hbm>> -> memref<1x12800xf32, #tpu.memory_space<hbm>>
    %dma_start3A_427 = arith.constant 0 : i32
    %dma_start3A_428 = tpu.memref_slice %arg3[%add3A_424, %dma_start3A_427] : memref<4096x12800xf32, #tpu.memory_space<hbm>> -> memref<1x12800xf32, #tpu.memory_space<hbm>>
    tpu.enqueue_dma source(%arg4 : memref<1x12800xf32, #tpu.memory_space<vmem>>) target(%dma_start3A_428 : memref<1x12800xf32, #tpu.memory_space<hbm>>) target_semaphore(%arg5 : memref<!tpu.dma_semaphore, #tpu.memory_space<semaphore_mem>>)
    %add3A_429 = arith.constant 71 : i32
    %add3A_430 = arith.addi %mul3A_2, %add3A_429 : i32
    %dma_start3A_431 = arith.constant 0 : i32
    %dma_start3A_432 = tpu.memref_slice %arg3[%add3A_430, %dma_start3A_431] : memref<4096x12800xf32, #tpu.memory_space<hbm>> -> memref<1x12800xf32, #tpu.memory_space<hbm>>
    %dma_start3A_433 = arith.constant 0 : i32
    %dma_start3A_434 = tpu.memref_slice %arg3[%add3A_430, %dma_start3A_433] : memref<4096x12800xf32, #tpu.memory_space<hbm>> -> memref<1x12800xf32, #tpu.memory_space<hbm>>
    tpu.enqueue_dma source(%arg4 : memref<1x12800xf32, #tpu.memory_space<vmem>>) target(%dma_start3A_434 : memref<1x12800xf32, #tpu.memory_space<hbm>>) target_semaphore(%arg5 : memref<!tpu.dma_semaphore, #tpu.memory_space<semaphore_mem>>)
    %add3A_435 = arith.constant 72 : i32
    %add3A_436 = arith.addi %mul3A_2, %add3A_435 : i32
    %dma_start3A_437 = arith.constant 0 : i32
    %dma_start3A_438 = tpu.memref_slice %arg3[%add3A_436, %dma_start3A_437] : memref<4096x12800xf32, #tpu.memory_space<hbm>> -> memref<1x12800xf32, #tpu.memory_space<hbm>>
    %dma_start3A_439 = arith.constant 0 : i32
    %dma_start3A_440 = tpu.memref_slice %arg3[%add3A_436, %dma_start3A_439] : memref<4096x12800xf32, #tpu.memory_space<hbm>> -> memref<1x12800xf32, #tpu.memory_space<hbm>>
    tpu.enqueue_dma source(%arg4 : memref<1x12800xf32, #tpu.memory_space<vmem>>) target(%dma_start3A_440 : memref<1x12800xf32, #tpu.memory_space<hbm>>) target_semaphore(%arg5 : memref<!tpu.dma_semaphore, #tpu.memory_space<semaphore_mem>>)
    %add3A_441 = arith.constant 73 : i32
    %add3A_442 = arith.addi %mul3A_2, %add3A_441 : i32
    %dma_start3A_443 = arith.constant 0 : i32
    %dma_start3A_444 = tpu.memref_slice %arg3[%add3A_442, %dma_start3A_443] : memref<4096x12800xf32, #tpu.memory_space<hbm>> -> memref<1x12800xf32, #tpu.memory_space<hbm>>
    %dma_start3A_445 = arith.constant 0 : i32
    %dma_start3A_446 = tpu.memref_slice %arg3[%add3A_442, %dma_start3A_445] : memref<4096x12800xf32, #tpu.memory_space<hbm>> -> memref<1x12800xf32, #tpu.memory_space<hbm>>
    tpu.enqueue_dma source(%arg4 : memref<1x12800xf32, #tpu.memory_space<vmem>>) target(%dma_start3A_446 : memref<1x12800xf32, #tpu.memory_space<hbm>>) target_semaphore(%arg5 : memref<!tpu.dma_semaphore, #tpu.memory_space<semaphore_mem>>)
    %add3A_447 = arith.constant 74 : i32
    %add3A_448 = arith.addi %mul3A_2, %add3A_447 : i32
    %dma_start3A_449 = arith.constant 0 : i32
    %dma_start3A_450 = tpu.memref_slice %arg3[%add3A_448, %dma_start3A_449] : memref<4096x12800xf32, #tpu.memory_space<hbm>> -> memref<1x12800xf32, #tpu.memory_space<hbm>>
    %dma_start3A_451 = arith.constant 0 : i32
    %dma_start3A_452 = tpu.memref_slice %arg3[%add3A_448, %dma_start3A_451] : memref<4096x12800xf32, #tpu.memory_space<hbm>> -> memref<1x12800xf32, #tpu.memory_space<hbm>>
    tpu.enqueue_dma source(%arg4 : memref<1x12800xf32, #tpu.memory_space<vmem>>) target(%dma_start3A_452 : memref<1x12800xf32, #tpu.memory_space<hbm>>) target_semaphore(%arg5 : memref<!tpu.dma_semaphore, #tpu.memory_space<semaphore_mem>>)
    %add3A_453 = arith.constant 75 : i32
    %add3A_454 = arith.addi %mul3A_2, %add3A_453 : i32
    %dma_start3A_455 = arith.constant 0 : i32
    %dma_start3A_456 = tpu.memref_slice %arg3[%add3A_454, %dma_start3A_455] : memref<4096x12800xf32, #tpu.memory_space<hbm>> -> memref<1x12800xf32, #tpu.memory_space<hbm>>
    %dma_start3A_457 = arith.constant 0 : i32
    %dma_start3A_458 = tpu.memref_slice %arg3[%add3A_454, %dma_start3A_457] : memref<4096x12800xf32, #tpu.memory_space<hbm>> -> memref<1x12800xf32, #tpu.memory_space<hbm>>
    tpu.enqueue_dma source(%arg4 : memref<1x12800xf32, #tpu.memory_space<vmem>>) target(%dma_start3A_458 : memref<1x12800xf32, #tpu.memory_space<hbm>>) target_semaphore(%arg5 : memref<!tpu.dma_semaphore, #tpu.memory_space<semaphore_mem>>)
    %add3A_459 = arith.constant 76 : i32
    %add3A_460 = arith.addi %mul3A_2, %add3A_459 : i32
    %dma_start3A_461 = arith.constant 0 : i32
    %dma_start3A_462 = tpu.memref_slice %arg3[%add3A_460, %dma_start3A_461] : memref<4096x12800xf32, #tpu.memory_space<hbm>> -> memref<1x12800xf32, #tpu.memory_space<hbm>>
    %dma_start3A_463 = arith.constant 0 : i32
    %dma_start3A_464 = tpu.memref_slice %arg3[%add3A_460, %dma_start3A_463] : memref<4096x12800xf32, #tpu.memory_space<hbm>> -> memref<1x12800xf32, #tpu.memory_space<hbm>>
    tpu.enqueue_dma source(%arg4 : memref<1x12800xf32, #tpu.memory_space<vmem>>) target(%dma_start3A_464 : memref<1x12800xf32, #tpu.memory_space<hbm>>) target_semaphore(%arg5 : memref<!tpu.dma_semaphore, #tpu.memory_space<semaphore_mem>>)
    %add3A_465 = arith.constant 77 : i32
    %add3A_466 = arith.addi %mul3A_2, %add3A_465 : i32
    %dma_start3A_467 = arith.constant 0 : i32
    %dma_start3A_468 = tpu.memref_slice %arg3[%add3A_466, %dma_start3A_467] : memref<4096x12800xf32, #tpu.memory_space<hbm>> -> memref<1x12800xf32, #tpu.memory_space<hbm>>
    %dma_start3A_469 = arith.constant 0 : i32
    %dma_start3A_470 = tpu.memref_slice %arg3[%add3A_466, %dma_start3A_469] : memref<4096x12800xf32, #tpu.memory_space<hbm>> -> memref<1x12800xf32, #tpu.memory_space<hbm>>
    tpu.enqueue_dma source(%arg4 : memref<1x12800xf32, #tpu.memory_space<vmem>>) target(%dma_start3A_470 : memref<1x12800xf32, #tpu.memory_space<hbm>>) target_semaphore(%arg5 : memref<!tpu.dma_semaphore, #tpu.memory_space<semaphore_mem>>)
    %add3A_471 = arith.constant 78 : i32
    %add3A_472 = arith.addi %mul3A_2, %add3A_471 : i32
    %dma_start3A_473 = arith.constant 0 : i32
    %dma_start3A_474 = tpu.memref_slice %arg3[%add3A_472, %dma_start3A_473] : memref<4096x12800xf32, #tpu.memory_space<hbm>> -> memref<1x12800xf32, #tpu.memory_space<hbm>>
    %dma_start3A_475 = arith.constant 0 : i32
    %dma_start3A_476 = tpu.memref_slice %arg3[%add3A_472, %dma_start3A_475] : memref<4096x12800xf32, #tpu.memory_space<hbm>> -> memref<1x12800xf32, #tpu.memory_space<hbm>>
    tpu.enqueue_dma source(%arg4 : memref<1x12800xf32, #tpu.memory_space<vmem>>) target(%dma_start3A_476 : memref<1x12800xf32, #tpu.memory_space<hbm>>) target_semaphore(%arg5 : memref<!tpu.dma_semaphore, #tpu.memory_space<semaphore_mem>>)
    %add3A_477 = arith.constant 79 : i32
    %add3A_478 = arith.addi %mul3A_2, %add3A_477 : i32
    %dma_start3A_479 = arith.constant 0 : i32
    %dma_start3A_480 = tpu.memref_slice %arg3[%add3A_478, %dma_start3A_479] : memref<4096x12800xf32, #tpu.memory_space<hbm>> -> memref<1x12800xf32, #tpu.memory_space<hbm>>
    %dma_start3A_481 = arith.constant 0 : i32
    %dma_start3A_482 = tpu.memref_slice %arg3[%add3A_478, %dma_start3A_481] : memref<4096x12800xf32, #tpu.memory_space<hbm>> -> memref<1x12800xf32, #tpu.memory_space<hbm>>
    tpu.enqueue_dma source(%arg4 : memref<1x12800xf32, #tpu.memory_space<vmem>>) target(%dma_start3A_482 : memref<1x12800xf32, #tpu.memory_space<hbm>>) target_semaphore(%arg5 : memref<!tpu.dma_semaphore, #tpu.memory_space<semaphore_mem>>)
    %add3A_483 = arith.constant 80 : i32
    %add3A_484 = arith.addi %mul3A_2, %add3A_483 : i32
    %dma_start3A_485 = arith.constant 0 : i32
    %dma_start3A_486 = tpu.memref_slice %arg3[%add3A_484, %dma_start3A_485] : memref<4096x12800xf32, #tpu.memory_space<hbm>> -> memref<1x12800xf32, #tpu.memory_space<hbm>>
    %dma_start3A_487 = arith.constant 0 : i32
    %dma_start3A_488 = tpu.memref_slice %arg3[%add3A_484, %dma_start3A_487] : memref<4096x12800xf32, #tpu.memory_space<hbm>> -> memref<1x12800xf32, #tpu.memory_space<hbm>>
    tpu.enqueue_dma source(%arg4 : memref<1x12800xf32, #tpu.memory_space<vmem>>) target(%dma_start3A_488 : memref<1x12800xf32, #tpu.memory_space<hbm>>) target_semaphore(%arg5 : memref<!tpu.dma_semaphore, #tpu.memory_space<semaphore_mem>>)
    %add3A_489 = arith.constant 81 : i32
    %add3A_490 = arith.addi %mul3A_2, %add3A_489 : i32
    %dma_start3A_491 = arith.constant 0 : i32
    %dma_start3A_492 = tpu.memref_slice %arg3[%add3A_490, %dma_start3A_491] : memref<4096x12800xf32, #tpu.memory_space<hbm>> -> memref<1x12800xf32, #tpu.memory_space<hbm>>
    %dma_start3A_493 = arith.constant 0 : i32
    %dma_start3A_494 = tpu.memref_slice %arg3[%add3A_490, %dma_start3A_493] : memref<4096x12800xf32, #tpu.memory_space<hbm>> -> memref<1x12800xf32, #tpu.memory_space<hbm>>
    tpu.enqueue_dma source(%arg4 : memref<1x12800xf32, #tpu.memory_space<vmem>>) target(%dma_start3A_494 : memref<1x12800xf32, #tpu.memory_space<hbm>>) target_semaphore(%arg5 : memref<!tpu.dma_semaphore, #tpu.memory_space<semaphore_mem>>)
    %add3A_495 = arith.constant 82 : i32
    %add3A_496 = arith.addi %mul3A_2, %add3A_495 : i32
    %dma_start3A_497 = arith.constant 0 : i32
    %dma_start3A_498 = tpu.memref_slice %arg3[%add3A_496, %dma_start3A_497] : memref<4096x12800xf32, #tpu.memory_space<hbm>> -> memref<1x12800xf32, #tpu.memory_space<hbm>>
    %dma_start3A_499 = arith.constant 0 : i32
    %dma_start3A_500 = tpu.memref_slice %arg3[%add3A_496, %dma_start3A_499] : memref<4096x12800xf32, #tpu.memory_space<hbm>> -> memref<1x12800xf32, #tpu.memory_space<hbm>>
    tpu.enqueue_dma source(%arg4 : memref<1x12800xf32, #tpu.memory_space<vmem>>) target(%dma_start3A_500 : memref<1x12800xf32, #tpu.memory_space<hbm>>) target_semaphore(%arg5 : memref<!tpu.dma_semaphore, #tpu.memory_space<semaphore_mem>>)
    %add3A_501 = arith.constant 83 : i32
    %add3A_502 = arith.addi %mul3A_2, %add3A_501 : i32
    %dma_start3A_503 = arith.constant 0 : i32
    %dma_start3A_504 = tpu.memref_slice %arg3[%add3A_502, %dma_start3A_503] : memref<4096x12800xf32, #tpu.memory_space<hbm>> -> memref<1x12800xf32, #tpu.memory_space<hbm>>
    %dma_start3A_505 = arith.constant 0 : i32
    %dma_start3A_506 = tpu.memref_slice %arg3[%add3A_502, %dma_start3A_505] : memref<4096x12800xf32, #tpu.memory_space<hbm>> -> memref<1x12800xf32, #tpu.memory_space<hbm>>
    tpu.enqueue_dma source(%arg4 : memref<1x12800xf32, #tpu.memory_space<vmem>>) target(%dma_start3A_506 : memref<1x12800xf32, #tpu.memory_space<hbm>>) target_semaphore(%arg5 : memref<!tpu.dma_semaphore, #tpu.memory_space<semaphore_mem>>)
    %add3A_507 = arith.constant 84 : i32
    %add3A_508 = arith.addi %mul3A_2, %add3A_507 : i32
    %dma_start3A_509 = arith.constant 0 : i32
    %dma_start3A_510 = tpu.memref_slice %arg3[%add3A_508, %dma_start3A_509] : memref<4096x12800xf32, #tpu.memory_space<hbm>> -> memref<1x12800xf32, #tpu.memory_space<hbm>>
    %dma_start3A_511 = arith.constant 0 : i32
    %dma_start3A_512 = tpu.memref_slice %arg3[%add3A_508, %dma_start3A_511] : memref<4096x12800xf32, #tpu.memory_space<hbm>> -> memref<1x12800xf32, #tpu.memory_space<hbm>>
    tpu.enqueue_dma source(%arg4 : memref<1x12800xf32, #tpu.memory_space<vmem>>) target(%dma_start3A_512 : memref<1x12800xf32, #tpu.memory_space<hbm>>) target_semaphore(%arg5 : memref<!tpu.dma_semaphore, #tpu.memory_space<semaphore_mem>>)
    %add3A_513 = arith.constant 85 : i32
    %add3A_514 = arith.addi %mul3A_2, %add3A_513 : i32
    %dma_start3A_515 = arith.constant 0 : i32
    %dma_start3A_516 = tpu.memref_slice %arg3[%add3A_514, %dma_start3A_515] : memref<4096x12800xf32, #tpu.memory_space<hbm>> -> memref<1x12800xf32, #tpu.memory_space<hbm>>
    %dma_start3A_517 = arith.constant 0 : i32
    %dma_start3A_518 = tpu.memref_slice %arg3[%add3A_514, %dma_start3A_517] : memref<4096x12800xf32, #tpu.memory_space<hbm>> -> memref<1x12800xf32, #tpu.memory_space<hbm>>
    tpu.enqueue_dma source(%arg4 : memref<1x12800xf32, #tpu.memory_space<vmem>>) target(%dma_start3A_518 : memref<1x12800xf32, #tpu.memory_space<hbm>>) target_semaphore(%arg5 : memref<!tpu.dma_semaphore, #tpu.memory_space<semaphore_mem>>)
    %add3A_519 = arith.constant 86 : i32
    %add3A_520 = arith.addi %mul3A_2, %add3A_519 : i32
    %dma_start3A_521 = arith.constant 0 : i32
    %dma_start3A_522 = tpu.memref_slice %arg3[%add3A_520, %dma_start3A_521] : memref<4096x12800xf32, #tpu.memory_space<hbm>> -> memref<1x12800xf32, #tpu.memory_space<hbm>>
    %dma_start3A_523 = arith.constant 0 : i32
    %dma_start3A_524 = tpu.memref_slice %arg3[%add3A_520, %dma_start3A_523] : memref<4096x12800xf32, #tpu.memory_space<hbm>> -> memref<1x12800xf32, #tpu.memory_space<hbm>>
    tpu.enqueue_dma source(%arg4 : memref<1x12800xf32, #tpu.memory_space<vmem>>) target(%dma_start3A_524 : memref<1x12800xf32, #tpu.memory_space<hbm>>) target_semaphore(%arg5 : memref<!tpu.dma_semaphore, #tpu.memory_space<semaphore_mem>>)
    %add3A_525 = arith.constant 87 : i32
    %add3A_526 = arith.addi %mul3A_2, %add3A_525 : i32
    %dma_start3A_527 = arith.constant 0 : i32
    %dma_start3A_528 = tpu.memref_slice %arg3[%add3A_526, %dma_start3A_527] : memref<4096x12800xf32, #tpu.memory_space<hbm>> -> memref<1x12800xf32, #tpu.memory_space<hbm>>
    %dma_start3A_529 = arith.constant 0 : i32
    %dma_start3A_530 = tpu.memref_slice %arg3[%add3A_526, %dma_start3A_529] : memref<4096x12800xf32, #tpu.memory_space<hbm>> -> memref<1x12800xf32, #tpu.memory_space<hbm>>
    tpu.enqueue_dma source(%arg4 : memref<1x12800xf32, #tpu.memory_space<vmem>>) target(%dma_start3A_530 : memref<1x12800xf32, #tpu.memory_space<hbm>>) target_semaphore(%arg5 : memref<!tpu.dma_semaphore, #tpu.memory_space<semaphore_mem>>)
    %add3A_531 = arith.constant 88 : i32
    %add3A_532 = arith.addi %mul3A_2, %add3A_531 : i32
    %dma_start3A_533 = arith.constant 0 : i32
    %dma_start3A_534 = tpu.memref_slice %arg3[%add3A_532, %dma_start3A_533] : memref<4096x12800xf32, #tpu.memory_space<hbm>> -> memref<1x12800xf32, #tpu.memory_space<hbm>>
    %dma_start3A_535 = arith.constant 0 : i32
    %dma_start3A_536 = tpu.memref_slice %arg3[%add3A_532, %dma_start3A_535] : memref<4096x12800xf32, #tpu.memory_space<hbm>> -> memref<1x12800xf32, #tpu.memory_space<hbm>>
    tpu.enqueue_dma source(%arg4 : memref<1x12800xf32, #tpu.memory_space<vmem>>) target(%dma_start3A_536 : memref<1x12800xf32, #tpu.memory_space<hbm>>) target_semaphore(%arg5 : memref<!tpu.dma_semaphore, #tpu.memory_space<semaphore_mem>>)
    %add3A_537 = arith.constant 89 : i32
    %add3A_538 = arith.addi %mul3A_2, %add3A_537 : i32
    %dma_start3A_539 = arith.constant 0 : i32
    %dma_start3A_540 = tpu.memref_slice %arg3[%add3A_538, %dma_start3A_539] : memref<4096x12800xf32, #tpu.memory_space<hbm>> -> memref<1x12800xf32, #tpu.memory_space<hbm>>
    %dma_start3A_541 = arith.constant 0 : i32
    %dma_start3A_542 = tpu.memref_slice %arg3[%add3A_538, %dma_start3A_541] : memref<4096x12800xf32, #tpu.memory_space<hbm>> -> memref<1x12800xf32, #tpu.memory_space<hbm>>
    tpu.enqueue_dma source(%arg4 : memref<1x12800xf32, #tpu.memory_space<vmem>>) target(%dma_start3A_542 : memref<1x12800xf32, #tpu.memory_space<hbm>>) target_semaphore(%arg5 : memref<!tpu.dma_semaphore, #tpu.memory_space<semaphore_mem>>)
    %add3A_543 = arith.constant 90 : i32
    %add3A_544 = arith.addi %mul3A_2, %add3A_543 : i32
    %dma_start3A_545 = arith.constant 0 : i32
    %dma_start3A_546 = tpu.memref_slice %arg3[%add3A_544, %dma_start3A_545] : memref<4096x12800xf32, #tpu.memory_space<hbm>> -> memref<1x12800xf32, #tpu.memory_space<hbm>>
    %dma_start3A_547 = arith.constant 0 : i32
    %dma_start3A_548 = tpu.memref_slice %arg3[%add3A_544, %dma_start3A_547] : memref<4096x12800xf32, #tpu.memory_space<hbm>> -> memref<1x12800xf32, #tpu.memory_space<hbm>>
    tpu.enqueue_dma source(%arg4 : memref<1x12800xf32, #tpu.memory_space<vmem>>) target(%dma_start3A_548 : memref<1x12800xf32, #tpu.memory_space<hbm>>) target_semaphore(%arg5 : memref<!tpu.dma_semaphore, #tpu.memory_space<semaphore_mem>>)
    %add3A_549 = arith.constant 91 : i32
    %add3A_550 = arith.addi %mul3A_2, %add3A_549 : i32
    %dma_start3A_551 = arith.constant 0 : i32
    %dma_start3A_552 = tpu.memref_slice %arg3[%add3A_550, %dma_start3A_551] : memref<4096x12800xf32, #tpu.memory_space<hbm>> -> memref<1x12800xf32, #tpu.memory_space<hbm>>
    %dma_start3A_553 = arith.constant 0 : i32
    %dma_start3A_554 = tpu.memref_slice %arg3[%add3A_550, %dma_start3A_553] : memref<4096x12800xf32, #tpu.memory_space<hbm>> -> memref<1x12800xf32, #tpu.memory_space<hbm>>
    tpu.enqueue_dma source(%arg4 : memref<1x12800xf32, #tpu.memory_space<vmem>>) target(%dma_start3A_554 : memref<1x12800xf32, #tpu.memory_space<hbm>>) target_semaphore(%arg5 : memref<!tpu.dma_semaphore, #tpu.memory_space<semaphore_mem>>)
    %add3A_555 = arith.constant 92 : i32
    %add3A_556 = arith.addi %mul3A_2, %add3A_555 : i32
    %dma_start3A_557 = arith.constant 0 : i32
    %dma_start3A_558 = tpu.memref_slice %arg3[%add3A_556, %dma_start3A_557] : memref<4096x12800xf32, #tpu.memory_space<hbm>> -> memref<1x12800xf32, #tpu.memory_space<hbm>>
    %dma_start3A_559 = arith.constant 0 : i32
    %dma_start3A_560 = tpu.memref_slice %arg3[%add3A_556, %dma_start3A_559] : memref<4096x12800xf32, #tpu.memory_space<hbm>> -> memref<1x12800xf32, #tpu.memory_space<hbm>>
    tpu.enqueue_dma source(%arg4 : memref<1x12800xf32, #tpu.memory_space<vmem>>) target(%dma_start3A_560 : memref<1x12800xf32, #tpu.memory_space<hbm>>) target_semaphore(%arg5 : memref<!tpu.dma_semaphore, #tpu.memory_space<semaphore_mem>>)
    %add3A_561 = arith.constant 93 : i32
    %add3A_562 = arith.addi %mul3A_2, %add3A_561 : i32
    %dma_start3A_563 = arith.constant 0 : i32
    %dma_start3A_564 = tpu.memref_slice %arg3[%add3A_562, %dma_start3A_563] : memref<4096x12800xf32, #tpu.memory_space<hbm>> -> memref<1x12800xf32, #tpu.memory_space<hbm>>
    %dma_start3A_565 = arith.constant 0 : i32
    %dma_start3A_566 = tpu.memref_slice %arg3[%add3A_562, %dma_start3A_565] : memref<4096x12800xf32, #tpu.memory_space<hbm>> -> memref<1x12800xf32, #tpu.memory_space<hbm>>
    tpu.enqueue_dma source(%arg4 : memref<1x12800xf32, #tpu.memory_space<vmem>>) target(%dma_start3A_566 : memref<1x12800xf32, #tpu.memory_space<hbm>>) target_semaphore(%arg5 : memref<!tpu.dma_semaphore, #tpu.memory_space<semaphore_mem>>)
    %add3A_567 = arith.constant 94 : i32
    %add3A_568 = arith.addi %mul3A_2, %add3A_567 : i32
    %dma_start3A_569 = arith.constant 0 : i32
    %dma_start3A_570 = tpu.memref_slice %arg3[%add3A_568, %dma_start3A_569] : memref<4096x12800xf32, #tpu.memory_space<hbm>> -> memref<1x12800xf32, #tpu.memory_space<hbm>>
    %dma_start3A_571 = arith.constant 0 : i32
    %dma_start3A_572 = tpu.memref_slice %arg3[%add3A_568, %dma_start3A_571] : memref<4096x12800xf32, #tpu.memory_space<hbm>> -> memref<1x12800xf32, #tpu.memory_space<hbm>>
    tpu.enqueue_dma source(%arg4 : memref<1x12800xf32, #tpu.memory_space<vmem>>) target(%dma_start3A_572 : memref<1x12800xf32, #tpu.memory_space<hbm>>) target_semaphore(%arg5 : memref<!tpu.dma_semaphore, #tpu.memory_space<semaphore_mem>>)
    %add3A_573 = arith.constant 95 : i32
    %add3A_574 = arith.addi %mul3A_2, %add3A_573 : i32
    %dma_start3A_575 = arith.constant 0 : i32
    %dma_start3A_576 = tpu.memref_slice %arg3[%add3A_574, %dma_start3A_575] : memref<4096x12800xf32, #tpu.memory_space<hbm>> -> memref<1x12800xf32, #tpu.memory_space<hbm>>
    %dma_start3A_577 = arith.constant 0 : i32
    %dma_start3A_578 = tpu.memref_slice %arg3[%add3A_574, %dma_start3A_577] : memref<4096x12800xf32, #tpu.memory_space<hbm>> -> memref<1x12800xf32, #tpu.memory_space<hbm>>
    tpu.enqueue_dma source(%arg4 : memref<1x12800xf32, #tpu.memory_space<vmem>>) target(%dma_start3A_578 : memref<1x12800xf32, #tpu.memory_space<hbm>>) target_semaphore(%arg5 : memref<!tpu.dma_semaphore, #tpu.memory_space<semaphore_mem>>)
    %add3A_579 = arith.constant 96 : i32
    %add3A_580 = arith.addi %mul3A_2, %add3A_579 : i32
    %dma_start3A_581 = arith.constant 0 : i32
    %dma_start3A_582 = tpu.memref_slice %arg3[%add3A_580, %dma_start3A_581] : memref<4096x12800xf32, #tpu.memory_space<hbm>> -> memref<1x12800xf32, #tpu.memory_space<hbm>>
    %dma_start3A_583 = arith.constant 0 : i32
    %dma_start3A_584 = tpu.memref_slice %arg3[%add3A_580, %dma_start3A_583] : memref<4096x12800xf32, #tpu.memory_space<hbm>> -> memref<1x12800xf32, #tpu.memory_space<hbm>>
    tpu.enqueue_dma source(%arg4 : memref<1x12800xf32, #tpu.memory_space<vmem>>) target(%dma_start3A_584 : memref<1x12800xf32, #tpu.memory_space<hbm>>) target_semaphore(%arg5 : memref<!tpu.dma_semaphore, #tpu.memory_space<semaphore_mem>>)
    %add3A_585 = arith.constant 97 : i32
    %add3A_586 = arith.addi %mul3A_2, %add3A_585 : i32
    %dma_start3A_587 = arith.constant 0 : i32
    %dma_start3A_588 = tpu.memref_slice %arg3[%add3A_586, %dma_start3A_587] : memref<4096x12800xf32, #tpu.memory_space<hbm>> -> memref<1x12800xf32, #tpu.memory_space<hbm>>
    %dma_start3A_589 = arith.constant 0 : i32
    %dma_start3A_590 = tpu.memref_slice %arg3[%add3A_586, %dma_start3A_589] : memref<4096x12800xf32, #tpu.memory_space<hbm>> -> memref<1x12800xf32, #tpu.memory_space<hbm>>
    tpu.enqueue_dma source(%arg4 : memref<1x12800xf32, #tpu.memory_space<vmem>>) target(%dma_start3A_590 : memref<1x12800xf32, #tpu.memory_space<hbm>>) target_semaphore(%arg5 : memref<!tpu.dma_semaphore, #tpu.memory_space<semaphore_mem>>)
    %add3A_591 = arith.constant 98 : i32
    %add3A_592 = arith.addi %mul3A_2, %add3A_591 : i32
    %dma_start3A_593 = arith.constant 0 : i32
    %dma_start3A_594 = tpu.memref_slice %arg3[%add3A_592, %dma_start3A_593] : memref<4096x12800xf32, #tpu.memory_space<hbm>> -> memref<1x12800xf32, #tpu.memory_space<hbm>>
    %dma_start3A_595 = arith.constant 0 : i32
    %dma_start3A_596 = tpu.memref_slice %arg3[%add3A_592, %dma_start3A_595] : memref<4096x12800xf32, #tpu.memory_space<hbm>> -> memref<1x12800xf32, #tpu.memory_space<hbm>>
    tpu.enqueue_dma source(%arg4 : memref<1x12800xf32, #tpu.memory_space<vmem>>) target(%dma_start3A_596 : memref<1x12800xf32, #tpu.memory_space<hbm>>) target_semaphore(%arg5 : memref<!tpu.dma_semaphore, #tpu.memory_space<semaphore_mem>>)
    %add3A_597 = arith.constant 99 : i32
    %add3A_598 = arith.addi %mul3A_2, %add3A_597 : i32
    %dma_start3A_599 = arith.constant 0 : i32
    %dma_start3A_600 = tpu.memref_slice %arg3[%add3A_598, %dma_start3A_599] : memref<4096x12800xf32, #tpu.memory_space<hbm>> -> memref<1x12800xf32, #tpu.memory_space<hbm>>
    %dma_start3A_601 = arith.constant 0 : i32
    %dma_start3A_602 = tpu.memref_slice %arg3[%add3A_598, %dma_start3A_601] : memref<4096x12800xf32, #tpu.memory_space<hbm>> -> memref<1x12800xf32, #tpu.memory_space<hbm>>
    tpu.enqueue_dma source(%arg4 : memref<1x12800xf32, #tpu.memory_space<vmem>>) target(%dma_start3A_602 : memref<1x12800xf32, #tpu.memory_space<hbm>>) target_semaphore(%arg5 : memref<!tpu.dma_semaphore, #tpu.memory_space<semaphore_mem>>)
    %add3A_603 = arith.constant 100 : i32
    %add3A_604 = arith.addi %mul3A_2, %add3A_603 : i32
    %dma_start3A_605 = arith.constant 0 : i32
    %dma_start3A_606 = tpu.memref_slice %arg3[%add3A_604, %dma_start3A_605] : memref<4096x12800xf32, #tpu.memory_space<hbm>> -> memref<1x12800xf32, #tpu.memory_space<hbm>>
    %dma_start3A_607 = arith.constant 0 : i32
    %dma_start3A_608 = tpu.memref_slice %arg3[%add3A_604, %dma_start3A_607] : memref<4096x12800xf32, #tpu.memory_space<hbm>> -> memref<1x12800xf32, #tpu.memory_space<hbm>>
    tpu.enqueue_dma source(%arg4 : memref<1x12800xf32, #tpu.memory_space<vmem>>) target(%dma_start3A_608 : memref<1x12800xf32, #tpu.memory_space<hbm>>) target_semaphore(%arg5 : memref<!tpu.dma_semaphore, #tpu.memory_space<semaphore_mem>>)
    %add3A_609 = arith.constant 101 : i32
    %add3A_610 = arith.addi %mul3A_2, %add3A_609 : i32
    %dma_start3A_611 = arith.constant 0 : i32
    %dma_start3A_612 = tpu.memref_slice %arg3[%add3A_610, %dma_start3A_611] : memref<4096x12800xf32, #tpu.memory_space<hbm>> -> memref<1x12800xf32, #tpu.memory_space<hbm>>
    %dma_start3A_613 = arith.constant 0 : i32
    %dma_start3A_614 = tpu.memref_slice %arg3[%add3A_610, %dma_start3A_613] : memref<4096x12800xf32, #tpu.memory_space<hbm>> -> memref<1x12800xf32, #tpu.memory_space<hbm>>
    tpu.enqueue_dma source(%arg4 : memref<1x12800xf32, #tpu.memory_space<vmem>>) target(%dma_start3A_614 : memref<1x12800xf32, #tpu.memory_space<hbm>>) target_semaphore(%arg5 : memref<!tpu.dma_semaphore, #tpu.memory_space<semaphore_mem>>)
    %add3A_615 = arith.constant 102 : i32
    %add3A_616 = arith.addi %mul3A_2, %add3A_615 : i32
    %dma_start3A_617 = arith.constant 0 : i32
    %dma_start3A_618 = tpu.memref_slice %arg3[%add3A_616, %dma_start3A_617] : memref<4096x12800xf32, #tpu.memory_space<hbm>> -> memref<1x12800xf32, #tpu.memory_space<hbm>>
    %dma_start3A_619 = arith.constant 0 : i32
    %dma_start3A_620 = tpu.memref_slice %arg3[%add3A_616, %dma_start3A_619] : memref<4096x12800xf32, #tpu.memory_space<hbm>> -> memref<1x12800xf32, #tpu.memory_space<hbm>>
    tpu.enqueue_dma source(%arg4 : memref<1x12800xf32, #tpu.memory_space<vmem>>) target(%dma_start3A_620 : memref<1x12800xf32, #tpu.memory_space<hbm>>) target_semaphore(%arg5 : memref<!tpu.dma_semaphore, #tpu.memory_space<semaphore_mem>>)
    %add3A_621 = arith.constant 103 : i32
    %add3A_622 = arith.addi %mul3A_2, %add3A_621 : i32
    %dma_start3A_623 = arith.constant 0 : i32
    %dma_start3A_624 = tpu.memref_slice %arg3[%add3A_622, %dma_start3A_623] : memref<4096x12800xf32, #tpu.memory_space<hbm>> -> memref<1x12800xf32, #tpu.memory_space<hbm>>
    %dma_start3A_625 = arith.constant 0 : i32
    %dma_start3A_626 = tpu.memref_slice %arg3[%add3A_622, %dma_start3A_625] : memref<4096x12800xf32, #tpu.memory_space<hbm>> -> memref<1x12800xf32, #tpu.memory_space<hbm>>
    tpu.enqueue_dma source(%arg4 : memref<1x12800xf32, #tpu.memory_space<vmem>>) target(%dma_start3A_626 : memref<1x12800xf32, #tpu.memory_space<hbm>>) target_semaphore(%arg5 : memref<!tpu.dma_semaphore, #tpu.memory_space<semaphore_mem>>)
    %add3A_627 = arith.constant 104 : i32
    %add3A_628 = arith.addi %mul3A_2, %add3A_627 : i32
    %dma_start3A_629 = arith.constant 0 : i32
    %dma_start3A_630 = tpu.memref_slice %arg3[%add3A_628, %dma_start3A_629] : memref<4096x12800xf32, #tpu.memory_space<hbm>> -> memref<1x12800xf32, #tpu.memory_space<hbm>>
    %dma_start3A_631 = arith.constant 0 : i32
    %dma_start3A_632 = tpu.memref_slice %arg3[%add3A_628, %dma_start3A_631] : memref<4096x12800xf32, #tpu.memory_space<hbm>> -> memref<1x12800xf32, #tpu.memory_space<hbm>>
    tpu.enqueue_dma source(%arg4 : memref<1x12800xf32, #tpu.memory_space<vmem>>) target(%dma_start3A_632 : memref<1x12800xf32, #tpu.memory_space<hbm>>) target_semaphore(%arg5 : memref<!tpu.dma_semaphore, #tpu.memory_space<semaphore_mem>>)
    %add3A_633 = arith.constant 105 : i32
    %add3A_634 = arith.addi %mul3A_2, %add3A_633 : i32
    %dma_start3A_635 = arith.constant 0 : i32
    %dma_start3A_636 = tpu.memref_slice %arg3[%add3A_634, %dma_start3A_635] : memref<4096x12800xf32, #tpu.memory_space<hbm>> -> memref<1x12800xf32, #tpu.memory_space<hbm>>
    %dma_start3A_637 = arith.constant 0 : i32
    %dma_start3A_638 = tpu.memref_slice %arg3[%add3A_634, %dma_start3A_637] : memref<4096x12800xf32, #tpu.memory_space<hbm>> -> memref<1x12800xf32, #tpu.memory_space<hbm>>
    tpu.enqueue_dma source(%arg4 : memref<1x12800xf32, #tpu.memory_space<vmem>>) target(%dma_start3A_638 : memref<1x12800xf32, #tpu.memory_space<hbm>>) target_semaphore(%arg5 : memref<!tpu.dma_semaphore, #tpu.memory_space<semaphore_mem>>)
    %add3A_639 = arith.constant 106 : i32
    %add3A_640 = arith.addi %mul3A_2, %add3A_639 : i32
    %dma_start3A_641 = arith.constant 0 : i32
    %dma_start3A_642 = tpu.memref_slice %arg3[%add3A_640, %dma_start3A_641] : memref<4096x12800xf32, #tpu.memory_space<hbm>> -> memref<1x12800xf32, #tpu.memory_space<hbm>>
    %dma_start3A_643 = arith.constant 0 : i32
    %dma_start3A_644 = tpu.memref_slice %arg3[%add3A_640, %dma_start3A_643] : memref<4096x12800xf32, #tpu.memory_space<hbm>> -> memref<1x12800xf32, #tpu.memory_space<hbm>>
    tpu.enqueue_dma source(%arg4 : memref<1x12800xf32, #tpu.memory_space<vmem>>) target(%dma_start3A_644 : memref<1x12800xf32, #tpu.memory_space<hbm>>) target_semaphore(%arg5 : memref<!tpu.dma_semaphore, #tpu.memory_space<semaphore_mem>>)
    %add3A_645 = arith.constant 107 : i32
    %add3A_646 = arith.addi %mul3A_2, %add3A_645 : i32
    %dma_start3A_647 = arith.constant 0 : i32
    %dma_start3A_648 = tpu.memref_slice %arg3[%add3A_646, %dma_start3A_647] : memref<4096x12800xf32, #tpu.memory_space<hbm>> -> memref<1x12800xf32, #tpu.memory_space<hbm>>
    %dma_start3A_649 = arith.constant 0 : i32
    %dma_start3A_650 = tpu.memref_slice %arg3[%add3A_646, %dma_start3A_649] : memref<4096x12800xf32, #tpu.memory_space<hbm>> -> memref<1x12800xf32, #tpu.memory_space<hbm>>
    tpu.enqueue_dma source(%arg4 : memref<1x12800xf32, #tpu.memory_space<vmem>>) target(%dma_start3A_650 : memref<1x12800xf32, #tpu.memory_space<hbm>>) target_semaphore(%arg5 : memref<!tpu.dma_semaphore, #tpu.memory_space<semaphore_mem>>)
    %add3A_651 = arith.constant 108 : i32
    %add3A_652 = arith.addi %mul3A_2, %add3A_651 : i32
    %dma_start3A_653 = arith.constant 0 : i32
    %dma_start3A_654 = tpu.memref_slice %arg3[%add3A_652, %dma_start3A_653] : memref<4096x12800xf32, #tpu.memory_space<hbm>> -> memref<1x12800xf32, #tpu.memory_space<hbm>>
    %dma_start3A_655 = arith.constant 0 : i32
    %dma_start3A_656 = tpu.memref_slice %arg3[%add3A_652, %dma_start3A_655] : memref<4096x12800xf32, #tpu.memory_space<hbm>> -> memref<1x12800xf32, #tpu.memory_space<hbm>>
    tpu.enqueue_dma source(%arg4 : memref<1x12800xf32, #tpu.memory_space<vmem>>) target(%dma_start3A_656 : memref<1x12800xf32, #tpu.memory_space<hbm>>) target_semaphore(%arg5 : memref<!tpu.dma_semaphore, #tpu.memory_space<semaphore_mem>>)
    %add3A_657 = arith.constant 109 : i32
    %add3A_658 = arith.addi %mul3A_2, %add3A_657 : i32
    %dma_start3A_659 = arith.constant 0 : i32
    %dma_start3A_660 = tpu.memref_slice %arg3[%add3A_658, %dma_start3A_659] : memref<4096x12800xf32, #tpu.memory_space<hbm>> -> memref<1x12800xf32, #tpu.memory_space<hbm>>
    %dma_start3A_661 = arith.constant 0 : i32
    %dma_start3A_662 = tpu.memref_slice %arg3[%add3A_658, %dma_start3A_661] : memref<4096x12800xf32, #tpu.memory_space<hbm>> -> memref<1x12800xf32, #tpu.memory_space<hbm>>
    tpu.enqueue_dma source(%arg4 : memref<1x12800xf32, #tpu.memory_space<vmem>>) target(%dma_start3A_662 : memref<1x12800xf32, #tpu.memory_space<hbm>>) target_semaphore(%arg5 : memref<!tpu.dma_semaphore, #tpu.memory_space<semaphore_mem>>)
    %add3A_663 = arith.constant 110 : i32
    %add3A_664 = arith.addi %mul3A_2, %add3A_663 : i32
    %dma_start3A_665 = arith.constant 0 : i32
    %dma_start3A_666 = tpu.memref_slice %arg3[%add3A_664, %dma_start3A_665] : memref<4096x12800xf32, #tpu.memory_space<hbm>> -> memref<1x12800xf32, #tpu.memory_space<hbm>>
    %dma_start3A_667 = arith.constant 0 : i32
    %dma_start3A_668 = tpu.memref_slice %arg3[%add3A_664, %dma_start3A_667] : memref<4096x12800xf32, #tpu.memory_space<hbm>> -> memref<1x12800xf32, #tpu.memory_space<hbm>>
    tpu.enqueue_dma source(%arg4 : memref<1x12800xf32, #tpu.memory_space<vmem>>) target(%dma_start3A_668 : memref<1x12800xf32, #tpu.memory_space<hbm>>) target_semaphore(%arg5 : memref<!tpu.dma_semaphore, #tpu.memory_space<semaphore_mem>>)
    %add3A_669 = arith.constant 111 : i32
    %add3A_670 = arith.addi %mul3A_2, %add3A_669 : i32
    %dma_start3A_671 = arith.constant 0 : i32
    %dma_start3A_672 = tpu.memref_slice %arg3[%add3A_670, %dma_start3A_671] : memref<4096x12800xf32, #tpu.memory_space<hbm>> -> memref<1x12800xf32, #tpu.memory_space<hbm>>
    %dma_start3A_673 = arith.constant 0 : i32
    %dma_start3A_674 = tpu.memref_slice %arg3[%add3A_670, %dma_start3A_673] : memref<4096x12800xf32, #tpu.memory_space<hbm>> -> memref<1x12800xf32, #tpu.memory_space<hbm>>
    tpu.enqueue_dma source(%arg4 : memref<1x12800xf32, #tpu.memory_space<vmem>>) target(%dma_start3A_674 : memref<1x12800xf32, #tpu.memory_space<hbm>>) target_semaphore(%arg5 : memref<!tpu.dma_semaphore, #tpu.memory_space<semaphore_mem>>)
    %add3A_675 = arith.constant 112 : i32
    %add3A_676 = arith.addi %mul3A_2, %add3A_675 : i32
    %dma_start3A_677 = arith.constant 0 : i32
    %dma_start3A_678 = tpu.memref_slice %arg3[%add3A_676, %dma_start3A_677] : memref<4096x12800xf32, #tpu.memory_space<hbm>> -> memref<1x12800xf32, #tpu.memory_space<hbm>>
    %dma_start3A_679 = arith.constant 0 : i32
    %dma_start3A_680 = tpu.memref_slice %arg3[%add3A_676, %dma_start3A_679] : memref<4096x12800xf32, #tpu.memory_space<hbm>> -> memref<1x12800xf32, #tpu.memory_space<hbm>>
    tpu.enqueue_dma source(%arg4 : memref<1x12800xf32, #tpu.memory_space<vmem>>) target(%dma_start3A_680 : memref<1x12800xf32, #tpu.memory_space<hbm>>) target_semaphore(%arg5 : memref<!tpu.dma_semaphore, #tpu.memory_space<semaphore_mem>>)
    %add3A_681 = arith.constant 113 : i32
    %add3A_682 = arith.addi %mul3A_2, %add3A_681 : i32
    %dma_start3A_683 = arith.constant 0 : i32
    %dma_start3A_684 = tpu.memref_slice %arg3[%add3A_682, %dma_start3A_683] : memref<4096x12800xf32, #tpu.memory_space<hbm>> -> memref<1x12800xf32, #tpu.memory_space<hbm>>
    %dma_start3A_685 = arith.constant 0 : i32
    %dma_start3A_686 = tpu.memref_slice %arg3[%add3A_682, %dma_start3A_685] : memref<4096x12800xf32, #tpu.memory_space<hbm>> -> memref<1x12800xf32, #tpu.memory_space<hbm>>
    tpu.enqueue_dma source(%arg4 : memref<1x12800xf32, #tpu.memory_space<vmem>>) target(%dma_start3A_686 : memref<1x12800xf32, #tpu.memory_space<hbm>>) target_semaphore(%arg5 : memref<!tpu.dma_semaphore, #tpu.memory_space<semaphore_mem>>)
    %add3A_687 = arith.constant 114 : i32
    %add3A_688 = arith.addi %mul3A_2, %add3A_687 : i32
    %dma_start3A_689 = arith.constant 0 : i32
    %dma_start3A_690 = tpu.memref_slice %arg3[%add3A_688, %dma_start3A_689] : memref<4096x12800xf32, #tpu.memory_space<hbm>> -> memref<1x12800xf32, #tpu.memory_space<hbm>>
    %dma_start3A_691 = arith.constant 0 : i32
    %dma_start3A_692 = tpu.memref_slice %arg3[%add3A_688, %dma_start3A_691] : memref<4096x12800xf32, #tpu.memory_space<hbm>> -> memref<1x12800xf32, #tpu.memory_space<hbm>>
    tpu.enqueue_dma source(%arg4 : memref<1x12800xf32, #tpu.memory_space<vmem>>) target(%dma_start3A_692 : memref<1x12800xf32, #tpu.memory_space<hbm>>) target_semaphore(%arg5 : memref<!tpu.dma_semaphore, #tpu.memory_space<semaphore_mem>>)
    %add3A_693 = arith.constant 115 : i32
    %add3A_694 = arith.addi %mul3A_2, %add3A_693 : i32
    %dma_start3A_695 = arith.constant 0 : i32
    %dma_start3A_696 = tpu.memref_slice %arg3[%add3A_694, %dma_start3A_695] : memref<4096x12800xf32, #tpu.memory_space<hbm>> -> memref<1x12800xf32, #tpu.memory_space<hbm>>
    %dma_start3A_697 = arith.constant 0 : i32
    %dma_start3A_698 = tpu.memref_slice %arg3[%add3A_694, %dma_start3A_697] : memref<4096x12800xf32, #tpu.memory_space<hbm>> -> memref<1x12800xf32, #tpu.memory_space<hbm>>
    tpu.enqueue_dma source(%arg4 : memref<1x12800xf32, #tpu.memory_space<vmem>>) target(%dma_start3A_698 : memref<1x12800xf32, #tpu.memory_space<hbm>>) target_semaphore(%arg5 : memref<!tpu.dma_semaphore, #tpu.memory_space<semaphore_mem>>)
    %add3A_699 = arith.constant 116 : i32
    %add3A_700 = arith.addi %mul3A_2, %add3A_699 : i32
    %dma_start3A_701 = arith.constant 0 : i32
    %dma_start3A_702 = tpu.memref_slice %arg3[%add3A_700, %dma_start3A_701] : memref<4096x12800xf32, #tpu.memory_space<hbm>> -> memref<1x12800xf32, #tpu.memory_space<hbm>>
    %dma_start3A_703 = arith.constant 0 : i32
    %dma_start3A_704 = tpu.memref_slice %arg3[%add3A_700, %dma_start3A_703] : memref<4096x12800xf32, #tpu.memory_space<hbm>> -> memref<1x12800xf32, #tpu.memory_space<hbm>>
    tpu.enqueue_dma source(%arg4 : memref<1x12800xf32, #tpu.memory_space<vmem>>) target(%dma_start3A_704 : memref<1x12800xf32, #tpu.memory_space<hbm>>) target_semaphore(%arg5 : memref<!tpu.dma_semaphore, #tpu.memory_space<semaphore_mem>>)
    %add3A_705 = arith.constant 117 : i32
    %add3A_706 = arith.addi %mul3A_2, %add3A_705 : i32
    %dma_start3A_707 = arith.constant 0 : i32
    %dma_start3A_708 = tpu.memref_slice %arg3[%add3A_706, %dma_start3A_707] : memref<4096x12800xf32, #tpu.memory_space<hbm>> -> memref<1x12800xf32, #tpu.memory_space<hbm>>
    %dma_start3A_709 = arith.constant 0 : i32
    %dma_start3A_710 = tpu.memref_slice %arg3[%add3A_706, %dma_start3A_709] : memref<4096x12800xf32, #tpu.memory_space<hbm>> -> memref<1x12800xf32, #tpu.memory_space<hbm>>
    tpu.enqueue_dma source(%arg4 : memref<1x12800xf32, #tpu.memory_space<vmem>>) target(%dma_start3A_710 : memref<1x12800xf32, #tpu.memory_space<hbm>>) target_semaphore(%arg5 : memref<!tpu.dma_semaphore, #tpu.memory_space<semaphore_mem>>)
    %add3A_711 = arith.constant 118 : i32
    %add3A_712 = arith.addi %mul3A_2, %add3A_711 : i32
    %dma_start3A_713 = arith.constant 0 : i32
    %dma_start3A_714 = tpu.memref_slice %arg3[%add3A_712, %dma_start3A_713] : memref<4096x12800xf32, #tpu.memory_space<hbm>> -> memref<1x12800xf32, #tpu.memory_space<hbm>>
    %dma_start3A_715 = arith.constant 0 : i32
    %dma_start3A_716 = tpu.memref_slice %arg3[%add3A_712, %dma_start3A_715] : memref<4096x12800xf32, #tpu.memory_space<hbm>> -> memref<1x12800xf32, #tpu.memory_space<hbm>>
    tpu.enqueue_dma source(%arg4 : memref<1x12800xf32, #tpu.memory_space<vmem>>) target(%dma_start3A_716 : memref<1x12800xf32, #tpu.memory_space<hbm>>) target_semaphore(%arg5 : memref<!tpu.dma_semaphore, #tpu.memory_space<semaphore_mem>>)
    %add3A_717 = arith.constant 119 : i32
    %add3A_718 = arith.addi %mul3A_2, %add3A_717 : i32
    %dma_start3A_719 = arith.constant 0 : i32
    %dma_start3A_720 = tpu.memref_slice %arg3[%add3A_718, %dma_start3A_719] : memref<4096x12800xf32, #tpu.memory_space<hbm>> -> memref<1x12800xf32, #tpu.memory_space<hbm>>
    %dma_start3A_721 = arith.constant 0 : i32
    %dma_start3A_722 = tpu.memref_slice %arg3[%add3A_718, %dma_start3A_721] : memref<4096x12800xf32, #tpu.memory_space<hbm>> -> memref<1x12800xf32, #tpu.memory_space<hbm>>
    tpu.enqueue_dma source(%arg4 : memref<1x12800xf32, #tpu.memory_space<vmem>>) target(%dma_start3A_722 : memref<1x12800xf32, #tpu.memory_space<hbm>>) target_semaphore(%arg5 : memref<!tpu.dma_semaphore, #tpu.memory_space<semaphore_mem>>)
    %add3A_723 = arith.constant 120 : i32
    %add3A_724 = arith.addi %mul3A_2, %add3A_723 : i32
    %dma_start3A_725 = arith.constant 0 : i32
    %dma_start3A_726 = tpu.memref_slice %arg3[%add3A_724, %dma_start3A_725] : memref<4096x12800xf32, #tpu.memory_space<hbm>> -> memref<1x12800xf32, #tpu.memory_space<hbm>>
    %dma_start3A_727 = arith.constant 0 : i32
    %dma_start3A_728 = tpu.memref_slice %arg3[%add3A_724, %dma_start3A_727] : memref<4096x12800xf32, #tpu.memory_space<hbm>> -> memref<1x12800xf32, #tpu.memory_space<hbm>>
    tpu.enqueue_dma source(%arg4 : memref<1x12800xf32, #tpu.memory_space<vmem>>) target(%dma_start3A_728 : memref<1x12800xf32, #tpu.memory_space<hbm>>) target_semaphore(%arg5 : memref<!tpu.dma_semaphore, #tpu.memory_space<semaphore_mem>>)
    %add3A_729 = arith.constant 121 : i32
    %add3A_730 = arith.addi %mul3A_2, %add3A_729 : i32
    %dma_start3A_731 = arith.constant 0 : i32
    %dma_start3A_732 = tpu.memref_slice %arg3[%add3A_730, %dma_start3A_731] : memref<4096x12800xf32, #tpu.memory_space<hbm>> -> memref<1x12800xf32, #tpu.memory_space<hbm>>
    %dma_start3A_733 = arith.constant 0 : i32
    %dma_start3A_734 = tpu.memref_slice %arg3[%add3A_730, %dma_start3A_733] : memref<4096x12800xf32, #tpu.memory_space<hbm>> -> memref<1x12800xf32, #tpu.memory_space<hbm>>
    tpu.enqueue_dma source(%arg4 : memref<1x12800xf32, #tpu.memory_space<vmem>>) target(%dma_start3A_734 : memref<1x12800xf32, #tpu.memory_space<hbm>>) target_semaphore(%arg5 : memref<!tpu.dma_semaphore, #tpu.memory_space<semaphore_mem>>)
    %add3A_735 = arith.constant 122 : i32
    %add3A_736 = arith.addi %mul3A_2, %add3A_735 : i32
    %dma_start3A_737 = arith.constant 0 : i32
    %dma_start3A_738 = tpu.memref_slice %arg3[%add3A_736, %dma_start3A_737] : memref<4096x12800xf32, #tpu.memory_space<hbm>> -> memref<1x12800xf32, #tpu.memory_space<hbm>>
    %dma_start3A_739 = arith.constant 0 : i32
    %dma_start3A_740 = tpu.memref_slice %arg3[%add3A_736, %dma_start3A_739] : memref<4096x12800xf32, #tpu.memory_space<hbm>> -> memref<1x12800xf32, #tpu.memory_space<hbm>>
    tpu.enqueue_dma source(%arg4 : memref<1x12800xf32, #tpu.memory_space<vmem>>) target(%dma_start3A_740 : memref<1x12800xf32, #tpu.memory_space<hbm>>) target_semaphore(%arg5 : memref<!tpu.dma_semaphore, #tpu.memory_space<semaphore_mem>>)
    %add3A_741 = arith.constant 123 : i32
    %add3A_742 = arith.addi %mul3A_2, %add3A_741 : i32
    %dma_start3A_743 = arith.constant 0 : i32
    %dma_start3A_744 = tpu.memref_slice %arg3[%add3A_742, %dma_start3A_743] : memref<4096x12800xf32, #tpu.memory_space<hbm>> -> memref<1x12800xf32, #tpu.memory_space<hbm>>
    %dma_start3A_745 = arith.constant 0 : i32
    %dma_start3A_746 = tpu.memref_slice %arg3[%add3A_742, %dma_start3A_745] : memref<4096x12800xf32, #tpu.memory_space<hbm>> -> memref<1x12800xf32, #tpu.memory_space<hbm>>
    tpu.enqueue_dma source(%arg4 : memref<1x12800xf32, #tpu.memory_space<vmem>>) target(%dma_start3A_746 : memref<1x12800xf32, #tpu.memory_space<hbm>>) target_semaphore(%arg5 : memref<!tpu.dma_semaphore, #tpu.memory_space<semaphore_mem>>)
    %add3A_747 = arith.constant 124 : i32
    %add3A_748 = arith.addi %mul3A_2, %add3A_747 : i32
    %dma_start3A_749 = arith.constant 0 : i32
    %dma_start3A_750 = tpu.memref_slice %arg3[%add3A_748, %dma_start3A_749] : memref<4096x12800xf32, #tpu.memory_space<hbm>> -> memref<1x12800xf32, #tpu.memory_space<hbm>>
    %dma_start3A_751 = arith.constant 0 : i32
    %dma_start3A_752 = tpu.memref_slice %arg3[%add3A_748, %dma_start3A_751] : memref<4096x12800xf32, #tpu.memory_space<hbm>> -> memref<1x12800xf32, #tpu.memory_space<hbm>>
    tpu.enqueue_dma source(%arg4 : memref<1x12800xf32, #tpu.memory_space<vmem>>) target(%dma_start3A_752 : memref<1x12800xf32, #tpu.memory_space<hbm>>) target_semaphore(%arg5 : memref<!tpu.dma_semaphore, #tpu.memory_space<semaphore_mem>>)
    %add3A_753 = arith.constant 125 : i32
    %add3A_754 = arith.addi %mul3A_2, %add3A_753 : i32
    %dma_start3A_755 = arith.constant 0 : i32
    %dma_start3A_756 = tpu.memref_slice %arg3[%add3A_754, %dma_start3A_755] : memref<4096x12800xf32, #tpu.memory_space<hbm>> -> memref<1x12800xf32, #tpu.memory_space<hbm>>
    %dma_start3A_757 = arith.constant 0 : i32
    %dma_start3A_758 = tpu.memref_slice %arg3[%add3A_754, %dma_start3A_757] : memref<4096x12800xf32, #tpu.memory_space<hbm>> -> memref<1x12800xf32, #tpu.memory_space<hbm>>
    tpu.enqueue_dma source(%arg4 : memref<1x12800xf32, #tpu.memory_space<vmem>>) target(%dma_start3A_758 : memref<1x12800xf32, #tpu.memory_space<hbm>>) target_semaphore(%arg5 : memref<!tpu.dma_semaphore, #tpu.memory_space<semaphore_mem>>)
    %add3A_759 = arith.constant 126 : i32
    %add3A_760 = arith.addi %mul3A_2, %add3A_759 : i32
    %dma_start3A_761 = arith.constant 0 : i32
    %dma_start3A_762 = tpu.memref_slice %arg3[%add3A_760, %dma_start3A_761] : memref<4096x12800xf32, #tpu.memory_space<hbm>> -> memref<1x12800xf32, #tpu.memory_space<hbm>>
    %dma_start3A_763 = arith.constant 0 : i32
    %dma_start3A_764 = tpu.memref_slice %arg3[%add3A_760, %dma_start3A_763] : memref<4096x12800xf32, #tpu.memory_space<hbm>> -> memref<1x12800xf32, #tpu.memory_space<hbm>>
    tpu.enqueue_dma source(%arg4 : memref<1x12800xf32, #tpu.memory_space<vmem>>) target(%dma_start3A_764 : memref<1x12800xf32, #tpu.memory_space<hbm>>) target_semaphore(%arg5 : memref<!tpu.dma_semaphore, #tpu.memory_space<semaphore_mem>>)
    %add3A_765 = arith.constant 127 : i32
    %add3A_766 = arith.addi %mul3A_2, %add3A_765 : i32
    %dma_start3A_767 = arith.constant 0 : i32
    %dma_start3A_768 = tpu.memref_slice %arg3[%add3A_766, %dma_start3A_767] : memref<4096x12800xf32, #tpu.memory_space<hbm>> -> memref<1x12800xf32, #tpu.memory_space<hbm>>
    %dma_start3A_769 = arith.constant 0 : i32
    %dma_start3A_770 = tpu.memref_slice %arg3[%add3A_766, %dma_start3A_769] : memref<4096x12800xf32, #tpu.memory_space<hbm>> -> memref<1x12800xf32, #tpu.memory_space<hbm>>
    tpu.enqueue_dma source(%arg4 : memref<1x12800xf32, #tpu.memory_space<vmem>>) target(%dma_start3A_770 : memref<1x12800xf32, #tpu.memory_space<hbm>>) target_semaphore(%arg5 : memref<!tpu.dma_semaphore, #tpu.memory_space<semaphore_mem>>)
    %add3A_771 = arith.constant 0 : i32
    %add3A_772 = arith.addi %mul3A_2, %add3A_771 : i32
    %dma_wait3A = arith.constant 0 : i32
    %dma_wait3A_773 = tpu.memref_slice %arg3[%add3A_772, %dma_wait3A] : memref<4096x12800xf32, #tpu.memory_space<hbm>> -> memref<1x12800xf32, #tpu.memory_space<hbm>>
    %dma_wait3A_774 = arith.constant 0 : i32
    %dma_wait3A_775 = tpu.memref_slice %arg3[%add3A_772, %dma_wait3A_774] : memref<4096x12800xf32, #tpu.memory_space<hbm>> -> memref<1x12800xf32, #tpu.memory_space<hbm>>
    tpu.wait_dma2 semaphore(%arg5 : memref<!tpu.dma_semaphore, #tpu.memory_space<semaphore_mem>>) src(%arg4 : memref<1x12800xf32, #tpu.memory_space<vmem>>) dst(%dma_wait3A_775 : memref<1x12800xf32, #tpu.memory_space<hbm>>)
    %add3A_776 = arith.constant 1 : i32
    %add3A_777 = arith.addi %mul3A_2, %add3A_776 : i32
    %dma_wait3A_778 = arith.constant 0 : i32
    %dma_wait3A_779 = tpu.memref_slice %arg3[%add3A_777, %dma_wait3A_778] : memref<4096x12800xf32, #tpu.memory_space<hbm>> -> memref<1x12800xf32, #tpu.memory_space<hbm>>
    %dma_wait3A_780 = arith.constant 0 : i32
    %dma_wait3A_781 = tpu.memref_slice %arg3[%add3A_777, %dma_wait3A_780] : memref<4096x12800xf32, #tpu.memory_space<hbm>> -> memref<1x12800xf32, #tpu.memory_space<hbm>>
    tpu.wait_dma2 semaphore(%arg5 : memref<!tpu.dma_semaphore, #tpu.memory_space<semaphore_mem>>) src(%arg4 : memref<1x12800xf32, #tpu.memory_space<vmem>>) dst(%dma_wait3A_781 : memref<1x12800xf32, #tpu.memory_space<hbm>>)
    %add3A_782 = arith.constant 2 : i32
    %add3A_783 = arith.addi %mul3A_2, %add3A_782 : i32
    %dma_wait3A_784 = arith.constant 0 : i32
    %dma_wait3A_785 = tpu.memref_slice %arg3[%add3A_783, %dma_wait3A_784] : memref<4096x12800xf32, #tpu.memory_space<hbm>> -> memref<1x12800xf32, #tpu.memory_space<hbm>>
    %dma_wait3A_786 = arith.constant 0 : i32
    %dma_wait3A_787 = tpu.memref_slice %arg3[%add3A_783, %dma_wait3A_786] : memref<4096x12800xf32, #tpu.memory_space<hbm>> -> memref<1x12800xf32, #tpu.memory_space<hbm>>
    tpu.wait_dma2 semaphore(%arg5 : memref<!tpu.dma_semaphore, #tpu.memory_space<semaphore_mem>>) src(%arg4 : memref<1x12800xf32, #tpu.memory_space<vmem>>) dst(%dma_wait3A_787 : memref<1x12800xf32, #tpu.memory_space<hbm>>)
    %add3A_788 = arith.constant 3 : i32
    %add3A_789 = arith.addi %mul3A_2, %add3A_788 : i32
    %dma_wait3A_790 = arith.constant 0 : i32
    %dma_wait3A_791 = tpu.memref_slice %arg3[%add3A_789, %dma_wait3A_790] : memref<4096x12800xf32, #tpu.memory_space<hbm>> -> memref<1x12800xf32, #tpu.memory_space<hbm>>
    %dma_wait3A_792 = arith.constant 0 : i32
    %dma_wait3A_793 = tpu.memref_slice %arg3[%add3A_789, %dma_wait3A_792] : memref<4096x12800xf32, #tpu.memory_space<hbm>> -> memref<1x12800xf32, #tpu.memory_space<hbm>>
    tpu.wait_dma2 semaphore(%arg5 : memref<!tpu.dma_semaphore, #tpu.memory_space<semaphore_mem>>) src(%arg4 : memref<1x12800xf32, #tpu.memory_space<vmem>>) dst(%dma_wait3A_793 : memref<1x12800xf32, #tpu.memory_space<hbm>>)
    %add3A_794 = arith.constant 4 : i32
    %add3A_795 = arith.addi %mul3A_2, %add3A_794 : i32
    %dma_wait3A_796 = arith.constant 0 : i32
    %dma_wait3A_797 = tpu.memref_slice %arg3[%add3A_795, %dma_wait3A_796] : memref<4096x12800xf32, #tpu.memory_space<hbm>> -> memref<1x12800xf32, #tpu.memory_space<hbm>>
    %dma_wait3A_798 = arith.constant 0 : i32
    %dma_wait3A_799 = tpu.memref_slice %arg3[%add3A_795, %dma_wait3A_798] : memref<4096x12800xf32, #tpu.memory_space<hbm>> -> memref<1x12800xf32, #tpu.memory_space<hbm>>
    tpu.wait_dma2 semaphore(%arg5 : memref<!tpu.dma_semaphore, #tpu.memory_space<semaphore_mem>>) src(%arg4 : memref<1x12800xf32, #tpu.memory_space<vmem>>) dst(%dma_wait3A_799 : memref<1x12800xf32, #tpu.memory_space<hbm>>)
    %add3A_800 = arith.constant 5 : i32
    %add3A_801 = arith.addi %mul3A_2, %add3A_800 : i32
    %dma_wait3A_802 = arith.constant 0 : i32
    %dma_wait3A_803 = tpu.memref_slice %arg3[%add3A_801, %dma_wait3A_802] : memref<4096x12800xf32, #tpu.memory_space<hbm>> -> memref<1x12800xf32, #tpu.memory_space<hbm>>
    %dma_wait3A_804 = arith.constant 0 : i32
    %dma_wait3A_805 = tpu.memref_slice %arg3[%add3A_801, %dma_wait3A_804] : memref<4096x12800xf32, #tpu.memory_space<hbm>> -> memref<1x12800xf32, #tpu.memory_space<hbm>>
    tpu.wait_dma2 semaphore(%arg5 : memref<!tpu.dma_semaphore, #tpu.memory_space<semaphore_mem>>) src(%arg4 : memref<1x12800xf32, #tpu.memory_space<vmem>>) dst(%dma_wait3A_805 : memref<1x12800xf32, #tpu.memory_space<hbm>>)
    %add3A_806 = arith.constant 6 : i32
    %add3A_807 = arith.addi %mul3A_2, %add3A_806 : i32
    %dma_wait3A_808 = arith.constant 0 : i32
    %dma_wait3A_809 = tpu.memref_slice %arg3[%add3A_807, %dma_wait3A_808] : memref<4096x12800xf32, #tpu.memory_space<hbm>> -> memref<1x12800xf32, #tpu.memory_space<hbm>>
    %dma_wait3A_810 = arith.constant 0 : i32
    %dma_wait3A_811 = tpu.memref_slice %arg3[%add3A_807, %dma_wait3A_810] : memref<4096x12800xf32, #tpu.memory_space<hbm>> -> memref<1x12800xf32, #tpu.memory_space<hbm>>
    tpu.wait_dma2 semaphore(%arg5 : memref<!tpu.dma_semaphore, #tpu.memory_space<semaphore_mem>>) src(%arg4 : memref<1x12800xf32, #tpu.memory_space<vmem>>) dst(%dma_wait3A_811 : memref<1x12800xf32, #tpu.memory_space<hbm>>)
    %add3A_812 = arith.constant 7 : i32
    %add3A_813 = arith.addi %mul3A_2, %add3A_812 : i32
    %dma_wait3A_814 = arith.constant 0 : i32
    %dma_wait3A_815 = tpu.memref_slice %arg3[%add3A_813, %dma_wait3A_814] : memref<4096x12800xf32, #tpu.memory_space<hbm>> -> memref<1x12800xf32, #tpu.memory_space<hbm>>
    %dma_wait3A_816 = arith.constant 0 : i32
    %dma_wait3A_817 = tpu.memref_slice %arg3[%add3A_813, %dma_wait3A_816] : memref<4096x12800xf32, #tpu.memory_space<hbm>> -> memref<1x12800xf32, #tpu.memory_space<hbm>>
    tpu.wait_dma2 semaphore(%arg5 : memref<!tpu.dma_semaphore, #tpu.memory_space<semaphore_mem>>) src(%arg4 : memref<1x12800xf32, #tpu.memory_space<vmem>>) dst(%dma_wait3A_817 : memref<1x12800xf32, #tpu.memory_space<hbm>>)
    %add3A_818 = arith.constant 8 : i32
    %add3A_819 = arith.addi %mul3A_2, %add3A_818 : i32
    %dma_wait3A_820 = arith.constant 0 : i32
    %dma_wait3A_821 = tpu.memref_slice %arg3[%add3A_819, %dma_wait3A_820] : memref<4096x12800xf32, #tpu.memory_space<hbm>> -> memref<1x12800xf32, #tpu.memory_space<hbm>>
    %dma_wait3A_822 = arith.constant 0 : i32
    %dma_wait3A_823 = tpu.memref_slice %arg3[%add3A_819, %dma_wait3A_822] : memref<4096x12800xf32, #tpu.memory_space<hbm>> -> memref<1x12800xf32, #tpu.memory_space<hbm>>
    tpu.wait_dma2 semaphore(%arg5 : memref<!tpu.dma_semaphore, #tpu.memory_space<semaphore_mem>>) src(%arg4 : memref<1x12800xf32, #tpu.memory_space<vmem>>) dst(%dma_wait3A_823 : memref<1x12800xf32, #tpu.memory_space<hbm>>)
    %add3A_824 = arith.constant 9 : i32
    %add3A_825 = arith.addi %mul3A_2, %add3A_824 : i32
    %dma_wait3A_826 = arith.constant 0 : i32
    %dma_wait3A_827 = tpu.memref_slice %arg3[%add3A_825, %dma_wait3A_826] : memref<4096x12800xf32, #tpu.memory_space<hbm>> -> memref<1x12800xf32, #tpu.memory_space<hbm>>
    %dma_wait3A_828 = arith.constant 0 : i32
    %dma_wait3A_829 = tpu.memref_slice %arg3[%add3A_825, %dma_wait3A_828] : memref<4096x12800xf32, #tpu.memory_space<hbm>> -> memref<1x12800xf32, #tpu.memory_space<hbm>>
    tpu.wait_dma2 semaphore(%arg5 : memref<!tpu.dma_semaphore, #tpu.memory_space<semaphore_mem>>) src(%arg4 : memref<1x12800xf32, #tpu.memory_space<vmem>>) dst(%dma_wait3A_829 : memref<1x12800xf32, #tpu.memory_space<hbm>>)
    %add3A_830 = arith.constant 10 : i32
    %add3A_831 = arith.addi %mul3A_2, %add3A_830 : i32
    %dma_wait3A_832 = arith.constant 0 : i32
    %dma_wait3A_833 = tpu.memref_slice %arg3[%add3A_831, %dma_wait3A_832] : memref<4096x12800xf32, #tpu.memory_space<hbm>> -> memref<1x12800xf32, #tpu.memory_space<hbm>>
    %dma_wait3A_834 = arith.constant 0 : i32
    %dma_wait3A_835 = tpu.memref_slice %arg3[%add3A_831, %dma_wait3A_834] : memref<4096x12800xf32, #tpu.memory_space<hbm>> -> memref<1x12800xf32, #tpu.memory_space<hbm>>
    tpu.wait_dma2 semaphore(%arg5 : memref<!tpu.dma_semaphore, #tpu.memory_space<semaphore_mem>>) src(%arg4 : memref<1x12800xf32, #tpu.memory_space<vmem>>) dst(%dma_wait3A_835 : memref<1x12800xf32, #tpu.memory_space<hbm>>)
    %add3A_836 = arith.constant 11 : i32
    %add3A_837 = arith.addi %mul3A_2, %add3A_836 : i32
    %dma_wait3A_838 = arith.constant 0 : i32
    %dma_wait3A_839 = tpu.memref_slice %arg3[%add3A_837, %dma_wait3A_838] : memref<4096x12800xf32, #tpu.memory_space<hbm>> -> memref<1x12800xf32, #tpu.memory_space<hbm>>
    %dma_wait3A_840 = arith.constant 0 : i32
    %dma_wait3A_841 = tpu.memref_slice %arg3[%add3A_837, %dma_wait3A_840] : memref<4096x12800xf32, #tpu.memory_space<hbm>> -> memref<1x12800xf32, #tpu.memory_space<hbm>>
    tpu.wait_dma2 semaphore(%arg5 : memref<!tpu.dma_semaphore, #tpu.memory_space<semaphore_mem>>) src(%arg4 : memref<1x12800xf32, #tpu.memory_space<vmem>>) dst(%dma_wait3A_841 : memref<1x12800xf32, #tpu.memory_space<hbm>>)
    %add3A_842 = arith.constant 12 : i32
    %add3A_843 = arith.addi %mul3A_2, %add3A_842 : i32
    %dma_wait3A_844 = arith.constant 0 : i32
    %dma_wait3A_845 = tpu.memref_slice %arg3[%add3A_843, %dma_wait3A_844] : memref<4096x12800xf32, #tpu.memory_space<hbm>> -> memref<1x12800xf32, #tpu.memory_space<hbm>>
    %dma_wait3A_846 = arith.constant 0 : i32
    %dma_wait3A_847 = tpu.memref_slice %arg3[%add3A_843, %dma_wait3A_846] : memref<4096x12800xf32, #tpu.memory_space<hbm>> -> memref<1x12800xf32, #tpu.memory_space<hbm>>
    tpu.wait_dma2 semaphore(%arg5 : memref<!tpu.dma_semaphore, #tpu.memory_space<semaphore_mem>>) src(%arg4 : memref<1x12800xf32, #tpu.memory_space<vmem>>) dst(%dma_wait3A_847 : memref<1x12800xf32, #tpu.memory_space<hbm>>)
    %add3A_848 = arith.constant 13 : i32
    %add3A_849 = arith.addi %mul3A_2, %add3A_848 : i32
    %dma_wait3A_850 = arith.constant 0 : i32
    %dma_wait3A_851 = tpu.memref_slice %arg3[%add3A_849, %dma_wait3A_850] : memref<4096x12800xf32, #tpu.memory_space<hbm>> -> memref<1x12800xf32, #tpu.memory_space<hbm>>
    %dma_wait3A_852 = arith.constant 0 : i32
    %dma_wait3A_853 = tpu.memref_slice %arg3[%add3A_849, %dma_wait3A_852] : memref<4096x12800xf32, #tpu.memory_space<hbm>> -> memref<1x12800xf32, #tpu.memory_space<hbm>>
    tpu.wait_dma2 semaphore(%arg5 : memref<!tpu.dma_semaphore, #tpu.memory_space<semaphore_mem>>) src(%arg4 : memref<1x12800xf32, #tpu.memory_space<vmem>>) dst(%dma_wait3A_853 : memref<1x12800xf32, #tpu.memory_space<hbm>>)
    %add3A_854 = arith.constant 14 : i32
    %add3A_855 = arith.addi %mul3A_2, %add3A_854 : i32
    %dma_wait3A_856 = arith.constant 0 : i32
    %dma_wait3A_857 = tpu.memref_slice %arg3[%add3A_855, %dma_wait3A_856] : memref<4096x12800xf32, #tpu.memory_space<hbm>> -> memref<1x12800xf32, #tpu.memory_space<hbm>>
    %dma_wait3A_858 = arith.constant 0 : i32
    %dma_wait3A_859 = tpu.memref_slice %arg3[%add3A_855, %dma_wait3A_858] : memref<4096x12800xf32, #tpu.memory_space<hbm>> -> memref<1x12800xf32, #tpu.memory_space<hbm>>
    tpu.wait_dma2 semaphore(%arg5 : memref<!tpu.dma_semaphore, #tpu.memory_space<semaphore_mem>>) src(%arg4 : memref<1x12800xf32, #tpu.memory_space<vmem>>) dst(%dma_wait3A_859 : memref<1x12800xf32, #tpu.memory_space<hbm>>)
    %add3A_860 = arith.constant 15 : i32
    %add3A_861 = arith.addi %mul3A_2, %add3A_860 : i32
    %dma_wait3A_862 = arith.constant 0 : i32
    %dma_wait3A_863 = tpu.memref_slice %arg3[%add3A_861, %dma_wait3A_862] : memref<4096x12800xf32, #tpu.memory_space<hbm>> -> memref<1x12800xf32, #tpu.memory_space<hbm>>
    %dma_wait3A_864 = arith.constant 0 : i32
    %dma_wait3A_865 = tpu.memref_slice %arg3[%add3A_861, %dma_wait3A_864] : memref<4096x12800xf32, #tpu.memory_space<hbm>> -> memref<1x12800xf32, #tpu.memory_space<hbm>>
    tpu.wait_dma2 semaphore(%arg5 : memref<!tpu.dma_semaphore, #tpu.memory_space<semaphore_mem>>) src(%arg4 : memref<1x12800xf32, #tpu.memory_space<vmem>>) dst(%dma_wait3A_865 : memref<1x12800xf32, #tpu.memory_space<hbm>>)
    %add3A_866 = arith.constant 16 : i32
    %add3A_867 = arith.addi %mul3A_2, %add3A_866 : i32
    %dma_wait3A_868 = arith.constant 0 : i32
    %dma_wait3A_869 = tpu.memref_slice %arg3[%add3A_867, %dma_wait3A_868] : memref<4096x12800xf32, #tpu.memory_space<hbm>> -> memref<1x12800xf32, #tpu.memory_space<hbm>>
    %dma_wait3A_870 = arith.constant 0 : i32
    %dma_wait3A_871 = tpu.memref_slice %arg3[%add3A_867, %dma_wait3A_870] : memref<4096x12800xf32, #tpu.memory_space<hbm>> -> memref<1x12800xf32, #tpu.memory_space<hbm>>
    tpu.wait_dma2 semaphore(%arg5 : memref<!tpu.dma_semaphore, #tpu.memory_space<semaphore_mem>>) src(%arg4 : memref<1x12800xf32, #tpu.memory_space<vmem>>) dst(%dma_wait3A_871 : memref<1x12800xf32, #tpu.memory_space<hbm>>)
    %add3A_872 = arith.constant 17 : i32
    %add3A_873 = arith.addi %mul3A_2, %add3A_872 : i32
    %dma_wait3A_874 = arith.constant 0 : i32
    %dma_wait3A_875 = tpu.memref_slice %arg3[%add3A_873, %dma_wait3A_874] : memref<4096x12800xf32, #tpu.memory_space<hbm>> -> memref<1x12800xf32, #tpu.memory_space<hbm>>
    %dma_wait3A_876 = arith.constant 0 : i32
    %dma_wait3A_877 = tpu.memref_slice %arg3[%add3A_873, %dma_wait3A_876] : memref<4096x12800xf32, #tpu.memory_space<hbm>> -> memref<1x12800xf32, #tpu.memory_space<hbm>>
    tpu.wait_dma2 semaphore(%arg5 : memref<!tpu.dma_semaphore, #tpu.memory_space<semaphore_mem>>) src(%arg4 : memref<1x12800xf32, #tpu.memory_space<vmem>>) dst(%dma_wait3A_877 : memref<1x12800xf32, #tpu.memory_space<hbm>>)
    %add3A_878 = arith.constant 18 : i32
    %add3A_879 = arith.addi %mul3A_2, %add3A_878 : i32
    %dma_wait3A_880 = arith.constant 0 : i32
    %dma_wait3A_881 = tpu.memref_slice %arg3[%add3A_879, %dma_wait3A_880] : memref<4096x12800xf32, #tpu.memory_space<hbm>> -> memref<1x12800xf32, #tpu.memory_space<hbm>>
    %dma_wait3A_882 = arith.constant 0 : i32
    %dma_wait3A_883 = tpu.memref_slice %arg3[%add3A_879, %dma_wait3A_882] : memref<4096x12800xf32, #tpu.memory_space<hbm>> -> memref<1x12800xf32, #tpu.memory_space<hbm>>
    tpu.wait_dma2 semaphore(%arg5 : memref<!tpu.dma_semaphore, #tpu.memory_space<semaphore_mem>>) src(%arg4 : memref<1x12800xf32, #tpu.memory_space<vmem>>) dst(%dma_wait3A_883 : memref<1x12800xf32, #tpu.memory_space<hbm>>)
    %add3A_884 = arith.constant 19 : i32
    %add3A_885 = arith.addi %mul3A_2, %add3A_884 : i32
    %dma_wait3A_886 = arith.constant 0 : i32
    %dma_wait3A_887 = tpu.memref_slice %arg3[%add3A_885, %dma_wait3A_886] : memref<4096x12800xf32, #tpu.memory_space<hbm>> -> memref<1x12800xf32, #tpu.memory_space<hbm>>
    %dma_wait3A_888 = arith.constant 0 : i32
    %dma_wait3A_889 = tpu.memref_slice %arg3[%add3A_885, %dma_wait3A_888] : memref<4096x12800xf32, #tpu.memory_space<hbm>> -> memref<1x12800xf32, #tpu.memory_space<hbm>>
    tpu.wait_dma2 semaphore(%arg5 : memref<!tpu.dma_semaphore, #tpu.memory_space<semaphore_mem>>) src(%arg4 : memref<1x12800xf32, #tpu.memory_space<vmem>>) dst(%dma_wait3A_889 : memref<1x12800xf32, #tpu.memory_space<hbm>>)
    %add3A_890 = arith.constant 20 : i32
    %add3A_891 = arith.addi %mul3A_2, %add3A_890 : i32
    %dma_wait3A_892 = arith.constant 0 : i32
    %dma_wait3A_893 = tpu.memref_slice %arg3[%add3A_891, %dma_wait3A_892] : memref<4096x12800xf32, #tpu.memory_space<hbm>> -> memref<1x12800xf32, #tpu.memory_space<hbm>>
    %dma_wait3A_894 = arith.constant 0 : i32
    %dma_wait3A_895 = tpu.memref_slice %arg3[%add3A_891, %dma_wait3A_894] : memref<4096x12800xf32, #tpu.memory_space<hbm>> -> memref<1x12800xf32, #tpu.memory_space<hbm>>
    tpu.wait_dma2 semaphore(%arg5 : memref<!tpu.dma_semaphore, #tpu.memory_space<semaphore_mem>>) src(%arg4 : memref<1x12800xf32, #tpu.memory_space<vmem>>) dst(%dma_wait3A_895 : memref<1x12800xf32, #tpu.memory_space<hbm>>)
    %add3A_896 = arith.constant 21 : i32
    %add3A_897 = arith.addi %mul3A_2, %add3A_896 : i32
    %dma_wait3A_898 = arith.constant 0 : i32
    %dma_wait3A_899 = tpu.memref_slice %arg3[%add3A_897, %dma_wait3A_898] : memref<4096x12800xf32, #tpu.memory_space<hbm>> -> memref<1x12800xf32, #tpu.memory_space<hbm>>
    %dma_wait3A_900 = arith.constant 0 : i32
    %dma_wait3A_901 = tpu.memref_slice %arg3[%add3A_897, %dma_wait3A_900] : memref<4096x12800xf32, #tpu.memory_space<hbm>> -> memref<1x12800xf32, #tpu.memory_space<hbm>>
    tpu.wait_dma2 semaphore(%arg5 : memref<!tpu.dma_semaphore, #tpu.memory_space<semaphore_mem>>) src(%arg4 : memref<1x12800xf32, #tpu.memory_space<vmem>>) dst(%dma_wait3A_901 : memref<1x12800xf32, #tpu.memory_space<hbm>>)
    %add3A_902 = arith.constant 22 : i32
    %add3A_903 = arith.addi %mul3A_2, %add3A_902 : i32
    %dma_wait3A_904 = arith.constant 0 : i32
    %dma_wait3A_905 = tpu.memref_slice %arg3[%add3A_903, %dma_wait3A_904] : memref<4096x12800xf32, #tpu.memory_space<hbm>> -> memref<1x12800xf32, #tpu.memory_space<hbm>>
    %dma_wait3A_906 = arith.constant 0 : i32
    %dma_wait3A_907 = tpu.memref_slice %arg3[%add3A_903, %dma_wait3A_906] : memref<4096x12800xf32, #tpu.memory_space<hbm>> -> memref<1x12800xf32, #tpu.memory_space<hbm>>
    tpu.wait_dma2 semaphore(%arg5 : memref<!tpu.dma_semaphore, #tpu.memory_space<semaphore_mem>>) src(%arg4 : memref<1x12800xf32, #tpu.memory_space<vmem>>) dst(%dma_wait3A_907 : memref<1x12800xf32, #tpu.memory_space<hbm>>)
    %add3A_908 = arith.constant 23 : i32
    %add3A_909 = arith.addi %mul3A_2, %add3A_908 : i32
    %dma_wait3A_910 = arith.constant 0 : i32
    %dma_wait3A_911 = tpu.memref_slice %arg3[%add3A_909, %dma_wait3A_910] : memref<4096x12800xf32, #tpu.memory_space<hbm>> -> memref<1x12800xf32, #tpu.memory_space<hbm>>
    %dma_wait3A_912 = arith.constant 0 : i32
    %dma_wait3A_913 = tpu.memref_slice %arg3[%add3A_909, %dma_wait3A_912] : memref<4096x12800xf32, #tpu.memory_space<hbm>> -> memref<1x12800xf32, #tpu.memory_space<hbm>>
    tpu.wait_dma2 semaphore(%arg5 : memref<!tpu.dma_semaphore, #tpu.memory_space<semaphore_mem>>) src(%arg4 : memref<1x12800xf32, #tpu.memory_space<vmem>>) dst(%dma_wait3A_913 : memref<1x12800xf32, #tpu.memory_space<hbm>>)
    %add3A_914 = arith.constant 24 : i32
    %add3A_915 = arith.addi %mul3A_2, %add3A_914 : i32
    %dma_wait3A_916 = arith.constant 0 : i32
    %dma_wait3A_917 = tpu.memref_slice %arg3[%add3A_915, %dma_wait3A_916] : memref<4096x12800xf32, #tpu.memory_space<hbm>> -> memref<1x12800xf32, #tpu.memory_space<hbm>>
    %dma_wait3A_918 = arith.constant 0 : i32
    %dma_wait3A_919 = tpu.memref_slice %arg3[%add3A_915, %dma_wait3A_918] : memref<4096x12800xf32, #tpu.memory_space<hbm>> -> memref<1x12800xf32, #tpu.memory_space<hbm>>
    tpu.wait_dma2 semaphore(%arg5 : memref<!tpu.dma_semaphore, #tpu.memory_space<semaphore_mem>>) src(%arg4 : memref<1x12800xf32, #tpu.memory_space<vmem>>) dst(%dma_wait3A_919 : memref<1x12800xf32, #tpu.memory_space<hbm>>)
    %add3A_920 = arith.constant 25 : i32
    %add3A_921 = arith.addi %mul3A_2, %add3A_920 : i32
    %dma_wait3A_922 = arith.constant 0 : i32
    %dma_wait3A_923 = tpu.memref_slice %arg3[%add3A_921, %dma_wait3A_922] : memref<4096x12800xf32, #tpu.memory_space<hbm>> -> memref<1x12800xf32, #tpu.memory_space<hbm>>
    %dma_wait3A_924 = arith.constant 0 : i32
    %dma_wait3A_925 = tpu.memref_slice %arg3[%add3A_921, %dma_wait3A_924] : memref<4096x12800xf32, #tpu.memory_space<hbm>> -> memref<1x12800xf32, #tpu.memory_space<hbm>>
    tpu.wait_dma2 semaphore(%arg5 : memref<!tpu.dma_semaphore, #tpu.memory_space<semaphore_mem>>) src(%arg4 : memref<1x12800xf32, #tpu.memory_space<vmem>>) dst(%dma_wait3A_925 : memref<1x12800xf32, #tpu.memory_space<hbm>>)
    %add3A_926 = arith.constant 26 : i32
    %add3A_927 = arith.addi %mul3A_2, %add3A_926 : i32
    %dma_wait3A_928 = arith.constant 0 : i32
    %dma_wait3A_929 = tpu.memref_slice %arg3[%add3A_927, %dma_wait3A_928] : memref<4096x12800xf32, #tpu.memory_space<hbm>> -> memref<1x12800xf32, #tpu.memory_space<hbm>>
    %dma_wait3A_930 = arith.constant 0 : i32
    %dma_wait3A_931 = tpu.memref_slice %arg3[%add3A_927, %dma_wait3A_930] : memref<4096x12800xf32, #tpu.memory_space<hbm>> -> memref<1x12800xf32, #tpu.memory_space<hbm>>
    tpu.wait_dma2 semaphore(%arg5 : memref<!tpu.dma_semaphore, #tpu.memory_space<semaphore_mem>>) src(%arg4 : memref<1x12800xf32, #tpu.memory_space<vmem>>) dst(%dma_wait3A_931 : memref<1x12800xf32, #tpu.memory_space<hbm>>)
    %add3A_932 = arith.constant 27 : i32
    %add3A_933 = arith.addi %mul3A_2, %add3A_932 : i32
    %dma_wait3A_934 = arith.constant 0 : i32
    %dma_wait3A_935 = tpu.memref_slice %arg3[%add3A_933, %dma_wait3A_934] : memref<4096x12800xf32, #tpu.memory_space<hbm>> -> memref<1x12800xf32, #tpu.memory_space<hbm>>
    %dma_wait3A_936 = arith.constant 0 : i32
    %dma_wait3A_937 = tpu.memref_slice %arg3[%add3A_933, %dma_wait3A_936] : memref<4096x12800xf32, #tpu.memory_space<hbm>> -> memref<1x12800xf32, #tpu.memory_space<hbm>>
    tpu.wait_dma2 semaphore(%arg5 : memref<!tpu.dma_semaphore, #tpu.memory_space<semaphore_mem>>) src(%arg4 : memref<1x12800xf32, #tpu.memory_space<vmem>>) dst(%dma_wait3A_937 : memref<1x12800xf32, #tpu.memory_space<hbm>>)
    %add3A_938 = arith.constant 28 : i32
    %add3A_939 = arith.addi %mul3A_2, %add3A_938 : i32
    %dma_wait3A_940 = arith.constant 0 : i32
    %dma_wait3A_941 = tpu.memref_slice %arg3[%add3A_939, %dma_wait3A_940] : memref<4096x12800xf32, #tpu.memory_space<hbm>> -> memref<1x12800xf32, #tpu.memory_space<hbm>>
    %dma_wait3A_942 = arith.constant 0 : i32
    %dma_wait3A_943 = tpu.memref_slice %arg3[%add3A_939, %dma_wait3A_942] : memref<4096x12800xf32, #tpu.memory_space<hbm>> -> memref<1x12800xf32, #tpu.memory_space<hbm>>
    tpu.wait_dma2 semaphore(%arg5 : memref<!tpu.dma_semaphore, #tpu.memory_space<semaphore_mem>>) src(%arg4 : memref<1x12800xf32, #tpu.memory_space<vmem>>) dst(%dma_wait3A_943 : memref<1x12800xf32, #tpu.memory_space<hbm>>)
    %add3A_944 = arith.constant 29 : i32
    %add3A_945 = arith.addi %mul3A_2, %add3A_944 : i32
    %dma_wait3A_946 = arith.constant 0 : i32
    %dma_wait3A_947 = tpu.memref_slice %arg3[%add3A_945, %dma_wait3A_946] : memref<4096x12800xf32, #tpu.memory_space<hbm>> -> memref<1x12800xf32, #tpu.memory_space<hbm>>
    %dma_wait3A_948 = arith.constant 0 : i32
    %dma_wait3A_949 = tpu.memref_slice %arg3[%add3A_945, %dma_wait3A_948] : memref<4096x12800xf32, #tpu.memory_space<hbm>> -> memref<1x12800xf32, #tpu.memory_space<hbm>>
    tpu.wait_dma2 semaphore(%arg5 : memref<!tpu.dma_semaphore, #tpu.memory_space<semaphore_mem>>) src(%arg4 : memref<1x12800xf32, #tpu.memory_space<vmem>>) dst(%dma_wait3A_949 : memref<1x12800xf32, #tpu.memory_space<hbm>>)
    %add3A_950 = arith.constant 30 : i32
    %add3A_951 = arith.addi %mul3A_2, %add3A_950 : i32
    %dma_wait3A_952 = arith.constant 0 : i32
    %dma_wait3A_953 = tpu.memref_slice %arg3[%add3A_951, %dma_wait3A_952] : memref<4096x12800xf32, #tpu.memory_space<hbm>> -> memref<1x12800xf32, #tpu.memory_space<hbm>>
    %dma_wait3A_954 = arith.constant 0 : i32
    %dma_wait3A_955 = tpu.memref_slice %arg3[%add3A_951, %dma_wait3A_954] : memref<4096x12800xf32, #tpu.memory_space<hbm>> -> memref<1x12800xf32, #tpu.memory_space<hbm>>
    tpu.wait_dma2 semaphore(%arg5 : memref<!tpu.dma_semaphore, #tpu.memory_space<semaphore_mem>>) src(%arg4 : memref<1x12800xf32, #tpu.memory_space<vmem>>) dst(%dma_wait3A_955 : memref<1x12800xf32, #tpu.memory_space<hbm>>)
    %add3A_956 = arith.constant 31 : i32
    %add3A_957 = arith.addi %mul3A_2, %add3A_956 : i32
    %dma_wait3A_958 = arith.constant 0 : i32
    %dma_wait3A_959 = tpu.memref_slice %arg3[%add3A_957, %dma_wait3A_958] : memref<4096x12800xf32, #tpu.memory_space<hbm>> -> memref<1x12800xf32, #tpu.memory_space<hbm>>
    %dma_wait3A_960 = arith.constant 0 : i32
    %dma_wait3A_961 = tpu.memref_slice %arg3[%add3A_957, %dma_wait3A_960] : memref<4096x12800xf32, #tpu.memory_space<hbm>> -> memref<1x12800xf32, #tpu.memory_space<hbm>>
    tpu.wait_dma2 semaphore(%arg5 : memref<!tpu.dma_semaphore, #tpu.memory_space<semaphore_mem>>) src(%arg4 : memref<1x12800xf32, #tpu.memory_space<vmem>>) dst(%dma_wait3A_961 : memref<1x12800xf32, #tpu.memory_space<hbm>>)
    %add3A_962 = arith.constant 32 : i32
    %add3A_963 = arith.addi %mul3A_2, %add3A_962 : i32
    %dma_wait3A_964 = arith.constant 0 : i32
    %dma_wait3A_965 = tpu.memref_slice %arg3[%add3A_963, %dma_wait3A_964] : memref<4096x12800xf32, #tpu.memory_space<hbm>> -> memref<1x12800xf32, #tpu.memory_space<hbm>>
    %dma_wait3A_966 = arith.constant 0 : i32
    %dma_wait3A_967 = tpu.memref_slice %arg3[%add3A_963, %dma_wait3A_966] : memref<4096x12800xf32, #tpu.memory_space<hbm>> -> memref<1x12800xf32, #tpu.memory_space<hbm>>
    tpu.wait_dma2 semaphore(%arg5 : memref<!tpu.dma_semaphore, #tpu.memory_space<semaphore_mem>>) src(%arg4 : memref<1x12800xf32, #tpu.memory_space<vmem>>) dst(%dma_wait3A_967 : memref<1x12800xf32, #tpu.memory_space<hbm>>)
    %add3A_968 = arith.constant 33 : i32
    %add3A_969 = arith.addi %mul3A_2, %add3A_968 : i32
    %dma_wait3A_970 = arith.constant 0 : i32
    %dma_wait3A_971 = tpu.memref_slice %arg3[%add3A_969, %dma_wait3A_970] : memref<4096x12800xf32, #tpu.memory_space<hbm>> -> memref<1x12800xf32, #tpu.memory_space<hbm>>
    %dma_wait3A_972 = arith.constant 0 : i32
    %dma_wait3A_973 = tpu.memref_slice %arg3[%add3A_969, %dma_wait3A_972] : memref<4096x12800xf32, #tpu.memory_space<hbm>> -> memref<1x12800xf32, #tpu.memory_space<hbm>>
    tpu.wait_dma2 semaphore(%arg5 : memref<!tpu.dma_semaphore, #tpu.memory_space<semaphore_mem>>) src(%arg4 : memref<1x12800xf32, #tpu.memory_space<vmem>>) dst(%dma_wait3A_973 : memref<1x12800xf32, #tpu.memory_space<hbm>>)
    %add3A_974 = arith.constant 34 : i32
    %add3A_975 = arith.addi %mul3A_2, %add3A_974 : i32
    %dma_wait3A_976 = arith.constant 0 : i32
    %dma_wait3A_977 = tpu.memref_slice %arg3[%add3A_975, %dma_wait3A_976] : memref<4096x12800xf32, #tpu.memory_space<hbm>> -> memref<1x12800xf32, #tpu.memory_space<hbm>>
    %dma_wait3A_978 = arith.constant 0 : i32
    %dma_wait3A_979 = tpu.memref_slice %arg3[%add3A_975, %dma_wait3A_978] : memref<4096x12800xf32, #tpu.memory_space<hbm>> -> memref<1x12800xf32, #tpu.memory_space<hbm>>
    tpu.wait_dma2 semaphore(%arg5 : memref<!tpu.dma_semaphore, #tpu.memory_space<semaphore_mem>>) src(%arg4 : memref<1x12800xf32, #tpu.memory_space<vmem>>) dst(%dma_wait3A_979 : memref<1x12800xf32, #tpu.memory_space<hbm>>)
    %add3A_980 = arith.constant 35 : i32
    %add3A_981 = arith.addi %mul3A_2, %add3A_980 : i32
    %dma_wait3A_982 = arith.constant 0 : i32
    %dma_wait3A_983 = tpu.memref_slice %arg3[%add3A_981, %dma_wait3A_982] : memref<4096x12800xf32, #tpu.memory_space<hbm>> -> memref<1x12800xf32, #tpu.memory_space<hbm>>
    %dma_wait3A_984 = arith.constant 0 : i32
    %dma_wait3A_985 = tpu.memref_slice %arg3[%add3A_981, %dma_wait3A_984] : memref<4096x12800xf32, #tpu.memory_space<hbm>> -> memref<1x12800xf32, #tpu.memory_space<hbm>>
    tpu.wait_dma2 semaphore(%arg5 : memref<!tpu.dma_semaphore, #tpu.memory_space<semaphore_mem>>) src(%arg4 : memref<1x12800xf32, #tpu.memory_space<vmem>>) dst(%dma_wait3A_985 : memref<1x12800xf32, #tpu.memory_space<hbm>>)
    %add3A_986 = arith.constant 36 : i32
    %add3A_987 = arith.addi %mul3A_2, %add3A_986 : i32
    %dma_wait3A_988 = arith.constant 0 : i32
    %dma_wait3A_989 = tpu.memref_slice %arg3[%add3A_987, %dma_wait3A_988] : memref<4096x12800xf32, #tpu.memory_space<hbm>> -> memref<1x12800xf32, #tpu.memory_space<hbm>>
    %dma_wait3A_990 = arith.constant 0 : i32
    %dma_wait3A_991 = tpu.memref_slice %arg3[%add3A_987, %dma_wait3A_990] : memref<4096x12800xf32, #tpu.memory_space<hbm>> -> memref<1x12800xf32, #tpu.memory_space<hbm>>
    tpu.wait_dma2 semaphore(%arg5 : memref<!tpu.dma_semaphore, #tpu.memory_space<semaphore_mem>>) src(%arg4 : memref<1x12800xf32, #tpu.memory_space<vmem>>) dst(%dma_wait3A_991 : memref<1x12800xf32, #tpu.memory_space<hbm>>)
    %add3A_992 = arith.constant 37 : i32
    %add3A_993 = arith.addi %mul3A_2, %add3A_992 : i32
    %dma_wait3A_994 = arith.constant 0 : i32
    %dma_wait3A_995 = tpu.memref_slice %arg3[%add3A_993, %dma_wait3A_994] : memref<4096x12800xf32, #tpu.memory_space<hbm>> -> memref<1x12800xf32, #tpu.memory_space<hbm>>
    %dma_wait3A_996 = arith.constant 0 : i32
    %dma_wait3A_997 = tpu.memref_slice %arg3[%add3A_993, %dma_wait3A_996] : memref<4096x12800xf32, #tpu.memory_space<hbm>> -> memref<1x12800xf32, #tpu.memory_space<hbm>>
    tpu.wait_dma2 semaphore(%arg5 : memref<!tpu.dma_semaphore, #tpu.memory_space<semaphore_mem>>) src(%arg4 : memref<1x12800xf32, #tpu.memory_space<vmem>>) dst(%dma_wait3A_997 : memref<1x12800xf32, #tpu.memory_space<hbm>>)
    %add3A_998 = arith.constant 38 : i32
    %add3A_999 = arith.addi %mul3A_2, %add3A_998 : i32
    %dma_wait3A_1000 = arith.constant 0 : i32
    %dma_wait3A_1001 = tpu.memref_slice %arg3[%add3A_999, %dma_wait3A_1000] : memref<4096x12800xf32, #tpu.memory_space<hbm>> -> memref<1x12800xf32, #tpu.memory_space<hbm>>
    %dma_wait3A_1002 = arith.constant 0 : i32
    %dma_wait3A_1003 = tpu.memref_slice %arg3[%add3A_999, %dma_wait3A_1002] : memref<4096x12800xf32, #tpu.memory_space<hbm>> -> memref<1x12800xf32, #tpu.memory_space<hbm>>
    tpu.wait_dma2 semaphore(%arg5 : memref<!tpu.dma_semaphore, #tpu.memory_space<semaphore_mem>>) src(%arg4 : memref<1x12800xf32, #tpu.memory_space<vmem>>) dst(%dma_wait3A_1003 : memref<1x12800xf32, #tpu.memory_space<hbm>>)
    %add3A_1004 = arith.constant 39 : i32
    %add3A_1005 = arith.addi %mul3A_2, %add3A_1004 : i32
    %dma_wait3A_1006 = arith.constant 0 : i32
    %dma_wait3A_1007 = tpu.memref_slice %arg3[%add3A_1005, %dma_wait3A_1006] : memref<4096x12800xf32, #tpu.memory_space<hbm>> -> memref<1x12800xf32, #tpu.memory_space<hbm>>
    %dma_wait3A_1008 = arith.constant 0 : i32
    %dma_wait3A_1009 = tpu.memref_slice %arg3[%add3A_1005, %dma_wait3A_1008] : memref<4096x12800xf32, #tpu.memory_space<hbm>> -> memref<1x12800xf32, #tpu.memory_space<hbm>>
    tpu.wait_dma2 semaphore(%arg5 : memref<!tpu.dma_semaphore, #tpu.memory_space<semaphore_mem>>) src(%arg4 : memref<1x12800xf32, #tpu.memory_space<vmem>>) dst(%dma_wait3A_1009 : memref<1x12800xf32, #tpu.memory_space<hbm>>)
    %add3A_1010 = arith.constant 40 : i32
    %add3A_1011 = arith.addi %mul3A_2, %add3A_1010 : i32
    %dma_wait3A_1012 = arith.constant 0 : i32
    %dma_wait3A_1013 = tpu.memref_slice %arg3[%add3A_1011, %dma_wait3A_1012] : memref<4096x12800xf32, #tpu.memory_space<hbm>> -> memref<1x12800xf32, #tpu.memory_space<hbm>>
    %dma_wait3A_1014 = arith.constant 0 : i32
    %dma_wait3A_1015 = tpu.memref_slice %arg3[%add3A_1011, %dma_wait3A_1014] : memref<4096x12800xf32, #tpu.memory_space<hbm>> -> memref<1x12800xf32, #tpu.memory_space<hbm>>
    tpu.wait_dma2 semaphore(%arg5 : memref<!tpu.dma_semaphore, #tpu.memory_space<semaphore_mem>>) src(%arg4 : memref<1x12800xf32, #tpu.memory_space<vmem>>) dst(%dma_wait3A_1015 : memref<1x12800xf32, #tpu.memory_space<hbm>>)
    %add3A_1016 = arith.constant 41 : i32
    %add3A_1017 = arith.addi %mul3A_2, %add3A_1016 : i32
    %dma_wait3A_1018 = arith.constant 0 : i32
    %dma_wait3A_1019 = tpu.memref_slice %arg3[%add3A_1017, %dma_wait3A_1018] : memref<4096x12800xf32, #tpu.memory_space<hbm>> -> memref<1x12800xf32, #tpu.memory_space<hbm>>
    %dma_wait3A_1020 = arith.constant 0 : i32
    %dma_wait3A_1021 = tpu.memref_slice %arg3[%add3A_1017, %dma_wait3A_1020] : memref<4096x12800xf32, #tpu.memory_space<hbm>> -> memref<1x12800xf32, #tpu.memory_space<hbm>>
    tpu.wait_dma2 semaphore(%arg5 : memref<!tpu.dma_semaphore, #tpu.memory_space<semaphore_mem>>) src(%arg4 : memref<1x12800xf32, #tpu.memory_space<vmem>>) dst(%dma_wait3A_1021 : memref<1x12800xf32, #tpu.memory_space<hbm>>)
    %add3A_1022 = arith.constant 42 : i32
    %add3A_1023 = arith.addi %mul3A_2, %add3A_1022 : i32
    %dma_wait3A_1024 = arith.constant 0 : i32
    %dma_wait3A_1025 = tpu.memref_slice %arg3[%add3A_1023, %dma_wait3A_1024] : memref<4096x12800xf32, #tpu.memory_space<hbm>> -> memref<1x12800xf32, #tpu.memory_space<hbm>>
    %dma_wait3A_1026 = arith.constant 0 : i32
    %dma_wait3A_1027 = tpu.memref_slice %arg3[%add3A_1023, %dma_wait3A_1026] : memref<4096x12800xf32, #tpu.memory_space<hbm>> -> memref<1x12800xf32, #tpu.memory_space<hbm>>
    tpu.wait_dma2 semaphore(%arg5 : memref<!tpu.dma_semaphore, #tpu.memory_space<semaphore_mem>>) src(%arg4 : memref<1x12800xf32, #tpu.memory_space<vmem>>) dst(%dma_wait3A_1027 : memref<1x12800xf32, #tpu.memory_space<hbm>>)
    %add3A_1028 = arith.constant 43 : i32
    %add3A_1029 = arith.addi %mul3A_2, %add3A_1028 : i32
    %dma_wait3A_1030 = arith.constant 0 : i32
    %dma_wait3A_1031 = tpu.memref_slice %arg3[%add3A_1029, %dma_wait3A_1030] : memref<4096x12800xf32, #tpu.memory_space<hbm>> -> memref<1x12800xf32, #tpu.memory_space<hbm>>
    %dma_wait3A_1032 = arith.constant 0 : i32
    %dma_wait3A_1033 = tpu.memref_slice %arg3[%add3A_1029, %dma_wait3A_1032] : memref<4096x12800xf32, #tpu.memory_space<hbm>> -> memref<1x12800xf32, #tpu.memory_space<hbm>>
    tpu.wait_dma2 semaphore(%arg5 : memref<!tpu.dma_semaphore, #tpu.memory_space<semaphore_mem>>) src(%arg4 : memref<1x12800xf32, #tpu.memory_space<vmem>>) dst(%dma_wait3A_1033 : memref<1x12800xf32, #tpu.memory_space<hbm>>)
    %add3A_1034 = arith.constant 44 : i32
    %add3A_1035 = arith.addi %mul3A_2, %add3A_1034 : i32
    %dma_wait3A_1036 = arith.constant 0 : i32
    %dma_wait3A_1037 = tpu.memref_slice %arg3[%add3A_1035, %dma_wait3A_1036] : memref<4096x12800xf32, #tpu.memory_space<hbm>> -> memref<1x12800xf32, #tpu.memory_space<hbm>>
    %dma_wait3A_1038 = arith.constant 0 : i32
    %dma_wait3A_1039 = tpu.memref_slice %arg3[%add3A_1035, %dma_wait3A_1038] : memref<4096x12800xf32, #tpu.memory_space<hbm>> -> memref<1x12800xf32, #tpu.memory_space<hbm>>
    tpu.wait_dma2 semaphore(%arg5 : memref<!tpu.dma_semaphore, #tpu.memory_space<semaphore_mem>>) src(%arg4 : memref<1x12800xf32, #tpu.memory_space<vmem>>) dst(%dma_wait3A_1039 : memref<1x12800xf32, #tpu.memory_space<hbm>>)
    %add3A_1040 = arith.constant 45 : i32
    %add3A_1041 = arith.addi %mul3A_2, %add3A_1040 : i32
    %dma_wait3A_1042 = arith.constant 0 : i32
    %dma_wait3A_1043 = tpu.memref_slice %arg3[%add3A_1041, %dma_wait3A_1042] : memref<4096x12800xf32, #tpu.memory_space<hbm>> -> memref<1x12800xf32, #tpu.memory_space<hbm>>
    %dma_wait3A_1044 = arith.constant 0 : i32
    %dma_wait3A_1045 = tpu.memref_slice %arg3[%add3A_1041, %dma_wait3A_1044] : memref<4096x12800xf32, #tpu.memory_space<hbm>> -> memref<1x12800xf32, #tpu.memory_space<hbm>>
    tpu.wait_dma2 semaphore(%arg5 : memref<!tpu.dma_semaphore, #tpu.memory_space<semaphore_mem>>) src(%arg4 : memref<1x12800xf32, #tpu.memory_space<vmem>>) dst(%dma_wait3A_1045 : memref<1x12800xf32, #tpu.memory_space<hbm>>)
    %add3A_1046 = arith.constant 46 : i32
    %add3A_1047 = arith.addi %mul3A_2, %add3A_1046 : i32
    %dma_wait3A_1048 = arith.constant 0 : i32
    %dma_wait3A_1049 = tpu.memref_slice %arg3[%add3A_1047, %dma_wait3A_1048] : memref<4096x12800xf32, #tpu.memory_space<hbm>> -> memref<1x12800xf32, #tpu.memory_space<hbm>>
    %dma_wait3A_1050 = arith.constant 0 : i32
    %dma_wait3A_1051 = tpu.memref_slice %arg3[%add3A_1047, %dma_wait3A_1050] : memref<4096x12800xf32, #tpu.memory_space<hbm>> -> memref<1x12800xf32, #tpu.memory_space<hbm>>
    tpu.wait_dma2 semaphore(%arg5 : memref<!tpu.dma_semaphore, #tpu.memory_space<semaphore_mem>>) src(%arg4 : memref<1x12800xf32, #tpu.memory_space<vmem>>) dst(%dma_wait3A_1051 : memref<1x12800xf32, #tpu.memory_space<hbm>>)
    %add3A_1052 = arith.constant 47 : i32
    %add3A_1053 = arith.addi %mul3A_2, %add3A_1052 : i32
    %dma_wait3A_1054 = arith.constant 0 : i32
    %dma_wait3A_1055 = tpu.memref_slice %arg3[%add3A_1053, %dma_wait3A_1054] : memref<4096x12800xf32, #tpu.memory_space<hbm>> -> memref<1x12800xf32, #tpu.memory_space<hbm>>
    %dma_wait3A_1056 = arith.constant 0 : i32
    %dma_wait3A_1057 = tpu.memref_slice %arg3[%add3A_1053, %dma_wait3A_1056] : memref<4096x12800xf32, #tpu.memory_space<hbm>> -> memref<1x12800xf32, #tpu.memory_space<hbm>>
    tpu.wait_dma2 semaphore(%arg5 : memref<!tpu.dma_semaphore, #tpu.memory_space<semaphore_mem>>) src(%arg4 : memref<1x12800xf32, #tpu.memory_space<vmem>>) dst(%dma_wait3A_1057 : memref<1x12800xf32, #tpu.memory_space<hbm>>)
    %add3A_1058 = arith.constant 48 : i32
    %add3A_1059 = arith.addi %mul3A_2, %add3A_1058 : i32
    %dma_wait3A_1060 = arith.constant 0 : i32
    %dma_wait3A_1061 = tpu.memref_slice %arg3[%add3A_1059, %dma_wait3A_1060] : memref<4096x12800xf32, #tpu.memory_space<hbm>> -> memref<1x12800xf32, #tpu.memory_space<hbm>>
    %dma_wait3A_1062 = arith.constant 0 : i32
    %dma_wait3A_1063 = tpu.memref_slice %arg3[%add3A_1059, %dma_wait3A_1062] : memref<4096x12800xf32, #tpu.memory_space<hbm>> -> memref<1x12800xf32, #tpu.memory_space<hbm>>
    tpu.wait_dma2 semaphore(%arg5 : memref<!tpu.dma_semaphore, #tpu.memory_space<semaphore_mem>>) src(%arg4 : memref<1x12800xf32, #tpu.memory_space<vmem>>) dst(%dma_wait3A_1063 : memref<1x12800xf32, #tpu.memory_space<hbm>>)
    %add3A_1064 = arith.constant 49 : i32
    %add3A_1065 = arith.addi %mul3A_2, %add3A_1064 : i32
    %dma_wait3A_1066 = arith.constant 0 : i32
    %dma_wait3A_1067 = tpu.memref_slice %arg3[%add3A_1065, %dma_wait3A_1066] : memref<4096x12800xf32, #tpu.memory_space<hbm>> -> memref<1x12800xf32, #tpu.memory_space<hbm>>
    %dma_wait3A_1068 = arith.constant 0 : i32
    %dma_wait3A_1069 = tpu.memref_slice %arg3[%add3A_1065, %dma_wait3A_1068] : memref<4096x12800xf32, #tpu.memory_space<hbm>> -> memref<1x12800xf32, #tpu.memory_space<hbm>>
    tpu.wait_dma2 semaphore(%arg5 : memref<!tpu.dma_semaphore, #tpu.memory_space<semaphore_mem>>) src(%arg4 : memref<1x12800xf32, #tpu.memory_space<vmem>>) dst(%dma_wait3A_1069 : memref<1x12800xf32, #tpu.memory_space<hbm>>)
    %add3A_1070 = arith.constant 50 : i32
    %add3A_1071 = arith.addi %mul3A_2, %add3A_1070 : i32
    %dma_wait3A_1072 = arith.constant 0 : i32
    %dma_wait3A_1073 = tpu.memref_slice %arg3[%add3A_1071, %dma_wait3A_1072] : memref<4096x12800xf32, #tpu.memory_space<hbm>> -> memref<1x12800xf32, #tpu.memory_space<hbm>>
    %dma_wait3A_1074 = arith.constant 0 : i32
    %dma_wait3A_1075 = tpu.memref_slice %arg3[%add3A_1071, %dma_wait3A_1074] : memref<4096x12800xf32, #tpu.memory_space<hbm>> -> memref<1x12800xf32, #tpu.memory_space<hbm>>
    tpu.wait_dma2 semaphore(%arg5 : memref<!tpu.dma_semaphore, #tpu.memory_space<semaphore_mem>>) src(%arg4 : memref<1x12800xf32, #tpu.memory_space<vmem>>) dst(%dma_wait3A_1075 : memref<1x12800xf32, #tpu.memory_space<hbm>>)
    %add3A_1076 = arith.constant 51 : i32
    %add3A_1077 = arith.addi %mul3A_2, %add3A_1076 : i32
    %dma_wait3A_1078 = arith.constant 0 : i32
    %dma_wait3A_1079 = tpu.memref_slice %arg3[%add3A_1077, %dma_wait3A_1078] : memref<4096x12800xf32, #tpu.memory_space<hbm>> -> memref<1x12800xf32, #tpu.memory_space<hbm>>
    %dma_wait3A_1080 = arith.constant 0 : i32
    %dma_wait3A_1081 = tpu.memref_slice %arg3[%add3A_1077, %dma_wait3A_1080] : memref<4096x12800xf32, #tpu.memory_space<hbm>> -> memref<1x12800xf32, #tpu.memory_space<hbm>>
    tpu.wait_dma2 semaphore(%arg5 : memref<!tpu.dma_semaphore, #tpu.memory_space<semaphore_mem>>) src(%arg4 : memref<1x12800xf32, #tpu.memory_space<vmem>>) dst(%dma_wait3A_1081 : memref<1x12800xf32, #tpu.memory_space<hbm>>)
    %add3A_1082 = arith.constant 52 : i32
    %add3A_1083 = arith.addi %mul3A_2, %add3A_1082 : i32
    %dma_wait3A_1084 = arith.constant 0 : i32
    %dma_wait3A_1085 = tpu.memref_slice %arg3[%add3A_1083, %dma_wait3A_1084] : memref<4096x12800xf32, #tpu.memory_space<hbm>> -> memref<1x12800xf32, #tpu.memory_space<hbm>>
    %dma_wait3A_1086 = arith.constant 0 : i32
    %dma_wait3A_1087 = tpu.memref_slice %arg3[%add3A_1083, %dma_wait3A_1086] : memref<4096x12800xf32, #tpu.memory_space<hbm>> -> memref<1x12800xf32, #tpu.memory_space<hbm>>
    tpu.wait_dma2 semaphore(%arg5 : memref<!tpu.dma_semaphore, #tpu.memory_space<semaphore_mem>>) src(%arg4 : memref<1x12800xf32, #tpu.memory_space<vmem>>) dst(%dma_wait3A_1087 : memref<1x12800xf32, #tpu.memory_space<hbm>>)
    %add3A_1088 = arith.constant 53 : i32
    %add3A_1089 = arith.addi %mul3A_2, %add3A_1088 : i32
    %dma_wait3A_1090 = arith.constant 0 : i32
    %dma_wait3A_1091 = tpu.memref_slice %arg3[%add3A_1089, %dma_wait3A_1090] : memref<4096x12800xf32, #tpu.memory_space<hbm>> -> memref<1x12800xf32, #tpu.memory_space<hbm>>
    %dma_wait3A_1092 = arith.constant 0 : i32
    %dma_wait3A_1093 = tpu.memref_slice %arg3[%add3A_1089, %dma_wait3A_1092] : memref<4096x12800xf32, #tpu.memory_space<hbm>> -> memref<1x12800xf32, #tpu.memory_space<hbm>>
    tpu.wait_dma2 semaphore(%arg5 : memref<!tpu.dma_semaphore, #tpu.memory_space<semaphore_mem>>) src(%arg4 : memref<1x12800xf32, #tpu.memory_space<vmem>>) dst(%dma_wait3A_1093 : memref<1x12800xf32, #tpu.memory_space<hbm>>)
    %add3A_1094 = arith.constant 54 : i32
    %add3A_1095 = arith.addi %mul3A_2, %add3A_1094 : i32
    %dma_wait3A_1096 = arith.constant 0 : i32
    %dma_wait3A_1097 = tpu.memref_slice %arg3[%add3A_1095, %dma_wait3A_1096] : memref<4096x12800xf32, #tpu.memory_space<hbm>> -> memref<1x12800xf32, #tpu.memory_space<hbm>>
    %dma_wait3A_1098 = arith.constant 0 : i32
    %dma_wait3A_1099 = tpu.memref_slice %arg3[%add3A_1095, %dma_wait3A_1098] : memref<4096x12800xf32, #tpu.memory_space<hbm>> -> memref<1x12800xf32, #tpu.memory_space<hbm>>
    tpu.wait_dma2 semaphore(%arg5 : memref<!tpu.dma_semaphore, #tpu.memory_space<semaphore_mem>>) src(%arg4 : memref<1x12800xf32, #tpu.memory_space<vmem>>) dst(%dma_wait3A_1099 : memref<1x12800xf32, #tpu.memory_space<hbm>>)
    %add3A_1100 = arith.constant 55 : i32
    %add3A_1101 = arith.addi %mul3A_2, %add3A_1100 : i32
    %dma_wait3A_1102 = arith.constant 0 : i32
    %dma_wait3A_1103 = tpu.memref_slice %arg3[%add3A_1101, %dma_wait3A_1102] : memref<4096x12800xf32, #tpu.memory_space<hbm>> -> memref<1x12800xf32, #tpu.memory_space<hbm>>
    %dma_wait3A_1104 = arith.constant 0 : i32
    %dma_wait3A_1105 = tpu.memref_slice %arg3[%add3A_1101, %dma_wait3A_1104] : memref<4096x12800xf32, #tpu.memory_space<hbm>> -> memref<1x12800xf32, #tpu.memory_space<hbm>>
    tpu.wait_dma2 semaphore(%arg5 : memref<!tpu.dma_semaphore, #tpu.memory_space<semaphore_mem>>) src(%arg4 : memref<1x12800xf32, #tpu.memory_space<vmem>>) dst(%dma_wait3A_1105 : memref<1x12800xf32, #tpu.memory_space<hbm>>)
    %add3A_1106 = arith.constant 56 : i32
    %add3A_1107 = arith.addi %mul3A_2, %add3A_1106 : i32
    %dma_wait3A_1108 = arith.constant 0 : i32
    %dma_wait3A_1109 = tpu.memref_slice %arg3[%add3A_1107, %dma_wait3A_1108] : memref<4096x12800xf32, #tpu.memory_space<hbm>> -> memref<1x12800xf32, #tpu.memory_space<hbm>>
    %dma_wait3A_1110 = arith.constant 0 : i32
    %dma_wait3A_1111 = tpu.memref_slice %arg3[%add3A_1107, %dma_wait3A_1110] : memref<4096x12800xf32, #tpu.memory_space<hbm>> -> memref<1x12800xf32, #tpu.memory_space<hbm>>
    tpu.wait_dma2 semaphore(%arg5 : memref<!tpu.dma_semaphore, #tpu.memory_space<semaphore_mem>>) src(%arg4 : memref<1x12800xf32, #tpu.memory_space<vmem>>) dst(%dma_wait3A_1111 : memref<1x12800xf32, #tpu.memory_space<hbm>>)
    %add3A_1112 = arith.constant 57 : i32
    %add3A_1113 = arith.addi %mul3A_2, %add3A_1112 : i32
    %dma_wait3A_1114 = arith.constant 0 : i32
    %dma_wait3A_1115 = tpu.memref_slice %arg3[%add3A_1113, %dma_wait3A_1114] : memref<4096x12800xf32, #tpu.memory_space<hbm>> -> memref<1x12800xf32, #tpu.memory_space<hbm>>
    %dma_wait3A_1116 = arith.constant 0 : i32
    %dma_wait3A_1117 = tpu.memref_slice %arg3[%add3A_1113, %dma_wait3A_1116] : memref<4096x12800xf32, #tpu.memory_space<hbm>> -> memref<1x12800xf32, #tpu.memory_space<hbm>>
    tpu.wait_dma2 semaphore(%arg5 : memref<!tpu.dma_semaphore, #tpu.memory_space<semaphore_mem>>) src(%arg4 : memref<1x12800xf32, #tpu.memory_space<vmem>>) dst(%dma_wait3A_1117 : memref<1x12800xf32, #tpu.memory_space<hbm>>)
    %add3A_1118 = arith.constant 58 : i32
    %add3A_1119 = arith.addi %mul3A_2, %add3A_1118 : i32
    %dma_wait3A_1120 = arith.constant 0 : i32
    %dma_wait3A_1121 = tpu.memref_slice %arg3[%add3A_1119, %dma_wait3A_1120] : memref<4096x12800xf32, #tpu.memory_space<hbm>> -> memref<1x12800xf32, #tpu.memory_space<hbm>>
    %dma_wait3A_1122 = arith.constant 0 : i32
    %dma_wait3A_1123 = tpu.memref_slice %arg3[%add3A_1119, %dma_wait3A_1122] : memref<4096x12800xf32, #tpu.memory_space<hbm>> -> memref<1x12800xf32, #tpu.memory_space<hbm>>
    tpu.wait_dma2 semaphore(%arg5 : memref<!tpu.dma_semaphore, #tpu.memory_space<semaphore_mem>>) src(%arg4 : memref<1x12800xf32, #tpu.memory_space<vmem>>) dst(%dma_wait3A_1123 : memref<1x12800xf32, #tpu.memory_space<hbm>>)
    %add3A_1124 = arith.constant 59 : i32
    %add3A_1125 = arith.addi %mul3A_2, %add3A_1124 : i32
    %dma_wait3A_1126 = arith.constant 0 : i32
    %dma_wait3A_1127 = tpu.memref_slice %arg3[%add3A_1125, %dma_wait3A_1126] : memref<4096x12800xf32, #tpu.memory_space<hbm>> -> memref<1x12800xf32, #tpu.memory_space<hbm>>
    %dma_wait3A_1128 = arith.constant 0 : i32
    %dma_wait3A_1129 = tpu.memref_slice %arg3[%add3A_1125, %dma_wait3A_1128] : memref<4096x12800xf32, #tpu.memory_space<hbm>> -> memref<1x12800xf32, #tpu.memory_space<hbm>>
    tpu.wait_dma2 semaphore(%arg5 : memref<!tpu.dma_semaphore, #tpu.memory_space<semaphore_mem>>) src(%arg4 : memref<1x12800xf32, #tpu.memory_space<vmem>>) dst(%dma_wait3A_1129 : memref<1x12800xf32, #tpu.memory_space<hbm>>)
    %add3A_1130 = arith.constant 60 : i32
    %add3A_1131 = arith.addi %mul3A_2, %add3A_1130 : i32
    %dma_wait3A_1132 = arith.constant 0 : i32
    %dma_wait3A_1133 = tpu.memref_slice %arg3[%add3A_1131, %dma_wait3A_1132] : memref<4096x12800xf32, #tpu.memory_space<hbm>> -> memref<1x12800xf32, #tpu.memory_space<hbm>>
    %dma_wait3A_1134 = arith.constant 0 : i32
    %dma_wait3A_1135 = tpu.memref_slice %arg3[%add3A_1131, %dma_wait3A_1134] : memref<4096x12800xf32, #tpu.memory_space<hbm>> -> memref<1x12800xf32, #tpu.memory_space<hbm>>
    tpu.wait_dma2 semaphore(%arg5 : memref<!tpu.dma_semaphore, #tpu.memory_space<semaphore_mem>>) src(%arg4 : memref<1x12800xf32, #tpu.memory_space<vmem>>) dst(%dma_wait3A_1135 : memref<1x12800xf32, #tpu.memory_space<hbm>>)
    %add3A_1136 = arith.constant 61 : i32
    %add3A_1137 = arith.addi %mul3A_2, %add3A_1136 : i32
    %dma_wait3A_1138 = arith.constant 0 : i32
    %dma_wait3A_1139 = tpu.memref_slice %arg3[%add3A_1137, %dma_wait3A_1138] : memref<4096x12800xf32, #tpu.memory_space<hbm>> -> memref<1x12800xf32, #tpu.memory_space<hbm>>
    %dma_wait3A_1140 = arith.constant 0 : i32
    %dma_wait3A_1141 = tpu.memref_slice %arg3[%add3A_1137, %dma_wait3A_1140] : memref<4096x12800xf32, #tpu.memory_space<hbm>> -> memref<1x12800xf32, #tpu.memory_space<hbm>>
    tpu.wait_dma2 semaphore(%arg5 : memref<!tpu.dma_semaphore, #tpu.memory_space<semaphore_mem>>) src(%arg4 : memref<1x12800xf32, #tpu.memory_space<vmem>>) dst(%dma_wait3A_1141 : memref<1x12800xf32, #tpu.memory_space<hbm>>)
    %add3A_1142 = arith.constant 62 : i32
    %add3A_1143 = arith.addi %mul3A_2, %add3A_1142 : i32
    %dma_wait3A_1144 = arith.constant 0 : i32
    %dma_wait3A_1145 = tpu.memref_slice %arg3[%add3A_1143, %dma_wait3A_1144] : memref<4096x12800xf32, #tpu.memory_space<hbm>> -> memref<1x12800xf32, #tpu.memory_space<hbm>>
    %dma_wait3A_1146 = arith.constant 0 : i32
    %dma_wait3A_1147 = tpu.memref_slice %arg3[%add3A_1143, %dma_wait3A_1146] : memref<4096x12800xf32, #tpu.memory_space<hbm>> -> memref<1x12800xf32, #tpu.memory_space<hbm>>
    tpu.wait_dma2 semaphore(%arg5 : memref<!tpu.dma_semaphore, #tpu.memory_space<semaphore_mem>>) src(%arg4 : memref<1x12800xf32, #tpu.memory_space<vmem>>) dst(%dma_wait3A_1147 : memref<1x12800xf32, #tpu.memory_space<hbm>>)
    %add3A_1148 = arith.constant 63 : i32
    %add3A_1149 = arith.addi %mul3A_2, %add3A_1148 : i32
    %dma_wait3A_1150 = arith.constant 0 : i32
    %dma_wait3A_1151 = tpu.memref_slice %arg3[%add3A_1149, %dma_wait3A_1150] : memref<4096x12800xf32, #tpu.memory_space<hbm>> -> memref<1x12800xf32, #tpu.memory_space<hbm>>
    %dma_wait3A_1152 = arith.constant 0 : i32
    %dma_wait3A_1153 = tpu.memref_slice %arg3[%add3A_1149, %dma_wait3A_1152] : memref<4096x12800xf32, #tpu.memory_space<hbm>> -> memref<1x12800xf32, #tpu.memory_space<hbm>>
    tpu.wait_dma2 semaphore(%arg5 : memref<!tpu.dma_semaphore, #tpu.memory_space<semaphore_mem>>) src(%arg4 : memref<1x12800xf32, #tpu.memory_space<vmem>>) dst(%dma_wait3A_1153 : memref<1x12800xf32, #tpu.memory_space<hbm>>)
    %add3A_1154 = arith.constant 64 : i32
    %add3A_1155 = arith.addi %mul3A_2, %add3A_1154 : i32
    %dma_wait3A_1156 = arith.constant 0 : i32
    %dma_wait3A_1157 = tpu.memref_slice %arg3[%add3A_1155, %dma_wait3A_1156] : memref<4096x12800xf32, #tpu.memory_space<hbm>> -> memref<1x12800xf32, #tpu.memory_space<hbm>>
    %dma_wait3A_1158 = arith.constant 0 : i32
    %dma_wait3A_1159 = tpu.memref_slice %arg3[%add3A_1155, %dma_wait3A_1158] : memref<4096x12800xf32, #tpu.memory_space<hbm>> -> memref<1x12800xf32, #tpu.memory_space<hbm>>
    tpu.wait_dma2 semaphore(%arg5 : memref<!tpu.dma_semaphore, #tpu.memory_space<semaphore_mem>>) src(%arg4 : memref<1x12800xf32, #tpu.memory_space<vmem>>) dst(%dma_wait3A_1159 : memref<1x12800xf32, #tpu.memory_space<hbm>>)
    %add3A_1160 = arith.constant 65 : i32
    %add3A_1161 = arith.addi %mul3A_2, %add3A_1160 : i32
    %dma_wait3A_1162 = arith.constant 0 : i32
    %dma_wait3A_1163 = tpu.memref_slice %arg3[%add3A_1161, %dma_wait3A_1162] : memref<4096x12800xf32, #tpu.memory_space<hbm>> -> memref<1x12800xf32, #tpu.memory_space<hbm>>
    %dma_wait3A_1164 = arith.constant 0 : i32
    %dma_wait3A_1165 = tpu.memref_slice %arg3[%add3A_1161, %dma_wait3A_1164] : memref<4096x12800xf32, #tpu.memory_space<hbm>> -> memref<1x12800xf32, #tpu.memory_space<hbm>>
    tpu.wait_dma2 semaphore(%arg5 : memref<!tpu.dma_semaphore, #tpu.memory_space<semaphore_mem>>) src(%arg4 : memref<1x12800xf32, #tpu.memory_space<vmem>>) dst(%dma_wait3A_1165 : memref<1x12800xf32, #tpu.memory_space<hbm>>)
    %add3A_1166 = arith.constant 66 : i32
    %add3A_1167 = arith.addi %mul3A_2, %add3A_1166 : i32
    %dma_wait3A_1168 = arith.constant 0 : i32
    %dma_wait3A_1169 = tpu.memref_slice %arg3[%add3A_1167, %dma_wait3A_1168] : memref<4096x12800xf32, #tpu.memory_space<hbm>> -> memref<1x12800xf32, #tpu.memory_space<hbm>>
    %dma_wait3A_1170 = arith.constant 0 : i32
    %dma_wait3A_1171 = tpu.memref_slice %arg3[%add3A_1167, %dma_wait3A_1170] : memref<4096x12800xf32, #tpu.memory_space<hbm>> -> memref<1x12800xf32, #tpu.memory_space<hbm>>
    tpu.wait_dma2 semaphore(%arg5 : memref<!tpu.dma_semaphore, #tpu.memory_space<semaphore_mem>>) src(%arg4 : memref<1x12800xf32, #tpu.memory_space<vmem>>) dst(%dma_wait3A_1171 : memref<1x12800xf32, #tpu.memory_space<hbm>>)
    %add3A_1172 = arith.constant 67 : i32
    %add3A_1173 = arith.addi %mul3A_2, %add3A_1172 : i32
    %dma_wait3A_1174 = arith.constant 0 : i32
    %dma_wait3A_1175 = tpu.memref_slice %arg3[%add3A_1173, %dma_wait3A_1174] : memref<4096x12800xf32, #tpu.memory_space<hbm>> -> memref<1x12800xf32, #tpu.memory_space<hbm>>
    %dma_wait3A_1176 = arith.constant 0 : i32
    %dma_wait3A_1177 = tpu.memref_slice %arg3[%add3A_1173, %dma_wait3A_1176] : memref<4096x12800xf32, #tpu.memory_space<hbm>> -> memref<1x12800xf32, #tpu.memory_space<hbm>>
    tpu.wait_dma2 semaphore(%arg5 : memref<!tpu.dma_semaphore, #tpu.memory_space<semaphore_mem>>) src(%arg4 : memref<1x12800xf32, #tpu.memory_space<vmem>>) dst(%dma_wait3A_1177 : memref<1x12800xf32, #tpu.memory_space<hbm>>)
    %add3A_1178 = arith.constant 68 : i32
    %add3A_1179 = arith.addi %mul3A_2, %add3A_1178 : i32
    %dma_wait3A_1180 = arith.constant 0 : i32
    %dma_wait3A_1181 = tpu.memref_slice %arg3[%add3A_1179, %dma_wait3A_1180] : memref<4096x12800xf32, #tpu.memory_space<hbm>> -> memref<1x12800xf32, #tpu.memory_space<hbm>>
    %dma_wait3A_1182 = arith.constant 0 : i32
    %dma_wait3A_1183 = tpu.memref_slice %arg3[%add3A_1179, %dma_wait3A_1182] : memref<4096x12800xf32, #tpu.memory_space<hbm>> -> memref<1x12800xf32, #tpu.memory_space<hbm>>
    tpu.wait_dma2 semaphore(%arg5 : memref<!tpu.dma_semaphore, #tpu.memory_space<semaphore_mem>>) src(%arg4 : memref<1x12800xf32, #tpu.memory_space<vmem>>) dst(%dma_wait3A_1183 : memref<1x12800xf32, #tpu.memory_space<hbm>>)
    %add3A_1184 = arith.constant 69 : i32
    %add3A_1185 = arith.addi %mul3A_2, %add3A_1184 : i32
    %dma_wait3A_1186 = arith.constant 0 : i32
    %dma_wait3A_1187 = tpu.memref_slice %arg3[%add3A_1185, %dma_wait3A_1186] : memref<4096x12800xf32, #tpu.memory_space<hbm>> -> memref<1x12800xf32, #tpu.memory_space<hbm>>
    %dma_wait3A_1188 = arith.constant 0 : i32
    %dma_wait3A_1189 = tpu.memref_slice %arg3[%add3A_1185, %dma_wait3A_1188] : memref<4096x12800xf32, #tpu.memory_space<hbm>> -> memref<1x12800xf32, #tpu.memory_space<hbm>>
    tpu.wait_dma2 semaphore(%arg5 : memref<!tpu.dma_semaphore, #tpu.memory_space<semaphore_mem>>) src(%arg4 : memref<1x12800xf32, #tpu.memory_space<vmem>>) dst(%dma_wait3A_1189 : memref<1x12800xf32, #tpu.memory_space<hbm>>)
    %add3A_1190 = arith.constant 70 : i32
    %add3A_1191 = arith.addi %mul3A_2, %add3A_1190 : i32
    %dma_wait3A_1192 = arith.constant 0 : i32
    %dma_wait3A_1193 = tpu.memref_slice %arg3[%add3A_1191, %dma_wait3A_1192] : memref<4096x12800xf32, #tpu.memory_space<hbm>> -> memref<1x12800xf32, #tpu.memory_space<hbm>>
    %dma_wait3A_1194 = arith.constant 0 : i32
    %dma_wait3A_1195 = tpu.memref_slice %arg3[%add3A_1191, %dma_wait3A_1194] : memref<4096x12800xf32, #tpu.memory_space<hbm>> -> memref<1x12800xf32, #tpu.memory_space<hbm>>
    tpu.wait_dma2 semaphore(%arg5 : memref<!tpu.dma_semaphore, #tpu.memory_space<semaphore_mem>>) src(%arg4 : memref<1x12800xf32, #tpu.memory_space<vmem>>) dst(%dma_wait3A_1195 : memref<1x12800xf32, #tpu.memory_space<hbm>>)
    %add3A_1196 = arith.constant 71 : i32
    %add3A_1197 = arith.addi %mul3A_2, %add3A_1196 : i32
    %dma_wait3A_1198 = arith.constant 0 : i32
    %dma_wait3A_1199 = tpu.memref_slice %arg3[%add3A_1197, %dma_wait3A_1198] : memref<4096x12800xf32, #tpu.memory_space<hbm>> -> memref<1x12800xf32, #tpu.memory_space<hbm>>
    %dma_wait3A_1200 = arith.constant 0 : i32
    %dma_wait3A_1201 = tpu.memref_slice %arg3[%add3A_1197, %dma_wait3A_1200] : memref<4096x12800xf32, #tpu.memory_space<hbm>> -> memref<1x12800xf32, #tpu.memory_space<hbm>>
    tpu.wait_dma2 semaphore(%arg5 : memref<!tpu.dma_semaphore, #tpu.memory_space<semaphore_mem>>) src(%arg4 : memref<1x12800xf32, #tpu.memory_space<vmem>>) dst(%dma_wait3A_1201 : memref<1x12800xf32, #tpu.memory_space<hbm>>)
    %add3A_1202 = arith.constant 72 : i32
    %add3A_1203 = arith.addi %mul3A_2, %add3A_1202 : i32
    %dma_wait3A_1204 = arith.constant 0 : i32
    %dma_wait3A_1205 = tpu.memref_slice %arg3[%add3A_1203, %dma_wait3A_1204] : memref<4096x12800xf32, #tpu.memory_space<hbm>> -> memref<1x12800xf32, #tpu.memory_space<hbm>>
    %dma_wait3A_1206 = arith.constant 0 : i32
    %dma_wait3A_1207 = tpu.memref_slice %arg3[%add3A_1203, %dma_wait3A_1206] : memref<4096x12800xf32, #tpu.memory_space<hbm>> -> memref<1x12800xf32, #tpu.memory_space<hbm>>
    tpu.wait_dma2 semaphore(%arg5 : memref<!tpu.dma_semaphore, #tpu.memory_space<semaphore_mem>>) src(%arg4 : memref<1x12800xf32, #tpu.memory_space<vmem>>) dst(%dma_wait3A_1207 : memref<1x12800xf32, #tpu.memory_space<hbm>>)
    %add3A_1208 = arith.constant 73 : i32
    %add3A_1209 = arith.addi %mul3A_2, %add3A_1208 : i32
    %dma_wait3A_1210 = arith.constant 0 : i32
    %dma_wait3A_1211 = tpu.memref_slice %arg3[%add3A_1209, %dma_wait3A_1210] : memref<4096x12800xf32, #tpu.memory_space<hbm>> -> memref<1x12800xf32, #tpu.memory_space<hbm>>
    %dma_wait3A_1212 = arith.constant 0 : i32
    %dma_wait3A_1213 = tpu.memref_slice %arg3[%add3A_1209, %dma_wait3A_1212] : memref<4096x12800xf32, #tpu.memory_space<hbm>> -> memref<1x12800xf32, #tpu.memory_space<hbm>>
    tpu.wait_dma2 semaphore(%arg5 : memref<!tpu.dma_semaphore, #tpu.memory_space<semaphore_mem>>) src(%arg4 : memref<1x12800xf32, #tpu.memory_space<vmem>>) dst(%dma_wait3A_1213 : memref<1x12800xf32, #tpu.memory_space<hbm>>)
    %add3A_1214 = arith.constant 74 : i32
    %add3A_1215 = arith.addi %mul3A_2, %add3A_1214 : i32
    %dma_wait3A_1216 = arith.constant 0 : i32
    %dma_wait3A_1217 = tpu.memref_slice %arg3[%add3A_1215, %dma_wait3A_1216] : memref<4096x12800xf32, #tpu.memory_space<hbm>> -> memref<1x12800xf32, #tpu.memory_space<hbm>>
    %dma_wait3A_1218 = arith.constant 0 : i32
    %dma_wait3A_1219 = tpu.memref_slice %arg3[%add3A_1215, %dma_wait3A_1218] : memref<4096x12800xf32, #tpu.memory_space<hbm>> -> memref<1x12800xf32, #tpu.memory_space<hbm>>
    tpu.wait_dma2 semaphore(%arg5 : memref<!tpu.dma_semaphore, #tpu.memory_space<semaphore_mem>>) src(%arg4 : memref<1x12800xf32, #tpu.memory_space<vmem>>) dst(%dma_wait3A_1219 : memref<1x12800xf32, #tpu.memory_space<hbm>>)
    %add3A_1220 = arith.constant 75 : i32
    %add3A_1221 = arith.addi %mul3A_2, %add3A_1220 : i32
    %dma_wait3A_1222 = arith.constant 0 : i32
    %dma_wait3A_1223 = tpu.memref_slice %arg3[%add3A_1221, %dma_wait3A_1222] : memref<4096x12800xf32, #tpu.memory_space<hbm>> -> memref<1x12800xf32, #tpu.memory_space<hbm>>
    %dma_wait3A_1224 = arith.constant 0 : i32
    %dma_wait3A_1225 = tpu.memref_slice %arg3[%add3A_1221, %dma_wait3A_1224] : memref<4096x12800xf32, #tpu.memory_space<hbm>> -> memref<1x12800xf32, #tpu.memory_space<hbm>>
    tpu.wait_dma2 semaphore(%arg5 : memref<!tpu.dma_semaphore, #tpu.memory_space<semaphore_mem>>) src(%arg4 : memref<1x12800xf32, #tpu.memory_space<vmem>>) dst(%dma_wait3A_1225 : memref<1x12800xf32, #tpu.memory_space<hbm>>)
    %add3A_1226 = arith.constant 76 : i32
    %add3A_1227 = arith.addi %mul3A_2, %add3A_1226 : i32
    %dma_wait3A_1228 = arith.constant 0 : i32
    %dma_wait3A_1229 = tpu.memref_slice %arg3[%add3A_1227, %dma_wait3A_1228] : memref<4096x12800xf32, #tpu.memory_space<hbm>> -> memref<1x12800xf32, #tpu.memory_space<hbm>>
    %dma_wait3A_1230 = arith.constant 0 : i32
    %dma_wait3A_1231 = tpu.memref_slice %arg3[%add3A_1227, %dma_wait3A_1230] : memref<4096x12800xf32, #tpu.memory_space<hbm>> -> memref<1x12800xf32, #tpu.memory_space<hbm>>
    tpu.wait_dma2 semaphore(%arg5 : memref<!tpu.dma_semaphore, #tpu.memory_space<semaphore_mem>>) src(%arg4 : memref<1x12800xf32, #tpu.memory_space<vmem>>) dst(%dma_wait3A_1231 : memref<1x12800xf32, #tpu.memory_space<hbm>>)
    %add3A_1232 = arith.constant 77 : i32
    %add3A_1233 = arith.addi %mul3A_2, %add3A_1232 : i32
    %dma_wait3A_1234 = arith.constant 0 : i32
    %dma_wait3A_1235 = tpu.memref_slice %arg3[%add3A_1233, %dma_wait3A_1234] : memref<4096x12800xf32, #tpu.memory_space<hbm>> -> memref<1x12800xf32, #tpu.memory_space<hbm>>
    %dma_wait3A_1236 = arith.constant 0 : i32
    %dma_wait3A_1237 = tpu.memref_slice %arg3[%add3A_1233, %dma_wait3A_1236] : memref<4096x12800xf32, #tpu.memory_space<hbm>> -> memref<1x12800xf32, #tpu.memory_space<hbm>>
    tpu.wait_dma2 semaphore(%arg5 : memref<!tpu.dma_semaphore, #tpu.memory_space<semaphore_mem>>) src(%arg4 : memref<1x12800xf32, #tpu.memory_space<vmem>>) dst(%dma_wait3A_1237 : memref<1x12800xf32, #tpu.memory_space<hbm>>)
    %add3A_1238 = arith.constant 78 : i32
    %add3A_1239 = arith.addi %mul3A_2, %add3A_1238 : i32
    %dma_wait3A_1240 = arith.constant 0 : i32
    %dma_wait3A_1241 = tpu.memref_slice %arg3[%add3A_1239, %dma_wait3A_1240] : memref<4096x12800xf32, #tpu.memory_space<hbm>> -> memref<1x12800xf32, #tpu.memory_space<hbm>>
    %dma_wait3A_1242 = arith.constant 0 : i32
    %dma_wait3A_1243 = tpu.memref_slice %arg3[%add3A_1239, %dma_wait3A_1242] : memref<4096x12800xf32, #tpu.memory_space<hbm>> -> memref<1x12800xf32, #tpu.memory_space<hbm>>
    tpu.wait_dma2 semaphore(%arg5 : memref<!tpu.dma_semaphore, #tpu.memory_space<semaphore_mem>>) src(%arg4 : memref<1x12800xf32, #tpu.memory_space<vmem>>) dst(%dma_wait3A_1243 : memref<1x12800xf32, #tpu.memory_space<hbm>>)
    %add3A_1244 = arith.constant 79 : i32
    %add3A_1245 = arith.addi %mul3A_2, %add3A_1244 : i32
    %dma_wait3A_1246 = arith.constant 0 : i32
    %dma_wait3A_1247 = tpu.memref_slice %arg3[%add3A_1245, %dma_wait3A_1246] : memref<4096x12800xf32, #tpu.memory_space<hbm>> -> memref<1x12800xf32, #tpu.memory_space<hbm>>
    %dma_wait3A_1248 = arith.constant 0 : i32
    %dma_wait3A_1249 = tpu.memref_slice %arg3[%add3A_1245, %dma_wait3A_1248] : memref<4096x12800xf32, #tpu.memory_space<hbm>> -> memref<1x12800xf32, #tpu.memory_space<hbm>>
    tpu.wait_dma2 semaphore(%arg5 : memref<!tpu.dma_semaphore, #tpu.memory_space<semaphore_mem>>) src(%arg4 : memref<1x12800xf32, #tpu.memory_space<vmem>>) dst(%dma_wait3A_1249 : memref<1x12800xf32, #tpu.memory_space<hbm>>)
    %add3A_1250 = arith.constant 80 : i32
    %add3A_1251 = arith.addi %mul3A_2, %add3A_1250 : i32
    %dma_wait3A_1252 = arith.constant 0 : i32
    %dma_wait3A_1253 = tpu.memref_slice %arg3[%add3A_1251, %dma_wait3A_1252] : memref<4096x12800xf32, #tpu.memory_space<hbm>> -> memref<1x12800xf32, #tpu.memory_space<hbm>>
    %dma_wait3A_1254 = arith.constant 0 : i32
    %dma_wait3A_1255 = tpu.memref_slice %arg3[%add3A_1251, %dma_wait3A_1254] : memref<4096x12800xf32, #tpu.memory_space<hbm>> -> memref<1x12800xf32, #tpu.memory_space<hbm>>
    tpu.wait_dma2 semaphore(%arg5 : memref<!tpu.dma_semaphore, #tpu.memory_space<semaphore_mem>>) src(%arg4 : memref<1x12800xf32, #tpu.memory_space<vmem>>) dst(%dma_wait3A_1255 : memref<1x12800xf32, #tpu.memory_space<hbm>>)
    %add3A_1256 = arith.constant 81 : i32
    %add3A_1257 = arith.addi %mul3A_2, %add3A_1256 : i32
    %dma_wait3A_1258 = arith.constant 0 : i32
    %dma_wait3A_1259 = tpu.memref_slice %arg3[%add3A_1257, %dma_wait3A_1258] : memref<4096x12800xf32, #tpu.memory_space<hbm>> -> memref<1x12800xf32, #tpu.memory_space<hbm>>
    %dma_wait3A_1260 = arith.constant 0 : i32
    %dma_wait3A_1261 = tpu.memref_slice %arg3[%add3A_1257, %dma_wait3A_1260] : memref<4096x12800xf32, #tpu.memory_space<hbm>> -> memref<1x12800xf32, #tpu.memory_space<hbm>>
    tpu.wait_dma2 semaphore(%arg5 : memref<!tpu.dma_semaphore, #tpu.memory_space<semaphore_mem>>) src(%arg4 : memref<1x12800xf32, #tpu.memory_space<vmem>>) dst(%dma_wait3A_1261 : memref<1x12800xf32, #tpu.memory_space<hbm>>)
    %add3A_1262 = arith.constant 82 : i32
    %add3A_1263 = arith.addi %mul3A_2, %add3A_1262 : i32
    %dma_wait3A_1264 = arith.constant 0 : i32
    %dma_wait3A_1265 = tpu.memref_slice %arg3[%add3A_1263, %dma_wait3A_1264] : memref<4096x12800xf32, #tpu.memory_space<hbm>> -> memref<1x12800xf32, #tpu.memory_space<hbm>>
    %dma_wait3A_1266 = arith.constant 0 : i32
    %dma_wait3A_1267 = tpu.memref_slice %arg3[%add3A_1263, %dma_wait3A_1266] : memref<4096x12800xf32, #tpu.memory_space<hbm>> -> memref<1x12800xf32, #tpu.memory_space<hbm>>
    tpu.wait_dma2 semaphore(%arg5 : memref<!tpu.dma_semaphore, #tpu.memory_space<semaphore_mem>>) src(%arg4 : memref<1x12800xf32, #tpu.memory_space<vmem>>) dst(%dma_wait3A_1267 : memref<1x12800xf32, #tpu.memory_space<hbm>>)
    %add3A_1268 = arith.constant 83 : i32
    %add3A_1269 = arith.addi %mul3A_2, %add3A_1268 : i32
    %dma_wait3A_1270 = arith.constant 0 : i32
    %dma_wait3A_1271 = tpu.memref_slice %arg3[%add3A_1269, %dma_wait3A_1270] : memref<4096x12800xf32, #tpu.memory_space<hbm>> -> memref<1x12800xf32, #tpu.memory_space<hbm>>
    %dma_wait3A_1272 = arith.constant 0 : i32
    %dma_wait3A_1273 = tpu.memref_slice %arg3[%add3A_1269, %dma_wait3A_1272] : memref<4096x12800xf32, #tpu.memory_space<hbm>> -> memref<1x12800xf32, #tpu.memory_space<hbm>>
    tpu.wait_dma2 semaphore(%arg5 : memref<!tpu.dma_semaphore, #tpu.memory_space<semaphore_mem>>) src(%arg4 : memref<1x12800xf32, #tpu.memory_space<vmem>>) dst(%dma_wait3A_1273 : memref<1x12800xf32, #tpu.memory_space<hbm>>)
    %add3A_1274 = arith.constant 84 : i32
    %add3A_1275 = arith.addi %mul3A_2, %add3A_1274 : i32
    %dma_wait3A_1276 = arith.constant 0 : i32
    %dma_wait3A_1277 = tpu.memref_slice %arg3[%add3A_1275, %dma_wait3A_1276] : memref<4096x12800xf32, #tpu.memory_space<hbm>> -> memref<1x12800xf32, #tpu.memory_space<hbm>>
    %dma_wait3A_1278 = arith.constant 0 : i32
    %dma_wait3A_1279 = tpu.memref_slice %arg3[%add3A_1275, %dma_wait3A_1278] : memref<4096x12800xf32, #tpu.memory_space<hbm>> -> memref<1x12800xf32, #tpu.memory_space<hbm>>
    tpu.wait_dma2 semaphore(%arg5 : memref<!tpu.dma_semaphore, #tpu.memory_space<semaphore_mem>>) src(%arg4 : memref<1x12800xf32, #tpu.memory_space<vmem>>) dst(%dma_wait3A_1279 : memref<1x12800xf32, #tpu.memory_space<hbm>>)
    %add3A_1280 = arith.constant 85 : i32
    %add3A_1281 = arith.addi %mul3A_2, %add3A_1280 : i32
    %dma_wait3A_1282 = arith.constant 0 : i32
    %dma_wait3A_1283 = tpu.memref_slice %arg3[%add3A_1281, %dma_wait3A_1282] : memref<4096x12800xf32, #tpu.memory_space<hbm>> -> memref<1x12800xf32, #tpu.memory_space<hbm>>
    %dma_wait3A_1284 = arith.constant 0 : i32
    %dma_wait3A_1285 = tpu.memref_slice %arg3[%add3A_1281, %dma_wait3A_1284] : memref<4096x12800xf32, #tpu.memory_space<hbm>> -> memref<1x12800xf32, #tpu.memory_space<hbm>>
    tpu.wait_dma2 semaphore(%arg5 : memref<!tpu.dma_semaphore, #tpu.memory_space<semaphore_mem>>) src(%arg4 : memref<1x12800xf32, #tpu.memory_space<vmem>>) dst(%dma_wait3A_1285 : memref<1x12800xf32, #tpu.memory_space<hbm>>)
    %add3A_1286 = arith.constant 86 : i32
    %add3A_1287 = arith.addi %mul3A_2, %add3A_1286 : i32
    %dma_wait3A_1288 = arith.constant 0 : i32
    %dma_wait3A_1289 = tpu.memref_slice %arg3[%add3A_1287, %dma_wait3A_1288] : memref<4096x12800xf32, #tpu.memory_space<hbm>> -> memref<1x12800xf32, #tpu.memory_space<hbm>>
    %dma_wait3A_1290 = arith.constant 0 : i32
    %dma_wait3A_1291 = tpu.memref_slice %arg3[%add3A_1287, %dma_wait3A_1290] : memref<4096x12800xf32, #tpu.memory_space<hbm>> -> memref<1x12800xf32, #tpu.memory_space<hbm>>
    tpu.wait_dma2 semaphore(%arg5 : memref<!tpu.dma_semaphore, #tpu.memory_space<semaphore_mem>>) src(%arg4 : memref<1x12800xf32, #tpu.memory_space<vmem>>) dst(%dma_wait3A_1291 : memref<1x12800xf32, #tpu.memory_space<hbm>>)
    %add3A_1292 = arith.constant 87 : i32
    %add3A_1293 = arith.addi %mul3A_2, %add3A_1292 : i32
    %dma_wait3A_1294 = arith.constant 0 : i32
    %dma_wait3A_1295 = tpu.memref_slice %arg3[%add3A_1293, %dma_wait3A_1294] : memref<4096x12800xf32, #tpu.memory_space<hbm>> -> memref<1x12800xf32, #tpu.memory_space<hbm>>
    %dma_wait3A_1296 = arith.constant 0 : i32
    %dma_wait3A_1297 = tpu.memref_slice %arg3[%add3A_1293, %dma_wait3A_1296] : memref<4096x12800xf32, #tpu.memory_space<hbm>> -> memref<1x12800xf32, #tpu.memory_space<hbm>>
    tpu.wait_dma2 semaphore(%arg5 : memref<!tpu.dma_semaphore, #tpu.memory_space<semaphore_mem>>) src(%arg4 : memref<1x12800xf32, #tpu.memory_space<vmem>>) dst(%dma_wait3A_1297 : memref<1x12800xf32, #tpu.memory_space<hbm>>)
    %add3A_1298 = arith.constant 88 : i32
    %add3A_1299 = arith.addi %mul3A_2, %add3A_1298 : i32
    %dma_wait3A_1300 = arith.constant 0 : i32
    %dma_wait3A_1301 = tpu.memref_slice %arg3[%add3A_1299, %dma_wait3A_1300] : memref<4096x12800xf32, #tpu.memory_space<hbm>> -> memref<1x12800xf32, #tpu.memory_space<hbm>>
    %dma_wait3A_1302 = arith.constant 0 : i32
    %dma_wait3A_1303 = tpu.memref_slice %arg3[%add3A_1299, %dma_wait3A_1302] : memref<4096x12800xf32, #tpu.memory_space<hbm>> -> memref<1x12800xf32, #tpu.memory_space<hbm>>
    tpu.wait_dma2 semaphore(%arg5 : memref<!tpu.dma_semaphore, #tpu.memory_space<semaphore_mem>>) src(%arg4 : memref<1x12800xf32, #tpu.memory_space<vmem>>) dst(%dma_wait3A_1303 : memref<1x12800xf32, #tpu.memory_space<hbm>>)
    %add3A_1304 = arith.constant 89 : i32
    %add3A_1305 = arith.addi %mul3A_2, %add3A_1304 : i32
    %dma_wait3A_1306 = arith.constant 0 : i32
    %dma_wait3A_1307 = tpu.memref_slice %arg3[%add3A_1305, %dma_wait3A_1306] : memref<4096x12800xf32, #tpu.memory_space<hbm>> -> memref<1x12800xf32, #tpu.memory_space<hbm>>
    %dma_wait3A_1308 = arith.constant 0 : i32
    %dma_wait3A_1309 = tpu.memref_slice %arg3[%add3A_1305, %dma_wait3A_1308] : memref<4096x12800xf32, #tpu.memory_space<hbm>> -> memref<1x12800xf32, #tpu.memory_space<hbm>>
    tpu.wait_dma2 semaphore(%arg5 : memref<!tpu.dma_semaphore, #tpu.memory_space<semaphore_mem>>) src(%arg4 : memref<1x12800xf32, #tpu.memory_space<vmem>>) dst(%dma_wait3A_1309 : memref<1x12800xf32, #tpu.memory_space<hbm>>)
    %add3A_1310 = arith.constant 90 : i32
    %add3A_1311 = arith.addi %mul3A_2, %add3A_1310 : i32
    %dma_wait3A_1312 = arith.constant 0 : i32
    %dma_wait3A_1313 = tpu.memref_slice %arg3[%add3A_1311, %dma_wait3A_1312] : memref<4096x12800xf32, #tpu.memory_space<hbm>> -> memref<1x12800xf32, #tpu.memory_space<hbm>>
    %dma_wait3A_1314 = arith.constant 0 : i32
    %dma_wait3A_1315 = tpu.memref_slice %arg3[%add3A_1311, %dma_wait3A_1314] : memref<4096x12800xf32, #tpu.memory_space<hbm>> -> memref<1x12800xf32, #tpu.memory_space<hbm>>
    tpu.wait_dma2 semaphore(%arg5 : memref<!tpu.dma_semaphore, #tpu.memory_space<semaphore_mem>>) src(%arg4 : memref<1x12800xf32, #tpu.memory_space<vmem>>) dst(%dma_wait3A_1315 : memref<1x12800xf32, #tpu.memory_space<hbm>>)
    %add3A_1316 = arith.constant 91 : i32
    %add3A_1317 = arith.addi %mul3A_2, %add3A_1316 : i32
    %dma_wait3A_1318 = arith.constant 0 : i32
    %dma_wait3A_1319 = tpu.memref_slice %arg3[%add3A_1317, %dma_wait3A_1318] : memref<4096x12800xf32, #tpu.memory_space<hbm>> -> memref<1x12800xf32, #tpu.memory_space<hbm>>
    %dma_wait3A_1320 = arith.constant 0 : i32
    %dma_wait3A_1321 = tpu.memref_slice %arg3[%add3A_1317, %dma_wait3A_1320] : memref<4096x12800xf32, #tpu.memory_space<hbm>> -> memref<1x12800xf32, #tpu.memory_space<hbm>>
    tpu.wait_dma2 semaphore(%arg5 : memref<!tpu.dma_semaphore, #tpu.memory_space<semaphore_mem>>) src(%arg4 : memref<1x12800xf32, #tpu.memory_space<vmem>>) dst(%dma_wait3A_1321 : memref<1x12800xf32, #tpu.memory_space<hbm>>)
    %add3A_1322 = arith.constant 92 : i32
    %add3A_1323 = arith.addi %mul3A_2, %add3A_1322 : i32
    %dma_wait3A_1324 = arith.constant 0 : i32
    %dma_wait3A_1325 = tpu.memref_slice %arg3[%add3A_1323, %dma_wait3A_1324] : memref<4096x12800xf32, #tpu.memory_space<hbm>> -> memref<1x12800xf32, #tpu.memory_space<hbm>>
    %dma_wait3A_1326 = arith.constant 0 : i32
    %dma_wait3A_1327 = tpu.memref_slice %arg3[%add3A_1323, %dma_wait3A_1326] : memref<4096x12800xf32, #tpu.memory_space<hbm>> -> memref<1x12800xf32, #tpu.memory_space<hbm>>
    tpu.wait_dma2 semaphore(%arg5 : memref<!tpu.dma_semaphore, #tpu.memory_space<semaphore_mem>>) src(%arg4 : memref<1x12800xf32, #tpu.memory_space<vmem>>) dst(%dma_wait3A_1327 : memref<1x12800xf32, #tpu.memory_space<hbm>>)
    %add3A_1328 = arith.constant 93 : i32
    %add3A_1329 = arith.addi %mul3A_2, %add3A_1328 : i32
    %dma_wait3A_1330 = arith.constant 0 : i32
    %dma_wait3A_1331 = tpu.memref_slice %arg3[%add3A_1329, %dma_wait3A_1330] : memref<4096x12800xf32, #tpu.memory_space<hbm>> -> memref<1x12800xf32, #tpu.memory_space<hbm>>
    %dma_wait3A_1332 = arith.constant 0 : i32
    %dma_wait3A_1333 = tpu.memref_slice %arg3[%add3A_1329, %dma_wait3A_1332] : memref<4096x12800xf32, #tpu.memory_space<hbm>> -> memref<1x12800xf32, #tpu.memory_space<hbm>>
    tpu.wait_dma2 semaphore(%arg5 : memref<!tpu.dma_semaphore, #tpu.memory_space<semaphore_mem>>) src(%arg4 : memref<1x12800xf32, #tpu.memory_space<vmem>>) dst(%dma_wait3A_1333 : memref<1x12800xf32, #tpu.memory_space<hbm>>)
    %add3A_1334 = arith.constant 94 : i32
    %add3A_1335 = arith.addi %mul3A_2, %add3A_1334 : i32
    %dma_wait3A_1336 = arith.constant 0 : i32
    %dma_wait3A_1337 = tpu.memref_slice %arg3[%add3A_1335, %dma_wait3A_1336] : memref<4096x12800xf32, #tpu.memory_space<hbm>> -> memref<1x12800xf32, #tpu.memory_space<hbm>>
    %dma_wait3A_1338 = arith.constant 0 : i32
    %dma_wait3A_1339 = tpu.memref_slice %arg3[%add3A_1335, %dma_wait3A_1338] : memref<4096x12800xf32, #tpu.memory_space<hbm>> -> memref<1x12800xf32, #tpu.memory_space<hbm>>
    tpu.wait_dma2 semaphore(%arg5 : memref<!tpu.dma_semaphore, #tpu.memory_space<semaphore_mem>>) src(%arg4 : memref<1x12800xf32, #tpu.memory_space<vmem>>) dst(%dma_wait3A_1339 : memref<1x12800xf32, #tpu.memory_space<hbm>>)
    %add3A_1340 = arith.constant 95 : i32
    %add3A_1341 = arith.addi %mul3A_2, %add3A_1340 : i32
    %dma_wait3A_1342 = arith.constant 0 : i32
    %dma_wait3A_1343 = tpu.memref_slice %arg3[%add3A_1341, %dma_wait3A_1342] : memref<4096x12800xf32, #tpu.memory_space<hbm>> -> memref<1x12800xf32, #tpu.memory_space<hbm>>
    %dma_wait3A_1344 = arith.constant 0 : i32
    %dma_wait3A_1345 = tpu.memref_slice %arg3[%add3A_1341, %dma_wait3A_1344] : memref<4096x12800xf32, #tpu.memory_space<hbm>> -> memref<1x12800xf32, #tpu.memory_space<hbm>>
    tpu.wait_dma2 semaphore(%arg5 : memref<!tpu.dma_semaphore, #tpu.memory_space<semaphore_mem>>) src(%arg4 : memref<1x12800xf32, #tpu.memory_space<vmem>>) dst(%dma_wait3A_1345 : memref<1x12800xf32, #tpu.memory_space<hbm>>)
    %add3A_1346 = arith.constant 96 : i32
    %add3A_1347 = arith.addi %mul3A_2, %add3A_1346 : i32
    %dma_wait3A_1348 = arith.constant 0 : i32
    %dma_wait3A_1349 = tpu.memref_slice %arg3[%add3A_1347, %dma_wait3A_1348] : memref<4096x12800xf32, #tpu.memory_space<hbm>> -> memref<1x12800xf32, #tpu.memory_space<hbm>>
    %dma_wait3A_1350 = arith.constant 0 : i32
    %dma_wait3A_1351 = tpu.memref_slice %arg3[%add3A_1347, %dma_wait3A_1350] : memref<4096x12800xf32, #tpu.memory_space<hbm>> -> memref<1x12800xf32, #tpu.memory_space<hbm>>
    tpu.wait_dma2 semaphore(%arg5 : memref<!tpu.dma_semaphore, #tpu.memory_space<semaphore_mem>>) src(%arg4 : memref<1x12800xf32, #tpu.memory_space<vmem>>) dst(%dma_wait3A_1351 : memref<1x12800xf32, #tpu.memory_space<hbm>>)
    %add3A_1352 = arith.constant 97 : i32
    %add3A_1353 = arith.addi %mul3A_2, %add3A_1352 : i32
    %dma_wait3A_1354 = arith.constant 0 : i32
    %dma_wait3A_1355 = tpu.memref_slice %arg3[%add3A_1353, %dma_wait3A_1354] : memref<4096x12800xf32, #tpu.memory_space<hbm>> -> memref<1x12800xf32, #tpu.memory_space<hbm>>
    %dma_wait3A_1356 = arith.constant 0 : i32
    %dma_wait3A_1357 = tpu.memref_slice %arg3[%add3A_1353, %dma_wait3A_1356] : memref<4096x12800xf32, #tpu.memory_space<hbm>> -> memref<1x12800xf32, #tpu.memory_space<hbm>>
    tpu.wait_dma2 semaphore(%arg5 : memref<!tpu.dma_semaphore, #tpu.memory_space<semaphore_mem>>) src(%arg4 : memref<1x12800xf32, #tpu.memory_space<vmem>>) dst(%dma_wait3A_1357 : memref<1x12800xf32, #tpu.memory_space<hbm>>)
    %add3A_1358 = arith.constant 98 : i32
    %add3A_1359 = arith.addi %mul3A_2, %add3A_1358 : i32
    %dma_wait3A_1360 = arith.constant 0 : i32
    %dma_wait3A_1361 = tpu.memref_slice %arg3[%add3A_1359, %dma_wait3A_1360] : memref<4096x12800xf32, #tpu.memory_space<hbm>> -> memref<1x12800xf32, #tpu.memory_space<hbm>>
    %dma_wait3A_1362 = arith.constant 0 : i32
    %dma_wait3A_1363 = tpu.memref_slice %arg3[%add3A_1359, %dma_wait3A_1362] : memref<4096x12800xf32, #tpu.memory_space<hbm>> -> memref<1x12800xf32, #tpu.memory_space<hbm>>
    tpu.wait_dma2 semaphore(%arg5 : memref<!tpu.dma_semaphore, #tpu.memory_space<semaphore_mem>>) src(%arg4 : memref<1x12800xf32, #tpu.memory_space<vmem>>) dst(%dma_wait3A_1363 : memref<1x12800xf32, #tpu.memory_space<hbm>>)
    %add3A_1364 = arith.constant 99 : i32
    %add3A_1365 = arith.addi %mul3A_2, %add3A_1364 : i32
    %dma_wait3A_1366 = arith.constant 0 : i32
    %dma_wait3A_1367 = tpu.memref_slice %arg3[%add3A_1365, %dma_wait3A_1366] : memref<4096x12800xf32, #tpu.memory_space<hbm>> -> memref<1x12800xf32, #tpu.memory_space<hbm>>
    %dma_wait3A_1368 = arith.constant 0 : i32
    %dma_wait3A_1369 = tpu.memref_slice %arg3[%add3A_1365, %dma_wait3A_1368] : memref<4096x12800xf32, #tpu.memory_space<hbm>> -> memref<1x12800xf32, #tpu.memory_space<hbm>>
    tpu.wait_dma2 semaphore(%arg5 : memref<!tpu.dma_semaphore, #tpu.memory_space<semaphore_mem>>) src(%arg4 : memref<1x12800xf32, #tpu.memory_space<vmem>>) dst(%dma_wait3A_1369 : memref<1x12800xf32, #tpu.memory_space<hbm>>)
    %add3A_1370 = arith.constant 100 : i32
    %add3A_1371 = arith.addi %mul3A_2, %add3A_1370 : i32
    %dma_wait3A_1372 = arith.constant 0 : i32
    %dma_wait3A_1373 = tpu.memref_slice %arg3[%add3A_1371, %dma_wait3A_1372] : memref<4096x12800xf32, #tpu.memory_space<hbm>> -> memref<1x12800xf32, #tpu.memory_space<hbm>>
    %dma_wait3A_1374 = arith.constant 0 : i32
    %dma_wait3A_1375 = tpu.memref_slice %arg3[%add3A_1371, %dma_wait3A_1374] : memref<4096x12800xf32, #tpu.memory_space<hbm>> -> memref<1x12800xf32, #tpu.memory_space<hbm>>
    tpu.wait_dma2 semaphore(%arg5 : memref<!tpu.dma_semaphore, #tpu.memory_space<semaphore_mem>>) src(%arg4 : memref<1x12800xf32, #tpu.memory_space<vmem>>) dst(%dma_wait3A_1375 : memref<1x12800xf32, #tpu.memory_space<hbm>>)
    %add3A_1376 = arith.constant 101 : i32
    %add3A_1377 = arith.addi %mul3A_2, %add3A_1376 : i32
    %dma_wait3A_1378 = arith.constant 0 : i32
    %dma_wait3A_1379 = tpu.memref_slice %arg3[%add3A_1377, %dma_wait3A_1378] : memref<4096x12800xf32, #tpu.memory_space<hbm>> -> memref<1x12800xf32, #tpu.memory_space<hbm>>
    %dma_wait3A_1380 = arith.constant 0 : i32
    %dma_wait3A_1381 = tpu.memref_slice %arg3[%add3A_1377, %dma_wait3A_1380] : memref<4096x12800xf32, #tpu.memory_space<hbm>> -> memref<1x12800xf32, #tpu.memory_space<hbm>>
    tpu.wait_dma2 semaphore(%arg5 : memref<!tpu.dma_semaphore, #tpu.memory_space<semaphore_mem>>) src(%arg4 : memref<1x12800xf32, #tpu.memory_space<vmem>>) dst(%dma_wait3A_1381 : memref<1x12800xf32, #tpu.memory_space<hbm>>)
    %add3A_1382 = arith.constant 102 : i32
    %add3A_1383 = arith.addi %mul3A_2, %add3A_1382 : i32
    %dma_wait3A_1384 = arith.constant 0 : i32
    %dma_wait3A_1385 = tpu.memref_slice %arg3[%add3A_1383, %dma_wait3A_1384] : memref<4096x12800xf32, #tpu.memory_space<hbm>> -> memref<1x12800xf32, #tpu.memory_space<hbm>>
    %dma_wait3A_1386 = arith.constant 0 : i32
    %dma_wait3A_1387 = tpu.memref_slice %arg3[%add3A_1383, %dma_wait3A_1386] : memref<4096x12800xf32, #tpu.memory_space<hbm>> -> memref<1x12800xf32, #tpu.memory_space<hbm>>
    tpu.wait_dma2 semaphore(%arg5 : memref<!tpu.dma_semaphore, #tpu.memory_space<semaphore_mem>>) src(%arg4 : memref<1x12800xf32, #tpu.memory_space<vmem>>) dst(%dma_wait3A_1387 : memref<1x12800xf32, #tpu.memory_space<hbm>>)
    %add3A_1388 = arith.constant 103 : i32
    %add3A_1389 = arith.addi %mul3A_2, %add3A_1388 : i32
    %dma_wait3A_1390 = arith.constant 0 : i32
    %dma_wait3A_1391 = tpu.memref_slice %arg3[%add3A_1389, %dma_wait3A_1390] : memref<4096x12800xf32, #tpu.memory_space<hbm>> -> memref<1x12800xf32, #tpu.memory_space<hbm>>
    %dma_wait3A_1392 = arith.constant 0 : i32
    %dma_wait3A_1393 = tpu.memref_slice %arg3[%add3A_1389, %dma_wait3A_1392] : memref<4096x12800xf32, #tpu.memory_space<hbm>> -> memref<1x12800xf32, #tpu.memory_space<hbm>>
    tpu.wait_dma2 semaphore(%arg5 : memref<!tpu.dma_semaphore, #tpu.memory_space<semaphore_mem>>) src(%arg4 : memref<1x12800xf32, #tpu.memory_space<vmem>>) dst(%dma_wait3A_1393 : memref<1x12800xf32, #tpu.memory_space<hbm>>)
    %add3A_1394 = arith.constant 104 : i32
    %add3A_1395 = arith.addi %mul3A_2, %add3A_1394 : i32
    %dma_wait3A_1396 = arith.constant 0 : i32
    %dma_wait3A_1397 = tpu.memref_slice %arg3[%add3A_1395, %dma_wait3A_1396] : memref<4096x12800xf32, #tpu.memory_space<hbm>> -> memref<1x12800xf32, #tpu.memory_space<hbm>>
    %dma_wait3A_1398 = arith.constant 0 : i32
    %dma_wait3A_1399 = tpu.memref_slice %arg3[%add3A_1395, %dma_wait3A_1398] : memref<4096x12800xf32, #tpu.memory_space<hbm>> -> memref<1x12800xf32, #tpu.memory_space<hbm>>
    tpu.wait_dma2 semaphore(%arg5 : memref<!tpu.dma_semaphore, #tpu.memory_space<semaphore_mem>>) src(%arg4 : memref<1x12800xf32, #tpu.memory_space<vmem>>) dst(%dma_wait3A_1399 : memref<1x12800xf32, #tpu.memory_space<hbm>>)
    %add3A_1400 = arith.constant 105 : i32
    %add3A_1401 = arith.addi %mul3A_2, %add3A_1400 : i32
    %dma_wait3A_1402 = arith.constant 0 : i32
    %dma_wait3A_1403 = tpu.memref_slice %arg3[%add3A_1401, %dma_wait3A_1402] : memref<4096x12800xf32, #tpu.memory_space<hbm>> -> memref<1x12800xf32, #tpu.memory_space<hbm>>
    %dma_wait3A_1404 = arith.constant 0 : i32
    %dma_wait3A_1405 = tpu.memref_slice %arg3[%add3A_1401, %dma_wait3A_1404] : memref<4096x12800xf32, #tpu.memory_space<hbm>> -> memref<1x12800xf32, #tpu.memory_space<hbm>>
    tpu.wait_dma2 semaphore(%arg5 : memref<!tpu.dma_semaphore, #tpu.memory_space<semaphore_mem>>) src(%arg4 : memref<1x12800xf32, #tpu.memory_space<vmem>>) dst(%dma_wait3A_1405 : memref<1x12800xf32, #tpu.memory_space<hbm>>)
    %add3A_1406 = arith.constant 106 : i32
    %add3A_1407 = arith.addi %mul3A_2, %add3A_1406 : i32
    %dma_wait3A_1408 = arith.constant 0 : i32
    %dma_wait3A_1409 = tpu.memref_slice %arg3[%add3A_1407, %dma_wait3A_1408] : memref<4096x12800xf32, #tpu.memory_space<hbm>> -> memref<1x12800xf32, #tpu.memory_space<hbm>>
    %dma_wait3A_1410 = arith.constant 0 : i32
    %dma_wait3A_1411 = tpu.memref_slice %arg3[%add3A_1407, %dma_wait3A_1410] : memref<4096x12800xf32, #tpu.memory_space<hbm>> -> memref<1x12800xf32, #tpu.memory_space<hbm>>
    tpu.wait_dma2 semaphore(%arg5 : memref<!tpu.dma_semaphore, #tpu.memory_space<semaphore_mem>>) src(%arg4 : memref<1x12800xf32, #tpu.memory_space<vmem>>) dst(%dma_wait3A_1411 : memref<1x12800xf32, #tpu.memory_space<hbm>>)
    %add3A_1412 = arith.constant 107 : i32
    %add3A_1413 = arith.addi %mul3A_2, %add3A_1412 : i32
    %dma_wait3A_1414 = arith.constant 0 : i32
    %dma_wait3A_1415 = tpu.memref_slice %arg3[%add3A_1413, %dma_wait3A_1414] : memref<4096x12800xf32, #tpu.memory_space<hbm>> -> memref<1x12800xf32, #tpu.memory_space<hbm>>
    %dma_wait3A_1416 = arith.constant 0 : i32
    %dma_wait3A_1417 = tpu.memref_slice %arg3[%add3A_1413, %dma_wait3A_1416] : memref<4096x12800xf32, #tpu.memory_space<hbm>> -> memref<1x12800xf32, #tpu.memory_space<hbm>>
    tpu.wait_dma2 semaphore(%arg5 : memref<!tpu.dma_semaphore, #tpu.memory_space<semaphore_mem>>) src(%arg4 : memref<1x12800xf32, #tpu.memory_space<vmem>>) dst(%dma_wait3A_1417 : memref<1x12800xf32, #tpu.memory_space<hbm>>)
    %add3A_1418 = arith.constant 108 : i32
    %add3A_1419 = arith.addi %mul3A_2, %add3A_1418 : i32
    %dma_wait3A_1420 = arith.constant 0 : i32
    %dma_wait3A_1421 = tpu.memref_slice %arg3[%add3A_1419, %dma_wait3A_1420] : memref<4096x12800xf32, #tpu.memory_space<hbm>> -> memref<1x12800xf32, #tpu.memory_space<hbm>>
    %dma_wait3A_1422 = arith.constant 0 : i32
    %dma_wait3A_1423 = tpu.memref_slice %arg3[%add3A_1419, %dma_wait3A_1422] : memref<4096x12800xf32, #tpu.memory_space<hbm>> -> memref<1x12800xf32, #tpu.memory_space<hbm>>
    tpu.wait_dma2 semaphore(%arg5 : memref<!tpu.dma_semaphore, #tpu.memory_space<semaphore_mem>>) src(%arg4 : memref<1x12800xf32, #tpu.memory_space<vmem>>) dst(%dma_wait3A_1423 : memref<1x12800xf32, #tpu.memory_space<hbm>>)
    %add3A_1424 = arith.constant 109 : i32
    %add3A_1425 = arith.addi %mul3A_2, %add3A_1424 : i32
    %dma_wait3A_1426 = arith.constant 0 : i32
    %dma_wait3A_1427 = tpu.memref_slice %arg3[%add3A_1425, %dma_wait3A_1426] : memref<4096x12800xf32, #tpu.memory_space<hbm>> -> memref<1x12800xf32, #tpu.memory_space<hbm>>
    %dma_wait3A_1428 = arith.constant 0 : i32
    %dma_wait3A_1429 = tpu.memref_slice %arg3[%add3A_1425, %dma_wait3A_1428] : memref<4096x12800xf32, #tpu.memory_space<hbm>> -> memref<1x12800xf32, #tpu.memory_space<hbm>>
    tpu.wait_dma2 semaphore(%arg5 : memref<!tpu.dma_semaphore, #tpu.memory_space<semaphore_mem>>) src(%arg4 : memref<1x12800xf32, #tpu.memory_space<vmem>>) dst(%dma_wait3A_1429 : memref<1x12800xf32, #tpu.memory_space<hbm>>)
    %add3A_1430 = arith.constant 110 : i32
    %add3A_1431 = arith.addi %mul3A_2, %add3A_1430 : i32
    %dma_wait3A_1432 = arith.constant 0 : i32
    %dma_wait3A_1433 = tpu.memref_slice %arg3[%add3A_1431, %dma_wait3A_1432] : memref<4096x12800xf32, #tpu.memory_space<hbm>> -> memref<1x12800xf32, #tpu.memory_space<hbm>>
    %dma_wait3A_1434 = arith.constant 0 : i32
    %dma_wait3A_1435 = tpu.memref_slice %arg3[%add3A_1431, %dma_wait3A_1434] : memref<4096x12800xf32, #tpu.memory_space<hbm>> -> memref<1x12800xf32, #tpu.memory_space<hbm>>
    tpu.wait_dma2 semaphore(%arg5 : memref<!tpu.dma_semaphore, #tpu.memory_space<semaphore_mem>>) src(%arg4 : memref<1x12800xf32, #tpu.memory_space<vmem>>) dst(%dma_wait3A_1435 : memref<1x12800xf32, #tpu.memory_space<hbm>>)
    %add3A_1436 = arith.constant 111 : i32
    %add3A_1437 = arith.addi %mul3A_2, %add3A_1436 : i32
    %dma_wait3A_1438 = arith.constant 0 : i32
    %dma_wait3A_1439 = tpu.memref_slice %arg3[%add3A_1437, %dma_wait3A_1438] : memref<4096x12800xf32, #tpu.memory_space<hbm>> -> memref<1x12800xf32, #tpu.memory_space<hbm>>
    %dma_wait3A_1440 = arith.constant 0 : i32
    %dma_wait3A_1441 = tpu.memref_slice %arg3[%add3A_1437, %dma_wait3A_1440] : memref<4096x12800xf32, #tpu.memory_space<hbm>> -> memref<1x12800xf32, #tpu.memory_space<hbm>>
    tpu.wait_dma2 semaphore(%arg5 : memref<!tpu.dma_semaphore, #tpu.memory_space<semaphore_mem>>) src(%arg4 : memref<1x12800xf32, #tpu.memory_space<vmem>>) dst(%dma_wait3A_1441 : memref<1x12800xf32, #tpu.memory_space<hbm>>)
    %add3A_1442 = arith.constant 112 : i32
    %add3A_1443 = arith.addi %mul3A_2, %add3A_1442 : i32
    %dma_wait3A_1444 = arith.constant 0 : i32
    %dma_wait3A_1445 = tpu.memref_slice %arg3[%add3A_1443, %dma_wait3A_1444] : memref<4096x12800xf32, #tpu.memory_space<hbm>> -> memref<1x12800xf32, #tpu.memory_space<hbm>>
    %dma_wait3A_1446 = arith.constant 0 : i32
    %dma_wait3A_1447 = tpu.memref_slice %arg3[%add3A_1443, %dma_wait3A_1446] : memref<4096x12800xf32, #tpu.memory_space<hbm>> -> memref<1x12800xf32, #tpu.memory_space<hbm>>
    tpu.wait_dma2 semaphore(%arg5 : memref<!tpu.dma_semaphore, #tpu.memory_space<semaphore_mem>>) src(%arg4 : memref<1x12800xf32, #tpu.memory_space<vmem>>) dst(%dma_wait3A_1447 : memref<1x12800xf32, #tpu.memory_space<hbm>>)
    %add3A_1448 = arith.constant 113 : i32
    %add3A_1449 = arith.addi %mul3A_2, %add3A_1448 : i32
    %dma_wait3A_1450 = arith.constant 0 : i32
    %dma_wait3A_1451 = tpu.memref_slice %arg3[%add3A_1449, %dma_wait3A_1450] : memref<4096x12800xf32, #tpu.memory_space<hbm>> -> memref<1x12800xf32, #tpu.memory_space<hbm>>
    %dma_wait3A_1452 = arith.constant 0 : i32
    %dma_wait3A_1453 = tpu.memref_slice %arg3[%add3A_1449, %dma_wait3A_1452] : memref<4096x12800xf32, #tpu.memory_space<hbm>> -> memref<1x12800xf32, #tpu.memory_space<hbm>>
    tpu.wait_dma2 semaphore(%arg5 : memref<!tpu.dma_semaphore, #tpu.memory_space<semaphore_mem>>) src(%arg4 : memref<1x12800xf32, #tpu.memory_space<vmem>>) dst(%dma_wait3A_1453 : memref<1x12800xf32, #tpu.memory_space<hbm>>)
    %add3A_1454 = arith.constant 114 : i32
    %add3A_1455 = arith.addi %mul3A_2, %add3A_1454 : i32
    %dma_wait3A_1456 = arith.constant 0 : i32
    %dma_wait3A_1457 = tpu.memref_slice %arg3[%add3A_1455, %dma_wait3A_1456] : memref<4096x12800xf32, #tpu.memory_space<hbm>> -> memref<1x12800xf32, #tpu.memory_space<hbm>>
    %dma_wait3A_1458 = arith.constant 0 : i32
    %dma_wait3A_1459 = tpu.memref_slice %arg3[%add3A_1455, %dma_wait3A_1458] : memref<4096x12800xf32, #tpu.memory_space<hbm>> -> memref<1x12800xf32, #tpu.memory_space<hbm>>
    tpu.wait_dma2 semaphore(%arg5 : memref<!tpu.dma_semaphore, #tpu.memory_space<semaphore_mem>>) src(%arg4 : memref<1x12800xf32, #tpu.memory_space<vmem>>) dst(%dma_wait3A_1459 : memref<1x12800xf32, #tpu.memory_space<hbm>>)
    %add3A_1460 = arith.constant 115 : i32
    %add3A_1461 = arith.addi %mul3A_2, %add3A_1460 : i32
    %dma_wait3A_1462 = arith.constant 0 : i32
    %dma_wait3A_1463 = tpu.memref_slice %arg3[%add3A_1461, %dma_wait3A_1462] : memref<4096x12800xf32, #tpu.memory_space<hbm>> -> memref<1x12800xf32, #tpu.memory_space<hbm>>
    %dma_wait3A_1464 = arith.constant 0 : i32
    %dma_wait3A_1465 = tpu.memref_slice %arg3[%add3A_1461, %dma_wait3A_1464] : memref<4096x12800xf32, #tpu.memory_space<hbm>> -> memref<1x12800xf32, #tpu.memory_space<hbm>>
    tpu.wait_dma2 semaphore(%arg5 : memref<!tpu.dma_semaphore, #tpu.memory_space<semaphore_mem>>) src(%arg4 : memref<1x12800xf32, #tpu.memory_space<vmem>>) dst(%dma_wait3A_1465 : memref<1x12800xf32, #tpu.memory_space<hbm>>)
    %add3A_1466 = arith.constant 116 : i32
    %add3A_1467 = arith.addi %mul3A_2, %add3A_1466 : i32
    %dma_wait3A_1468 = arith.constant 0 : i32
    %dma_wait3A_1469 = tpu.memref_slice %arg3[%add3A_1467, %dma_wait3A_1468] : memref<4096x12800xf32, #tpu.memory_space<hbm>> -> memref<1x12800xf32, #tpu.memory_space<hbm>>
    %dma_wait3A_1470 = arith.constant 0 : i32
    %dma_wait3A_1471 = tpu.memref_slice %arg3[%add3A_1467, %dma_wait3A_1470] : memref<4096x12800xf32, #tpu.memory_space<hbm>> -> memref<1x12800xf32, #tpu.memory_space<hbm>>
    tpu.wait_dma2 semaphore(%arg5 : memref<!tpu.dma_semaphore, #tpu.memory_space<semaphore_mem>>) src(%arg4 : memref<1x12800xf32, #tpu.memory_space<vmem>>) dst(%dma_wait3A_1471 : memref<1x12800xf32, #tpu.memory_space<hbm>>)
    %add3A_1472 = arith.constant 117 : i32
    %add3A_1473 = arith.addi %mul3A_2, %add3A_1472 : i32
    %dma_wait3A_1474 = arith.constant 0 : i32
    %dma_wait3A_1475 = tpu.memref_slice %arg3[%add3A_1473, %dma_wait3A_1474] : memref<4096x12800xf32, #tpu.memory_space<hbm>> -> memref<1x12800xf32, #tpu.memory_space<hbm>>
    %dma_wait3A_1476 = arith.constant 0 : i32
    %dma_wait3A_1477 = tpu.memref_slice %arg3[%add3A_1473, %dma_wait3A_1476] : memref<4096x12800xf32, #tpu.memory_space<hbm>> -> memref<1x12800xf32, #tpu.memory_space<hbm>>
    tpu.wait_dma2 semaphore(%arg5 : memref<!tpu.dma_semaphore, #tpu.memory_space<semaphore_mem>>) src(%arg4 : memref<1x12800xf32, #tpu.memory_space<vmem>>) dst(%dma_wait3A_1477 : memref<1x12800xf32, #tpu.memory_space<hbm>>)
    %add3A_1478 = arith.constant 118 : i32
    %add3A_1479 = arith.addi %mul3A_2, %add3A_1478 : i32
    %dma_wait3A_1480 = arith.constant 0 : i32
    %dma_wait3A_1481 = tpu.memref_slice %arg3[%add3A_1479, %dma_wait3A_1480] : memref<4096x12800xf32, #tpu.memory_space<hbm>> -> memref<1x12800xf32, #tpu.memory_space<hbm>>
    %dma_wait3A_1482 = arith.constant 0 : i32
    %dma_wait3A_1483 = tpu.memref_slice %arg3[%add3A_1479, %dma_wait3A_1482] : memref<4096x12800xf32, #tpu.memory_space<hbm>> -> memref<1x12800xf32, #tpu.memory_space<hbm>>
    tpu.wait_dma2 semaphore(%arg5 : memref<!tpu.dma_semaphore, #tpu.memory_space<semaphore_mem>>) src(%arg4 : memref<1x12800xf32, #tpu.memory_space<vmem>>) dst(%dma_wait3A_1483 : memref<1x12800xf32, #tpu.memory_space<hbm>>)
    %add3A_1484 = arith.constant 119 : i32
    %add3A_1485 = arith.addi %mul3A_2, %add3A_1484 : i32
    %dma_wait3A_1486 = arith.constant 0 : i32
    %dma_wait3A_1487 = tpu.memref_slice %arg3[%add3A_1485, %dma_wait3A_1486] : memref<4096x12800xf32, #tpu.memory_space<hbm>> -> memref<1x12800xf32, #tpu.memory_space<hbm>>
    %dma_wait3A_1488 = arith.constant 0 : i32
    %dma_wait3A_1489 = tpu.memref_slice %arg3[%add3A_1485, %dma_wait3A_1488] : memref<4096x12800xf32, #tpu.memory_space<hbm>> -> memref<1x12800xf32, #tpu.memory_space<hbm>>
    tpu.wait_dma2 semaphore(%arg5 : memref<!tpu.dma_semaphore, #tpu.memory_space<semaphore_mem>>) src(%arg4 : memref<1x12800xf32, #tpu.memory_space<vmem>>) dst(%dma_wait3A_1489 : memref<1x12800xf32, #tpu.memory_space<hbm>>)
    %add3A_1490 = arith.constant 120 : i32
    %add3A_1491 = arith.addi %mul3A_2, %add3A_1490 : i32
    %dma_wait3A_1492 = arith.constant 0 : i32
    %dma_wait3A_1493 = tpu.memref_slice %arg3[%add3A_1491, %dma_wait3A_1492] : memref<4096x12800xf32, #tpu.memory_space<hbm>> -> memref<1x12800xf32, #tpu.memory_space<hbm>>
    %dma_wait3A_1494 = arith.constant 0 : i32
    %dma_wait3A_1495 = tpu.memref_slice %arg3[%add3A_1491, %dma_wait3A_1494] : memref<4096x12800xf32, #tpu.memory_space<hbm>> -> memref<1x12800xf32, #tpu.memory_space<hbm>>
    tpu.wait_dma2 semaphore(%arg5 : memref<!tpu.dma_semaphore, #tpu.memory_space<semaphore_mem>>) src(%arg4 : memref<1x12800xf32, #tpu.memory_space<vmem>>) dst(%dma_wait3A_1495 : memref<1x12800xf32, #tpu.memory_space<hbm>>)
    %add3A_1496 = arith.constant 121 : i32
    %add3A_1497 = arith.addi %mul3A_2, %add3A_1496 : i32
    %dma_wait3A_1498 = arith.constant 0 : i32
    %dma_wait3A_1499 = tpu.memref_slice %arg3[%add3A_1497, %dma_wait3A_1498] : memref<4096x12800xf32, #tpu.memory_space<hbm>> -> memref<1x12800xf32, #tpu.memory_space<hbm>>
    %dma_wait3A_1500 = arith.constant 0 : i32
    %dma_wait3A_1501 = tpu.memref_slice %arg3[%add3A_1497, %dma_wait3A_1500] : memref<4096x12800xf32, #tpu.memory_space<hbm>> -> memref<1x12800xf32, #tpu.memory_space<hbm>>
    tpu.wait_dma2 semaphore(%arg5 : memref<!tpu.dma_semaphore, #tpu.memory_space<semaphore_mem>>) src(%arg4 : memref<1x12800xf32, #tpu.memory_space<vmem>>) dst(%dma_wait3A_1501 : memref<1x12800xf32, #tpu.memory_space<hbm>>)
    %add3A_1502 = arith.constant 122 : i32
    %add3A_1503 = arith.addi %mul3A_2, %add3A_1502 : i32
    %dma_wait3A_1504 = arith.constant 0 : i32
    %dma_wait3A_1505 = tpu.memref_slice %arg3[%add3A_1503, %dma_wait3A_1504] : memref<4096x12800xf32, #tpu.memory_space<hbm>> -> memref<1x12800xf32, #tpu.memory_space<hbm>>
    %dma_wait3A_1506 = arith.constant 0 : i32
    %dma_wait3A_1507 = tpu.memref_slice %arg3[%add3A_1503, %dma_wait3A_1506] : memref<4096x12800xf32, #tpu.memory_space<hbm>> -> memref<1x12800xf32, #tpu.memory_space<hbm>>
    tpu.wait_dma2 semaphore(%arg5 : memref<!tpu.dma_semaphore, #tpu.memory_space<semaphore_mem>>) src(%arg4 : memref<1x12800xf32, #tpu.memory_space<vmem>>) dst(%dma_wait3A_1507 : memref<1x12800xf32, #tpu.memory_space<hbm>>)
    %add3A_1508 = arith.constant 123 : i32
    %add3A_1509 = arith.addi %mul3A_2, %add3A_1508 : i32
    %dma_wait3A_1510 = arith.constant 0 : i32
    %dma_wait3A_1511 = tpu.memref_slice %arg3[%add3A_1509, %dma_wait3A_1510] : memref<4096x12800xf32, #tpu.memory_space<hbm>> -> memref<1x12800xf32, #tpu.memory_space<hbm>>
    %dma_wait3A_1512 = arith.constant 0 : i32
    %dma_wait3A_1513 = tpu.memref_slice %arg3[%add3A_1509, %dma_wait3A_1512] : memref<4096x12800xf32, #tpu.memory_space<hbm>> -> memref<1x12800xf32, #tpu.memory_space<hbm>>
    tpu.wait_dma2 semaphore(%arg5 : memref<!tpu.dma_semaphore, #tpu.memory_space<semaphore_mem>>) src(%arg4 : memref<1x12800xf32, #tpu.memory_space<vmem>>) dst(%dma_wait3A_1513 : memref<1x12800xf32, #tpu.memory_space<hbm>>)
    %add3A_1514 = arith.constant 124 : i32
    %add3A_1515 = arith.addi %mul3A_2, %add3A_1514 : i32
    %dma_wait3A_1516 = arith.constant 0 : i32
    %dma_wait3A_1517 = tpu.memref_slice %arg3[%add3A_1515, %dma_wait3A_1516] : memref<4096x12800xf32, #tpu.memory_space<hbm>> -> memref<1x12800xf32, #tpu.memory_space<hbm>>
    %dma_wait3A_1518 = arith.constant 0 : i32
    %dma_wait3A_1519 = tpu.memref_slice %arg3[%add3A_1515, %dma_wait3A_1518] : memref<4096x12800xf32, #tpu.memory_space<hbm>> -> memref<1x12800xf32, #tpu.memory_space<hbm>>
    tpu.wait_dma2 semaphore(%arg5 : memref<!tpu.dma_semaphore, #tpu.memory_space<semaphore_mem>>) src(%arg4 : memref<1x12800xf32, #tpu.memory_space<vmem>>) dst(%dma_wait3A_1519 : memref<1x12800xf32, #tpu.memory_space<hbm>>)
    %add3A_1520 = arith.constant 125 : i32
    %add3A_1521 = arith.addi %mul3A_2, %add3A_1520 : i32
    %dma_wait3A_1522 = arith.constant 0 : i32
    %dma_wait3A_1523 = tpu.memref_slice %arg3[%add3A_1521, %dma_wait3A_1522] : memref<4096x12800xf32, #tpu.memory_space<hbm>> -> memref<1x12800xf32, #tpu.memory_space<hbm>>
    %dma_wait3A_1524 = arith.constant 0 : i32
    %dma_wait3A_1525 = tpu.memref_slice %arg3[%add3A_1521, %dma_wait3A_1524] : memref<4096x12800xf32, #tpu.memory_space<hbm>> -> memref<1x12800xf32, #tpu.memory_space<hbm>>
    tpu.wait_dma2 semaphore(%arg5 : memref<!tpu.dma_semaphore, #tpu.memory_space<semaphore_mem>>) src(%arg4 : memref<1x12800xf32, #tpu.memory_space<vmem>>) dst(%dma_wait3A_1525 : memref<1x12800xf32, #tpu.memory_space<hbm>>)
    %add3A_1526 = arith.constant 126 : i32
    %add3A_1527 = arith.addi %mul3A_2, %add3A_1526 : i32
    %dma_wait3A_1528 = arith.constant 0 : i32
    %dma_wait3A_1529 = tpu.memref_slice %arg3[%add3A_1527, %dma_wait3A_1528] : memref<4096x12800xf32, #tpu.memory_space<hbm>> -> memref<1x12800xf32, #tpu.memory_space<hbm>>
    %dma_wait3A_1530 = arith.constant 0 : i32
    %dma_wait3A_1531 = tpu.memref_slice %arg3[%add3A_1527, %dma_wait3A_1530] : memref<4096x12800xf32, #tpu.memory_space<hbm>> -> memref<1x12800xf32, #tpu.memory_space<hbm>>
    tpu.wait_dma2 semaphore(%arg5 : memref<!tpu.dma_semaphore, #tpu.memory_space<semaphore_mem>>) src(%arg4 : memref<1x12800xf32, #tpu.memory_space<vmem>>) dst(%dma_wait3A_1531 : memref<1x12800xf32, #tpu.memory_space<hbm>>)
    %add3A_1532 = arith.constant 127 : i32
    %add3A_1533 = arith.addi %mul3A_2, %add3A_1532 : i32
    %dma_wait3A_1534 = arith.constant 0 : i32
    %dma_wait3A_1535 = tpu.memref_slice %arg3[%add3A_1533, %dma_wait3A_1534] : memref<4096x12800xf32, #tpu.memory_space<hbm>> -> memref<1x12800xf32, #tpu.memory_space<hbm>>
    %dma_wait3A_1536 = arith.constant 0 : i32
    %dma_wait3A_1537 = tpu.memref_slice %arg3[%add3A_1533, %dma_wait3A_1536] : memref<4096x12800xf32, #tpu.memory_space<hbm>> -> memref<1x12800xf32, #tpu.memory_space<hbm>>
    tpu.wait_dma2 semaphore(%arg5 : memref<!tpu.dma_semaphore, #tpu.memory_space<semaphore_mem>>) src(%arg4 : memref<1x12800xf32, #tpu.memory_space<vmem>>) dst(%dma_wait3A_1537 : memref<1x12800xf32, #tpu.memory_space<hbm>>)
    return
  }
}

</mosaic_0001>

<sc_bundles>
// kernel: kernel.3.cloned.1.call-start
scs
__scs_entry_jumppad:
0x0: {  	(pc) =	sbr.rel $0x88, $3  }
0x1: {  	(tag) =	ssettag $0x0;
	lr =	simm.s32 $0x1  }
0x2: {  	[smem:$0x3FA0] =	sst lr;
	_ =	strace $0xD0000000  }
0x3: {  	_ = 	snop  }
0x4: {  	_ = 	snop  }
0x5: {  	_ = 	snop  }
0x6: {  	_ = 	snop  }
0x7: {  	_ = 	snop  }
__scs_overlays_trampoline_lowered:
0x8: {  	[smem:$0x3FAF] =	sst s0  }
0x9: {  	[smem:$0x3FB0] =	sst s1  }
0xa: {  	[smem:$0x3FB1] =	sst s2  }
0xb: {  	[smem:$0x3FB2] =	sst s3  }
0xc: {  	[smem:$0x3FB3] =	sst s4  }
0xd: {  	[smem:$0x3FB4] =	sst s5  }
0xe: {  	[smem:$0x3FB5] =	sst s6  }
0xf: {  	[smem:$0x3FB6] =	sst s7  }
0x10: {  	[smem:$0x3FB7] =	sst s8  }
0x11: {  	[smem:$0x3FB8] =	sst s9;
	s0 =	simm.s32 @!p0 $0x0  }
0x12: {  	s1 =	sld [smem:$0x3F9E];
	s0 =	simm.s32 @p0 $0x1  }
0x13: {  	[smem:$0x3FB9] =	sst s0;
	s0 =	simm.s32 @!p1 $0x0  }
0x14: {  	s2 =	sld [smem:$0x3F9D];
	s0 =	simm.s32 @p1 $0x1  }
0x15: {  	[smem:$0x3FBA] =	sst s0;
	s0 =	simm.s32 @!p2 $0x0  }
0x16: {  	s3 =	sld [smem:$0x3FDB];
	s0 =	simm.s32 @p2 $0x1  }
0x17: {  	s4 =	simm.s32 $0x1BF5;
	[smem:$0x3FBC] =	sst s0  }
0x18: {  	s0 =	sld [smem:$0x3F9F];
	_ =	swait.ge [sflag:s4], $0x0  }
0x19: {  	s7 =	sld [smem:$0x3FA0]  }
0x1a: {  	s8 =	sadd.s32 $0xFFFFE003, lr  }
0x1b: {  	s9 =	sadd.s32 $0xFFFFFEF7, lr;
	s5 =	simm.s32 $0xFFFFFFFF;
	p2 =	slt.u32 s8, $0xFFFFF086  }
0x1c: {  	p1 =	slt.u32 s9, $0xF7A;
	s5 =	simm.s32 @!p2 $0x0  }
0x1d: {  	s5 =	simm.s32 @p1 $0x1;
	p0 =	seq.s32 s7, s2  }
0x1e: {  	s7 =	smul.u32 @!p0 $0xF7A, s2;
	p2 =	seq.s32 @!p0 s5, $0x0  }
0x1f: {  	s9 =	smul.u32 $0xF7A, s1;
	s8 =	simm.s32 @!p0 $0x1BF5;
	p2 =	por !p2, p0  }
0x20: {  	[sflag:s8] =	ssyncset.s32 @!p0 $0xFFFFF086;
	s6 =	sadd.s32 @!p0 s3, s7;
	s7 =	simm.s32 @!p0 $0x108  }
0x21: {  	s3 =	sadd.s32 s3, s9;
	s6 =	sadd.s32 @!p0 $0x88, s6;
	s7 =	simm.s32 @p2 $0x1082  }
0x22: {  	[simem:s7], [sflag:s8] =	dma.local @!p0 [hbm:s6], $0xF7A  }
0x23: {  	s9 =	sor.u32 $0xD0000000, s2;
	s6 =	simm.s32 $0x108;
	_ =	swait.ge @!p0 [sflag:s8], $0x0  }
0x24: {  	s3 =	sadd.s32 $0x88, s3;
	s6 =	simm.s32 @!p1 $0x1082;
	[sflag:s4] =	ssyncset.s32 $0xFFFFF086  }
0x25: {  	[simem:s6], [sflag:s4] =	dma.local [hbm:s3], $0xF7A  }
0x26: {  	[smem:$0x3FA0] =	sst s1;
	(tag) =	ssettag s2;
	_ =	strace s9  }
0x27: {  	s1 =	sld [smem:$0x3FB0]  }
0x28: {  	s2 =	sld [smem:$0x3FB1]  }
0x29: {  	s4 =	sld [smem:$0x3FB3]  }
0x2a: {  	p0 =	seq.s32 s5, $0x0;
	s5 =	sld [smem:$0x3FB4]  }
0x2b: {  	s6 =	sld [smem:$0x3FB5]  }
0x2c: {  	s7 =	sld [smem:$0x3FB6]  }
0x2d: {  	s3 =	simm.s32 $0x108;
	s8 =	sld [smem:$0x3FB7]  }
0x2e: {  	s3 =	simm.s32 @!p0 $0x1082;
	s9 =	sld [smem:$0x3FB8]  }
0x2f: {  	lr =	sadd.s32 s0, s3;
	s0 =	sld [smem:$0x3FAF]  }
0x30: {  	s3 =	sld [smem:$0x3FB2]  }
0x31: {  	[smem:$0x3FBB] =	sst s10  }
0x32: {  	s10 =	sld [smem:$0x3FB9];
	_ =	sdelay $0x3  }
0x33: {  	p0 =	seq.s32 s10, $0x1;
	s10 =	sld [smem:$0x3FBB];
	_ =	sdelay $0x3  }
0x34: {  	[smem:$0x3FBB] =	sst s10  }
0x35: {  	s10 =	sld [smem:$0x3FBA];
	_ =	sdelay $0x3  }
0x36: {  	p1 =	seq.s32 s10, $0x1;
	s10 =	sld [smem:$0x3FBB];
	_ =	sdelay $0x3  }
0x37: {  	[smem:$0x3FBB] =	sst s10  }
0x38: {  	s10 =	sld [smem:$0x3FBC]  }
0x39: {  	_ = 	snop;
	(pc) =	sbr.ind lr, $3  }
0x3a: {  	_ = 	snop  }
0x3b: {  	_ = 	snop  }
0x3c: {  	p2 =	seq.s32 s10, $0x1;
	s10 =	sld [smem:$0x3FBB]  }
0x3d: {  	_ =	shalt  }
0x3e: {  	_ =	shalt  }
0x3f: {  	_ =	shalt  }
0x40: {  	_ =	shalt  }
0x41: {  	_ =	shalt  }
0x42: {  	_ =	shalt  }
0x43: {  	_ =	shalt  }
0x44: {  	_ =	shalt  }
0x45: {  	_ =	shalt  }
0x46: {  	_ =	shalt  }
0x47: {  	_ =	shalt  }
0x48: {  	_ =	shalt  }
0x49: {  	_ =	shalt  }
0x4a: {  	_ =	shalt  }
0x4b: {  	_ =	shalt  }
0x4c: {  	_ =	shalt  }
0x4d: {  	_ =	shalt  }
0x4e: {  	_ =	shalt  }
0x4f: {  	_ =	shalt  }
0x50: {  	_ =	shalt  }
0x51: {  	_ =	shalt  }
0x52: {  	_ =	shalt  }
0x53: {  	_ =	shalt  }
0x54: {  	_ =	shalt  }
0x55: {  	_ =	shalt  }
0x56: {  	_ =	shalt  }
0x57: {  	_ =	shalt  }
0x58: {  	_ =	shalt  }
0x59: {  	_ =	shalt  }
0x5a: {  	_ =	shalt  }
0x5b: {  	_ =	shalt  }
0x5c: {  	_ =	shalt  }
0x5d: {  	_ =	shalt  }
0x5e: {  	_ =	shalt  }
0x5f: {  	_ =	shalt  }
0x60: {  	_ =	shalt  }
0x61: {  	_ =	shalt  }
0x62: {  	_ =	shalt  }
0x63: {  	_ =	shalt  }
0x64: {  	_ =	shalt  }
0x65: {  	_ =	shalt  }
0x66: {  	_ =	shalt  }
0x67: {  	_ =	shalt  }
0x68: {  	_ =	shalt  }
0x69: {  	_ =	shalt  }
0x6a: {  	_ =	shalt  }
0x6b: {  	_ =	shalt  }
0x6c: {  	_ =	shalt  }
0x6d: {  	_ =	shalt  }
0x6e: {  	_ =	shalt  }
0x6f: {  	_ =	shalt  }
0x70: {  	_ =	shalt  }
0x71: {  	_ =	shalt  }
0x72: {  	_ =	shalt  }
0x73: {  	_ =	shalt  }
0x74: {  	_ =	shalt  }
0x75: {  	_ =	shalt  }
0x76: {  	_ =	shalt  }
0x77: {  	_ =	shalt  }
0x78: {  	_ =	shalt  }
0x79: {  	_ =	shalt  }
0x7a: {  	_ =	shalt  }
0x7b: {  	_ =	shalt  }
0x7c: {  	_ =	shalt  }
0x7d: {  	_ =	shalt  }
0x7e: {  	_ =	shalt  }
0x7f: {  	_ =	shalt  }
0x80: {  	_ =	shalt  }
0x81: {  	_ =	shalt  }
0x82: {  	_ =	shalt  }
0x83: {  	_ =	shalt  }
0x84: {  	_ =	shalt  }
0x85: {  	_ =	shalt  }
0x86: {  	_ =	shalt  }
0x87: {  	_ =	shalt  }
.Lfunc_end0:
.L_simem_size_0:
called_computation_lowered:
.L_overlay_start_0:
0x88: {  	s2 =	sld [smem:$0x3FD9]  }
0x89: {  	s3 =	sld [smem:$0x3FFE];
	_ =	sdelay $0x1  }
0x8a: {  	s1 =	srdreg.scid  }
0x8b: {  	s0 =	sand.u32 $0x1, s1  }
0x8c: {  	s17 =	sshll.u32 s0, $0xA;
	s2 =	sadd.s32 s3, s2  }
0x8d: {  	s2 =	sadd.s32 s2, s17  }
0x8e: {  	[smem:$0x3FC7] =	sst s2  }
0x8f: {  	_ = 	snop  }
0x90: {  	s2 =	sld [smem:$0x3FD0];
	(tm) =	ssettm $0x1  }
0x91: {  	s18 =	sld [smem:$0x3FFB];
	_ =	sdelay $0x3  }
0x92: {  	_ =	strace s18  }
0x93: {  	s3 =	sld [smem:$0x3FFC];
	_ =	sdelay $0x3  }
0x94: {  	_ =	strace s3  }
0x95: {  	s3 =	sld [smem:$0x3FFD];
	_ =	sdelay $0x3  }
0x96: {  	_ =	strace s3  }
0x97: {  	_ =	strace $0x8FFFFFFF  }
0x98: {  	s19 =	sld [smem:$0x3FDB];
	_ =	sdelay $0x1  }
0x99: {  	s4 =	simm.s32 $_scs_section_size  }
0x9a: {  	s5 =	simm.s32 $_size__tile_overlayer_lowered;
	s6 =	simm.s32 $_tile_overlayer_lowered  }
0x9b: {  	s22 =	simm.s32 $0x1BFF;
	s21 =	sshll.u32 s6, $0x1;
	s3 =	sadd.s32 s4, s19  }
0x9c: {  	s7 =	simm.s32 $0x0;
	s20 =	sshll.u32 s5, $0x1;
	s5 =	sadd.s32 s21, s3  }
0x9d: {  	[timem:s7], [sflag:s22] =	dma.local [hbm:s5], s20  }
0x9e: {  	_ =	swait.ge [sflag:s22], s20  }
0x9f: {  	s4 =	ssub.s32 $0x0, s20;
	[sflag:s22] =	ssyncset.done $0x0  }
0xa0: {  	[sflag:s22] =	ssyncadd.s32 s4;
	_ =	sdelay $0x1  }
0xa1: {  	s23 =	simm.s32 $0x1B8B  }
0xa2: {  	_ =	swait.ge [sflag:s23], $0x1  }
0xa3: {  	[sflag:s23] =	ssyncset.done $0x0  }
0xa4: {  	s25 =	simm.s32 $0x1B8E;
	s24 =	sld [smem:$0x3FFE];
	[sflag:s23] =	ssyncadd.s32 $0xFFFFFFFF  }
0xa5: {  	s26 =	simm.s32 $execute0_lowered;
	[smem:$0x3FD2] =	sst s25  }
0xa6: {  	s5 =	sshll.u32 s26, $0x1;
	_ =	strace $0x80000046;
	[dreg:$0x1] =	wrdreg $0xFFFFFFFF  }
0xa7: {  	s28 =	simm.s32 $_size_execute0_lowered;
	s3 =	sadd.s32 s3, s5;
	[dreg:$0x0] =	wrdreg $0x0  }
0xa8: {  	s5 =	sshll.u32 s28, $0x1;
	[dreg:$0x2] =	wrdreg s3  }
0xa9: {  	[dreg:$0x3] =	wrdreg s5  }
0xaa: {  	[dreg:$0x4] =	wrdreg $0xC0  }
0xab: {  	_ =	task [dreg:s7], $0x5FFFF  }
0xac: {  	[dreg:$0x1] =	wrdreg $0xFFFFFFFF  }
0xad: {  	[dreg:$0x0] =	wrdreg $0x60  }
0xae: {  	[dreg:$0x2] =	wrdreg s2  }
0xaf: {  	[dreg:$0x3] =	wrdreg s24  }
0xb0: {  	[dreg:$0x4] =	wrdreg $0x9  }
0xb1: {  	_ =	task.clear_ibuf [dreg:s7], $0x5FFFF;
	_ =	strace $0x90000046  }
0xb2: {  	s29 =	simm.s32 $0x9;
	_ =	strace $0x80000048  }
0xb3: {  	_ =	swait.ge [sflag:s29], $0x1  }
0xb4: {  	[sflag:s29] =	ssyncadd.s32 $0xFFFFFFFF  }
0xb5: {  	_ =	strace $0x90000048  }
0xb6: {  	_ =	sfence  }
0xb7: {  	s30 =	sld [smem:$0x0];
	_ =	sdelay $0x2  }
0xb8: {  	s31 =	sshll.u32 s1, $0xD;
	s1 =	sshrl.u32 s1, $0x2  }
0xb9: {  	s3 =	sand.u32 $0x4000, s31;
	s1 =	sadd.s32 s1, s30  }
0xba: {  	s0 =	sor.u32 s3, s0;
	s1 =	sshll.u32 s1, $0x11  }
0xbb: {  	s0 =	sor.u32 s1, s0  }
0xbc: {  	s0 =	sadd.s32 $0x8F2B, s0  }
0xbd: {  	[sflag:s0] =	ssyncadd.remote.s32 $0x1  }
0xbe: {  	_ =	sfence.sel $0xFFFF  }
0xbf: {  	[dreg:$0x0] =	wrdreg $0xFFFFFFFF;
	(pc) =	sbr.abs _section_cstart, $3  }
0xc0: {  	[dreg:$0x1] =	wrdreg $0xFFFFFFFF  }
0xc1: {  	_ =	task.clear_ibuf [dreg:s7], $0x2FFFF;
	_ =	strace $0x9FFFFFFF  }
0xc2: {  	(tm) =	ssettm $0x7FFFFFFF  }
0xc3: {  	_ =	shalt  }
tec
execute0_lowered:
.L_overlay_start_1:
0x0: {  	(tag) =	ssettag $0x1  }
0x1: {  	s0 =	srdreg.scid  }
0x2: {  	s1 =	stileid.u32;
	s2 =	sand.u32 $0x1, s0  }
0x3: {  	s1 =	sshll.u32 s1, $0x5;
	s3 =	sshll.u32 s2, $0x4  }
0x4: {  	s10 =	sor.u32 s3, s1  }
0x5: {  	s11 =	rddreg [dreg:$0x1];
	s4 =	smul.u32 $0x3200, s10  }
0x6: {  	s9 =	rddreg [dreg:$0x0];
	s1 =	sadd.s32 $0x400, s11  }
0x7: {  	[dreg:$0x3] =	wrdreg s9;
	s3 =	simm.s32 $0x0;
	s4 =	sadd.s32 s1, s4  }
0x8: {  	[smem:$0x7FF] =	sst s3;
	s5 =	sadd.s32 $0x10, s4  }
0x9: {  	_ =	strace $0x80000047;
	s12 =	sadd.s32 $0x20, s4;
	[dreg:$0x4] =	wrdreg s5  }
0xa: {  	s13 =	sadd.s32 $0x30, s4;
	[dreg:$0x5] =	wrdreg s12  }
0xb: {  	s0 =	smul.u32 $0x19000, s10;
	s14 =	sadd.s32 $0x40, s4;
	[dreg:$0x6] =	wrdreg s13  }
0xc: {  	s15 =	sadd.s32 $0x50, s4;
	[dreg:$0x7] =	wrdreg s14  }
0xd: {  	s0 =	sshrl.u32 s0, $0x3;
	s16 =	sadd.s32 $0x60, s4;
	[dreg:$0x8] =	wrdreg s15  }
0xe: {  	s17 =	sadd.s32 $0x70, s4;
	s1 =	sadd.s32 s1, s0;
	[dreg:$0x9] =	wrdreg s16  }
0xf: {  	[dreg:$0xa] =	wrdreg s17;
	s0 =	sadd.s32 $0x3200, s1  }
0x10: {  	s18 =	sadd.s32 $0x3210, s1;
	[dreg:$0xb] =	wrdreg s0  }
0x11: {  	s19 =	sadd.s32 $0x3220, s1;
	[dreg:$0xc] =	wrdreg s18  }
0x12: {  	s20 =	sadd.s32 $0x3230, s1;
	[dreg:$0xd] =	wrdreg s19  }
0x13: {  	s21 =	sadd.s32 $0x3240, s1;
	[dreg:$0xe] =	wrdreg s20  }
0x14: {  	s22 =	sadd.s32 $0x3250, s1;
	[dreg:$0xf] =	wrdreg s21  }
0x15: {  	s23 =	sadd.s32 $0x3260, s1;
	[dreg:$0x10] =	wrdreg s22  }
0x16: {  	s24 =	sadd.s32 $0x3270, s1;
	[dreg:$0x11] =	wrdreg s23  }
0x17: {  	s25 =	sadd.s32 $0x6400, s1;
	[dreg:$0x12] =	wrdreg s24  }
0x18: {  	s26 =	sadd.s32 $0x6410, s1;
	[dreg:$0x13] =	wrdreg s25  }
0x19: {  	s5 =	sadd.s32 $0x6420, s1;
	[dreg:$0x14] =	wrdreg s26  }
0x1a: {  	s6 =	sadd.s32 $0x6430, s1;
	[dreg:$0x15] =	wrdreg s5  }
0x1b: {  	s7 =	sadd.s32 $0x6440, s1;
	[dreg:$0x16] =	wrdreg s6  }
0x1c: {  	s8 =	sadd.s32 $0x6450, s1;
	[dreg:$0x17] =	wrdreg s7  }
0x1d: {  	s9 =	sadd.s32 $0x6460, s1;
	[dreg:$0x18] =	wrdreg s8  }
0x1e: {  	s10 =	sadd.s32 $0x6470, s1;
	[dreg:$0x19] =	wrdreg s9  }
0x1f: {  	s11 =	sadd.s32 $0x9600, s1;
	[dreg:$0x1a] =	wrdreg s10  }
0x20: {  	s12 =	sadd.s32 $0x9610, s1;
	[dreg:$0x1b] =	wrdreg s11  }
0x21: {  	s13 =	sadd.s32 $0x9620, s1;
	[dreg:$0x1c] =	wrdreg s12  }
0x22: {  	s14 =	sadd.s32 $0x9630, s1;
	[dreg:$0x1d] =	wrdreg s13  }
0x23: {  	s15 =	sadd.s32 $0x9640, s1;
	[dreg:$0x1e] =	wrdreg s14  }
0x24: {  	s16 =	sadd.s32 $0x9650, s1;
	[dreg:$0x1f] =	wrdreg s15  }
0x25: {  	s17 =	sadd.s32 $0x9660, s1;
	[smem:$0x7B2] =	sst s16  }
0x26: {  	[smem:$0x7B3] =	sst s17  }
0x27: {  	s18 =	sadd.s32 $0x9670, s1;
	s0 =	rddreg [dreg:$0x3]  }
0x28: {  	s19 =	sadd.s32 $0xC800, s1;
	[smem:$0x7B4] =	sst s18  }
0x29: {  	s20 =	sadd.s32 $0xC810, s1;
	[smem:$0x7B5] =	sst s19  }
0x2a: {  	s21 =	sadd.s32 $0xC820, s1;
	[smem:$0x7B6] =	sst s20  }
0x2b: {  	s22 =	sadd.s32 $0xC830, s1;
	[smem:$0x7B7] =	sst s21  }
0x2c: {  	s23 =	sadd.s32 $0xC840, s1;
	[smem:$0x7B8] =	sst s22  }
0x2d: {  	s24 =	sadd.s32 $0xC850, s1;
	[smem:$0x7B9] =	sst s23  }
0x2e: {  	s25 =	sadd.s32 $0xC860, s1;
	[smem:$0x7BA] =	sst s24  }
0x2f: {  	s26 =	sadd.s32 $0xC870, s1;
	[smem:$0x7BB] =	sst s25  }
0x30: {  	s5 =	sadd.s32 $0xFA00, s1;
	[smem:$0x7BC] =	sst s26  }
0x31: {  	s6 =	sadd.s32 $0xFA10, s1;
	[smem:$0x7BD] =	sst s5  }
0x32: {  	s7 =	sadd.s32 $0xFA20, s1;
	[smem:$0x7BE] =	sst s6  }
0x33: {  	s8 =	sadd.s32 $0xFA30, s1;
	[smem:$0x7BF] =	sst s7  }
0x34: {  	s9 =	sadd.s32 $0xFA40, s1;
	[smem:$0x7C0] =	sst s8  }
0x35: {  	s10 =	sadd.s32 $0xFA50, s1;
	[smem:$0x7C1] =	sst s9  }
0x36: {  	s11 =	sadd.s32 $0xFA60, s1;
	[smem:$0x7C2] =	sst s10  }
0x37: {  	s12 =	sadd.s32 $0xFA70, s1;
	[smem:$0x7C3] =	sst s11  }
0x38: {  	s13 =	sadd.s32 $0x12C00, s1;
	[smem:$0x7C4] =	sst s12  }
0x39: {  	s14 =	sadd.s32 $0x12C10, s1;
	[smem:$0x7C5] =	sst s13  }
0x3a: {  	s15 =	sadd.s32 $0x12C20, s1;
	[smem:$0x7C6] =	sst s14  }
0x3b: {  	s16 =	sadd.s32 $0x12C30, s1;
	[smem:$0x7C7] =	sst s15  }
0x3c: {  	s17 =	sadd.s32 $0x12C40, s1;
	[smem:$0x7C8] =	sst s16  }
0x3d: {  	[smem:$0x7C9] =	sst s17;
	s18 =	sadd.s32 $0x12C50, s1  }
0x3e: {  	s19 =	sadd.s32 $0x12C60, s1;
	[smem:$0x7CA] =	sst s18  }
0x3f: {  	s20 =	sadd.s32 $0x12C70, s1;
	[smem:$0x7CB] =	sst s19  }
0x40: {  	s21 =	sadd.s32 $0x15E00, s1;
	[smem:$0x7CC] =	sst s20  }
0x41: {  	s22 =	sadd.s32 $0x15E10, s1;
	[smem:$0x7CD] =	sst s21  }
0x42: {  	s23 =	sadd.s32 $0x15E20, s1;
	[smem:$0x7CE] =	sst s22  }
0x43: {  	s24 =	sadd.s32 $0x15E30, s1;
	[smem:$0x7CF] =	sst s23  }
0x44: {  	s25 =	sadd.s32 $0x15E40, s1;
	[smem:$0x7D0] =	sst s24  }
0x45: {  	s26 =	sadd.s32 $0x15E50, s1;
	[smem:$0x7D1] =	sst s25  }
0x46: {  	s5 =	sadd.s32 $0x15E60, s1;
	[smem:$0x7D2] =	sst s26  }
0x47: {  	s6 =	sadd.s32 $0x15E70, s1;
	[smem:$0x7D3] =	sst s5  }
0x48: {  	s7 =	sadd.s32 $0x19000, s1;
	[smem:$0x7D4] =	sst s6  }
0x49: {  	s8 =	sadd.s32 $0x19010, s1;
	[smem:$0x7D5] =	sst s7  }
0x4a: {  	s9 =	sadd.s32 $0x19020, s1;
	[smem:$0x7D6] =	sst s8  }
0x4b: {  	s10 =	sadd.s32 $0x19030, s1;
	[smem:$0x7D7] =	sst s9  }
0x4c: {  	s11 =	sadd.s32 $0x19040, s1;
	[smem:$0x7D8] =	sst s10  }
0x4d: {  	s12 =	sadd.s32 $0x19050, s1;
	[smem:$0x7D9] =	sst s11  }
0x4e: {  	s13 =	sadd.s32 $0x19060, s1;
	[smem:$0x7DA] =	sst s12  }
0x4f: {  	s14 =	sadd.s32 $0x19070, s1;
	[smem:$0x7DB] =	sst s13  }
0x50: {  	s15 =	sadd.s32 $0x1C200, s1;
	[smem:$0x7DC] =	sst s14  }
0x51: {  	s16 =	sadd.s32 $0x1C210, s1;
	[smem:$0x7DD] =	sst s15  }
0x52: {  	s17 =	sadd.s32 $0x1C220, s1;
	[smem:$0x7DE] =	sst s16  }
0x53: {  	[smem:$0x7DF] =	sst s17;
	s18 =	sadd.s32 $0x1C230, s1  }
0x54: {  	s19 =	sadd.s32 $0x1C240, s1;
	[smem:$0x7E0] =	sst s18  }
0x55: {  	s20 =	sadd.s32 $0x1C250, s1;
	[smem:$0x7E1] =	sst s19  }
0x56: {  	s21 =	sadd.s32 $0x1C260, s1;
	[smem:$0x7E2] =	sst s20  }
0x57: {  	s22 =	sadd.s32 $0x1C270, s1;
	[smem:$0x7E3] =	sst s21  }
0x58: {  	s23 =	sadd.s32 $0x1F400, s1;
	[smem:$0x7E4] =	sst s22  }
0x59: {  	s24 =	sadd.s32 $0x1F410, s1;
	[smem:$0x7E5] =	sst s23  }
0x5a: {  	s25 =	sadd.s32 $0x1F420, s1;
	[smem:$0x7E6] =	sst s24  }
0x5b: {  	s26 =	sadd.s32 $0x1F430, s1;
	[smem:$0x7E7] =	sst s25  }
0x5c: {  	s5 =	sadd.s32 $0x1F440, s1;
	[smem:$0x7E8] =	sst s26  }
0x5d: {  	s6 =	sadd.s32 $0x1F450, s1;
	[smem:$0x7E9] =	sst s5  }
0x5e: {  	s7 =	sadd.s32 $0x1F460, s1;
	[smem:$0x7EA] =	sst s6  }
0x5f: {  	s8 =	sadd.s32 $0x1F470, s1;
	[smem:$0x7EB] =	sst s7  }
0x60: {  	s9 =	sadd.s32 $0x22600, s1;
	[smem:$0x7EC] =	sst s8  }
0x61: {  	s10 =	sadd.s32 $0x22610, s1;
	[smem:$0x7ED] =	sst s9  }
0x62: {  	s11 =	sadd.s32 $0x22620, s1;
	[smem:$0x7EE] =	sst s10  }
0x63: {  	s12 =	sadd.s32 $0x22630, s1;
	[smem:$0x7EF] =	sst s11  }
0x64: {  	s13 =	sadd.s32 $0x22640, s1;
	[smem:$0x7F0] =	sst s12  }
0x65: {  	p0 =	por $0x0, $0x0;
	s14 =	sadd.s32 $0x22650, s1;
	[smem:$0x7F1] =	sst s13  }
0x66: {  	s31 =	simm.s32 $0x2;
	s15 =	sadd.s32 $0x22660, s1;
	[smem:$0x7F2] =	sst s14  }
0x67: {  	s29 =	simm.s32 $0x80;
	s16 =	sadd.s32 $0x22670, s1;
	[smem:$0x7F3] =	sst s15  }
0x68: {  	s30 =	simm.s32 $0x400;
	s17 =	sadd.s32 $0x25800, s1;
	[smem:$0x7F4] =	sst s16  }
0x69: {  	s2 =	ssub.s32 $0x2, s2;
	s28 =	sadd.s32 $0x2EE70, s1;
	[smem:$0x7F5] =	sst s17  }
0x6a: {  	s18 =	sadd.s32 $0x25810, s1;
	s19 =	sadd.s32 $0x25820, s1;
	s20 =	sadd.s32 $0x25830, s1  }
0x6b: {  	s21 =	sadd.s32 $0x25840, s1;
	s22 =	sadd.s32 $0x25850, s1;
	s23 =	sadd.s32 $0x25860, s1  }
0x6c: {  	s24 =	sshrl.u32 s2, $0x1;
	s25 =	sadd.s32 $0x25870, s1;
	s26 =	sadd.s32 $0x28A00, s1  }
0x6d: {  	s5 =	sadd.s32 $0x28A10, s1;
	s6 =	sadd.s32 $0x28A20, s1;
	s7 =	sadd.s32 $0x28A30, s1  }
0x6e: {  	s8 =	sadd.s32 $0x28A40, s1;
	s9 =	sadd.s32 $0x28A50, s1;
	[smem:$0x7F6] =	sst s18  }
0x6f: {  	s10 =	sadd.s32 $0x28A60, s1;
	s11 =	sadd.s32 $0x28A70, s1;
	[smem:$0x7F7] =	sst s19  }
0x70: {  	s12 =	sadd.s32 $0x2BC00, s1;
	s13 =	sadd.s32 $0x2BC10, s1;
	[smem:$0x7F8] =	sst s20  }
0x71: {  	s14 =	sadd.s32 $0x2BC20, s1;
	[smem:$0x7F9] =	sst s21;
	s2 =	ssub.s32 s2, s24  }
0x72: {  	s15 =	sadd.s32 $0x2BC30, s1;
	[smem:$0x7FA] =	sst s22;
	s2 =	smax.u32 s2, $0x1  }
0x73: {  	s16 =	sadd.s32 $0x2BC40, s1;
	[smem:$0x7FB] =	sst s23;
	p1 =	sne.s32 s2, $0x1  }
.Ltmp0:
0x74: {  	s17 =	sadd.s32 $0x2BC50, s1;
	[smem:$0x7FC] =	sst s25;
	(pc) =	sbr.rel @!p1 .LBB2_3-.Ltmp0, $4  }
0x75: {  	[smem:$0x7FD] =	sst s26;
	s18 =	sadd.s32 $0x2BC60, s1;
	s19 =	sadd.s32 $0x2BC70, s1  }
0x76: {  	s20 =	sadd.s32 $0x2EE00, s1;
	s21 =	sadd.s32 $0x2EE10, s1;
	s22 =	sadd.s32 $0x2EE20, s1  }
0x77: {  	s23 =	sadd.s32 $0x2EE30, s1;
	s24 =	sadd.s32 $0x2EE40, s1;
	s25 =	sadd.s32 $0x2EE50, s1  }
0x78: {  	s26 =	sadd.s32 $0x2EE60, s1;
	s1 =	sadd.s32 $0xFFFFFFFF, s2;
	s2 =	simm.s32 $0x1  }
0x79: {  	[tilespmem:s3], [sflag:$0x2] =	stream.linear.gather [hbm4b:s0+s3], $0x3200, $0x38;
	[tilespmem:$0x3200] =	vst v63  }
0x7a: {  	_ =	swait.ge [sflag:s31], $0x3200  }
0x7b: {  	[sflag:s31] =	ssyncset.done $0x0;
	s0 =	rddreg [dreg:$0x4]  }
0x7c: {  	[smem:$0x7B1] =	sst s1;
	[sflag:s31] =	ssyncadd.s32 $0xFFFFCE00  }
0x7d: {  	[hbm4b:s4+s29] =	stream.strided.scatter [tilespmem:s3], [sflag:$0x1], $0x3200, s30, s29, $0x38;
	[tilespmem:$0x3200] =	vst v63  }
0x7e: {  	s1 =	rddreg [dreg:$0x5]  }
0x7f: {  	[hbm4b:s0+s29] =	stream.strided.scatter [tilespmem:s3], [sflag:$0x1], $0x3200, s30, s29, $0x38;
	[tilespmem:$0x3200] =	vst v63  }
0x80: {  	s0 =	rddreg [dreg:$0x6]  }
0x81: {  	[hbm4b:s1+s29] =	stream.strided.scatter [tilespmem:s3], [sflag:$0x1], $0x3200, s30, s29, $0x38;
	[tilespmem:$0x3200] =	vst v63  }
0x82: {  	s1 =	rddreg [dreg:$0x7]  }
0x83: {  	[hbm4b:s0+s29] =	stream.strided.scatter [tilespmem:s3], [sflag:$0x1], $0x3200, s30, s29, $0x38;
	[tilespmem:$0x3200] =	vst v63  }
0x84: {  	s0 =	rddreg [dreg:$0x8]  }
0x85: {  	[hbm4b:s1+s29] =	stream.strided.scatter [tilespmem:s3], [sflag:$0x1], $0x3200, s30, s29, $0x38;
	[tilespmem:$0x3200] =	vst v63  }
0x86: {  	s1 =	rddreg [dreg:$0x9]  }
0x87: {  	[hbm4b:s0+s29] =	stream.strided.scatter [tilespmem:s3], [sflag:$0x1], $0x3200, s30, s29, $0x38;
	[tilespmem:$0x3200] =	vst v63  }
0x88: {  	s0 =	rddreg [dreg:$0xa]  }
0x89: {  	[hbm4b:s1+s29] =	stream.strided.scatter [tilespmem:s3], [sflag:$0x1], $0x3200, s30, s29, $0x38;
	[tilespmem:$0x3200] =	vst v63  }
0x8a: {  	s1 =	rddreg [dreg:$0xb]  }
0x8b: {  	[hbm4b:s0+s29] =	stream.strided.scatter [tilespmem:s3], [sflag:$0x1], $0x3200, s30, s29, $0x38;
	[tilespmem:$0x3200] =	vst v63  }
0x8c: {  	s0 =	rddreg [dreg:$0xc]  }
0x8d: {  	[hbm4b:s1+s29] =	stream.strided.scatter [tilespmem:s3], [sflag:$0x1], $0x3200, s30, s29, $0x38;
	[tilespmem:$0x3200] =	vst v63  }
0x8e: {  	s1 =	rddreg [dreg:$0xd]  }
0x8f: {  	[hbm4b:s0+s29] =	stream.strided.scatter [tilespmem:s3], [sflag:$0x1], $0x3200, s30, s29, $0x38;
	[tilespmem:$0x3200] =	vst v63  }
0x90: {  	s0 =	rddreg [dreg:$0xe]  }
0x91: {  	[hbm4b:s1+s29] =	stream.strided.scatter [tilespmem:s3], [sflag:$0x1], $0x3200, s30, s29, $0x38;
	[tilespmem:$0x3200] =	vst v63  }
0x92: {  	s1 =	rddreg [dreg:$0xf]  }
0x93: {  	[hbm4b:s0+s29] =	stream.strided.scatter [tilespmem:s3], [sflag:$0x1], $0x3200, s30, s29, $0x38;
	[tilespmem:$0x3200] =	vst v63  }
0x94: {  	s0 =	rddreg [dreg:$0x10]  }
0x95: {  	[hbm4b:s1+s29] =	stream.strided.scatter [tilespmem:s3], [sflag:$0x1], $0x3200, s30, s29, $0x38;
	[tilespmem:$0x3200] =	vst v63  }
0x96: {  	s1 =	rddreg [dreg:$0x11]  }
0x97: {  	[hbm4b:s0+s29] =	stream.strided.scatter [tilespmem:s3], [sflag:$0x1], $0x3200, s30, s29, $0x38;
	[tilespmem:$0x3200] =	vst v63  }
0x98: {  	s0 =	rddreg [dreg:$0x12]  }
0x99: {  	[hbm4b:s1+s29] =	stream.strided.scatter [tilespmem:s3], [sflag:$0x1], $0x3200, s30, s29, $0x38;
	[tilespmem:$0x3200] =	vst v63  }
0x9a: {  	s1 =	rddreg [dreg:$0x13]  }
0x9b: {  	[hbm4b:s0+s29] =	stream.strided.scatter [tilespmem:s3], [sflag:$0x1], $0x3200, s30, s29, $0x38;
	[tilespmem:$0x3200] =	vst v63  }
0x9c: {  	s0 =	rddreg [dreg:$0x14]  }
0x9d: {  	[hbm4b:s1+s29] =	stream.strided.scatter [tilespmem:s3], [sflag:$0x1], $0x3200, s30, s29, $0x38;
	[tilespmem:$0x3200] =	vst v63  }
0x9e: {  	s1 =	rddreg [dreg:$0x15]  }
0x9f: {  	[hbm4b:s0+s29] =	stream.strided.scatter [tilespmem:s3], [sflag:$0x1], $0x3200, s30, s29, $0x38;
	[tilespmem:$0x3200] =	vst v63  }
0xa0: {  	s0 =	rddreg [dreg:$0x16]  }
0xa1: {  	[hbm4b:s1+s29] =	stream.strided.scatter [tilespmem:s3], [sflag:$0x1], $0x3200, s30, s29, $0x38;
	[tilespmem:$0x3200] =	vst v63  }
0xa2: {  	s1 =	rddreg [dreg:$0x17]  }
0xa3: {  	[hbm4b:s0+s29] =	stream.strided.scatter [tilespmem:s3], [sflag:$0x1], $0x3200, s30, s29, $0x38;
	[tilespmem:$0x3200] =	vst v63  }
0xa4: {  	s0 =	rddreg [dreg:$0x18]  }
0xa5: {  	[hbm4b:s1+s29] =	stream.strided.scatter [tilespmem:s3], [sflag:$0x1], $0x3200, s30, s29, $0x38;
	[tilespmem:$0x3200] =	vst v63  }
0xa6: {  	s1 =	rddreg [dreg:$0x19]  }
0xa7: {  	[hbm4b:s0+s29] =	stream.strided.scatter [tilespmem:s3], [sflag:$0x1], $0x3200, s30, s29, $0x38;
	[tilespmem:$0x3200] =	vst v63  }
0xa8: {  	s0 =	rddreg [dreg:$0x1a]  }
0xa9: {  	[hbm4b:s1+s29] =	stream.strided.scatter [tilespmem:s3], [sflag:$0x1], $0x3200, s30, s29, $0x38;
	[tilespmem:$0x3200] =	vst v63  }
0xaa: {  	s1 =	rddreg [dreg:$0x1b]  }
0xab: {  	[hbm4b:s0+s29] =	stream.strided.scatter [tilespmem:s3], [sflag:$0x1], $0x3200, s30, s29, $0x38;
	[tilespmem:$0x3200] =	vst v63  }
0xac: {  	s0 =	rddreg [dreg:$0x1c]  }
0xad: {  	[hbm4b:s1+s29] =	stream.strided.scatter [tilespmem:s3], [sflag:$0x1], $0x3200, s30, s29, $0x38;
	[tilespmem:$0x3200] =	vst v63  }
0xae: {  	s1 =	rddreg [dreg:$0x1d]  }
0xaf: {  	[hbm4b:s0+s29] =	stream.strided.scatter [tilespmem:s3], [sflag:$0x1], $0x3200, s30, s29, $0x38;
	[tilespmem:$0x3200] =	vst v63  }
0xb0: {  	s0 =	rddreg [dreg:$0x1e]  }
0xb1: {  	[hbm4b:s1+s29] =	stream.strided.scatter [tilespmem:s3], [sflag:$0x1], $0x3200, s30, s29, $0x38;
	[tilespmem:$0x3200] =	vst v63  }
0xb2: {  	s1 =	rddreg [dreg:$0x1f]  }
0xb3: {  	[hbm4b:s0+s29] =	stream.strided.scatter [tilespmem:s3], [sflag:$0x1], $0x3200, s30, s29, $0x38;
	[tilespmem:$0x3200] =	vst v63  }
0xb4: {  	s0 =	sld [smem:$0x7B2]  }
0xb5: {  	[hbm4b:s1+s29] =	stream.strided.scatter [tilespmem:s3], [sflag:$0x1], $0x3200, s30, s29, $0x38;
	[tilespmem:$0x3200] =	vst v63  }
0xb6: {  	s1 =	sld [smem:$0x7B3]  }
0xb7: {  	[hbm4b:s0+s29] =	stream.strided.scatter [tilespmem:s3], [sflag:$0x1], $0x3200, s30, s29, $0x38;
	[tilespmem:$0x3200] =	vst v63  }
0xb8: {  	s0 =	sld [smem:$0x7B4]  }
0xb9: {  	[hbm4b:s1+s29] =	stream.strided.scatter [tilespmem:s3], [sflag:$0x1], $0x3200, s30, s29, $0x38;
	[tilespmem:$0x3200] =	vst v63  }
0xba: {  	s1 =	sld [smem:$0x7B5]  }
0xbb: {  	[hbm4b:s0+s29] =	stream.strided.scatter [tilespmem:s3], [sflag:$0x1], $0x3200, s30, s29, $0x38;
	[tilespmem:$0x3200] =	vst v63  }
0xbc: {  	s0 =	sld [smem:$0x7B6]  }
0xbd: {  	[hbm4b:s1+s29] =	stream.strided.scatter [tilespmem:s3], [sflag:$0x1], $0x3200, s30, s29, $0x38;
	[tilespmem:$0x3200] =	vst v63  }
0xbe: {  	s1 =	sld [smem:$0x7B7]  }
0xbf: {  	[hbm4b:s0+s29] =	stream.strided.scatter [tilespmem:s3], [sflag:$0x1], $0x3200, s30, s29, $0x38;
	[tilespmem:$0x3200] =	vst v63  }
0xc0: {  	s0 =	sld [smem:$0x7B8]  }
0xc1: {  	[hbm4b:s1+s29] =	stream.strided.scatter [tilespmem:s3], [sflag:$0x1], $0x3200, s30, s29, $0x38;
	[tilespmem:$0x3200] =	vst v63  }
0xc2: {  	s1 =	sld [smem:$0x7B9]  }
0xc3: {  	[hbm4b:s0+s29] =	stream.strided.scatter [tilespmem:s3], [sflag:$0x1], $0x3200, s30, s29, $0x38;
	[tilespmem:$0x3200] =	vst v63  }
0xc4: {  	s0 =	sld [smem:$0x7BA]  }
0xc5: {  	[hbm4b:s1+s29] =	stream.strided.scatter [tilespmem:s3], [sflag:$0x1], $0x3200, s30, s29, $0x38;
	[tilespmem:$0x3200] =	vst v63  }
0xc6: {  	s1 =	sld [smem:$0x7BB]  }
0xc7: {  	[hbm4b:s0+s29] =	stream.strided.scatter [tilespmem:s3], [sflag:$0x1], $0x3200, s30, s29, $0x38;
	[tilespmem:$0x3200] =	vst v63  }
0xc8: {  	s0 =	sld [smem:$0x7BC]  }
0xc9: {  	[hbm4b:s1+s29] =	stream.strided.scatter [tilespmem:s3], [sflag:$0x1], $0x3200, s30, s29, $0x38;
	[tilespmem:$0x3200] =	vst v63  }
0xca: {  	s1 =	sld [smem:$0x7BD]  }
0xcb: {  	[hbm4b:s0+s29] =	stream.strided.scatter [tilespmem:s3], [sflag:$0x1], $0x3200, s30, s29, $0x38;
	[tilespmem:$0x3200] =	vst v63  }
0xcc: {  	s0 =	sld [smem:$0x7BE]  }
0xcd: {  	[hbm4b:s1+s29] =	stream.strided.scatter [tilespmem:s3], [sflag:$0x1], $0x3200, s30, s29, $0x38;
	[tilespmem:$0x3200] =	vst v63  }
0xce: {  	s1 =	sld [smem:$0x7BF]  }
0xcf: {  	[hbm4b:s0+s29] =	stream.strided.scatter [tilespmem:s3], [sflag:$0x1], $0x3200, s30, s29, $0x38;
	[tilespmem:$0x3200] =	vst v63  }
0xd0: {  	s0 =	sld [smem:$0x7C0]  }
0xd1: {  	[hbm4b:s1+s29] =	stream.strided.scatter [tilespmem:s3], [sflag:$0x1], $0x3200, s30, s29, $0x38;
	[tilespmem:$0x3200] =	vst v63  }
0xd2: {  	s1 =	sld [smem:$0x7C1]  }
0xd3: {  	[hbm4b:s0+s29] =	stream.strided.scatter [tilespmem:s3], [sflag:$0x1], $0x3200, s30, s29, $0x38;
	[tilespmem:$0x3200] =	vst v63  }
0xd4: {  	s0 =	sld [smem:$0x7C2]  }
0xd5: {  	[hbm4b:s1+s29] =	stream.strided.scatter [tilespmem:s3], [sflag:$0x1], $0x3200, s30, s29, $0x38;
	[tilespmem:$0x3200] =	vst v63  }
0xd6: {  	s1 =	sld [smem:$0x7C3]  }
0xd7: {  	[hbm4b:s0+s29] =	stream.strided.scatter [tilespmem:s3], [sflag:$0x1], $0x3200, s30, s29, $0x38;
	[tilespmem:$0x3200] =	vst v63  }
0xd8: {  	s0 =	sld [smem:$0x7C4]  }
0xd9: {  	[hbm4b:s1+s29] =	stream.strided.scatter [tilespmem:s3], [sflag:$0x1], $0x3200, s30, s29, $0x38;
	[tilespmem:$0x3200] =	vst v63  }
0xda: {  	s1 =	sld [smem:$0x7C5]  }
0xdb: {  	[hbm4b:s0+s29] =	stream.strided.scatter [tilespmem:s3], [sflag:$0x1], $0x3200, s30, s29, $0x38;
	[tilespmem:$0x3200] =	vst v63  }
0xdc: {  	s0 =	sld [smem:$0x7C6]  }
0xdd: {  	[hbm4b:s1+s29] =	stream.strided.scatter [tilespmem:s3], [sflag:$0x1], $0x3200, s30, s29, $0x38;
	[tilespmem:$0x3200] =	vst v63  }
0xde: {  	s1 =	sld [smem:$0x7C7]  }
0xdf: {  	[hbm4b:s0+s29] =	stream.strided.scatter [tilespmem:s3], [sflag:$0x1], $0x3200, s30, s29, $0x38;
	[tilespmem:$0x3200] =	vst v63  }
0xe0: {  	s0 =	sld [smem:$0x7C8]  }
0xe1: {  	[hbm4b:s1+s29] =	stream.strided.scatter [tilespmem:s3], [sflag:$0x1], $0x3200, s30, s29, $0x38;
	[tilespmem:$0x3200] =	vst v63  }
0xe2: {  	s1 =	sld [smem:$0x7C9]  }
0xe3: {  	[hbm4b:s0+s29] =	stream.strided.scatter [tilespmem:s3], [sflag:$0x1], $0x3200, s30, s29, $0x38;
	[tilespmem:$0x3200] =	vst v63  }
0xe4: {  	s0 =	sld [smem:$0x7CA]  }
0xe5: {  	[hbm4b:s1+s29] =	stream.strided.scatter [tilespmem:s3], [sflag:$0x1], $0x3200, s30, s29, $0x38;
	[tilespmem:$0x3200] =	vst v63  }
0xe6: {  	s1 =	sld [smem:$0x7CB]  }
0xe7: {  	[hbm4b:s0+s29] =	stream.strided.scatter [tilespmem:s3], [sflag:$0x1], $0x3200, s30, s29, $0x38;
	[tilespmem:$0x3200] =	vst v63  }
0xe8: {  	s0 =	sld [smem:$0x7CC]  }
0xe9: {  	[hbm4b:s1+s29] =	stream.strided.scatter [tilespmem:s3], [sflag:$0x1], $0x3200, s30, s29, $0x38;
	[tilespmem:$0x3200] =	vst v63  }
0xea: {  	s1 =	sld [smem:$0x7CD]  }
0xeb: {  	[hbm4b:s0+s29] =	stream.strided.scatter [tilespmem:s3], [sflag:$0x1], $0x3200, s30, s29, $0x38;
	[tilespmem:$0x3200] =	vst v63  }
0xec: {  	s0 =	sld [smem:$0x7CE]  }
0xed: {  	[hbm4b:s1+s29] =	stream.strided.scatter [tilespmem:s3], [sflag:$0x1], $0x3200, s30, s29, $0x38;
	[tilespmem:$0x3200] =	vst v63  }
0xee: {  	s1 =	sld [smem:$0x7CF]  }
0xef: {  	[hbm4b:s0+s29] =	stream.strided.scatter [tilespmem:s3], [sflag:$0x1], $0x3200, s30, s29, $0x38;
	[tilespmem:$0x3200] =	vst v63  }
0xf0: {  	s0 =	sld [smem:$0x7D0]  }
0xf1: {  	[hbm4b:s1+s29] =	stream.strided.scatter [tilespmem:s3], [sflag:$0x1], $0x3200, s30, s29, $0x38;
	[tilespmem:$0x3200] =	vst v63  }
0xf2: {  	s1 =	sld [smem:$0x7D1]  }
0xf3: {  	[hbm4b:s0+s29] =	stream.strided.scatter [tilespmem:s3], [sflag:$0x1], $0x3200, s30, s29, $0x38;
	[tilespmem:$0x3200] =	vst v63  }
0xf4: {  	s0 =	sld [smem:$0x7D2]  }
0xf5: {  	[hbm4b:s1+s29] =	stream.strided.scatter [tilespmem:s3], [sflag:$0x1], $0x3200, s30, s29, $0x38;
	[tilespmem:$0x3200] =	vst v63  }
0xf6: {  	s1 =	sld [smem:$0x7D3]  }
0xf7: {  	[hbm4b:s0+s29] =	stream.strided.scatter [tilespmem:s3], [sflag:$0x1], $0x3200, s30, s29, $0x38;
	[tilespmem:$0x3200] =	vst v63  }
0xf8: {  	s0 =	sld [smem:$0x7D4]  }
0xf9: {  	[hbm4b:s1+s29] =	stream.strided.scatter [tilespmem:s3], [sflag:$0x1], $0x3200, s30, s29, $0x38;
	[tilespmem:$0x3200] =	vst v63  }
0xfa: {  	s1 =	sld [smem:$0x7D5]  }
0xfb: {  	[hbm4b:s0+s29] =	stream.strided.scatter [tilespmem:s3], [sflag:$0x1], $0x3200, s30, s29, $0x38;
	[tilespmem:$0x3200] =	vst v63  }
0xfc: {  	s0 =	sld [smem:$0x7D6]  }
0xfd: {  	[hbm4b:s1+s29] =	stream.strided.scatter [tilespmem:s3], [sflag:$0x1], $0x3200, s30, s29, $0x38;
	[tilespmem:$0x3200] =	vst v63  }
0xfe: {  	s1 =	sld [smem:$0x7D7]  }
0xff: {  	[hbm4b:s0+s29] =	stream.strided.scatter [tilespmem:s3], [sflag:$0x1], $0x3200, s30, s29, $0x38;
	[tilespmem:$0x3200] =	vst v63  }
0x100: {  	s0 =	sld [smem:$0x7D8]  }
0x101: {  	[hbm4b:s1+s29] =	stream.strided.scatter [tilespmem:s3], [sflag:$0x1], $0x3200, s30, s29, $0x38;
	[tilespmem:$0x3200] =	vst v63  }
0x102: {  	s1 =	sld [smem:$0x7D9]  }
0x103: {  	[hbm4b:s0+s29] =	stream.strided.scatter [tilespmem:s3], [sflag:$0x1], $0x3200, s30, s29, $0x38;
	[tilespmem:$0x3200] =	vst v63  }
0x104: {  	s0 =	sld [smem:$0x7DA]  }
0x105: {  	[hbm4b:s1+s29] =	stream.strided.scatter [tilespmem:s3], [sflag:$0x1], $0x3200, s30, s29, $0x38;
	[tilespmem:$0x3200] =	vst v63  }
0x106: {  	s1 =	sld [smem:$0x7DB]  }
0x107: {  	[hbm4b:s0+s29] =	stream.strided.scatter [tilespmem:s3], [sflag:$0x1], $0x3200, s30, s29, $0x38;
	[tilespmem:$0x3200] =	vst v63  }
0x108: {  	s0 =	sld [smem:$0x7DC]  }
0x109: {  	[hbm4b:s1+s29] =	stream.strided.scatter [tilespmem:s3], [sflag:$0x1], $0x3200, s30, s29, $0x38;
	[tilespmem:$0x3200] =	vst v63  }
0x10a: {  	s1 =	sld [smem:$0x7DD]  }
0x10b: {  	[hbm4b:s0+s29] =	stream.strided.scatter [tilespmem:s3], [sflag:$0x1], $0x3200, s30, s29, $0x38;
	[tilespmem:$0x3200] =	vst v63  }
0x10c: {  	s0 =	sld [smem:$0x7DE]  }
0x10d: {  	[hbm4b:s1+s29] =	stream.strided.scatter [tilespmem:s3], [sflag:$0x1], $0x3200, s30, s29, $0x38;
	[tilespmem:$0x3200] =	vst v63  }
0x10e: {  	s1 =	sld [smem:$0x7DF]  }
0x10f: {  	[hbm4b:s0+s29] =	stream.strided.scatter [tilespmem:s3], [sflag:$0x1], $0x3200, s30, s29, $0x38;
	[tilespmem:$0x3200] =	vst v63  }
0x110: {  	s0 =	sld [smem:$0x7E0]  }
0x111: {  	[hbm4b:s1+s29] =	stream.strided.scatter [tilespmem:s3], [sflag:$0x1], $0x3200, s30, s29, $0x38;
	[tilespmem:$0x3200] =	vst v63  }
0x112: {  	s1 =	sld [smem:$0x7E1]  }
0x113: {  	[hbm4b:s0+s29] =	stream.strided.scatter [tilespmem:s3], [sflag:$0x1], $0x3200, s30, s29, $0x38;
	[tilespmem:$0x3200] =	vst v63  }
0x114: {  	s0 =	sld [smem:$0x7E2]  }
0x115: {  	[hbm4b:s1+s29] =	stream.strided.scatter [tilespmem:s3], [sflag:$0x1], $0x3200, s30, s29, $0x38;
	[tilespmem:$0x3200] =	vst v63  }
0x116: {  	s1 =	sld [smem:$0x7E3]  }
0x117: {  	[hbm4b:s0+s29] =	stream.strided.scatter [tilespmem:s3], [sflag:$0x1], $0x3200, s30, s29, $0x38;
	[tilespmem:$0x3200] =	vst v63  }
0x118: {  	s0 =	sld [smem:$0x7E4]  }
0x119: {  	[hbm4b:s1+s29] =	stream.strided.scatter [tilespmem:s3], [sflag:$0x1], $0x3200, s30, s29, $0x38;
	[tilespmem:$0x3200] =	vst v63  }
0x11a: {  	s1 =	sld [smem:$0x7E5]  }
0x11b: {  	[hbm4b:s0+s29] =	stream.strided.scatter [tilespmem:s3], [sflag:$0x1], $0x3200, s30, s29, $0x38;
	[tilespmem:$0x3200] =	vst v63  }
0x11c: {  	s0 =	sld [smem:$0x7E6]  }
0x11d: {  	[hbm4b:s1+s29] =	stream.strided.scatter [tilespmem:s3], [sflag:$0x1], $0x3200, s30, s29, $0x38;
	[tilespmem:$0x3200] =	vst v63  }
0x11e: {  	s1 =	sld [smem:$0x7E7]  }
0x11f: {  	[hbm4b:s0+s29] =	stream.strided.scatter [tilespmem:s3], [sflag:$0x1], $0x3200, s30, s29, $0x38;
	[tilespmem:$0x3200] =	vst v63  }
0x120: {  	s0 =	sld [smem:$0x7E8]  }
0x121: {  	[hbm4b:s1+s29] =	stream.strided.scatter [tilespmem:s3], [sflag:$0x1], $0x3200, s30, s29, $0x38;
	[tilespmem:$0x3200] =	vst v63  }
0x122: {  	s1 =	sld [smem:$0x7E9]  }
0x123: {  	[hbm4b:s0+s29] =	stream.strided.scatter [tilespmem:s3], [sflag:$0x1], $0x3200, s30, s29, $0x38;
	[tilespmem:$0x3200] =	vst v63  }
0x124: {  	s0 =	sld [smem:$0x7EA]  }
0x125: {  	[hbm4b:s1+s29] =	stream.strided.scatter [tilespmem:s3], [sflag:$0x1], $0x3200, s30, s29, $0x38;
	[tilespmem:$0x3200] =	vst v63  }
0x126: {  	s1 =	sld [smem:$0x7EB]  }
0x127: {  	[hbm4b:s0+s29] =	stream.strided.scatter [tilespmem:s3], [sflag:$0x1], $0x3200, s30, s29, $0x38;
	[tilespmem:$0x3200] =	vst v63  }
0x128: {  	s0 =	sld [smem:$0x7EC]  }
0x129: {  	[hbm4b:s1+s29] =	stream.strided.scatter [tilespmem:s3], [sflag:$0x1], $0x3200, s30, s29, $0x38;
	[tilespmem:$0x3200] =	vst v63  }
0x12a: {  	s1 =	sld [smem:$0x7ED]  }
0x12b: {  	[hbm4b:s0+s29] =	stream.strided.scatter [tilespmem:s3], [sflag:$0x1], $0x3200, s30, s29, $0x38;
	[tilespmem:$0x3200] =	vst v63  }
0x12c: {  	s0 =	sld [smem:$0x7EE]  }
0x12d: {  	[hbm4b:s1+s29] =	stream.strided.scatter [tilespmem:s3], [sflag:$0x1], $0x3200, s30, s29, $0x38;
	[tilespmem:$0x3200] =	vst v63  }
0x12e: {  	s1 =	sld [smem:$0x7EF]  }
0x12f: {  	[hbm4b:s0+s29] =	stream.strided.scatter [tilespmem:s3], [sflag:$0x1], $0x3200, s30, s29, $0x38;
	[tilespmem:$0x3200] =	vst v63  }
0x130: {  	s0 =	sld [smem:$0x7F0]  }
0x131: {  	[hbm4b:s1+s29] =	stream.strided.scatter [tilespmem:s3], [sflag:$0x1], $0x3200, s30, s29, $0x38;
	[tilespmem:$0x3200] =	vst v63  }
0x132: {  	s1 =	sld [smem:$0x7F1]  }
0x133: {  	[hbm4b:s0+s29] =	stream.strided.scatter [tilespmem:s3], [sflag:$0x1], $0x3200, s30, s29, $0x38;
	[tilespmem:$0x3200] =	vst v63  }
0x134: {  	s0 =	sld [smem:$0x7F2]  }
0x135: {  	[hbm4b:s1+s29] =	stream.strided.scatter [tilespmem:s3], [sflag:$0x1], $0x3200, s30, s29, $0x38;
	[tilespmem:$0x3200] =	vst v63  }
0x136: {  	s1 =	sld [smem:$0x7F3]  }
0x137: {  	[hbm4b:s0+s29] =	stream.strided.scatter [tilespmem:s3], [sflag:$0x1], $0x3200, s30, s29, $0x38;
	[tilespmem:$0x3200] =	vst v63  }
0x138: {  	s0 =	sld [smem:$0x7F4]  }
0x139: {  	[hbm4b:s1+s29] =	stream.strided.scatter [tilespmem:s3], [sflag:$0x1], $0x3200, s30, s29, $0x38;
	[tilespmem:$0x3200] =	vst v63  }
0x13a: {  	s1 =	sld [smem:$0x7F5]  }
0x13b: {  	[hbm4b:s0+s29] =	stream.strided.scatter [tilespmem:s3], [sflag:$0x1], $0x3200, s30, s29, $0x38;
	[tilespmem:$0x3200] =	vst v63  }
0x13c: {  	s0 =	sld [smem:$0x7F6]  }
0x13d: {  	[hbm4b:s1+s29] =	stream.strided.scatter [tilespmem:s3], [sflag:$0x1], $0x3200, s30, s29, $0x38;
	[tilespmem:$0x3200] =	vst v63  }
0x13e: {  	s1 =	sld [smem:$0x7F7]  }
0x13f: {  	[hbm4b:s0+s29] =	stream.strided.scatter [tilespmem:s3], [sflag:$0x1], $0x3200, s30, s29, $0x38;
	[tilespmem:$0x3200] =	vst v63  }
0x140: {  	s0 =	sld [smem:$0x7F8]  }
0x141: {  	[hbm4b:s1+s29] =	stream.strided.scatter [tilespmem:s3], [sflag:$0x1], $0x3200, s30, s29, $0x38;
	[tilespmem:$0x3200] =	vst v63  }
0x142: {  	s1 =	sld [smem:$0x7F9]  }
0x143: {  	[hbm4b:s0+s29] =	stream.strided.scatter [tilespmem:s3], [sflag:$0x1], $0x3200, s30, s29, $0x38;
	[tilespmem:$0x3200] =	vst v63  }
0x144: {  	s0 =	sld [smem:$0x7FA]  }
0x145: {  	[hbm4b:s1+s29] =	stream.strided.scatter [tilespmem:s3], [sflag:$0x1], $0x3200, s30, s29, $0x38;
	[tilespmem:$0x3200] =	vst v63  }
0x146: {  	s1 =	sld [smem:$0x7FB]  }
0x147: {  	[hbm4b:s0+s29] =	stream.strided.scatter [tilespmem:s3], [sflag:$0x1], $0x3200, s30, s29, $0x38;
	[tilespmem:$0x3200] =	vst v63  }
0x148: {  	s0 =	sld [smem:$0x7FC]  }
0x149: {  	[hbm4b:s1+s29] =	stream.strided.scatter [tilespmem:s3], [sflag:$0x1], $0x3200, s30, s29, $0x38;
	[tilespmem:$0x3200] =	vst v63  }
0x14a: {  	s1 =	sld [smem:$0x7FD]  }
0x14b: {  	[hbm4b:s0+s29] =	stream.strided.scatter [tilespmem:s3], [sflag:$0x1], $0x3200, s30, s29, $0x38;
	[tilespmem:$0x3200] =	vst v63  }
0x14c: {  	_ = 	snop  }
0x14d: {  	[hbm4b:s1+s29] =	stream.strided.scatter [tilespmem:s3], [sflag:$0x1], $0x3200, s30, s29, $0x38;
	[tilespmem:$0x3200] =	vst v63  }
0x14e: {  	_ = 	snop  }
0x14f: {  	[hbm4b:s5+s29] =	stream.strided.scatter [tilespmem:s3], [sflag:$0x1], $0x3200, s30, s29, $0x38;
	[tilespmem:$0x3200] =	vst v63  }
0x150: {  	_ = 	snop  }
0x151: {  	[hbm4b:s6+s29] =	stream.strided.scatter [tilespmem:s3], [sflag:$0x1], $0x3200, s30, s29, $0x38;
	[tilespmem:$0x3200] =	vst v63  }
0x152: {  	_ = 	snop  }
0x153: {  	[hbm4b:s7+s29] =	stream.strided.scatter [tilespmem:s3], [sflag:$0x1], $0x3200, s30, s29, $0x38;
	[tilespmem:$0x3200] =	vst v63  }
0x154: {  	_ = 	snop  }
0x155: {  	[hbm4b:s8+s29] =	stream.strided.scatter [tilespmem:s3], [sflag:$0x1], $0x3200, s30, s29, $0x38;
	[tilespmem:$0x3200] =	vst v63  }
0x156: {  	_ = 	snop  }
0x157: {  	[hbm4b:s9+s29] =	stream.strided.scatter [tilespmem:s3], [sflag:$0x1], $0x3200, s30, s29, $0x38;
	[tilespmem:$0x3200] =	vst v63  }
0x158: {  	_ = 	snop  }
0x159: {  	[hbm4b:s10+s29] =	stream.strided.scatter [tilespmem:s3], [sflag:$0x1], $0x3200, s30, s29, $0x38;
	[tilespmem:$0x3200] =	vst v63  }
0x15a: {  	_ = 	snop  }
0x15b: {  	[hbm4b:s11+s29] =	stream.strided.scatter [tilespmem:s3], [sflag:$0x1], $0x3200, s30, s29, $0x38;
	[tilespmem:$0x3200] =	vst v63  }
0x15c: {  	_ = 	snop  }
0x15d: {  	[hbm4b:s12+s29] =	stream.strided.scatter [tilespmem:s3], [sflag:$0x1], $0x3200, s30, s29, $0x38;
	[tilespmem:$0x3200] =	vst v63  }
0x15e: {  	_ = 	snop  }
0x15f: {  	[hbm4b:s13+s29] =	stream.strided.scatter [tilespmem:s3], [sflag:$0x1], $0x3200, s30, s29, $0x38;
	[tilespmem:$0x3200] =	vst v63  }
0x160: {  	_ = 	snop  }
0x161: {  	[hbm4b:s14+s29] =	stream.strided.scatter [tilespmem:s3], [sflag:$0x1], $0x3200, s30, s29, $0x38;
	[tilespmem:$0x3200] =	vst v63  }
0x162: {  	_ = 	snop  }
0x163: {  	[hbm4b:s15+s29] =	stream.strided.scatter [tilespmem:s3], [sflag:$0x1], $0x3200, s30, s29, $0x38;
	[tilespmem:$0x3200] =	vst v63  }
0x164: {  	_ = 	snop  }
0x165: {  	[hbm4b:s16+s29] =	stream.strided.scatter [tilespmem:s3], [sflag:$0x1], $0x3200, s30, s29, $0x38;
	[tilespmem:$0x3200] =	vst v63  }
0x166: {  	_ = 	snop  }
0x167: {  	[hbm4b:s17+s29] =	stream.strided.scatter [tilespmem:s3], [sflag:$0x1], $0x3200, s30, s29, $0x38;
	[tilespmem:$0x3200] =	vst v63  }
0x168: {  	_ = 	snop  }
0x169: {  	[hbm4b:s18+s29] =	stream.strided.scatter [tilespmem:s3], [sflag:$0x1], $0x3200, s30, s29, $0x38;
	[tilespmem:$0x3200] =	vst v63  }
0x16a: {  	_ = 	snop  }
0x16b: {  	[hbm4b:s19+s29] =	stream.strided.scatter [tilespmem:s3], [sflag:$0x1], $0x3200, s30, s29, $0x38;
	[tilespmem:$0x3200] =	vst v63  }
0x16c: {  	_ = 	snop  }
0x16d: {  	[hbm4b:s20+s29] =	stream.strided.scatter [tilespmem:s3], [sflag:$0x1], $0x3200, s30, s29, $0x38;
	[tilespmem:$0x3200] =	vst v63  }
0x16e: {  	_ = 	snop  }
0x16f: {  	[hbm4b:s21+s29] =	stream.strided.scatter [tilespmem:s3], [sflag:$0x1], $0x3200, s30, s29, $0x38;
	[tilespmem:$0x3200] =	vst v63  }
0x170: {  	_ = 	snop  }
0x171: {  	[hbm4b:s22+s29] =	stream.strided.scatter [tilespmem:s3], [sflag:$0x1], $0x3200, s30, s29, $0x38;
	[tilespmem:$0x3200] =	vst v63  }
0x172: {  	_ = 	snop  }
0x173: {  	[hbm4b:s23+s29] =	stream.strided.scatter [tilespmem:s3], [sflag:$0x1], $0x3200, s30, s29, $0x38;
	[tilespmem:$0x3200] =	vst v63  }
0x174: {  	_ = 	snop  }
0x175: {  	[hbm4b:s24+s29] =	stream.strided.scatter [tilespmem:s3], [sflag:$0x1], $0x3200, s30, s29, $0x38;
	[tilespmem:$0x3200] =	vst v63  }
0x176: {  	_ = 	snop  }
0x177: {  	[hbm4b:s25+s29] =	stream.strided.scatter [tilespmem:s3], [sflag:$0x1], $0x3200, s30, s29, $0x38;
	[tilespmem:$0x3200] =	vst v63  }
0x178: {  	_ = 	snop  }
0x179: {  	[hbm4b:s26+s29] =	stream.strided.scatter [tilespmem:s3], [sflag:$0x1], $0x3200, s30, s29, $0x38;
	[tilespmem:$0x3200] =	vst v63  }
0x17a: {  	_ = 	snop  }
0x17b: {  	[hbm4b:s28+s29] =	stream.strided.scatter [tilespmem:s3], [sflag:$0x1], $0x3200, s30, s29, $0x38;
	[tilespmem:$0x3200] =	vst v63  }
0x17c: {  	_ =	swait.ge [sflag:s2], $0x3200  }
0x17d: {  	[sflag:s2] =	ssyncset.done $0x0  }
0x17e: {  	[sflag:s2] =	ssyncadd.s32 $0xFFFFCE00  }
0x17f: {  	_ =	swait.ge [sflag:s2], $0x3200  }
0x180: {  	[sflag:s2] =	ssyncset.done $0x0  }
0x181: {  	[sflag:s2] =	ssyncadd.s32 $0xFFFFCE00  }
0x182: {  	_ =	swait.ge [sflag:s2], $0x3200  }
0x183: {  	[sflag:s2] =	ssyncset.done $0x0  }
0x184: {  	[sflag:s2] =	ssyncadd.s32 $0xFFFFCE00  }
0x185: {  	_ =	swait.ge [sflag:s2], $0x3200  }
0x186: {  	[sflag:s2] =	ssyncset.done $0x0  }
0x187: {  	[sflag:s2] =	ssyncadd.s32 $0xFFFFCE00  }
0x188: {  	_ =	swait.ge [sflag:s2], $0x3200  }
0x189: {  	[sflag:s2] =	ssyncset.done $0x0  }
0x18a: {  	[sflag:s2] =	ssyncadd.s32 $0xFFFFCE00  }
0x18b: {  	_ =	swait.ge [sflag:s2], $0x3200  }
0x18c: {  	[sflag:s2] =	ssyncset.done $0x0  }
0x18d: {  	[sflag:s2] =	ssyncadd.s32 $0xFFFFCE00  }
0x18e: {  	_ =	swait.ge [sflag:s2], $0x3200  }
0x18f: {  	[sflag:s2] =	ssyncset.done $0x0  }
0x190: {  	[sflag:s2] =	ssyncadd.s32 $0xFFFFCE00  }
0x191: {  	_ =	swait.ge [sflag:s2], $0x3200  }
0x192: {  	[sflag:s2] =	ssyncset.done $0x0  }
0x193: {  	[sflag:s2] =	ssyncadd.s32 $0xFFFFCE00  }
0x194: {  	_ =	swait.ge [sflag:s2], $0x3200  }
0x195: {  	[sflag:s2] =	ssyncset.done $0x0  }
0x196: {  	[sflag:s2] =	ssyncadd.s32 $0xFFFFCE00  }
0x197: {  	_ =	swait.ge [sflag:s2], $0x3200  }
0x198: {  	[sflag:s2] =	ssyncset.done $0x0  }
0x199: {  	[sflag:s2] =	ssyncadd.s32 $0xFFFFCE00  }
0x19a: {  	_ =	swait.ge [sflag:s2], $0x3200  }
0x19b: {  	[sflag:s2] =	ssyncset.done $0x0  }
0x19c: {  	[sflag:s2] =	ssyncadd.s32 $0xFFFFCE00  }
0x19d: {  	_ =	swait.ge [sflag:s2], $0x3200  }
0x19e: {  	[sflag:s2] =	ssyncset.done $0x0  }
0x19f: {  	[sflag:s2] =	ssyncadd.s32 $0xFFFFCE00  }
0x1a0: {  	_ =	swait.ge [sflag:s2], $0x3200  }
0x1a1: {  	[sflag:s2] =	ssyncset.done $0x0  }
0x1a2: {  	[sflag:s2] =	ssyncadd.s32 $0xFFFFCE00  }
0x1a3: {  	_ =	swait.ge [sflag:s2], $0x3200  }
0x1a4: {  	[sflag:s2] =	ssyncset.done $0x0  }
0x1a5: {  	[sflag:s2] =	ssyncadd.s32 $0xFFFFCE00  }
0x1a6: {  	_ =	swait.ge [sflag:s2], $0x3200  }
0x1a7: {  	[sflag:s2] =	ssyncset.done $0x0  }
0x1a8: {  	[sflag:s2] =	ssyncadd.s32 $0xFFFFCE00  }
0x1a9: {  	_ =	swait.ge [sflag:s2], $0x3200  }
0x1aa: {  	[sflag:s2] =	ssyncset.done $0x0  }
0x1ab: {  	[sflag:s2] =	ssyncadd.s32 $0xFFFFCE00  }
0x1ac: {  	_ =	swait.ge [sflag:s2], $0x3200  }
0x1ad: {  	[sflag:s2] =	ssyncset.done $0x0  }
0x1ae: {  	[sflag:s2] =	ssyncadd.s32 $0xFFFFCE00  }
0x1af: {  	_ =	swait.ge [sflag:s2], $0x3200  }
0x1b0: {  	[sflag:s2] =	ssyncset.done $0x0  }
0x1b1: {  	[sflag:s2] =	ssyncadd.s32 $0xFFFFCE00  }
0x1b2: {  	_ =	swait.ge [sflag:s2], $0x3200  }
0x1b3: {  	[sflag:s2] =	ssyncset.done $0x0  }
0x1b4: {  	[sflag:s2] =	ssyncadd.s32 $0xFFFFCE00  }
0x1b5: {  	_ =	swait.ge [sflag:s2], $0x3200  }
0x1b6: {  	[sflag:s2] =	ssyncset.done $0x0  }
0x1b7: {  	[sflag:s2] =	ssyncadd.s32 $0xFFFFCE00  }
0x1b8: {  	_ =	swait.ge [sflag:s2], $0x3200  }
0x1b9: {  	[sflag:s2] =	ssyncset.done $0x0  }
0x1ba: {  	[sflag:s2] =	ssyncadd.s32 $0xFFFFCE00  }
0x1bb: {  	_ =	swait.ge [sflag:s2], $0x3200  }
0x1bc: {  	[sflag:s2] =	ssyncset.done $0x0  }
0x1bd: {  	[sflag:s2] =	ssyncadd.s32 $0xFFFFCE00  }
0x1be: {  	_ =	swait.ge [sflag:s2], $0x3200  }
0x1bf: {  	[sflag:s2] =	ssyncset.done $0x0  }
0x1c0: {  	[sflag:s2] =	ssyncadd.s32 $0xFFFFCE00  }
0x1c1: {  	_ =	swait.ge [sflag:s2], $0x3200  }
0x1c2: {  	[sflag:s2] =	ssyncset.done $0x0  }
0x1c3: {  	[sflag:s2] =	ssyncadd.s32 $0xFFFFCE00  }
0x1c4: {  	_ =	swait.ge [sflag:s2], $0x3200  }
0x1c5: {  	[sflag:s2] =	ssyncset.done $0x0  }
0x1c6: {  	[sflag:s2] =	ssyncadd.s32 $0xFFFFCE00  }
0x1c7: {  	_ =	swait.ge [sflag:s2], $0x3200  }
0x1c8: {  	[sflag:s2] =	ssyncset.done $0x0  }
0x1c9: {  	[sflag:s2] =	ssyncadd.s32 $0xFFFFCE00  }
0x1ca: {  	_ =	swait.ge [sflag:s2], $0x3200  }
0x1cb: {  	[sflag:s2] =	ssyncset.done $0x0  }
0x1cc: {  	[sflag:s2] =	ssyncadd.s32 $0xFFFFCE00  }
0x1cd: {  	_ =	swait.ge [sflag:s2], $0x3200  }
0x1ce: {  	[sflag:s2] =	ssyncset.done $0x0  }
0x1cf: {  	[sflag:s2] =	ssyncadd.s32 $0xFFFFCE00  }
0x1d0: {  	_ =	swait.ge [sflag:s2], $0x3200  }
0x1d1: {  	[sflag:s2] =	ssyncset.done $0x0  }
0x1d2: {  	[sflag:s2] =	ssyncadd.s32 $0xFFFFCE00  }
0x1d3: {  	_ =	swait.ge [sflag:s2], $0x3200  }
0x1d4: {  	[sflag:s2] =	ssyncset.done $0x0  }
0x1d5: {  	[sflag:s2] =	ssyncadd.s32 $0xFFFFCE00  }
0x1d6: {  	_ =	swait.ge [sflag:s2], $0x3200  }
0x1d7: {  	[sflag:s2] =	ssyncset.done $0x0  }
0x1d8: {  	[sflag:s2] =	ssyncadd.s32 $0xFFFFCE00  }
0x1d9: {  	_ =	swait.ge [sflag:s2], $0x3200  }
0x1da: {  	[sflag:s2] =	ssyncset.done $0x0  }
0x1db: {  	[sflag:s2] =	ssyncadd.s32 $0xFFFFCE00  }
0x1dc: {  	_ =	swait.ge [sflag:s2], $0x3200  }
0x1dd: {  	[sflag:s2] =	ssyncset.done $0x0  }
0x1de: {  	[sflag:s2] =	ssyncadd.s32 $0xFFFFCE00  }
0x1df: {  	_ =	swait.ge [sflag:s2], $0x3200  }
0x1e0: {  	[sflag:s2] =	ssyncset.done $0x0  }
0x1e1: {  	[sflag:s2] =	ssyncadd.s32 $0xFFFFCE00  }
0x1e2: {  	_ =	swait.ge [sflag:s2], $0x3200  }
0x1e3: {  	[sflag:s2] =	ssyncset.done $0x0  }
0x1e4: {  	[sflag:s2] =	ssyncadd.s32 $0xFFFFCE00  }
0x1e5: {  	_ =	swait.ge [sflag:s2], $0x3200  }
0x1e6: {  	[sflag:s2] =	ssyncset.done $0x0  }
0x1e7: {  	[sflag:s2] =	ssyncadd.s32 $0xFFFFCE00  }
0x1e8: {  	_ =	swait.ge [sflag:s2], $0x3200  }
0x1e9: {  	[sflag:s2] =	ssyncset.done $0x0  }
0x1ea: {  	[sflag:s2] =	ssyncadd.s32 $0xFFFFCE00  }
0x1eb: {  	_ =	swait.ge [sflag:s2], $0x3200  }
0x1ec: {  	[sflag:s2] =	ssyncset.done $0x0  }
0x1ed: {  	[sflag:s2] =	ssyncadd.s32 $0xFFFFCE00  }
0x1ee: {  	_ =	swait.ge [sflag:s2], $0x3200  }
0x1ef: {  	[sflag:s2] =	ssyncset.done $0x0  }
0x1f0: {  	[sflag:s2] =	ssyncadd.s32 $0xFFFFCE00  }
0x1f1: {  	_ =	swait.ge [sflag:s2], $0x3200  }
0x1f2: {  	[sflag:s2] =	ssyncset.done $0x0  }
0x1f3: {  	[sflag:s2] =	ssyncadd.s32 $0xFFFFCE00  }
0x1f4: {  	_ =	swait.ge [sflag:s2], $0x3200  }
0x1f5: {  	[sflag:s2] =	ssyncset.done $0x0  }
0x1f6: {  	[sflag:s2] =	ssyncadd.s32 $0xFFFFCE00  }
0x1f7: {  	_ =	swait.ge [sflag:s2], $0x3200  }
0x1f8: {  	[sflag:s2] =	ssyncset.done $0x0  }
0x1f9: {  	[sflag:s2] =	ssyncadd.s32 $0xFFFFCE00  }
0x1fa: {  	_ =	swait.ge [sflag:s2], $0x3200  }
0x1fb: {  	[sflag:s2] =	ssyncset.done $0x0  }
0x1fc: {  	[sflag:s2] =	ssyncadd.s32 $0xFFFFCE00  }
0x1fd: {  	_ =	swait.ge [sflag:s2], $0x3200  }
0x1fe: {  	[sflag:s2] =	ssyncset.done $0x0  }
0x1ff: {  	[sflag:s2] =	ssyncadd.s32 $0xFFFFCE00  }
0x200: {  	_ =	swait.ge [sflag:s2], $0x3200  }
0x201: {  	[sflag:s2] =	ssyncset.done $0x0  }
0x202: {  	[sflag:s2] =	ssyncadd.s32 $0xFFFFCE00  }
0x203: {  	_ =	swait.ge [sflag:s2], $0x3200  }
0x204: {  	[sflag:s2] =	ssyncset.done $0x0  }
0x205: {  	[sflag:s2] =	ssyncadd.s32 $0xFFFFCE00  }
0x206: {  	_ =	swait.ge [sflag:s2], $0x3200  }
0x207: {  	[sflag:s2] =	ssyncset.done $0x0  }
0x208: {  	[sflag:s2] =	ssyncadd.s32 $0xFFFFCE00  }
0x209: {  	_ =	swait.ge [sflag:s2], $0x3200  }
0x20a: {  	[sflag:s2] =	ssyncset.done $0x0  }
0x20b: {  	[sflag:s2] =	ssyncadd.s32 $0xFFFFCE00  }
0x20c: {  	_ =	swait.ge [sflag:s2], $0x3200  }
0x20d: {  	[sflag:s2] =	ssyncset.done $0x0  }
0x20e: {  	[sflag:s2] =	ssyncadd.s32 $0xFFFFCE00  }
0x20f: {  	_ =	swait.ge [sflag:s2], $0x3200  }
0x210: {  	[sflag:s2] =	ssyncset.done $0x0  }
0x211: {  	[sflag:s2] =	ssyncadd.s32 $0xFFFFCE00  }
0x212: {  	_ =	swait.ge [sflag:s2], $0x3200  }
0x213: {  	[sflag:s2] =	ssyncset.done $0x0  }
0x214: {  	[sflag:s2] =	ssyncadd.s32 $0xFFFFCE00  }
0x215: {  	_ =	swait.ge [sflag:s2], $0x3200  }
0x216: {  	[sflag:s2] =	ssyncset.done $0x0  }
0x217: {  	[sflag:s2] =	ssyncadd.s32 $0xFFFFCE00  }
0x218: {  	_ =	swait.ge [sflag:s2], $0x3200  }
0x219: {  	[sflag:s2] =	ssyncset.done $0x0  }
0x21a: {  	[sflag:s2] =	ssyncadd.s32 $0xFFFFCE00  }
0x21b: {  	_ =	swait.ge [sflag:s2], $0x3200  }
0x21c: {  	[sflag:s2] =	ssyncset.done $0x0  }
0x21d: {  	[sflag:s2] =	ssyncadd.s32 $0xFFFFCE00  }
0x21e: {  	_ =	swait.ge [sflag:s2], $0x3200  }
0x21f: {  	[sflag:s2] =	ssyncset.done $0x0  }
0x220: {  	[sflag:s2] =	ssyncadd.s32 $0xFFFFCE00  }
0x221: {  	_ =	swait.ge [sflag:s2], $0x3200  }
0x222: {  	[sflag:s2] =	ssyncset.done $0x0  }
0x223: {  	[sflag:s2] =	ssyncadd.s32 $0xFFFFCE00  }
0x224: {  	_ =	swait.ge [sflag:s2], $0x3200  }
0x225: {  	[sflag:s2] =	ssyncset.done $0x0  }
0x226: {  	[sflag:s2] =	ssyncadd.s32 $0xFFFFCE00  }
0x227: {  	_ =	swait.ge [sflag:s2], $0x3200  }
0x228: {  	[sflag:s2] =	ssyncset.done $0x0  }
0x229: {  	[sflag:s2] =	ssyncadd.s32 $0xFFFFCE00  }
0x22a: {  	_ =	swait.ge [sflag:s2], $0x3200  }
0x22b: {  	[sflag:s2] =	ssyncset.done $0x0  }
0x22c: {  	[sflag:s2] =	ssyncadd.s32 $0xFFFFCE00  }
0x22d: {  	_ =	swait.ge [sflag:s2], $0x3200  }
0x22e: {  	[sflag:s2] =	ssyncset.done $0x0  }
0x22f: {  	[sflag:s2] =	ssyncadd.s32 $0xFFFFCE00  }
0x230: {  	_ =	swait.ge [sflag:s2], $0x3200  }
0x231: {  	[sflag:s2] =	ssyncset.done $0x0  }
0x232: {  	[sflag:s2] =	ssyncadd.s32 $0xFFFFCE00  }
0x233: {  	_ =	swait.ge [sflag:s2], $0x3200  }
0x234: {  	[sflag:s2] =	ssyncset.done $0x0  }
0x235: {  	[sflag:s2] =	ssyncadd.s32 $0xFFFFCE00  }
0x236: {  	_ =	swait.ge [sflag:s2], $0x3200  }
0x237: {  	[sflag:s2] =	ssyncset.done $0x0  }
0x238: {  	[sflag:s2] =	ssyncadd.s32 $0xFFFFCE00  }
0x239: {  	_ =	swait.ge [sflag:s2], $0x3200  }
0x23a: {  	[sflag:s2] =	ssyncset.done $0x0  }
0x23b: {  	[sflag:s2] =	ssyncadd.s32 $0xFFFFCE00  }
0x23c: {  	_ =	swait.ge [sflag:s2], $0x3200  }
0x23d: {  	[sflag:s2] =	ssyncset.done $0x0  }
0x23e: {  	[sflag:s2] =	ssyncadd.s32 $0xFFFFCE00  }
0x23f: {  	_ =	swait.ge [sflag:s2], $0x3200  }
0x240: {  	[sflag:s2] =	ssyncset.done $0x0  }
0x241: {  	[sflag:s2] =	ssyncadd.s32 $0xFFFFCE00  }
0x242: {  	_ =	swait.ge [sflag:s2], $0x3200  }
0x243: {  	[sflag:s2] =	ssyncset.done $0x0  }
0x244: {  	[sflag:s2] =	ssyncadd.s32 $0xFFFFCE00  }
0x245: {  	_ =	swait.ge [sflag:s2], $0x3200  }
0x246: {  	[sflag:s2] =	ssyncset.done $0x0  }
0x247: {  	[sflag:s2] =	ssyncadd.s32 $0xFFFFCE00  }
0x248: {  	_ =	swait.ge [sflag:s2], $0x3200  }
0x249: {  	[sflag:s2] =	ssyncset.done $0x0  }
0x24a: {  	[sflag:s2] =	ssyncadd.s32 $0xFFFFCE00  }
0x24b: {  	_ =	swait.ge [sflag:s2], $0x3200  }
0x24c: {  	[sflag:s2] =	ssyncset.done $0x0  }
0x24d: {  	[sflag:s2] =	ssyncadd.s32 $0xFFFFCE00  }
0x24e: {  	_ =	swait.ge [sflag:s2], $0x3200  }
0x24f: {  	[sflag:s2] =	ssyncset.done $0x0  }
0x250: {  	[sflag:s2] =	ssyncadd.s32 $0xFFFFCE00  }
0x251: {  	_ =	swait.ge [sflag:s2], $0x3200  }
0x252: {  	[sflag:s2] =	ssyncset.done $0x0  }
0x253: {  	[sflag:s2] =	ssyncadd.s32 $0xFFFFCE00  }
0x254: {  	_ =	swait.ge [sflag:s2], $0x3200  }
0x255: {  	[sflag:s2] =	ssyncset.done $0x0  }
0x256: {  	[sflag:s2] =	ssyncadd.s32 $0xFFFFCE00  }
0x257: {  	_ =	swait.ge [sflag:s2], $0x3200  }
0x258: {  	[sflag:s2] =	ssyncset.done $0x0  }
0x259: {  	[sflag:s2] =	ssyncadd.s32 $0xFFFFCE00  }
0x25a: {  	_ =	swait.ge [sflag:s2], $0x3200  }
0x25b: {  	[sflag:s2] =	ssyncset.done $0x0  }
0x25c: {  	[sflag:s2] =	ssyncadd.s32 $0xFFFFCE00  }
0x25d: {  	_ =	swait.ge [sflag:s2], $0x3200  }
0x25e: {  	[sflag:s2] =	ssyncset.done $0x0  }
0x25f: {  	[sflag:s2] =	ssyncadd.s32 $0xFFFFCE00  }
0x260: {  	_ =	swait.ge [sflag:s2], $0x3200  }
0x261: {  	[sflag:s2] =	ssyncset.done $0x0  }
0x262: {  	[sflag:s2] =	ssyncadd.s32 $0xFFFFCE00  }
0x263: {  	_ =	swait.ge [sflag:s2], $0x3200  }
0x264: {  	[sflag:s2] =	ssyncset.done $0x0  }
0x265: {  	[sflag:s2] =	ssyncadd.s32 $0xFFFFCE00  }
0x266: {  	_ =	swait.ge [sflag:s2], $0x3200  }
0x267: {  	[sflag:s2] =	ssyncset.done $0x0  }
0x268: {  	[sflag:s2] =	ssyncadd.s32 $0xFFFFCE00  }
0x269: {  	_ =	swait.ge [sflag:s2], $0x3200  }
0x26a: {  	[sflag:s2] =	ssyncset.done $0x0  }
0x26b: {  	[sflag:s2] =	ssyncadd.s32 $0xFFFFCE00  }
0x26c: {  	_ =	swait.ge [sflag:s2], $0x3200  }
0x26d: {  	[sflag:s2] =	ssyncset.done $0x0  }
0x26e: {  	[sflag:s2] =	ssyncadd.s32 $0xFFFFCE00  }
0x26f: {  	_ =	swait.ge [sflag:s2], $0x3200  }
0x270: {  	[sflag:s2] =	ssyncset.done $0x0  }
0x271: {  	[sflag:s2] =	ssyncadd.s32 $0xFFFFCE00  }
0x272: {  	_ =	swait.ge [sflag:s2], $0x3200  }
0x273: {  	[sflag:s2] =	ssyncset.done $0x0  }
0x274: {  	[sflag:s2] =	ssyncadd.s32 $0xFFFFCE00  }
0x275: {  	_ =	swait.ge [sflag:s2], $0x3200  }
0x276: {  	[sflag:s2] =	ssyncset.done $0x0  }
0x277: {  	[sflag:s2] =	ssyncadd.s32 $0xFFFFCE00  }
0x278: {  	_ =	swait.ge [sflag:s2], $0x3200  }
0x279: {  	[sflag:s2] =	ssyncset.done $0x0  }
0x27a: {  	[sflag:s2] =	ssyncadd.s32 $0xFFFFCE00  }
0x27b: {  	_ =	swait.ge [sflag:s2], $0x3200  }
0x27c: {  	[sflag:s2] =	ssyncset.done $0x0  }
0x27d: {  	[sflag:s2] =	ssyncadd.s32 $0xFFFFCE00  }
0x27e: {  	_ =	swait.ge [sflag:s2], $0x3200  }
0x27f: {  	[sflag:s2] =	ssyncset.done $0x0  }
0x280: {  	[sflag:s2] =	ssyncadd.s32 $0xFFFFCE00  }
0x281: {  	_ =	swait.ge [sflag:s2], $0x3200  }
0x282: {  	[sflag:s2] =	ssyncset.done $0x0  }
0x283: {  	[sflag:s2] =	ssyncadd.s32 $0xFFFFCE00  }
0x284: {  	_ =	swait.ge [sflag:s2], $0x3200  }
0x285: {  	[sflag:s2] =	ssyncset.done $0x0  }
0x286: {  	[sflag:s2] =	ssyncadd.s32 $0xFFFFCE00  }
0x287: {  	_ =	swait.ge [sflag:s2], $0x3200  }
0x288: {  	[sflag:s2] =	ssyncset.done $0x0  }
0x289: {  	[sflag:s2] =	ssyncadd.s32 $0xFFFFCE00  }
0x28a: {  	_ =	swait.ge [sflag:s2], $0x3200  }
0x28b: {  	[sflag:s2] =	ssyncset.done $0x0  }
0x28c: {  	[sflag:s2] =	ssyncadd.s32 $0xFFFFCE00  }
0x28d: {  	_ =	swait.ge [sflag:s2], $0x3200  }
0x28e: {  	[sflag:s2] =	ssyncset.done $0x0  }
0x28f: {  	[sflag:s2] =	ssyncadd.s32 $0xFFFFCE00  }
0x290: {  	_ =	swait.ge [sflag:s2], $0x3200  }
0x291: {  	[sflag:s2] =	ssyncset.done $0x0  }
0x292: {  	[sflag:s2] =	ssyncadd.s32 $0xFFFFCE00  }
0x293: {  	_ =	swait.ge [sflag:s2], $0x3200  }
0x294: {  	[sflag:s2] =	ssyncset.done $0x0  }
0x295: {  	[sflag:s2] =	ssyncadd.s32 $0xFFFFCE00  }
0x296: {  	_ =	swait.ge [sflag:s2], $0x3200  }
0x297: {  	[sflag:s2] =	ssyncset.done $0x0  }
0x298: {  	[sflag:s2] =	ssyncadd.s32 $0xFFFFCE00  }
0x299: {  	_ =	swait.ge [sflag:s2], $0x3200  }
0x29a: {  	[sflag:s2] =	ssyncset.done $0x0  }
0x29b: {  	[sflag:s2] =	ssyncadd.s32 $0xFFFFCE00  }
0x29c: {  	_ =	swait.ge [sflag:s2], $0x3200  }
0x29d: {  	[sflag:s2] =	ssyncset.done $0x0  }
0x29e: {  	[sflag:s2] =	ssyncadd.s32 $0xFFFFCE00  }
0x29f: {  	_ =	swait.ge [sflag:s2], $0x3200  }
0x2a0: {  	[sflag:s2] =	ssyncset.done $0x0  }
0x2a1: {  	[sflag:s2] =	ssyncadd.s32 $0xFFFFCE00  }
0x2a2: {  	_ =	swait.ge [sflag:s2], $0x3200  }
0x2a3: {  	[sflag:s2] =	ssyncset.done $0x0  }
0x2a4: {  	[sflag:s2] =	ssyncadd.s32 $0xFFFFCE00  }
0x2a5: {  	_ =	swait.ge [sflag:s2], $0x3200  }
0x2a6: {  	[sflag:s2] =	ssyncset.done $0x0  }
0x2a7: {  	[sflag:s2] =	ssyncadd.s32 $0xFFFFCE00  }
0x2a8: {  	_ =	swait.ge [sflag:s2], $0x3200  }
0x2a9: {  	[sflag:s2] =	ssyncset.done $0x0  }
0x2aa: {  	[sflag:s2] =	ssyncadd.s32 $0xFFFFCE00  }
0x2ab: {  	_ =	swait.ge [sflag:s2], $0x3200  }
0x2ac: {  	[sflag:s2] =	ssyncset.done $0x0  }
0x2ad: {  	[sflag:s2] =	ssyncadd.s32 $0xFFFFCE00  }
0x2ae: {  	_ =	swait.ge [sflag:s2], $0x3200  }
0x2af: {  	[sflag:s2] =	ssyncset.done $0x0  }
0x2b0: {  	[sflag:s2] =	ssyncadd.s32 $0xFFFFCE00  }
0x2b1: {  	_ =	swait.ge [sflag:s2], $0x3200  }
0x2b2: {  	[sflag:s2] =	ssyncset.done $0x0  }
0x2b3: {  	[sflag:s2] =	ssyncadd.s32 $0xFFFFCE00  }
0x2b4: {  	_ =	swait.ge [sflag:s2], $0x3200  }
0x2b5: {  	[sflag:s2] =	ssyncset.done $0x0  }
0x2b6: {  	[sflag:s2] =	ssyncadd.s32 $0xFFFFCE00  }
0x2b7: {  	_ =	swait.ge [sflag:s2], $0x3200  }
0x2b8: {  	[sflag:s2] =	ssyncset.done $0x0  }
0x2b9: {  	[sflag:s2] =	ssyncadd.s32 $0xFFFFCE00  }
0x2ba: {  	_ =	swait.ge [sflag:s2], $0x3200  }
0x2bb: {  	[sflag:s2] =	ssyncset.done $0x0  }
0x2bc: {  	[sflag:s2] =	ssyncadd.s32 $0xFFFFCE00  }
0x2bd: {  	_ =	swait.ge [sflag:s2], $0x3200  }
0x2be: {  	[sflag:s2] =	ssyncset.done $0x0  }
0x2bf: {  	[sflag:s2] =	ssyncadd.s32 $0xFFFFCE00  }
0x2c0: {  	_ =	swait.ge [sflag:s2], $0x3200  }
0x2c1: {  	[sflag:s2] =	ssyncset.done $0x0  }
0x2c2: {  	[sflag:s2] =	ssyncadd.s32 $0xFFFFCE00  }
0x2c3: {  	_ =	swait.ge [sflag:s2], $0x3200  }
0x2c4: {  	[sflag:s2] =	ssyncset.done $0x0  }
0x2c5: {  	[sflag:s2] =	ssyncadd.s32 $0xFFFFCE00  }
0x2c6: {  	_ =	swait.ge [sflag:s2], $0x3200  }
0x2c7: {  	[sflag:s2] =	ssyncset.done $0x0  }
0x2c8: {  	[sflag:s2] =	ssyncadd.s32 $0xFFFFCE00  }
0x2c9: {  	_ =	swait.ge [sflag:s2], $0x3200  }
0x2ca: {  	[sflag:s2] =	ssyncset.done $0x0  }
0x2cb: {  	[sflag:s2] =	ssyncadd.s32 $0xFFFFCE00  }
0x2cc: {  	_ =	swait.ge [sflag:s2], $0x3200  }
0x2cd: {  	[sflag:s2] =	ssyncset.done $0x0  }
0x2ce: {  	[sflag:s2] =	ssyncadd.s32 $0xFFFFCE00  }
0x2cf: {  	_ =	swait.ge [sflag:s2], $0x3200  }
0x2d0: {  	[sflag:s2] =	ssyncset.done $0x0  }
0x2d1: {  	[sflag:s2] =	ssyncadd.s32 $0xFFFFCE00  }
0x2d2: {  	_ =	swait.ge [sflag:s2], $0x3200  }
0x2d3: {  	[sflag:s2] =	ssyncset.done $0x0  }
0x2d4: {  	[sflag:s2] =	ssyncadd.s32 $0xFFFFCE00  }
0x2d5: {  	_ =	swait.ge [sflag:s2], $0x3200  }
0x2d6: {  	[sflag:s2] =	ssyncset.done $0x0  }
0x2d7: {  	[sflag:s2] =	ssyncadd.s32 $0xFFFFCE00  }
0x2d8: {  	_ =	swait.ge [sflag:s2], $0x3200  }
0x2d9: {  	[sflag:s2] =	ssyncset.done $0x0  }
0x2da: {  	[sflag:s2] =	ssyncadd.s32 $0xFFFFCE00  }
0x2db: {  	_ =	swait.ge [sflag:s2], $0x3200  }
0x2dc: {  	[sflag:s2] =	ssyncset.done $0x0  }
0x2dd: {  	[sflag:s2] =	ssyncadd.s32 $0xFFFFCE00  }
0x2de: {  	_ =	swait.ge [sflag:s2], $0x3200  }
0x2df: {  	[sflag:s2] =	ssyncset.done $0x0  }
0x2e0: {  	[sflag:s2] =	ssyncadd.s32 $0xFFFFCE00  }
0x2e1: {  	_ =	swait.ge [sflag:s2], $0x3200  }
0x2e2: {  	[sflag:s2] =	ssyncset.done $0x0  }
0x2e3: {  	[sflag:s2] =	ssyncadd.s32 $0xFFFFCE00  }
0x2e4: {  	_ =	swait.ge [sflag:s2], $0x3200  }
0x2e5: {  	[sflag:s2] =	ssyncset.done $0x0  }
0x2e6: {  	[sflag:s2] =	ssyncadd.s32 $0xFFFFCE00  }
0x2e7: {  	_ =	swait.ge [sflag:s2], $0x3200  }
0x2e8: {  	[sflag:s2] =	ssyncset.done $0x0  }
0x2e9: {  	[sflag:s2] =	ssyncadd.s32 $0xFFFFCE00  }
0x2ea: {  	_ =	swait.ge [sflag:s2], $0x3200  }
0x2eb: {  	[sflag:s2] =	ssyncset.done $0x0  }
0x2ec: {  	[sflag:s2] =	ssyncadd.s32 $0xFFFFCE00  }
0x2ed: {  	_ =	swait.ge [sflag:s2], $0x3200  }
0x2ee: {  	[sflag:s2] =	ssyncset.done $0x0  }
0x2ef: {  	[sflag:s2] =	ssyncadd.s32 $0xFFFFCE00  }
0x2f0: {  	_ =	swait.ge [sflag:s2], $0x3200  }
0x2f1: {  	[sflag:s2] =	ssyncset.done $0x0  }
0x2f2: {  	[sflag:s2] =	ssyncadd.s32 $0xFFFFCE00  }
0x2f3: {  	_ =	swait.ge [sflag:s2], $0x3200  }
0x2f4: {  	[sflag:s2] =	ssyncset.done $0x0  }
0x2f5: {  	[sflag:s2] =	ssyncadd.s32 $0xFFFFCE00  }
0x2f6: {  	_ =	swait.ge [sflag:s2], $0x3200  }
0x2f7: {  	s1 =	sld [smem:$0x7B1];
	_ =	sdelay $0x2  }
0x2f8: {  	p1 =	sne.s32 s1, $0x1  }
.Ltmp1:
0x2f9: {  	_ = 	snop;
	(pc) =	sbr.rel @!p1 .LBB2_3-.Ltmp1, $4  }
0x2fa: {  	[sflag:s2] =	ssyncset.done $0x0  }
0x2fb: {  	[sflag:s2] =	ssyncadd.s32 $0xFFFFCE00  }
0x2fc: {  	p0 =	por $0x1, $0x1;
	_ =	swait.ge [sflag:s2], $0x3200  }
0x2fd: {  	s1 =	sadd.s32 $0xFFFFFFFF, s1;
	s0 =	rddreg [dreg:$0x3];
	[sflag:s2] =	ssyncset.done $0x0  }
.LBB2_2:
0x2fe: {  	[sflag:s2] =	ssyncadd.s32 $0xFFFFCE00  }
0x2ff: {  	[tilespmem:s3], [sflag:$0x2] =	stream.linear.gather [hbm4b:s0+s3], $0x3200, $0x38;
	[tilespmem:$0x3200] =	vst v63  }
0x300: {  	_ =	swait.ge [sflag:s31], $0x3200  }
0x301: {  	[sflag:s31] =	ssyncset.done $0x0  }
0x302: {  	s0 =	rddreg [dreg:$0x4];
	[sflag:s31] =	ssyncadd.s32 $0xFFFFCE00;
	s31 =	smov.u32 s4  }
0x303: {  	[hbm4b:s4+s29] =	stream.strided.scatter [tilespmem:s3], [sflag:$0x1], $0x3200, s30, s29, $0x38;
	[tilespmem:$0x3200] =	vst v63  }
0x304: {  	s4 =	smov.u32 s28;
	s28 =	smov.u32 s26;
	s26 =	smov.u32 s25  }
0x305: {  	s25 =	smov.u32 s24;
	s24 =	smov.u32 s23;
	s23 =	smov.u32 s22  }
0x306: {  	s22 =	smov.u32 s21;
	s21 =	smov.u32 s20;
	s20 =	smov.u32 s19  }
0x307: {  	s19 =	smov.u32 s18;
	s18 =	smov.u32 s17;
	s17 =	smov.u32 s16  }
0x308: {  	s16 =	smov.u32 s15;
	s15 =	smov.u32 s14;
	s14 =	smov.u32 s13  }
0x309: {  	s13 =	smov.u32 s12;
	s12 =	smov.u32 s11;
	s11 =	smov.u32 s10  }
0x30a: {  	s10 =	smov.u32 s9;
	s9 =	smov.u32 s8;
	s8 =	smov.u32 s7  }
0x30b: {  	s7 =	smov.u32 s6;
	s6 =	smov.u32 s5;
	s5 =	rddreg [dreg:$0x5]  }
0x30c: {  	[hbm4b:s0+s29] =	stream.strided.scatter [tilespmem:s3], [sflag:$0x1], $0x3200, s30, s29, $0x38;
	[tilespmem:$0x3200] =	vst v63  }
0x30d: {  	s0 =	rddreg [dreg:$0x6]  }
0x30e: {  	[hbm4b:s5+s29] =	stream.strided.scatter [tilespmem:s3], [sflag:$0x1], $0x3200, s30, s29, $0x38;
	[tilespmem:$0x3200] =	vst v63  }
0x30f: {  	s5 =	rddreg [dreg:$0x7]  }
0x310: {  	[hbm4b:s0+s29] =	stream.strided.scatter [tilespmem:s3], [sflag:$0x1], $0x3200, s30, s29, $0x38;
	[tilespmem:$0x3200] =	vst v63  }
0x311: {  	s0 =	rddreg [dreg:$0x8]  }
0x312: {  	[hbm4b:s5+s29] =	stream.strided.scatter [tilespmem:s3], [sflag:$0x1], $0x3200, s30, s29, $0x38;
	[tilespmem:$0x3200] =	vst v63  }
0x313: {  	s5 =	rddreg [dreg:$0x9]  }
0x314: {  	[hbm4b:s0+s29] =	stream.strided.scatter [tilespmem:s3], [sflag:$0x1], $0x3200, s30, s29, $0x38;
	[tilespmem:$0x3200] =	vst v63  }
0x315: {  	s0 =	rddreg [dreg:$0xa]  }
0x316: {  	[hbm4b:s5+s29] =	stream.strided.scatter [tilespmem:s3], [sflag:$0x1], $0x3200, s30, s29, $0x38;
	[tilespmem:$0x3200] =	vst v63  }
0x317: {  	s5 =	rddreg [dreg:$0xb]  }
0x318: {  	[hbm4b:s0+s29] =	stream.strided.scatter [tilespmem:s3], [sflag:$0x1], $0x3200, s30, s29, $0x38;
	[tilespmem:$0x3200] =	vst v63  }
0x319: {  	s0 =	rddreg [dreg:$0xc]  }
0x31a: {  	[hbm4b:s5+s29] =	stream.strided.scatter [tilespmem:s3], [sflag:$0x1], $0x3200, s30, s29, $0x38;
	[tilespmem:$0x3200] =	vst v63  }
0x31b: {  	s5 =	rddreg [dreg:$0xd]  }
0x31c: {  	[hbm4b:s0+s29] =	stream.strided.scatter [tilespmem:s3], [sflag:$0x1], $0x3200, s30, s29, $0x38;
	[tilespmem:$0x3200] =	vst v63  }
0x31d: {  	s0 =	rddreg [dreg:$0xe]  }
0x31e: {  	[hbm4b:s5+s29] =	stream.strided.scatter [tilespmem:s3], [sflag:$0x1], $0x3200, s30, s29, $0x38;
	[tilespmem:$0x3200] =	vst v63  }
0x31f: {  	s5 =	rddreg [dreg:$0xf]  }
0x320: {  	[hbm4b:s0+s29] =	stream.strided.scatter [tilespmem:s3], [sflag:$0x1], $0x3200, s30, s29, $0x38;
	[tilespmem:$0x3200] =	vst v63  }
0x321: {  	s0 =	rddreg [dreg:$0x10]  }
0x322: {  	[hbm4b:s5+s29] =	stream.strided.scatter [tilespmem:s3], [sflag:$0x1], $0x3200, s30, s29, $0x38;
	[tilespmem:$0x3200] =	vst v63  }
0x323: {  	s5 =	rddreg [dreg:$0x11]  }
0x324: {  	[hbm4b:s0+s29] =	stream.strided.scatter [tilespmem:s3], [sflag:$0x1], $0x3200, s30, s29, $0x38;
	[tilespmem:$0x3200] =	vst v63  }
0x325: {  	s0 =	rddreg [dreg:$0x12]  }
0x326: {  	[hbm4b:s5+s29] =	stream.strided.scatter [tilespmem:s3], [sflag:$0x1], $0x3200, s30, s29, $0x38;
	[tilespmem:$0x3200] =	vst v63  }
0x327: {  	s5 =	rddreg [dreg:$0x13]  }
0x328: {  	[hbm4b:s0+s29] =	stream.strided.scatter [tilespmem:s3], [sflag:$0x1], $0x3200, s30, s29, $0x38;
	[tilespmem:$0x3200] =	vst v63  }
0x329: {  	s0 =	rddreg [dreg:$0x14]  }
0x32a: {  	[hbm4b:s5+s29] =	stream.strided.scatter [tilespmem:s3], [sflag:$0x1], $0x3200, s30, s29, $0x38;
	[tilespmem:$0x3200] =	vst v63  }
0x32b: {  	s5 =	rddreg [dreg:$0x15]  }
0x32c: {  	[hbm4b:s0+s29] =	stream.strided.scatter [tilespmem:s3], [sflag:$0x1], $0x3200, s30, s29, $0x38;
	[tilespmem:$0x3200] =	vst v63  }
0x32d: {  	s0 =	rddreg [dreg:$0x16]  }
0x32e: {  	[hbm4b:s5+s29] =	stream.strided.scatter [tilespmem:s3], [sflag:$0x1], $0x3200, s30, s29, $0x38;
	[tilespmem:$0x3200] =	vst v63  }
0x32f: {  	s5 =	rddreg [dreg:$0x17]  }
0x330: {  	[hbm4b:s0+s29] =	stream.strided.scatter [tilespmem:s3], [sflag:$0x1], $0x3200, s30, s29, $0x38;
	[tilespmem:$0x3200] =	vst v63  }
0x331: {  	s0 =	rddreg [dreg:$0x18]  }
0x332: {  	[hbm4b:s5+s29] =	stream.strided.scatter [tilespmem:s3], [sflag:$0x1], $0x3200, s30, s29, $0x38;
	[tilespmem:$0x3200] =	vst v63  }
0x333: {  	s5 =	rddreg [dreg:$0x19]  }
0x334: {  	[hbm4b:s0+s29] =	stream.strided.scatter [tilespmem:s3], [sflag:$0x1], $0x3200, s30, s29, $0x38;
	[tilespmem:$0x3200] =	vst v63  }
0x335: {  	s0 =	rddreg [dreg:$0x1a]  }
0x336: {  	[hbm4b:s5+s29] =	stream.strided.scatter [tilespmem:s3], [sflag:$0x1], $0x3200, s30, s29, $0x38;
	[tilespmem:$0x3200] =	vst v63  }
0x337: {  	s5 =	rddreg [dreg:$0x1b]  }
0x338: {  	[hbm4b:s0+s29] =	stream.strided.scatter [tilespmem:s3], [sflag:$0x1], $0x3200, s30, s29, $0x38;
	[tilespmem:$0x3200] =	vst v63  }
0x339: {  	s0 =	rddreg [dreg:$0x1c]  }
0x33a: {  	[hbm4b:s5+s29] =	stream.strided.scatter [tilespmem:s3], [sflag:$0x1], $0x3200, s30, s29, $0x38;
	[tilespmem:$0x3200] =	vst v63  }
0x33b: {  	s5 =	rddreg [dreg:$0x1d]  }
0x33c: {  	[hbm4b:s0+s29] =	stream.strided.scatter [tilespmem:s3], [sflag:$0x1], $0x3200, s30, s29, $0x38;
	[tilespmem:$0x3200] =	vst v63  }
0x33d: {  	s0 =	rddreg [dreg:$0x1e]  }
0x33e: {  	[hbm4b:s5+s29] =	stream.strided.scatter [tilespmem:s3], [sflag:$0x1], $0x3200, s30, s29, $0x38;
	[tilespmem:$0x3200] =	vst v63  }
0x33f: {  	s5 =	rddreg [dreg:$0x1f]  }
0x340: {  	[hbm4b:s0+s29] =	stream.strided.scatter [tilespmem:s3], [sflag:$0x1], $0x3200, s30, s29, $0x38;
	[tilespmem:$0x3200] =	vst v63  }
0x341: {  	s0 =	sld [smem:$0x7B2]  }
0x342: {  	[hbm4b:s5+s29] =	stream.strided.scatter [tilespmem:s3], [sflag:$0x1], $0x3200, s30, s29, $0x38;
	[tilespmem:$0x3200] =	vst v63  }
0x343: {  	s5 =	sld [smem:$0x7B3]  }
0x344: {  	[hbm4b:s0+s29] =	stream.strided.scatter [tilespmem:s3], [sflag:$0x1], $0x3200, s30, s29, $0x38;
	[tilespmem:$0x3200] =	vst v63  }
0x345: {  	s0 =	sld [smem:$0x7B4]  }
0x346: {  	[hbm4b:s5+s29] =	stream.strided.scatter [tilespmem:s3], [sflag:$0x1], $0x3200, s30, s29, $0x38;
	[tilespmem:$0x3200] =	vst v63  }
0x347: {  	s5 =	sld [smem:$0x7B5]  }
0x348: {  	[hbm4b:s0+s29] =	stream.strided.scatter [tilespmem:s3], [sflag:$0x1], $0x3200, s30, s29, $0x38;
	[tilespmem:$0x3200] =	vst v63  }
0x349: {  	s0 =	sld [smem:$0x7B6]  }
0x34a: {  	[hbm4b:s5+s29] =	stream.strided.scatter [tilespmem:s3], [sflag:$0x1], $0x3200, s30, s29, $0x38;
	[tilespmem:$0x3200] =	vst v63  }
0x34b: {  	s5 =	sld [smem:$0x7B7]  }
0x34c: {  	[hbm4b:s0+s29] =	stream.strided.scatter [tilespmem:s3], [sflag:$0x1], $0x3200, s30, s29, $0x38;
	[tilespmem:$0x3200] =	vst v63  }
0x34d: {  	s0 =	sld [smem:$0x7B8]  }
0x34e: {  	[hbm4b:s5+s29] =	stream.strided.scatter [tilespmem:s3], [sflag:$0x1], $0x3200, s30, s29, $0x38;
	[tilespmem:$0x3200] =	vst v63  }
0x34f: {  	s5 =	sld [smem:$0x7B9]  }
0x350: {  	[hbm4b:s0+s29] =	stream.strided.scatter [tilespmem:s3], [sflag:$0x1], $0x3200, s30, s29, $0x38;
	[tilespmem:$0x3200] =	vst v63  }
0x351: {  	s0 =	sld [smem:$0x7BA]  }
0x352: {  	[hbm4b:s5+s29] =	stream.strided.scatter [tilespmem:s3], [sflag:$0x1], $0x3200, s30, s29, $0x38;
	[tilespmem:$0x3200] =	vst v63  }
0x353: {  	s5 =	sld [smem:$0x7BB]  }
0x354: {  	[hbm4b:s0+s29] =	stream.strided.scatter [tilespmem:s3], [sflag:$0x1], $0x3200, s30, s29, $0x38;
	[tilespmem:$0x3200] =	vst v63  }
0x355: {  	s0 =	sld [smem:$0x7BC]  }
0x356: {  	[hbm4b:s5+s29] =	stream.strided.scatter [tilespmem:s3], [sflag:$0x1], $0x3200, s30, s29, $0x38;
	[tilespmem:$0x3200] =	vst v63  }
0x357: {  	s5 =	sld [smem:$0x7BD]  }
0x358: {  	[hbm4b:s0+s29] =	stream.strided.scatter [tilespmem:s3], [sflag:$0x1], $0x3200, s30, s29, $0x38;
	[tilespmem:$0x3200] =	vst v63  }
0x359: {  	s0 =	sld [smem:$0x7BE]  }
0x35a: {  	[hbm4b:s5+s29] =	stream.strided.scatter [tilespmem:s3], [sflag:$0x1], $0x3200, s30, s29, $0x38;
	[tilespmem:$0x3200] =	vst v63  }
0x35b: {  	s5 =	sld [smem:$0x7BF]  }
0x35c: {  	[hbm4b:s0+s29] =	stream.strided.scatter [tilespmem:s3], [sflag:$0x1], $0x3200, s30, s29, $0x38;
	[tilespmem:$0x3200] =	vst v63  }
0x35d: {  	s0 =	sld [smem:$0x7C0]  }
0x35e: {  	[hbm4b:s5+s29] =	stream.strided.scatter [tilespmem:s3], [sflag:$0x1], $0x3200, s30, s29, $0x38;
	[tilespmem:$0x3200] =	vst v63  }
0x35f: {  	s5 =	sld [smem:$0x7C1]  }
0x360: {  	[hbm4b:s0+s29] =	stream.strided.scatter [tilespmem:s3], [sflag:$0x1], $0x3200, s30, s29, $0x38;
	[tilespmem:$0x3200] =	vst v63  }
0x361: {  	s0 =	sld [smem:$0x7C2]  }
0x362: {  	[hbm4b:s5+s29] =	stream.strided.scatter [tilespmem:s3], [sflag:$0x1], $0x3200, s30, s29, $0x38;
	[tilespmem:$0x3200] =	vst v63  }
0x363: {  	s5 =	sld [smem:$0x7C3]  }
0x364: {  	[hbm4b:s0+s29] =	stream.strided.scatter [tilespmem:s3], [sflag:$0x1], $0x3200, s30, s29, $0x38;
	[tilespmem:$0x3200] =	vst v63  }
0x365: {  	s0 =	sld [smem:$0x7C4]  }
0x366: {  	[hbm4b:s5+s29] =	stream.strided.scatter [tilespmem:s3], [sflag:$0x1], $0x3200, s30, s29, $0x38;
	[tilespmem:$0x3200] =	vst v63  }
0x367: {  	s5 =	sld [smem:$0x7C5]  }
0x368: {  	[hbm4b:s0+s29] =	stream.strided.scatter [tilespmem:s3], [sflag:$0x1], $0x3200, s30, s29, $0x38;
	[tilespmem:$0x3200] =	vst v63  }
0x369: {  	s0 =	sld [smem:$0x7C6]  }
0x36a: {  	[hbm4b:s5+s29] =	stream.strided.scatter [tilespmem:s3], [sflag:$0x1], $0x3200, s30, s29, $0x38;
	[tilespmem:$0x3200] =	vst v63  }
0x36b: {  	s5 =	sld [smem:$0x7C7]  }
0x36c: {  	[hbm4b:s0+s29] =	stream.strided.scatter [tilespmem:s3], [sflag:$0x1], $0x3200, s30, s29, $0x38;
	[tilespmem:$0x3200] =	vst v63  }
0x36d: {  	s0 =	sld [smem:$0x7C8]  }
0x36e: {  	[hbm4b:s5+s29] =	stream.strided.scatter [tilespmem:s3], [sflag:$0x1], $0x3200, s30, s29, $0x38;
	[tilespmem:$0x3200] =	vst v63  }
0x36f: {  	s5 =	sld [smem:$0x7C9]  }
0x370: {  	[hbm4b:s0+s29] =	stream.strided.scatter [tilespmem:s3], [sflag:$0x1], $0x3200, s30, s29, $0x38;
	[tilespmem:$0x3200] =	vst v63  }
0x371: {  	s0 =	sld [smem:$0x7CA]  }
0x372: {  	[hbm4b:s5+s29] =	stream.strided.scatter [tilespmem:s3], [sflag:$0x1], $0x3200, s30, s29, $0x38;
	[tilespmem:$0x3200] =	vst v63  }
0x373: {  	s5 =	sld [smem:$0x7CB]  }
0x374: {  	[hbm4b:s0+s29] =	stream.strided.scatter [tilespmem:s3], [sflag:$0x1], $0x3200, s30, s29, $0x38;
	[tilespmem:$0x3200] =	vst v63  }
0x375: {  	s0 =	sld [smem:$0x7CC]  }
0x376: {  	[hbm4b:s5+s29] =	stream.strided.scatter [tilespmem:s3], [sflag:$0x1], $0x3200, s30, s29, $0x38;
	[tilespmem:$0x3200] =	vst v63  }
0x377: {  	s5 =	sld [smem:$0x7CD]  }
0x378: {  	[hbm4b:s0+s29] =	stream.strided.scatter [tilespmem:s3], [sflag:$0x1], $0x3200, s30, s29, $0x38;
	[tilespmem:$0x3200] =	vst v63  }
0x379: {  	s0 =	sld [smem:$0x7CE]  }
0x37a: {  	[hbm4b:s5+s29] =	stream.strided.scatter [tilespmem:s3], [sflag:$0x1], $0x3200, s30, s29, $0x38;
	[tilespmem:$0x3200] =	vst v63  }
0x37b: {  	s5 =	sld [smem:$0x7CF]  }
0x37c: {  	[hbm4b:s0+s29] =	stream.strided.scatter [tilespmem:s3], [sflag:$0x1], $0x3200, s30, s29, $0x38;
	[tilespmem:$0x3200] =	vst v63  }
0x37d: {  	s0 =	sld [smem:$0x7D0]  }
0x37e: {  	[hbm4b:s5+s29] =	stream.strided.scatter [tilespmem:s3], [sflag:$0x1], $0x3200, s30, s29, $0x38;
	[tilespmem:$0x3200] =	vst v63  }
0x37f: {  	s5 =	sld [smem:$0x7D1]  }
0x380: {  	[hbm4b:s0+s29] =	stream.strided.scatter [tilespmem:s3], [sflag:$0x1], $0x3200, s30, s29, $0x38;
	[tilespmem:$0x3200] =	vst v63  }
0x381: {  	s0 =	sld [smem:$0x7D2]  }
0x382: {  	[hbm4b:s5+s29] =	stream.strided.scatter [tilespmem:s3], [sflag:$0x1], $0x3200, s30, s29, $0x38;
	[tilespmem:$0x3200] =	vst v63  }
0x383: {  	s5 =	sld [smem:$0x7D3]  }
0x384: {  	[hbm4b:s0+s29] =	stream.strided.scatter [tilespmem:s3], [sflag:$0x1], $0x3200, s30, s29, $0x38;
	[tilespmem:$0x3200] =	vst v63  }
0x385: {  	s0 =	sld [smem:$0x7D4]  }
0x386: {  	[hbm4b:s5+s29] =	stream.strided.scatter [tilespmem:s3], [sflag:$0x1], $0x3200, s30, s29, $0x38;
	[tilespmem:$0x3200] =	vst v63  }
0x387: {  	s5 =	sld [smem:$0x7D5]  }
0x388: {  	[hbm4b:s0+s29] =	stream.strided.scatter [tilespmem:s3], [sflag:$0x1], $0x3200, s30, s29, $0x38;
	[tilespmem:$0x3200] =	vst v63  }
0x389: {  	s0 =	sld [smem:$0x7D6]  }
0x38a: {  	[hbm4b:s5+s29] =	stream.strided.scatter [tilespmem:s3], [sflag:$0x1], $0x3200, s30, s29, $0x38;
	[tilespmem:$0x3200] =	vst v63  }
0x38b: {  	s5 =	sld [smem:$0x7D7]  }
0x38c: {  	[hbm4b:s0+s29] =	stream.strided.scatter [tilespmem:s3], [sflag:$0x1], $0x3200, s30, s29, $0x38;
	[tilespmem:$0x3200] =	vst v63  }
0x38d: {  	s0 =	sld [smem:$0x7D8]  }
0x38e: {  	[hbm4b:s5+s29] =	stream.strided.scatter [tilespmem:s3], [sflag:$0x1], $0x3200, s30, s29, $0x38;
	[tilespmem:$0x3200] =	vst v63  }
0x38f: {  	s5 =	sld [smem:$0x7D9]  }
0x390: {  	[hbm4b:s0+s29] =	stream.strided.scatter [tilespmem:s3], [sflag:$0x1], $0x3200, s30, s29, $0x38;
	[tilespmem:$0x3200] =	vst v63  }
0x391: {  	s0 =	sld [smem:$0x7DA]  }
0x392: {  	[hbm4b:s5+s29] =	stream.strided.scatter [tilespmem:s3], [sflag:$0x1], $0x3200, s30, s29, $0x38;
	[tilespmem:$0x3200] =	vst v63  }
0x393: {  	s5 =	sld [smem:$0x7DB]  }
0x394: {  	[hbm4b:s0+s29] =	stream.strided.scatter [tilespmem:s3], [sflag:$0x1], $0x3200, s30, s29, $0x38;
	[tilespmem:$0x3200] =	vst v63  }
0x395: {  	s0 =	sld [smem:$0x7DC]  }
0x396: {  	[hbm4b:s5+s29] =	stream.strided.scatter [tilespmem:s3], [sflag:$0x1], $0x3200, s30, s29, $0x38;
	[tilespmem:$0x3200] =	vst v63  }
0x397: {  	s5 =	sld [smem:$0x7DD]  }
0x398: {  	[hbm4b:s0+s29] =	stream.strided.scatter [tilespmem:s3], [sflag:$0x1], $0x3200, s30, s29, $0x38;
	[tilespmem:$0x3200] =	vst v63  }
0x399: {  	s0 =	sld [smem:$0x7DE]  }
0x39a: {  	[hbm4b:s5+s29] =	stream.strided.scatter [tilespmem:s3], [sflag:$0x1], $0x3200, s30, s29, $0x38;
	[tilespmem:$0x3200] =	vst v63  }
0x39b: {  	s5 =	sld [smem:$0x7DF]  }
0x39c: {  	[hbm4b:s0+s29] =	stream.strided.scatter [tilespmem:s3], [sflag:$0x1], $0x3200, s30, s29, $0x38;
	[tilespmem:$0x3200] =	vst v63  }
0x39d: {  	s0 =	sld [smem:$0x7E0]  }
0x39e: {  	[hbm4b:s5+s29] =	stream.strided.scatter [tilespmem:s3], [sflag:$0x1], $0x3200, s30, s29, $0x38;
	[tilespmem:$0x3200] =	vst v63  }
0x39f: {  	s5 =	sld [smem:$0x7E1]  }
0x3a0: {  	[hbm4b:s0+s29] =	stream.strided.scatter [tilespmem:s3], [sflag:$0x1], $0x3200, s30, s29, $0x38;
	[tilespmem:$0x3200] =	vst v63  }
0x3a1: {  	s0 =	sld [smem:$0x7E2]  }
0x3a2: {  	[hbm4b:s5+s29] =	stream.strided.scatter [tilespmem:s3], [sflag:$0x1], $0x3200, s30, s29, $0x38;
	[tilespmem:$0x3200] =	vst v63  }
0x3a3: {  	s5 =	sld [smem:$0x7E3]  }
0x3a4: {  	[hbm4b:s0+s29] =	stream.strided.scatter [tilespmem:s3], [sflag:$0x1], $0x3200, s30, s29, $0x38;
	[tilespmem:$0x3200] =	vst v63  }
0x3a5: {  	s0 =	sld [smem:$0x7E4]  }
0x3a6: {  	[hbm4b:s5+s29] =	stream.strided.scatter [tilespmem:s3], [sflag:$0x1], $0x3200, s30, s29, $0x38;
	[tilespmem:$0x3200] =	vst v63  }
0x3a7: {  	s5 =	sld [smem:$0x7E5]  }
0x3a8: {  	[hbm4b:s0+s29] =	stream.strided.scatter [tilespmem:s3], [sflag:$0x1], $0x3200, s30, s29, $0x38;
	[tilespmem:$0x3200] =	vst v63  }
0x3a9: {  	s0 =	sld [smem:$0x7E6]  }
0x3aa: {  	[hbm4b:s5+s29] =	stream.strided.scatter [tilespmem:s3], [sflag:$0x1], $0x3200, s30, s29, $0x38;
	[tilespmem:$0x3200] =	vst v63  }
0x3ab: {  	s5 =	sld [smem:$0x7E7]  }
0x3ac: {  	[hbm4b:s0+s29] =	stream.strided.scatter [tilespmem:s3], [sflag:$0x1], $0x3200, s30, s29, $0x38;
	[tilespmem:$0x3200] =	vst v63  }
0x3ad: {  	s0 =	sld [smem:$0x7E8]  }
0x3ae: {  	[hbm4b:s5+s29] =	stream.strided.scatter [tilespmem:s3], [sflag:$0x1], $0x3200, s30, s29, $0x38;
	[tilespmem:$0x3200] =	vst v63  }
0x3af: {  	s5 =	sld [smem:$0x7E9]  }
0x3b0: {  	[hbm4b:s0+s29] =	stream.strided.scatter [tilespmem:s3], [sflag:$0x1], $0x3200, s30, s29, $0x38;
	[tilespmem:$0x3200] =	vst v63  }
0x3b1: {  	s0 =	sld [smem:$0x7EA]  }
0x3b2: {  	[hbm4b:s5+s29] =	stream.strided.scatter [tilespmem:s3], [sflag:$0x1], $0x3200, s30, s29, $0x38;
	[tilespmem:$0x3200] =	vst v63  }
0x3b3: {  	s5 =	sld [smem:$0x7EB]  }
0x3b4: {  	[hbm4b:s0+s29] =	stream.strided.scatter [tilespmem:s3], [sflag:$0x1], $0x3200, s30, s29, $0x38;
	[tilespmem:$0x3200] =	vst v63  }
0x3b5: {  	s0 =	sld [smem:$0x7EC]  }
0x3b6: {  	[hbm4b:s5+s29] =	stream.strided.scatter [tilespmem:s3], [sflag:$0x1], $0x3200, s30, s29, $0x38;
	[tilespmem:$0x3200] =	vst v63  }
0x3b7: {  	s5 =	sld [smem:$0x7ED]  }
0x3b8: {  	[hbm4b:s0+s29] =	stream.strided.scatter [tilespmem:s3], [sflag:$0x1], $0x3200, s30, s29, $0x38;
	[tilespmem:$0x3200] =	vst v63  }
0x3b9: {  	s0 =	sld [smem:$0x7EE]  }
0x3ba: {  	[hbm4b:s5+s29] =	stream.strided.scatter [tilespmem:s3], [sflag:$0x1], $0x3200, s30, s29, $0x38;
	[tilespmem:$0x3200] =	vst v63  }
0x3bb: {  	s5 =	sld [smem:$0x7EF]  }
0x3bc: {  	[hbm4b:s0+s29] =	stream.strided.scatter [tilespmem:s3], [sflag:$0x1], $0x3200, s30, s29, $0x38;
	[tilespmem:$0x3200] =	vst v63  }
0x3bd: {  	s0 =	sld [smem:$0x7F0]  }
0x3be: {  	[hbm4b:s5+s29] =	stream.strided.scatter [tilespmem:s3], [sflag:$0x1], $0x3200, s30, s29, $0x38;
	[tilespmem:$0x3200] =	vst v63  }
0x3bf: {  	s5 =	sld [smem:$0x7F1]  }
0x3c0: {  	[hbm4b:s0+s29] =	stream.strided.scatter [tilespmem:s3], [sflag:$0x1], $0x3200, s30, s29, $0x38;
	[tilespmem:$0x3200] =	vst v63  }
0x3c1: {  	s0 =	sld [smem:$0x7F2]  }
0x3c2: {  	[hbm4b:s5+s29] =	stream.strided.scatter [tilespmem:s3], [sflag:$0x1], $0x3200, s30, s29, $0x38;
	[tilespmem:$0x3200] =	vst v63  }
0x3c3: {  	s5 =	sld [smem:$0x7F3]  }
0x3c4: {  	[hbm4b:s0+s29] =	stream.strided.scatter [tilespmem:s3], [sflag:$0x1], $0x3200, s30, s29, $0x38;
	[tilespmem:$0x3200] =	vst v63  }
0x3c5: {  	s0 =	sld [smem:$0x7F4]  }
0x3c6: {  	[hbm4b:s5+s29] =	stream.strided.scatter [tilespmem:s3], [sflag:$0x1], $0x3200, s30, s29, $0x38;
	[tilespmem:$0x3200] =	vst v63  }
0x3c7: {  	s5 =	sld [smem:$0x7F5]  }
0x3c8: {  	[hbm4b:s0+s29] =	stream.strided.scatter [tilespmem:s3], [sflag:$0x1], $0x3200, s30, s29, $0x38;
	[tilespmem:$0x3200] =	vst v63  }
0x3c9: {  	s0 =	sld [smem:$0x7F6]  }
0x3ca: {  	[hbm4b:s5+s29] =	stream.strided.scatter [tilespmem:s3], [sflag:$0x1], $0x3200, s30, s29, $0x38;
	[tilespmem:$0x3200] =	vst v63  }
0x3cb: {  	s5 =	sld [smem:$0x7F7]  }
0x3cc: {  	[hbm4b:s0+s29] =	stream.strided.scatter [tilespmem:s3], [sflag:$0x1], $0x3200, s30, s29, $0x38;
	[tilespmem:$0x3200] =	vst v63  }
0x3cd: {  	s0 =	sld [smem:$0x7F8]  }
0x3ce: {  	[hbm4b:s5+s29] =	stream.strided.scatter [tilespmem:s3], [sflag:$0x1], $0x3200, s30, s29, $0x38;
	[tilespmem:$0x3200] =	vst v63  }
0x3cf: {  	s5 =	sld [smem:$0x7F9]  }
0x3d0: {  	[hbm4b:s0+s29] =	stream.strided.scatter [tilespmem:s3], [sflag:$0x1], $0x3200, s30, s29, $0x38;
	[tilespmem:$0x3200] =	vst v63  }
0x3d1: {  	s0 =	sld [smem:$0x7FA]  }
0x3d2: {  	[hbm4b:s5+s29] =	stream.strided.scatter [tilespmem:s3], [sflag:$0x1], $0x3200, s30, s29, $0x38;
	[tilespmem:$0x3200] =	vst v63  }
0x3d3: {  	s5 =	sld [smem:$0x7FB]  }
0x3d4: {  	[hbm4b:s0+s29] =	stream.strided.scatter [tilespmem:s3], [sflag:$0x1], $0x3200, s30, s29, $0x38;
	[tilespmem:$0x3200] =	vst v63  }
0x3d5: {  	s0 =	sld [smem:$0x7FC]  }
0x3d6: {  	[hbm4b:s5+s29] =	stream.strided.scatter [tilespmem:s3], [sflag:$0x1], $0x3200, s30, s29, $0x38;
	[tilespmem:$0x3200] =	vst v63  }
0x3d7: {  	s5 =	sld [smem:$0x7FD]  }
0x3d8: {  	[hbm4b:s0+s29] =	stream.strided.scatter [tilespmem:s3], [sflag:$0x1], $0x3200, s30, s29, $0x38;
	[tilespmem:$0x3200] =	vst v63  }
0x3d9: {  	_ = 	snop  }
0x3da: {  	[hbm4b:s5+s29] =	stream.strided.scatter [tilespmem:s3], [sflag:$0x1], $0x3200, s30, s29, $0x38;
	[tilespmem:$0x3200] =	vst v63  }
0x3db: {  	s5 =	smov.u32 s6  }
0x3dc: {  	[hbm4b:s5+s29] =	stream.strided.scatter [tilespmem:s3], [sflag:$0x1], $0x3200, s30, s29, $0x38;
	[tilespmem:$0x3200] =	vst v63  }
0x3dd: {  	s6 =	smov.u32 s7  }
0x3de: {  	[hbm4b:s6+s29] =	stream.strided.scatter [tilespmem:s3], [sflag:$0x1], $0x3200, s30, s29, $0x38;
	[tilespmem:$0x3200] =	vst v63  }
0x3df: {  	s7 =	smov.u32 s8  }
0x3e0: {  	[hbm4b:s7+s29] =	stream.strided.scatter [tilespmem:s3], [sflag:$0x1], $0x3200, s30, s29, $0x38;
	[tilespmem:$0x3200] =	vst v63  }
0x3e1: {  	s8 =	smov.u32 s9  }
0x3e2: {  	[hbm4b:s8+s29] =	stream.strided.scatter [tilespmem:s3], [sflag:$0x1], $0x3200, s30, s29, $0x38;
	[tilespmem:$0x3200] =	vst v63  }
0x3e3: {  	s9 =	smov.u32 s10  }
0x3e4: {  	[hbm4b:s9+s29] =	stream.strided.scatter [tilespmem:s3], [sflag:$0x1], $0x3200, s30, s29, $0x38;
	[tilespmem:$0x3200] =	vst v63  }
0x3e5: {  	s10 =	smov.u32 s11  }
0x3e6: {  	[hbm4b:s10+s29] =	stream.strided.scatter [tilespmem:s3], [sflag:$0x1], $0x3200, s30, s29, $0x38;
	[tilespmem:$0x3200] =	vst v63  }
0x3e7: {  	s11 =	smov.u32 s12  }
0x3e8: {  	[hbm4b:s11+s29] =	stream.strided.scatter [tilespmem:s3], [sflag:$0x1], $0x3200, s30, s29, $0x38;
	[tilespmem:$0x3200] =	vst v63  }
0x3e9: {  	s12 =	smov.u32 s13  }
0x3ea: {  	[hbm4b:s12+s29] =	stream.strided.scatter [tilespmem:s3], [sflag:$0x1], $0x3200, s30, s29, $0x38;
	[tilespmem:$0x3200] =	vst v63  }
0x3eb: {  	s13 =	smov.u32 s14  }
0x3ec: {  	[hbm4b:s13+s29] =	stream.strided.scatter [tilespmem:s3], [sflag:$0x1], $0x3200, s30, s29, $0x38;
	[tilespmem:$0x3200] =	vst v63  }
0x3ed: {  	s14 =	smov.u32 s15  }
0x3ee: {  	[hbm4b:s14+s29] =	stream.strided.scatter [tilespmem:s3], [sflag:$0x1], $0x3200, s30, s29, $0x38;
	[tilespmem:$0x3200] =	vst v63  }
0x3ef: {  	s15 =	smov.u32 s16  }
0x3f0: {  	[hbm4b:s15+s29] =	stream.strided.scatter [tilespmem:s3], [sflag:$0x1], $0x3200, s30, s29, $0x38;
	[tilespmem:$0x3200] =	vst v63  }
0x3f1: {  	s16 =	smov.u32 s17  }
0x3f2: {  	[hbm4b:s16+s29] =	stream.strided.scatter [tilespmem:s3], [sflag:$0x1], $0x3200, s30, s29, $0x38;
	[tilespmem:$0x3200] =	vst v63  }
0x3f3: {  	s17 =	smov.u32 s18  }
0x3f4: {  	[hbm4b:s17+s29] =	stream.strided.scatter [tilespmem:s3], [sflag:$0x1], $0x3200, s30, s29, $0x38;
	[tilespmem:$0x3200] =	vst v63  }
0x3f5: {  	s18 =	smov.u32 s19  }
0x3f6: {  	[hbm4b:s18+s29] =	stream.strided.scatter [tilespmem:s3], [sflag:$0x1], $0x3200, s30, s29, $0x38;
	[tilespmem:$0x3200] =	vst v63  }
0x3f7: {  	s19 =	smov.u32 s20  }
0x3f8: {  	[hbm4b:s19+s29] =	stream.strided.scatter [tilespmem:s3], [sflag:$0x1], $0x3200, s30, s29, $0x38;
	[tilespmem:$0x3200] =	vst v63  }
0x3f9: {  	s20 =	smov.u32 s21  }
0x3fa: {  	[hbm4b:s20+s29] =	stream.strided.scatter [tilespmem:s3], [sflag:$0x1], $0x3200, s30, s29, $0x38;
	[tilespmem:$0x3200] =	vst v63  }
0x3fb: {  	s21 =	smov.u32 s22  }
0x3fc: {  	[hbm4b:s21+s29] =	stream.strided.scatter [tilespmem:s3], [sflag:$0x1], $0x3200, s30, s29, $0x38;
	[tilespmem:$0x3200] =	vst v63  }
0x3fd: {  	s22 =	smov.u32 s23  }
0x3fe: {  	[hbm4b:s22+s29] =	stream.strided.scatter [tilespmem:s3], [sflag:$0x1], $0x3200, s30, s29, $0x38;
	[tilespmem:$0x3200] =	vst v63  }
0x3ff: {  	s23 =	smov.u32 s24  }
0x400: {  	[hbm4b:s23+s29] =	stream.strided.scatter [tilespmem:s3], [sflag:$0x1], $0x3200, s30, s29, $0x38;
	[tilespmem:$0x3200] =	vst v63  }
0x401: {  	s24 =	smov.u32 s25  }
0x402: {  	[hbm4b:s24+s29] =	stream.strided.scatter [tilespmem:s3], [sflag:$0x1], $0x3200, s30, s29, $0x38;
	[tilespmem:$0x3200] =	vst v63  }
0x403: {  	s25 =	smov.u32 s26  }
0x404: {  	[hbm4b:s25+s29] =	stream.strided.scatter [tilespmem:s3], [sflag:$0x1], $0x3200, s30, s29, $0x38;
	[tilespmem:$0x3200] =	vst v63  }
0x405: {  	s26 =	smov.u32 s28  }
0x406: {  	[hbm4b:s26+s29] =	stream.strided.scatter [tilespmem:s3], [sflag:$0x1], $0x3200, s30, s29, $0x38;
	[tilespmem:$0x3200] =	vst v63  }
0x407: {  	s28 =	smov.u32 s4  }
0x408: {  	[hbm4b:s28+s29] =	stream.strided.scatter [tilespmem:s3], [sflag:$0x1], $0x3200, s30, s29, $0x38;
	[tilespmem:$0x3200] =	vst v63  }
0x409: {  	_ =	swait.ge [sflag:s2], $0x3200  }
0x40a: {  	[sflag:s2] =	ssyncset.done $0x0  }
0x40b: {  	[sflag:s2] =	ssyncadd.s32 $0xFFFFCE00  }
0x40c: {  	_ =	swait.ge [sflag:s2], $0x3200  }
0x40d: {  	[sflag:s2] =	ssyncset.done $0x0  }
0x40e: {  	[sflag:s2] =	ssyncadd.s32 $0xFFFFCE00  }
0x40f: {  	_ =	swait.ge [sflag:s2], $0x3200  }
0x410: {  	[sflag:s2] =	ssyncset.done $0x0  }
0x411: {  	[sflag:s2] =	ssyncadd.s32 $0xFFFFCE00  }
0x412: {  	_ =	swait.ge [sflag:s2], $0x3200  }
0x413: {  	[sflag:s2] =	ssyncset.done $0x0  }
0x414: {  	[sflag:s2] =	ssyncadd.s32 $0xFFFFCE00  }
0x415: {  	_ =	swait.ge [sflag:s2], $0x3200  }
0x416: {  	[sflag:s2] =	ssyncset.done $0x0  }
0x417: {  	[sflag:s2] =	ssyncadd.s32 $0xFFFFCE00  }
0x418: {  	_ =	swait.ge [sflag:s2], $0x3200  }
0x419: {  	[sflag:s2] =	ssyncset.done $0x0  }
0x41a: {  	[sflag:s2] =	ssyncadd.s32 $0xFFFFCE00  }
0x41b: {  	_ =	swait.ge [sflag:s2], $0x3200  }
0x41c: {  	[sflag:s2] =	ssyncset.done $0x0  }
0x41d: {  	[sflag:s2] =	ssyncadd.s32 $0xFFFFCE00  }
0x41e: {  	_ =	swait.ge [sflag:s2], $0x3200  }
0x41f: {  	[sflag:s2] =	ssyncset.done $0x0  }
0x420: {  	[sflag:s2] =	ssyncadd.s32 $0xFFFFCE00  }
0x421: {  	_ =	swait.ge [sflag:s2], $0x3200  }
0x422: {  	[sflag:s2] =	ssyncset.done $0x0  }
0x423: {  	[sflag:s2] =	ssyncadd.s32 $0xFFFFCE00  }
0x424: {  	_ =	swait.ge [sflag:s2], $0x3200  }
0x425: {  	[sflag:s2] =	ssyncset.done $0x0  }
0x426: {  	[sflag:s2] =	ssyncadd.s32 $0xFFFFCE00  }
0x427: {  	_ =	swait.ge [sflag:s2], $0x3200  }
0x428: {  	[sflag:s2] =	ssyncset.done $0x0  }
0x429: {  	[sflag:s2] =	ssyncadd.s32 $0xFFFFCE00  }
0x42a: {  	_ =	swait.ge [sflag:s2], $0x3200  }
0x42b: {  	[sflag:s2] =	ssyncset.done $0x0  }
0x42c: {  	[sflag:s2] =	ssyncadd.s32 $0xFFFFCE00  }
0x42d: {  	_ =	swait.ge [sflag:s2], $0x3200  }
0x42e: {  	[sflag:s2] =	ssyncset.done $0x0  }
0x42f: {  	[sflag:s2] =	ssyncadd.s32 $0xFFFFCE00  }
0x430: {  	_ =	swait.ge [sflag:s2], $0x3200  }
0x431: {  	[sflag:s2] =	ssyncset.done $0x0  }
0x432: {  	[sflag:s2] =	ssyncadd.s32 $0xFFFFCE00  }
0x433: {  	_ =	swait.ge [sflag:s2], $0x3200  }
0x434: {  	[sflag:s2] =	ssyncset.done $0x0  }
0x435: {  	[sflag:s2] =	ssyncadd.s32 $0xFFFFCE00  }
0x436: {  	_ =	swait.ge [sflag:s2], $0x3200  }
0x437: {  	[sflag:s2] =	ssyncset.done $0x0  }
0x438: {  	[sflag:s2] =	ssyncadd.s32 $0xFFFFCE00  }
0x439: {  	_ =	swait.ge [sflag:s2], $0x3200  }
0x43a: {  	[sflag:s2] =	ssyncset.done $0x0  }
0x43b: {  	[sflag:s2] =	ssyncadd.s32 $0xFFFFCE00  }
0x43c: {  	_ =	swait.ge [sflag:s2], $0x3200  }
0x43d: {  	[sflag:s2] =	ssyncset.done $0x0  }
0x43e: {  	[sflag:s2] =	ssyncadd.s32 $0xFFFFCE00  }
0x43f: {  	_ =	swait.ge [sflag:s2], $0x3200  }
0x440: {  	[sflag:s2] =	ssyncset.done $0x0  }
0x441: {  	[sflag:s2] =	ssyncadd.s32 $0xFFFFCE00  }
0x442: {  	_ =	swait.ge [sflag:s2], $0x3200  }
0x443: {  	[sflag:s2] =	ssyncset.done $0x0  }
0x444: {  	[sflag:s2] =	ssyncadd.s32 $0xFFFFCE00  }
0x445: {  	_ =	swait.ge [sflag:s2], $0x3200  }
0x446: {  	[sflag:s2] =	ssyncset.done $0x0  }
0x447: {  	[sflag:s2] =	ssyncadd.s32 $0xFFFFCE00  }
0x448: {  	_ =	swait.ge [sflag:s2], $0x3200  }
0x449: {  	[sflag:s2] =	ssyncset.done $0x0  }
0x44a: {  	[sflag:s2] =	ssyncadd.s32 $0xFFFFCE00  }
0x44b: {  	_ =	swait.ge [sflag:s2], $0x3200  }
0x44c: {  	[sflag:s2] =	ssyncset.done $0x0  }
0x44d: {  	[sflag:s2] =	ssyncadd.s32 $0xFFFFCE00  }
0x44e: {  	_ =	swait.ge [sflag:s2], $0x3200  }
0x44f: {  	[sflag:s2] =	ssyncset.done $0x0  }
0x450: {  	[sflag:s2] =	ssyncadd.s32 $0xFFFFCE00  }
0x451: {  	_ =	swait.ge [sflag:s2], $0x3200  }
0x452: {  	[sflag:s2] =	ssyncset.done $0x0  }
0x453: {  	[sflag:s2] =	ssyncadd.s32 $0xFFFFCE00  }
0x454: {  	_ =	swait.ge [sflag:s2], $0x3200  }
0x455: {  	[sflag:s2] =	ssyncset.done $0x0  }
0x456: {  	[sflag:s2] =	ssyncadd.s32 $0xFFFFCE00  }
0x457: {  	_ =	swait.ge [sflag:s2], $0x3200  }
0x458: {  	[sflag:s2] =	ssyncset.done $0x0  }
0x459: {  	[sflag:s2] =	ssyncadd.s32 $0xFFFFCE00  }
0x45a: {  	_ =	swait.ge [sflag:s2], $0x3200  }
0x45b: {  	[sflag:s2] =	ssyncset.done $0x0  }
0x45c: {  	[sflag:s2] =	ssyncadd.s32 $0xFFFFCE00  }
0x45d: {  	_ =	swait.ge [sflag:s2], $0x3200  }
0x45e: {  	[sflag:s2] =	ssyncset.done $0x0  }
0x45f: {  	[sflag:s2] =	ssyncadd.s32 $0xFFFFCE00  }
0x460: {  	_ =	swait.ge [sflag:s2], $0x3200  }
0x461: {  	[sflag:s2] =	ssyncset.done $0x0  }
0x462: {  	[sflag:s2] =	ssyncadd.s32 $0xFFFFCE00  }
0x463: {  	_ =	swait.ge [sflag:s2], $0x3200  }
0x464: {  	[sflag:s2] =	ssyncset.done $0x0  }
0x465: {  	[sflag:s2] =	ssyncadd.s32 $0xFFFFCE00  }
0x466: {  	_ =	swait.ge [sflag:s2], $0x3200  }
0x467: {  	[sflag:s2] =	ssyncset.done $0x0  }
0x468: {  	[sflag:s2] =	ssyncadd.s32 $0xFFFFCE00  }
0x469: {  	_ =	swait.ge [sflag:s2], $0x3200  }
0x46a: {  	[sflag:s2] =	ssyncset.done $0x0  }
0x46b: {  	[sflag:s2] =	ssyncadd.s32 $0xFFFFCE00  }
0x46c: {  	_ =	swait.ge [sflag:s2], $0x3200  }
0x46d: {  	[sflag:s2] =	ssyncset.done $0x0  }
0x46e: {  	[sflag:s2] =	ssyncadd.s32 $0xFFFFCE00  }
0x46f: {  	_ =	swait.ge [sflag:s2], $0x3200  }
0x470: {  	[sflag:s2] =	ssyncset.done $0x0  }
0x471: {  	[sflag:s2] =	ssyncadd.s32 $0xFFFFCE00  }
0x472: {  	_ =	swait.ge [sflag:s2], $0x3200  }
0x473: {  	[sflag:s2] =	ssyncset.done $0x0  }
0x474: {  	[sflag:s2] =	ssyncadd.s32 $0xFFFFCE00  }
0x475: {  	_ =	swait.ge [sflag:s2], $0x3200  }
0x476: {  	[sflag:s2] =	ssyncset.done $0x0  }
0x477: {  	[sflag:s2] =	ssyncadd.s32 $0xFFFFCE00  }
0x478: {  	_ =	swait.ge [sflag:s2], $0x3200  }
0x479: {  	[sflag:s2] =	ssyncset.done $0x0  }
0x47a: {  	[sflag:s2] =	ssyncadd.s32 $0xFFFFCE00  }
0x47b: {  	_ =	swait.ge [sflag:s2], $0x3200  }
0x47c: {  	[sflag:s2] =	ssyncset.done $0x0  }
0x47d: {  	[sflag:s2] =	ssyncadd.s32 $0xFFFFCE00  }
0x47e: {  	_ =	swait.ge [sflag:s2], $0x3200  }
0x47f: {  	[sflag:s2] =	ssyncset.done $0x0  }
0x480: {  	[sflag:s2] =	ssyncadd.s32 $0xFFFFCE00  }
0x481: {  	_ =	swait.ge [sflag:s2], $0x3200  }
0x482: {  	[sflag:s2] =	ssyncset.done $0x0  }
0x483: {  	[sflag:s2] =	ssyncadd.s32 $0xFFFFCE00  }
0x484: {  	_ =	swait.ge [sflag:s2], $0x3200  }
0x485: {  	[sflag:s2] =	ssyncset.done $0x0  }
0x486: {  	[sflag:s2] =	ssyncadd.s32 $0xFFFFCE00  }
0x487: {  	_ =	swait.ge [sflag:s2], $0x3200  }
0x488: {  	[sflag:s2] =	ssyncset.done $0x0  }
0x489: {  	[sflag:s2] =	ssyncadd.s32 $0xFFFFCE00  }
0x48a: {  	_ =	swait.ge [sflag:s2], $0x3200  }
0x48b: {  	[sflag:s2] =	ssyncset.done $0x0  }
0x48c: {  	[sflag:s2] =	ssyncadd.s32 $0xFFFFCE00  }
0x48d: {  	_ =	swait.ge [sflag:s2], $0x3200  }
0x48e: {  	[sflag:s2] =	ssyncset.done $0x0  }
0x48f: {  	[sflag:s2] =	ssyncadd.s32 $0xFFFFCE00  }
0x490: {  	_ =	swait.ge [sflag:s2], $0x3200  }
0x491: {  	[sflag:s2] =	ssyncset.done $0x0  }
0x492: {  	[sflag:s2] =	ssyncadd.s32 $0xFFFFCE00  }
0x493: {  	_ =	swait.ge [sflag:s2], $0x3200  }
0x494: {  	[sflag:s2] =	ssyncset.done $0x0  }
0x495: {  	[sflag:s2] =	ssyncadd.s32 $0xFFFFCE00  }
0x496: {  	_ =	swait.ge [sflag:s2], $0x3200  }
0x497: {  	[sflag:s2] =	ssyncset.done $0x0  }
0x498: {  	[sflag:s2] =	ssyncadd.s32 $0xFFFFCE00  }
0x499: {  	_ =	swait.ge [sflag:s2], $0x3200  }
0x49a: {  	[sflag:s2] =	ssyncset.done $0x0  }
0x49b: {  	[sflag:s2] =	ssyncadd.s32 $0xFFFFCE00  }
0x49c: {  	_ =	swait.ge [sflag:s2], $0x3200  }
0x49d: {  	[sflag:s2] =	ssyncset.done $0x0  }
0x49e: {  	[sflag:s2] =	ssyncadd.s32 $0xFFFFCE00  }
0x49f: {  	_ =	swait.ge [sflag:s2], $0x3200  }
0x4a0: {  	[sflag:s2] =	ssyncset.done $0x0  }
0x4a1: {  	[sflag:s2] =	ssyncadd.s32 $0xFFFFCE00  }
0x4a2: {  	_ =	swait.ge [sflag:s2], $0x3200  }
0x4a3: {  	[sflag:s2] =	ssyncset.done $0x0  }
0x4a4: {  	[sflag:s2] =	ssyncadd.s32 $0xFFFFCE00  }
0x4a5: {  	_ =	swait.ge [sflag:s2], $0x3200  }
0x4a6: {  	[sflag:s2] =	ssyncset.done $0x0  }
0x4a7: {  	[sflag:s2] =	ssyncadd.s32 $0xFFFFCE00  }
0x4a8: {  	_ =	swait.ge [sflag:s2], $0x3200  }
0x4a9: {  	[sflag:s2] =	ssyncset.done $0x0  }
0x4aa: {  	[sflag:s2] =	ssyncadd.s32 $0xFFFFCE00  }
0x4ab: {  	_ =	swait.ge [sflag:s2], $0x3200  }
0x4ac: {  	[sflag:s2] =	ssyncset.done $0x0  }
0x4ad: {  	[sflag:s2] =	ssyncadd.s32 $0xFFFFCE00  }
0x4ae: {  	_ =	swait.ge [sflag:s2], $0x3200  }
0x4af: {  	[sflag:s2] =	ssyncset.done $0x0  }
0x4b0: {  	[sflag:s2] =	ssyncadd.s32 $0xFFFFCE00  }
0x4b1: {  	_ =	swait.ge [sflag:s2], $0x3200  }
0x4b2: {  	[sflag:s2] =	ssyncset.done $0x0  }
0x4b3: {  	[sflag:s2] =	ssyncadd.s32 $0xFFFFCE00  }
0x4b4: {  	_ =	swait.ge [sflag:s2], $0x3200  }
0x4b5: {  	[sflag:s2] =	ssyncset.done $0x0  }
0x4b6: {  	[sflag:s2] =	ssyncadd.s32 $0xFFFFCE00  }
0x4b7: {  	_ =	swait.ge [sflag:s2], $0x3200  }
0x4b8: {  	[sflag:s2] =	ssyncset.done $0x0  }
0x4b9: {  	[sflag:s2] =	ssyncadd.s32 $0xFFFFCE00  }
0x4ba: {  	_ =	swait.ge [sflag:s2], $0x3200  }
0x4bb: {  	[sflag:s2] =	ssyncset.done $0x0  }
0x4bc: {  	[sflag:s2] =	ssyncadd.s32 $0xFFFFCE00  }
0x4bd: {  	_ =	swait.ge [sflag:s2], $0x3200  }
0x4be: {  	[sflag:s2] =	ssyncset.done $0x0  }
0x4bf: {  	[sflag:s2] =	ssyncadd.s32 $0xFFFFCE00  }
0x4c0: {  	_ =	swait.ge [sflag:s2], $0x3200  }
0x4c1: {  	[sflag:s2] =	ssyncset.done $0x0  }
0x4c2: {  	[sflag:s2] =	ssyncadd.s32 $0xFFFFCE00  }
0x4c3: {  	_ =	swait.ge [sflag:s2], $0x3200  }
0x4c4: {  	[sflag:s2] =	ssyncset.done $0x0  }
0x4c5: {  	[sflag:s2] =	ssyncadd.s32 $0xFFFFCE00  }
0x4c6: {  	_ =	swait.ge [sflag:s2], $0x3200  }
0x4c7: {  	[sflag:s2] =	ssyncset.done $0x0  }
0x4c8: {  	[sflag:s2] =	ssyncadd.s32 $0xFFFFCE00  }
0x4c9: {  	_ =	swait.ge [sflag:s2], $0x3200  }
0x4ca: {  	[sflag:s2] =	ssyncset.done $0x0  }
0x4cb: {  	[sflag:s2] =	ssyncadd.s32 $0xFFFFCE00  }
0x4cc: {  	_ =	swait.ge [sflag:s2], $0x3200  }
0x4cd: {  	[sflag:s2] =	ssyncset.done $0x0  }
0x4ce: {  	[sflag:s2] =	ssyncadd.s32 $0xFFFFCE00  }
0x4cf: {  	_ =	swait.ge [sflag:s2], $0x3200  }
0x4d0: {  	[sflag:s2] =	ssyncset.done $0x0  }
0x4d1: {  	[sflag:s2] =	ssyncadd.s32 $0xFFFFCE00  }
0x4d2: {  	_ =	swait.ge [sflag:s2], $0x3200  }
0x4d3: {  	[sflag:s2] =	ssyncset.done $0x0  }
0x4d4: {  	[sflag:s2] =	ssyncadd.s32 $0xFFFFCE00  }
0x4d5: {  	_ =	swait.ge [sflag:s2], $0x3200  }
0x4d6: {  	[sflag:s2] =	ssyncset.done $0x0  }
0x4d7: {  	[sflag:s2] =	ssyncadd.s32 $0xFFFFCE00  }
0x4d8: {  	_ =	swait.ge [sflag:s2], $0x3200  }
0x4d9: {  	[sflag:s2] =	ssyncset.done $0x0  }
0x4da: {  	[sflag:s2] =	ssyncadd.s32 $0xFFFFCE00  }
0x4db: {  	_ =	swait.ge [sflag:s2], $0x3200  }
0x4dc: {  	[sflag:s2] =	ssyncset.done $0x0  }
0x4dd: {  	[sflag:s2] =	ssyncadd.s32 $0xFFFFCE00  }
0x4de: {  	_ =	swait.ge [sflag:s2], $0x3200  }
0x4df: {  	[sflag:s2] =	ssyncset.done $0x0  }
0x4e0: {  	[sflag:s2] =	ssyncadd.s32 $0xFFFFCE00  }
0x4e1: {  	_ =	swait.ge [sflag:s2], $0x3200  }
0x4e2: {  	[sflag:s2] =	ssyncset.done $0x0  }
0x4e3: {  	[sflag:s2] =	ssyncadd.s32 $0xFFFFCE00  }
0x4e4: {  	_ =	swait.ge [sflag:s2], $0x3200  }
0x4e5: {  	[sflag:s2] =	ssyncset.done $0x0  }
0x4e6: {  	[sflag:s2] =	ssyncadd.s32 $0xFFFFCE00  }
0x4e7: {  	_ =	swait.ge [sflag:s2], $0x3200  }
0x4e8: {  	[sflag:s2] =	ssyncset.done $0x0  }
0x4e9: {  	[sflag:s2] =	ssyncadd.s32 $0xFFFFCE00  }
0x4ea: {  	_ =	swait.ge [sflag:s2], $0x3200  }
0x4eb: {  	[sflag:s2] =	ssyncset.done $0x0  }
0x4ec: {  	[sflag:s2] =	ssyncadd.s32 $0xFFFFCE00  }
0x4ed: {  	_ =	swait.ge [sflag:s2], $0x3200  }
0x4ee: {  	[sflag:s2] =	ssyncset.done $0x0  }
0x4ef: {  	[sflag:s2] =	ssyncadd.s32 $0xFFFFCE00  }
0x4f0: {  	_ =	swait.ge [sflag:s2], $0x3200  }
0x4f1: {  	[sflag:s2] =	ssyncset.done $0x0  }
0x4f2: {  	[sflag:s2] =	ssyncadd.s32 $0xFFFFCE00  }
0x4f3: {  	_ =	swait.ge [sflag:s2], $0x3200  }
0x4f4: {  	[sflag:s2] =	ssyncset.done $0x0  }
0x4f5: {  	[sflag:s2] =	ssyncadd.s32 $0xFFFFCE00  }
0x4f6: {  	_ =	swait.ge [sflag:s2], $0x3200  }
0x4f7: {  	[sflag:s2] =	ssyncset.done $0x0  }
0x4f8: {  	[sflag:s2] =	ssyncadd.s32 $0xFFFFCE00  }
0x4f9: {  	_ =	swait.ge [sflag:s2], $0x3200  }
0x4fa: {  	[sflag:s2] =	ssyncset.done $0x0  }
0x4fb: {  	[sflag:s2] =	ssyncadd.s32 $0xFFFFCE00  }
0x4fc: {  	_ =	swait.ge [sflag:s2], $0x3200  }
0x4fd: {  	[sflag:s2] =	ssyncset.done $0x0  }
0x4fe: {  	[sflag:s2] =	ssyncadd.s32 $0xFFFFCE00  }
0x4ff: {  	_ =	swait.ge [sflag:s2], $0x3200  }
0x500: {  	[sflag:s2] =	ssyncset.done $0x0  }
0x501: {  	[sflag:s2] =	ssyncadd.s32 $0xFFFFCE00  }
0x502: {  	_ =	swait.ge [sflag:s2], $0x3200  }
0x503: {  	[sflag:s2] =	ssyncset.done $0x0  }
0x504: {  	[sflag:s2] =	ssyncadd.s32 $0xFFFFCE00  }
0x505: {  	_ =	swait.ge [sflag:s2], $0x3200  }
0x506: {  	[sflag:s2] =	ssyncset.done $0x0  }
0x507: {  	[sflag:s2] =	ssyncadd.s32 $0xFFFFCE00  }
0x508: {  	_ =	swait.ge [sflag:s2], $0x3200  }
0x509: {  	[sflag:s2] =	ssyncset.done $0x0  }
0x50a: {  	[sflag:s2] =	ssyncadd.s32 $0xFFFFCE00  }
0x50b: {  	_ =	swait.ge [sflag:s2], $0x3200  }
0x50c: {  	[sflag:s2] =	ssyncset.done $0x0  }
0x50d: {  	[sflag:s2] =	ssyncadd.s32 $0xFFFFCE00  }
0x50e: {  	_ =	swait.ge [sflag:s2], $0x3200  }
0x50f: {  	[sflag:s2] =	ssyncset.done $0x0  }
0x510: {  	[sflag:s2] =	ssyncadd.s32 $0xFFFFCE00  }
0x511: {  	_ =	swait.ge [sflag:s2], $0x3200  }
0x512: {  	[sflag:s2] =	ssyncset.done $0x0  }
0x513: {  	[sflag:s2] =	ssyncadd.s32 $0xFFFFCE00  }
0x514: {  	_ =	swait.ge [sflag:s2], $0x3200  }
0x515: {  	[sflag:s2] =	ssyncset.done $0x0  }
0x516: {  	[sflag:s2] =	ssyncadd.s32 $0xFFFFCE00  }
0x517: {  	_ =	swait.ge [sflag:s2], $0x3200  }
0x518: {  	[sflag:s2] =	ssyncset.done $0x0  }
0x519: {  	[sflag:s2] =	ssyncadd.s32 $0xFFFFCE00  }
0x51a: {  	_ =	swait.ge [sflag:s2], $0x3200  }
0x51b: {  	[sflag:s2] =	ssyncset.done $0x0  }
0x51c: {  	[sflag:s2] =	ssyncadd.s32 $0xFFFFCE00  }
0x51d: {  	_ =	swait.ge [sflag:s2], $0x3200  }
0x51e: {  	[sflag:s2] =	ssyncset.done $0x0  }
0x51f: {  	[sflag:s2] =	ssyncadd.s32 $0xFFFFCE00  }
0x520: {  	_ =	swait.ge [sflag:s2], $0x3200  }
0x521: {  	[sflag:s2] =	ssyncset.done $0x0  }
0x522: {  	[sflag:s2] =	ssyncadd.s32 $0xFFFFCE00  }
0x523: {  	_ =	swait.ge [sflag:s2], $0x3200  }
0x524: {  	[sflag:s2] =	ssyncset.done $0x0  }
0x525: {  	[sflag:s2] =	ssyncadd.s32 $0xFFFFCE00  }
0x526: {  	_ =	swait.ge [sflag:s2], $0x3200  }
0x527: {  	[sflag:s2] =	ssyncset.done $0x0  }
0x528: {  	[sflag:s2] =	ssyncadd.s32 $0xFFFFCE00  }
0x529: {  	_ =	swait.ge [sflag:s2], $0x3200  }
0x52a: {  	[sflag:s2] =	ssyncset.done $0x0  }
0x52b: {  	[sflag:s2] =	ssyncadd.s32 $0xFFFFCE00  }
0x52c: {  	_ =	swait.ge [sflag:s2], $0x3200  }
0x52d: {  	[sflag:s2] =	ssyncset.done $0x0  }
0x52e: {  	[sflag:s2] =	ssyncadd.s32 $0xFFFFCE00  }
0x52f: {  	_ =	swait.ge [sflag:s2], $0x3200  }
0x530: {  	[sflag:s2] =	ssyncset.done $0x0  }
0x531: {  	[sflag:s2] =	ssyncadd.s32 $0xFFFFCE00  }
0x532: {  	_ =	swait.ge [sflag:s2], $0x3200  }
0x533: {  	[sflag:s2] =	ssyncset.done $0x0  }
0x534: {  	[sflag:s2] =	ssyncadd.s32 $0xFFFFCE00  }
0x535: {  	_ =	swait.ge [sflag:s2], $0x3200  }
0x536: {  	[sflag:s2] =	ssyncset.done $0x0  }
0x537: {  	[sflag:s2] =	ssyncadd.s32 $0xFFFFCE00  }
0x538: {  	_ =	swait.ge [sflag:s2], $0x3200  }
0x539: {  	[sflag:s2] =	ssyncset.done $0x0  }
0x53a: {  	[sflag:s2] =	ssyncadd.s32 $0xFFFFCE00  }
0x53b: {  	_ =	swait.ge [sflag:s2], $0x3200  }
0x53c: {  	[sflag:s2] =	ssyncset.done $0x0  }
0x53d: {  	[sflag:s2] =	ssyncadd.s32 $0xFFFFCE00  }
0x53e: {  	_ =	swait.ge [sflag:s2], $0x3200  }
0x53f: {  	[sflag:s2] =	ssyncset.done $0x0  }
0x540: {  	[sflag:s2] =	ssyncadd.s32 $0xFFFFCE00  }
0x541: {  	_ =	swait.ge [sflag:s2], $0x3200  }
0x542: {  	[sflag:s2] =	ssyncset.done $0x0  }
0x543: {  	[sflag:s2] =	ssyncadd.s32 $0xFFFFCE00  }
0x544: {  	_ =	swait.ge [sflag:s2], $0x3200  }
0x545: {  	[sflag:s2] =	ssyncset.done $0x0  }
0x546: {  	[sflag:s2] =	ssyncadd.s32 $0xFFFFCE00  }
0x547: {  	_ =	swait.ge [sflag:s2], $0x3200  }
0x548: {  	[sflag:s2] =	ssyncset.done $0x0  }
0x549: {  	[sflag:s2] =	ssyncadd.s32 $0xFFFFCE00  }
0x54a: {  	_ =	swait.ge [sflag:s2], $0x3200  }
0x54b: {  	[sflag:s2] =	ssyncset.done $0x0  }
0x54c: {  	[sflag:s2] =	ssyncadd.s32 $0xFFFFCE00  }
0x54d: {  	_ =	swait.ge [sflag:s2], $0x3200  }
0x54e: {  	[sflag:s2] =	ssyncset.done $0x0  }
0x54f: {  	[sflag:s2] =	ssyncadd.s32 $0xFFFFCE00  }
0x550: {  	_ =	swait.ge [sflag:s2], $0x3200  }
0x551: {  	[sflag:s2] =	ssyncset.done $0x0  }
0x552: {  	[sflag:s2] =	ssyncadd.s32 $0xFFFFCE00  }
0x553: {  	_ =	swait.ge [sflag:s2], $0x3200  }
0x554: {  	[sflag:s2] =	ssyncset.done $0x0  }
0x555: {  	[sflag:s2] =	ssyncadd.s32 $0xFFFFCE00  }
0x556: {  	_ =	swait.ge [sflag:s2], $0x3200  }
0x557: {  	[sflag:s2] =	ssyncset.done $0x0  }
0x558: {  	[sflag:s2] =	ssyncadd.s32 $0xFFFFCE00  }
0x559: {  	_ =	swait.ge [sflag:s2], $0x3200  }
0x55a: {  	[sflag:s2] =	ssyncset.done $0x0  }
0x55b: {  	[sflag:s2] =	ssyncadd.s32 $0xFFFFCE00  }
0x55c: {  	_ =	swait.ge [sflag:s2], $0x3200  }
0x55d: {  	[sflag:s2] =	ssyncset.done $0x0  }
0x55e: {  	[sflag:s2] =	ssyncadd.s32 $0xFFFFCE00  }
0x55f: {  	_ =	swait.ge [sflag:s2], $0x3200  }
0x560: {  	[sflag:s2] =	ssyncset.done $0x0  }
0x561: {  	[sflag:s2] =	ssyncadd.s32 $0xFFFFCE00  }
0x562: {  	_ =	swait.ge [sflag:s2], $0x3200  }
0x563: {  	[sflag:s2] =	ssyncset.done $0x0  }
0x564: {  	[sflag:s2] =	ssyncadd.s32 $0xFFFFCE00  }
0x565: {  	_ =	swait.ge [sflag:s2], $0x3200  }
0x566: {  	[sflag:s2] =	ssyncset.done $0x0  }
0x567: {  	[sflag:s2] =	ssyncadd.s32 $0xFFFFCE00  }
0x568: {  	_ =	swait.ge [sflag:s2], $0x3200  }
0x569: {  	[sflag:s2] =	ssyncset.done $0x0  }
0x56a: {  	[sflag:s2] =	ssyncadd.s32 $0xFFFFCE00  }
0x56b: {  	_ =	swait.ge [sflag:s2], $0x3200  }
0x56c: {  	[sflag:s2] =	ssyncset.done $0x0  }
0x56d: {  	[sflag:s2] =	ssyncadd.s32 $0xFFFFCE00  }
0x56e: {  	_ =	swait.ge [sflag:s2], $0x3200  }
0x56f: {  	[sflag:s2] =	ssyncset.done $0x0  }
0x570: {  	[sflag:s2] =	ssyncadd.s32 $0xFFFFCE00  }
0x571: {  	_ =	swait.ge [sflag:s2], $0x3200  }
0x572: {  	[sflag:s2] =	ssyncset.done $0x0  }
0x573: {  	[sflag:s2] =	ssyncadd.s32 $0xFFFFCE00  }
0x574: {  	_ =	swait.ge [sflag:s2], $0x3200  }
0x575: {  	[sflag:s2] =	ssyncset.done $0x0  }
0x576: {  	[sflag:s2] =	ssyncadd.s32 $0xFFFFCE00  }
0x577: {  	_ =	swait.ge [sflag:s2], $0x3200  }
0x578: {  	[sflag:s2] =	ssyncset.done $0x0  }
0x579: {  	[sflag:s2] =	ssyncadd.s32 $0xFFFFCE00  }
0x57a: {  	_ =	swait.ge [sflag:s2], $0x3200  }
0x57b: {  	[sflag:s2] =	ssyncset.done $0x0  }
0x57c: {  	[sflag:s2] =	ssyncadd.s32 $0xFFFFCE00  }
0x57d: {  	_ =	swait.ge [sflag:s2], $0x3200  }
0x57e: {  	[sflag:s2] =	ssyncset.done $0x0  }
0x57f: {  	[sflag:s2] =	ssyncadd.s32 $0xFFFFCE00  }
0x580: {  	_ =	swait.ge [sflag:s2], $0x3200  }
0x581: {  	[sflag:s2] =	ssyncset.done $0x0  }
0x582: {  	p1 =	sne.s32 s1, $0x1;
	[sflag:s2] =	ssyncadd.s32 $0xFFFFCE00  }
.Ltmp2:
0x583: {  	_ =	swait.ge [sflag:s2], $0x3200;
	(pc) =	sbr.rel @p1 .LBB2_2-.Ltmp2, $4  }
0x584: {  	[sflag:s2] =	ssyncset.done $0x0  }
0x585: {  	[sflag:s2] =	ssyncadd.s32 $0xFFFFCE00  }
0x586: {  	s1 =	sadd.s32 $0xFFFFFFFF, s1;
	s4 =	smov.u32 s31;
	_ =	swait.ge [sflag:s2], $0x3200  }
0x587: {  	s31 =	simm.s32 $0x2;
	s0 =	rddreg [dreg:$0x3];
	[sflag:s2] =	ssyncset.done $0x0  }
.LBB2_3:
0x588: {  	[sflag:s2] =	ssyncadd.s32 @p0 $0xFFFFCE00  }
0x589: {  	[tilespmem:s3], [sflag:$0x2] =	stream.linear.gather [hbm4b:s0+s3], $0x3200, $0x38;
	[tilespmem:$0x3200] =	vst v63  }
0x58a: {  	_ =	swait.ge [sflag:s31], $0x3200  }
0x58b: {  	[sflag:s31] =	ssyncset.done $0x0  }
0x58c: {  	s1 =	rddreg [dreg:$0x5];
	[sflag:s31] =	ssyncadd.s32 $0xFFFFCE00  }
0x58d: {  	[hbm4b:s4+s29] =	stream.strided.scatter [tilespmem:s3], [sflag:$0x1], $0x3200, s30, s29, $0x38;
	[tilespmem:$0x3200] =	vst v63  }
0x58e: {  	s31 =	rddreg [dreg:$0x4]  }
0x58f: {  	[hbm4b:s31+s29] =	stream.strided.scatter [tilespmem:s3], [sflag:$0x1], $0x3200, s30, s29, $0x38;
	[tilespmem:$0x3200] =	vst v63  }
0x590: {  	s4 =	rddreg [dreg:$0x7]  }
0x591: {  	[hbm4b:s1+s29] =	stream.strided.scatter [tilespmem:s3], [sflag:$0x1], $0x3200, s30, s29, $0x38;
	[tilespmem:$0x3200] =	vst v63  }
0x592: {  	s31 =	rddreg [dreg:$0x6]  }
0x593: {  	[hbm4b:s31+s29] =	stream.strided.scatter [tilespmem:s3], [sflag:$0x1], $0x3200, s30, s29, $0x38;
	[tilespmem:$0x3200] =	vst v63  }
0x594: {  	s31 =	rddreg [dreg:$0x8]  }
0x595: {  	[hbm4b:s4+s29] =	stream.strided.scatter [tilespmem:s3], [sflag:$0x1], $0x3200, s30, s29, $0x38;
	[tilespmem:$0x3200] =	vst v63  }
0x596: {  	s4 =	rddreg [dreg:$0x9]  }
0x597: {  	[hbm4b:s31+s29] =	stream.strided.scatter [tilespmem:s3], [sflag:$0x1], $0x3200, s30, s29, $0x38;
	[tilespmem:$0x3200] =	vst v63  }
0x598: {  	s31 =	rddreg [dreg:$0xa]  }
0x599: {  	[hbm4b:s4+s29] =	stream.strided.scatter [tilespmem:s3], [sflag:$0x1], $0x3200, s30, s29, $0x38;
	[tilespmem:$0x3200] =	vst v63  }
0x59a: {  	s4 =	rddreg [dreg:$0xb]  }
0x59b: {  	[hbm4b:s31+s29] =	stream.strided.scatter [tilespmem:s3], [sflag:$0x1], $0x3200, s30, s29, $0x38;
	[tilespmem:$0x3200] =	vst v63  }
0x59c: {  	s31 =	rddreg [dreg:$0xc]  }
0x59d: {  	[hbm4b:s4+s29] =	stream.strided.scatter [tilespmem:s3], [sflag:$0x1], $0x3200, s30, s29, $0x38;
	[tilespmem:$0x3200] =	vst v63  }
0x59e: {  	s4 =	rddreg [dreg:$0xd]  }
0x59f: {  	[hbm4b:s31+s29] =	stream.strided.scatter [tilespmem:s3], [sflag:$0x1], $0x3200, s30, s29, $0x38;
	[tilespmem:$0x3200] =	vst v63  }
0x5a0: {  	s31 =	rddreg [dreg:$0xe]  }
0x5a1: {  	[hbm4b:s4+s29] =	stream.strided.scatter [tilespmem:s3], [sflag:$0x1], $0x3200, s30, s29, $0x38;
	[tilespmem:$0x3200] =	vst v63  }
0x5a2: {  	s4 =	rddreg [dreg:$0xf]  }
0x5a3: {  	[hbm4b:s31+s29] =	stream.strided.scatter [tilespmem:s3], [sflag:$0x1], $0x3200, s30, s29, $0x38;
	[tilespmem:$0x3200] =	vst v63  }
0x5a4: {  	s31 =	rddreg [dreg:$0x10]  }
0x5a5: {  	[hbm4b:s4+s29] =	stream.strided.scatter [tilespmem:s3], [sflag:$0x1], $0x3200, s30, s29, $0x38;
	[tilespmem:$0x3200] =	vst v63  }
0x5a6: {  	s4 =	rddreg [dreg:$0x11]  }
0x5a7: {  	[hbm4b:s31+s29] =	stream.strided.scatter [tilespmem:s3], [sflag:$0x1], $0x3200, s30, s29, $0x38;
	[tilespmem:$0x3200] =	vst v63  }
0x5a8: {  	s31 =	rddreg [dreg:$0x12]  }
0x5a9: {  	[hbm4b:s4+s29] =	stream.strided.scatter [tilespmem:s3], [sflag:$0x1], $0x3200, s30, s29, $0x38;
	[tilespmem:$0x3200] =	vst v63  }
0x5aa: {  	s4 =	rddreg [dreg:$0x13]  }
0x5ab: {  	[hbm4b:s31+s29] =	stream.strided.scatter [tilespmem:s3], [sflag:$0x1], $0x3200, s30, s29, $0x38;
	[tilespmem:$0x3200] =	vst v63  }
0x5ac: {  	s31 =	rddreg [dreg:$0x14]  }
0x5ad: {  	[hbm4b:s4+s29] =	stream.strided.scatter [tilespmem:s3], [sflag:$0x1], $0x3200, s30, s29, $0x38;
	[tilespmem:$0x3200] =	vst v63  }
0x5ae: {  	s4 =	rddreg [dreg:$0x15]  }
0x5af: {  	[hbm4b:s31+s29] =	stream.strided.scatter [tilespmem:s3], [sflag:$0x1], $0x3200, s30, s29, $0x38;
	[tilespmem:$0x3200] =	vst v63  }
0x5b0: {  	s31 =	rddreg [dreg:$0x16]  }
0x5b1: {  	[hbm4b:s4+s29] =	stream.strided.scatter [tilespmem:s3], [sflag:$0x1], $0x3200, s30, s29, $0x38;
	[tilespmem:$0x3200] =	vst v63  }
0x5b2: {  	s4 =	rddreg [dreg:$0x17]  }
0x5b3: {  	[hbm4b:s31+s29] =	stream.strided.scatter [tilespmem:s3], [sflag:$0x1], $0x3200, s30, s29, $0x38;
	[tilespmem:$0x3200] =	vst v63  }
0x5b4: {  	s31 =	rddreg [dreg:$0x18]  }
0x5b5: {  	[hbm4b:s4+s29] =	stream.strided.scatter [tilespmem:s3], [sflag:$0x1], $0x3200, s30, s29, $0x38;
	[tilespmem:$0x3200] =	vst v63  }
0x5b6: {  	s4 =	rddreg [dreg:$0x19]  }
0x5b7: {  	[hbm4b:s31+s29] =	stream.strided.scatter [tilespmem:s3], [sflag:$0x1], $0x3200, s30, s29, $0x38;
	[tilespmem:$0x3200] =	vst v63  }
0x5b8: {  	s31 =	rddreg [dreg:$0x1a]  }
0x5b9: {  	[hbm4b:s4+s29] =	stream.strided.scatter [tilespmem:s3], [sflag:$0x1], $0x3200, s30, s29, $0x38;
	[tilespmem:$0x3200] =	vst v63  }
0x5ba: {  	s4 =	rddreg [dreg:$0x1b]  }
0x5bb: {  	[hbm4b:s31+s29] =	stream.strided.scatter [tilespmem:s3], [sflag:$0x1], $0x3200, s30, s29, $0x38;
	[tilespmem:$0x3200] =	vst v63  }
0x5bc: {  	s31 =	rddreg [dreg:$0x1c]  }
0x5bd: {  	[hbm4b:s4+s29] =	stream.strided.scatter [tilespmem:s3], [sflag:$0x1], $0x3200, s30, s29, $0x38;
	[tilespmem:$0x3200] =	vst v63  }
0x5be: {  	s4 =	rddreg [dreg:$0x1d]  }
0x5bf: {  	[hbm4b:s31+s29] =	stream.strided.scatter [tilespmem:s3], [sflag:$0x1], $0x3200, s30, s29, $0x38;
	[tilespmem:$0x3200] =	vst v63  }
0x5c0: {  	s31 =	rddreg [dreg:$0x1e]  }
0x5c1: {  	[hbm4b:s4+s29] =	stream.strided.scatter [tilespmem:s3], [sflag:$0x1], $0x3200, s30, s29, $0x38;
	[tilespmem:$0x3200] =	vst v63  }
0x5c2: {  	s4 =	rddreg [dreg:$0x1f]  }
0x5c3: {  	[hbm4b:s31+s29] =	stream.strided.scatter [tilespmem:s3], [sflag:$0x1], $0x3200, s30, s29, $0x38;
	[tilespmem:$0x3200] =	vst v63  }
0x5c4: {  	s31 =	sld [smem:$0x7B2]  }
0x5c5: {  	[hbm4b:s4+s29] =	stream.strided.scatter [tilespmem:s3], [sflag:$0x1], $0x3200, s30, s29, $0x38;
	[tilespmem:$0x3200] =	vst v63  }
0x5c6: {  	s4 =	sld [smem:$0x7B3]  }
0x5c7: {  	[hbm4b:s31+s29] =	stream.strided.scatter [tilespmem:s3], [sflag:$0x1], $0x3200, s30, s29, $0x38;
	[tilespmem:$0x3200] =	vst v63  }
0x5c8: {  	s31 =	sld [smem:$0x7B4]  }
0x5c9: {  	[hbm4b:s4+s29] =	stream.strided.scatter [tilespmem:s3], [sflag:$0x1], $0x3200, s30, s29, $0x38;
	[tilespmem:$0x3200] =	vst v63  }
0x5ca: {  	s4 =	sld [smem:$0x7B5]  }
0x5cb: {  	[hbm4b:s31+s29] =	stream.strided.scatter [tilespmem:s3], [sflag:$0x1], $0x3200, s30, s29, $0x38;
	[tilespmem:$0x3200] =	vst v63  }
0x5cc: {  	s31 =	sld [smem:$0x7B6]  }
0x5cd: {  	[hbm4b:s4+s29] =	stream.strided.scatter [tilespmem:s3], [sflag:$0x1], $0x3200, s30, s29, $0x38;
	[tilespmem:$0x3200] =	vst v63  }
0x5ce: {  	s4 =	sld [smem:$0x7B7]  }
0x5cf: {  	[hbm4b:s31+s29] =	stream.strided.scatter [tilespmem:s3], [sflag:$0x1], $0x3200, s30, s29, $0x38;
	[tilespmem:$0x3200] =	vst v63  }
0x5d0: {  	s31 =	sld [smem:$0x7B8]  }
0x5d1: {  	[hbm4b:s4+s29] =	stream.strided.scatter [tilespmem:s3], [sflag:$0x1], $0x3200, s30, s29, $0x38;
	[tilespmem:$0x3200] =	vst v63  }
0x5d2: {  	s4 =	sld [smem:$0x7B9]  }
0x5d3: {  	[hbm4b:s31+s29] =	stream.strided.scatter [tilespmem:s3], [sflag:$0x1], $0x3200, s30, s29, $0x38;
	[tilespmem:$0x3200] =	vst v63  }
0x5d4: {  	s31 =	sld [smem:$0x7BA]  }
0x5d5: {  	[hbm4b:s4+s29] =	stream.strided.scatter [tilespmem:s3], [sflag:$0x1], $0x3200, s30, s29, $0x38;
	[tilespmem:$0x3200] =	vst v63  }
0x5d6: {  	s4 =	sld [smem:$0x7BB]  }
0x5d7: {  	[hbm4b:s31+s29] =	stream.strided.scatter [tilespmem:s3], [sflag:$0x1], $0x3200, s30, s29, $0x38;
	[tilespmem:$0x3200] =	vst v63  }
0x5d8: {  	s31 =	sld [smem:$0x7BC]  }
0x5d9: {  	[hbm4b:s4+s29] =	stream.strided.scatter [tilespmem:s3], [sflag:$0x1], $0x3200, s30, s29, $0x38;
	[tilespmem:$0x3200] =	vst v63  }
0x5da: {  	s4 =	sld [smem:$0x7BD]  }
0x5db: {  	[hbm4b:s31+s29] =	stream.strided.scatter [tilespmem:s3], [sflag:$0x1], $0x3200, s30, s29, $0x38;
	[tilespmem:$0x3200] =	vst v63  }
0x5dc: {  	s31 =	sld [smem:$0x7BE]  }
0x5dd: {  	[hbm4b:s4+s29] =	stream.strided.scatter [tilespmem:s3], [sflag:$0x1], $0x3200, s30, s29, $0x38;
	[tilespmem:$0x3200] =	vst v63  }
0x5de: {  	s4 =	sld [smem:$0x7BF]  }
0x5df: {  	[hbm4b:s31+s29] =	stream.strided.scatter [tilespmem:s3], [sflag:$0x1], $0x3200, s30, s29, $0x38;
	[tilespmem:$0x3200] =	vst v63  }
0x5e0: {  	s31 =	sld [smem:$0x7C0]  }
0x5e1: {  	[hbm4b:s4+s29] =	stream.strided.scatter [tilespmem:s3], [sflag:$0x1], $0x3200, s30, s29, $0x38;
	[tilespmem:$0x3200] =	vst v63  }
0x5e2: {  	s4 =	sld [smem:$0x7C1]  }
0x5e3: {  	[hbm4b:s31+s29] =	stream.strided.scatter [tilespmem:s3], [sflag:$0x1], $0x3200, s30, s29, $0x38;
	[tilespmem:$0x3200] =	vst v63  }
0x5e4: {  	s31 =	sld [smem:$0x7C2]  }
0x5e5: {  	[hbm4b:s4+s29] =	stream.strided.scatter [tilespmem:s3], [sflag:$0x1], $0x3200, s30, s29, $0x38;
	[tilespmem:$0x3200] =	vst v63  }
0x5e6: {  	s4 =	sld [smem:$0x7C3]  }
0x5e7: {  	[hbm4b:s31+s29] =	stream.strided.scatter [tilespmem:s3], [sflag:$0x1], $0x3200, s30, s29, $0x38;
	[tilespmem:$0x3200] =	vst v63  }
0x5e8: {  	s31 =	sld [smem:$0x7C4]  }
0x5e9: {  	[hbm4b:s4+s29] =	stream.strided.scatter [tilespmem:s3], [sflag:$0x1], $0x3200, s30, s29, $0x38;
	[tilespmem:$0x3200] =	vst v63  }
0x5ea: {  	s4 =	sld [smem:$0x7C5]  }
0x5eb: {  	[hbm4b:s31+s29] =	stream.strided.scatter [tilespmem:s3], [sflag:$0x1], $0x3200, s30, s29, $0x38;
	[tilespmem:$0x3200] =	vst v63  }
0x5ec: {  	s31 =	sld [smem:$0x7C6]  }
0x5ed: {  	[hbm4b:s4+s29] =	stream.strided.scatter [tilespmem:s3], [sflag:$0x1], $0x3200, s30, s29, $0x38;
	[tilespmem:$0x3200] =	vst v63  }
0x5ee: {  	s4 =	sld [smem:$0x7C7]  }
0x5ef: {  	[hbm4b:s31+s29] =	stream.strided.scatter [tilespmem:s3], [sflag:$0x1], $0x3200, s30, s29, $0x38;
	[tilespmem:$0x3200] =	vst v63  }
0x5f0: {  	s31 =	sld [smem:$0x7C8]  }
0x5f1: {  	[hbm4b:s4+s29] =	stream.strided.scatter [tilespmem:s3], [sflag:$0x1], $0x3200, s30, s29, $0x38;
	[tilespmem:$0x3200] =	vst v63  }
0x5f2: {  	s4 =	sld [smem:$0x7C9]  }
0x5f3: {  	[hbm4b:s31+s29] =	stream.strided.scatter [tilespmem:s3], [sflag:$0x1], $0x3200, s30, s29, $0x38;
	[tilespmem:$0x3200] =	vst v63  }
0x5f4: {  	s31 =	sld [smem:$0x7CA]  }
0x5f5: {  	[hbm4b:s4+s29] =	stream.strided.scatter [tilespmem:s3], [sflag:$0x1], $0x3200, s30, s29, $0x38;
	[tilespmem:$0x3200] =	vst v63  }
0x5f6: {  	s4 =	sld [smem:$0x7CB]  }
0x5f7: {  	[hbm4b:s31+s29] =	stream.strided.scatter [tilespmem:s3], [sflag:$0x1], $0x3200, s30, s29, $0x38;
	[tilespmem:$0x3200] =	vst v63  }
0x5f8: {  	s31 =	sld [smem:$0x7CC]  }
0x5f9: {  	[hbm4b:s4+s29] =	stream.strided.scatter [tilespmem:s3], [sflag:$0x1], $0x3200, s30, s29, $0x38;
	[tilespmem:$0x3200] =	vst v63  }
0x5fa: {  	s4 =	sld [smem:$0x7CD]  }
0x5fb: {  	[hbm4b:s31+s29] =	stream.strided.scatter [tilespmem:s3], [sflag:$0x1], $0x3200, s30, s29, $0x38;
	[tilespmem:$0x3200] =	vst v63  }
0x5fc: {  	s31 =	sld [smem:$0x7CE]  }
0x5fd: {  	[hbm4b:s4+s29] =	stream.strided.scatter [tilespmem:s3], [sflag:$0x1], $0x3200, s30, s29, $0x38;
	[tilespmem:$0x3200] =	vst v63  }
0x5fe: {  	s4 =	sld [smem:$0x7CF]  }
0x5ff: {  	[hbm4b:s31+s29] =	stream.strided.scatter [tilespmem:s3], [sflag:$0x1], $0x3200, s30, s29, $0x38;
	[tilespmem:$0x3200] =	vst v63  }
0x600: {  	s31 =	sld [smem:$0x7D0]  }
0x601: {  	[hbm4b:s4+s29] =	stream.strided.scatter [tilespmem:s3], [sflag:$0x1], $0x3200, s30, s29, $0x38;
	[tilespmem:$0x3200] =	vst v63  }
0x602: {  	s4 =	sld [smem:$0x7D1]  }
0x603: {  	[hbm4b:s31+s29] =	stream.strided.scatter [tilespmem:s3], [sflag:$0x1], $0x3200, s30, s29, $0x38;
	[tilespmem:$0x3200] =	vst v63  }
0x604: {  	s31 =	sld [smem:$0x7D2]  }
0x605: {  	[hbm4b:s4+s29] =	stream.strided.scatter [tilespmem:s3], [sflag:$0x1], $0x3200, s30, s29, $0x38;
	[tilespmem:$0x3200] =	vst v63  }
0x606: {  	s4 =	sld [smem:$0x7D3]  }
0x607: {  	[hbm4b:s31+s29] =	stream.strided.scatter [tilespmem:s3], [sflag:$0x1], $0x3200, s30, s29, $0x38;
	[tilespmem:$0x3200] =	vst v63  }
0x608: {  	s31 =	sld [smem:$0x7D4]  }
0x609: {  	[hbm4b:s4+s29] =	stream.strided.scatter [tilespmem:s3], [sflag:$0x1], $0x3200, s30, s29, $0x38;
	[tilespmem:$0x3200] =	vst v63  }
0x60a: {  	s4 =	sld [smem:$0x7D5]  }
0x60b: {  	[hbm4b:s31+s29] =	stream.strided.scatter [tilespmem:s3], [sflag:$0x1], $0x3200, s30, s29, $0x38;
	[tilespmem:$0x3200] =	vst v63  }
0x60c: {  	s31 =	sld [smem:$0x7D6]  }
0x60d: {  	[hbm4b:s4+s29] =	stream.strided.scatter [tilespmem:s3], [sflag:$0x1], $0x3200, s30, s29, $0x38;
	[tilespmem:$0x3200] =	vst v63  }
0x60e: {  	s4 =	sld [smem:$0x7D7]  }
0x60f: {  	[hbm4b:s31+s29] =	stream.strided.scatter [tilespmem:s3], [sflag:$0x1], $0x3200, s30, s29, $0x38;
	[tilespmem:$0x3200] =	vst v63  }
0x610: {  	s31 =	sld [smem:$0x7D8]  }
0x611: {  	[hbm4b:s4+s29] =	stream.strided.scatter [tilespmem:s3], [sflag:$0x1], $0x3200, s30, s29, $0x38;
	[tilespmem:$0x3200] =	vst v63  }
0x612: {  	s4 =	sld [smem:$0x7D9]  }
0x613: {  	[hbm4b:s31+s29] =	stream.strided.scatter [tilespmem:s3], [sflag:$0x1], $0x3200, s30, s29, $0x38;
	[tilespmem:$0x3200] =	vst v63  }
0x614: {  	s31 =	sld [smem:$0x7DA]  }
0x615: {  	[hbm4b:s4+s29] =	stream.strided.scatter [tilespmem:s3], [sflag:$0x1], $0x3200, s30, s29, $0x38;
	[tilespmem:$0x3200] =	vst v63  }
0x616: {  	s4 =	sld [smem:$0x7DB]  }
0x617: {  	[hbm4b:s31+s29] =	stream.strided.scatter [tilespmem:s3], [sflag:$0x1], $0x3200, s30, s29, $0x38;
	[tilespmem:$0x3200] =	vst v63  }
0x618: {  	s31 =	sld [smem:$0x7DC]  }
0x619: {  	[hbm4b:s4+s29] =	stream.strided.scatter [tilespmem:s3], [sflag:$0x1], $0x3200, s30, s29, $0x38;
	[tilespmem:$0x3200] =	vst v63  }
0x61a: {  	s4 =	sld [smem:$0x7DD]  }
0x61b: {  	[hbm4b:s31+s29] =	stream.strided.scatter [tilespmem:s3], [sflag:$0x1], $0x3200, s30, s29, $0x38;
	[tilespmem:$0x3200] =	vst v63  }
0x61c: {  	s31 =	sld [smem:$0x7DE]  }
0x61d: {  	[hbm4b:s4+s29] =	stream.strided.scatter [tilespmem:s3], [sflag:$0x1], $0x3200, s30, s29, $0x38;
	[tilespmem:$0x3200] =	vst v63  }
0x61e: {  	s4 =	sld [smem:$0x7DF]  }
0x61f: {  	[hbm4b:s31+s29] =	stream.strided.scatter [tilespmem:s3], [sflag:$0x1], $0x3200, s30, s29, $0x38;
	[tilespmem:$0x3200] =	vst v63  }
0x620: {  	s31 =	sld [smem:$0x7E0]  }
0x621: {  	[hbm4b:s4+s29] =	stream.strided.scatter [tilespmem:s3], [sflag:$0x1], $0x3200, s30, s29, $0x38;
	[tilespmem:$0x3200] =	vst v63  }
0x622: {  	s4 =	sld [smem:$0x7E1]  }
0x623: {  	[hbm4b:s31+s29] =	stream.strided.scatter [tilespmem:s3], [sflag:$0x1], $0x3200, s30, s29, $0x38;
	[tilespmem:$0x3200] =	vst v63  }
0x624: {  	s31 =	sld [smem:$0x7E2]  }
0x625: {  	[hbm4b:s4+s29] =	stream.strided.scatter [tilespmem:s3], [sflag:$0x1], $0x3200, s30, s29, $0x38;
	[tilespmem:$0x3200] =	vst v63  }
0x626: {  	s4 =	sld [smem:$0x7E3]  }
0x627: {  	[hbm4b:s31+s29] =	stream.strided.scatter [tilespmem:s3], [sflag:$0x1], $0x3200, s30, s29, $0x38;
	[tilespmem:$0x3200] =	vst v63  }
0x628: {  	s31 =	sld [smem:$0x7E4]  }
0x629: {  	[hbm4b:s4+s29] =	stream.strided.scatter [tilespmem:s3], [sflag:$0x1], $0x3200, s30, s29, $0x38;
	[tilespmem:$0x3200] =	vst v63  }
0x62a: {  	s4 =	sld [smem:$0x7E5]  }
0x62b: {  	[hbm4b:s31+s29] =	stream.strided.scatter [tilespmem:s3], [sflag:$0x1], $0x3200, s30, s29, $0x38;
	[tilespmem:$0x3200] =	vst v63  }
0x62c: {  	s31 =	sld [smem:$0x7E6]  }
0x62d: {  	[hbm4b:s4+s29] =	stream.strided.scatter [tilespmem:s3], [sflag:$0x1], $0x3200, s30, s29, $0x38;
	[tilespmem:$0x3200] =	vst v63  }
0x62e: {  	s4 =	sld [smem:$0x7E7]  }
0x62f: {  	[hbm4b:s31+s29] =	stream.strided.scatter [tilespmem:s3], [sflag:$0x1], $0x3200, s30, s29, $0x38;
	[tilespmem:$0x3200] =	vst v63  }
0x630: {  	s31 =	sld [smem:$0x7E8]  }
0x631: {  	[hbm4b:s4+s29] =	stream.strided.scatter [tilespmem:s3], [sflag:$0x1], $0x3200, s30, s29, $0x38;
	[tilespmem:$0x3200] =	vst v63  }
0x632: {  	s4 =	sld [smem:$0x7E9]  }
0x633: {  	[hbm4b:s31+s29] =	stream.strided.scatter [tilespmem:s3], [sflag:$0x1], $0x3200, s30, s29, $0x38;
	[tilespmem:$0x3200] =	vst v63  }
0x634: {  	s31 =	sld [smem:$0x7EA]  }
0x635: {  	[hbm4b:s4+s29] =	stream.strided.scatter [tilespmem:s3], [sflag:$0x1], $0x3200, s30, s29, $0x38;
	[tilespmem:$0x3200] =	vst v63  }
0x636: {  	s4 =	sld [smem:$0x7EB]  }
0x637: {  	[hbm4b:s31+s29] =	stream.strided.scatter [tilespmem:s3], [sflag:$0x1], $0x3200, s30, s29, $0x38;
	[tilespmem:$0x3200] =	vst v63  }
0x638: {  	s31 =	sld [smem:$0x7EC]  }
0x639: {  	[hbm4b:s4+s29] =	stream.strided.scatter [tilespmem:s3], [sflag:$0x1], $0x3200, s30, s29, $0x38;
	[tilespmem:$0x3200] =	vst v63  }
0x63a: {  	s4 =	sld [smem:$0x7ED]  }
0x63b: {  	[hbm4b:s31+s29] =	stream.strided.scatter [tilespmem:s3], [sflag:$0x1], $0x3200, s30, s29, $0x38;
	[tilespmem:$0x3200] =	vst v63  }
0x63c: {  	s31 =	sld [smem:$0x7EE]  }
0x63d: {  	[hbm4b:s4+s29] =	stream.strided.scatter [tilespmem:s3], [sflag:$0x1], $0x3200, s30, s29, $0x38;
	[tilespmem:$0x3200] =	vst v63  }
0x63e: {  	s4 =	sld [smem:$0x7EF]  }
0x63f: {  	[hbm4b:s31+s29] =	stream.strided.scatter [tilespmem:s3], [sflag:$0x1], $0x3200, s30, s29, $0x38;
	[tilespmem:$0x3200] =	vst v63  }
0x640: {  	s31 =	sld [smem:$0x7F0]  }
0x641: {  	[hbm4b:s4+s29] =	stream.strided.scatter [tilespmem:s3], [sflag:$0x1], $0x3200, s30, s29, $0x38;
	[tilespmem:$0x3200] =	vst v63  }
0x642: {  	s4 =	sld [smem:$0x7F1]  }
0x643: {  	[hbm4b:s31+s29] =	stream.strided.scatter [tilespmem:s3], [sflag:$0x1], $0x3200, s30, s29, $0x38;
	[tilespmem:$0x3200] =	vst v63  }
0x644: {  	s31 =	sld [smem:$0x7F2]  }
0x645: {  	[hbm4b:s4+s29] =	stream.strided.scatter [tilespmem:s3], [sflag:$0x1], $0x3200, s30, s29, $0x38;
	[tilespmem:$0x3200] =	vst v63  }
0x646: {  	s4 =	sld [smem:$0x7F3]  }
0x647: {  	[hbm4b:s31+s29] =	stream.strided.scatter [tilespmem:s3], [sflag:$0x1], $0x3200, s30, s29, $0x38;
	[tilespmem:$0x3200] =	vst v63  }
0x648: {  	s31 =	sld [smem:$0x7F4]  }
0x649: {  	[hbm4b:s4+s29] =	stream.strided.scatter [tilespmem:s3], [sflag:$0x1], $0x3200, s30, s29, $0x38;
	[tilespmem:$0x3200] =	vst v63  }
0x64a: {  	s4 =	sld [smem:$0x7F5]  }
0x64b: {  	[hbm4b:s31+s29] =	stream.strided.scatter [tilespmem:s3], [sflag:$0x1], $0x3200, s30, s29, $0x38;
	[tilespmem:$0x3200] =	vst v63  }
0x64c: {  	s31 =	sld [smem:$0x7F6]  }
0x64d: {  	[hbm4b:s4+s29] =	stream.strided.scatter [tilespmem:s3], [sflag:$0x1], $0x3200, s30, s29, $0x38;
	[tilespmem:$0x3200] =	vst v63  }
0x64e: {  	s4 =	sld [smem:$0x7F7]  }
0x64f: {  	[hbm4b:s31+s29] =	stream.strided.scatter [tilespmem:s3], [sflag:$0x1], $0x3200, s30, s29, $0x38;
	[tilespmem:$0x3200] =	vst v63  }
0x650: {  	s31 =	sld [smem:$0x7F8]  }
0x651: {  	[hbm4b:s4+s29] =	stream.strided.scatter [tilespmem:s3], [sflag:$0x1], $0x3200, s30, s29, $0x38;
	[tilespmem:$0x3200] =	vst v63  }
0x652: {  	s4 =	sld [smem:$0x7F9]  }
0x653: {  	[hbm4b:s31+s29] =	stream.strided.scatter [tilespmem:s3], [sflag:$0x1], $0x3200, s30, s29, $0x38;
	[tilespmem:$0x3200] =	vst v63  }
0x654: {  	s31 =	sld [smem:$0x7FA]  }
0x655: {  	[hbm4b:s4+s29] =	stream.strided.scatter [tilespmem:s3], [sflag:$0x1], $0x3200, s30, s29, $0x38;
	[tilespmem:$0x3200] =	vst v63  }
0x656: {  	s4 =	sld [smem:$0x7FB]  }
0x657: {  	[hbm4b:s31+s29] =	stream.strided.scatter [tilespmem:s3], [sflag:$0x1], $0x3200, s30, s29, $0x38;
	[tilespmem:$0x3200] =	vst v63  }
0x658: {  	s31 =	sld [smem:$0x7FC]  }
0x659: {  	[hbm4b:s4+s29] =	stream.strided.scatter [tilespmem:s3], [sflag:$0x1], $0x3200, s30, s29, $0x38;
	[tilespmem:$0x3200] =	vst v63  }
0x65a: {  	s4 =	sld [smem:$0x7FD]  }
0x65b: {  	[hbm4b:s31+s29] =	stream.strided.scatter [tilespmem:s3], [sflag:$0x1], $0x3200, s30, s29, $0x38;
	[tilespmem:$0x3200] =	vst v63  }
0x65c: {  	_ = 	snop  }
0x65d: {  	[hbm4b:s4+s29] =	stream.strided.scatter [tilespmem:s3], [sflag:$0x1], $0x3200, s30, s29, $0x38;
	[tilespmem:$0x3200] =	vst v63  }
0x65e: {  	_ = 	snop  }
0x65f: {  	[hbm4b:s5+s29] =	stream.strided.scatter [tilespmem:s3], [sflag:$0x1], $0x3200, s30, s29, $0x38;
	[tilespmem:$0x3200] =	vst v63  }
0x660: {  	_ = 	snop  }
0x661: {  	[hbm4b:s6+s29] =	stream.strided.scatter [tilespmem:s3], [sflag:$0x1], $0x3200, s30, s29, $0x38;
	[tilespmem:$0x3200] =	vst v63  }
0x662: {  	_ = 	snop  }
0x663: {  	[hbm4b:s7+s29] =	stream.strided.scatter [tilespmem:s3], [sflag:$0x1], $0x3200, s30, s29, $0x38;
	[tilespmem:$0x3200] =	vst v63  }
0x664: {  	_ = 	snop  }
0x665: {  	[hbm4b:s8+s29] =	stream.strided.scatter [tilespmem:s3], [sflag:$0x1], $0x3200, s30, s29, $0x38;
	[tilespmem:$0x3200] =	vst v63  }
0x666: {  	_ = 	snop  }
0x667: {  	[hbm4b:s9+s29] =	stream.strided.scatter [tilespmem:s3], [sflag:$0x1], $0x3200, s30, s29, $0x38;
	[tilespmem:$0x3200] =	vst v63  }
0x668: {  	_ = 	snop  }
0x669: {  	[hbm4b:s10+s29] =	stream.strided.scatter [tilespmem:s3], [sflag:$0x1], $0x3200, s30, s29, $0x38;
	[tilespmem:$0x3200] =	vst v63  }
0x66a: {  	_ = 	snop  }
0x66b: {  	[hbm4b:s11+s29] =	stream.strided.scatter [tilespmem:s3], [sflag:$0x1], $0x3200, s30, s29, $0x38;
	[tilespmem:$0x3200] =	vst v63  }
0x66c: {  	_ = 	snop  }
0x66d: {  	[hbm4b:s12+s29] =	stream.strided.scatter [tilespmem:s3], [sflag:$0x1], $0x3200, s30, s29, $0x38;
	[tilespmem:$0x3200] =	vst v63  }
0x66e: {  	_ = 	snop  }
0x66f: {  	[hbm4b:s13+s29] =	stream.strided.scatter [tilespmem:s3], [sflag:$0x1], $0x3200, s30, s29, $0x38;
	[tilespmem:$0x3200] =	vst v63  }
0x670: {  	_ = 	snop  }
0x671: {  	[hbm4b:s14+s29] =	stream.strided.scatter [tilespmem:s3], [sflag:$0x1], $0x3200, s30, s29, $0x38;
	[tilespmem:$0x3200] =	vst v63  }
0x672: {  	_ = 	snop  }
0x673: {  	[hbm4b:s15+s29] =	stream.strided.scatter [tilespmem:s3], [sflag:$0x1], $0x3200, s30, s29, $0x38;
	[tilespmem:$0x3200] =	vst v63  }
0x674: {  	_ = 	snop  }
0x675: {  	[hbm4b:s16+s29] =	stream.strided.scatter [tilespmem:s3], [sflag:$0x1], $0x3200, s30, s29, $0x38;
	[tilespmem:$0x3200] =	vst v63  }
0x676: {  	_ = 	snop  }
0x677: {  	[hbm4b:s17+s29] =	stream.strided.scatter [tilespmem:s3], [sflag:$0x1], $0x3200, s30, s29, $0x38;
	[tilespmem:$0x3200] =	vst v63  }
0x678: {  	_ = 	snop  }
0x679: {  	[hbm4b:s18+s29] =	stream.strided.scatter [tilespmem:s3], [sflag:$0x1], $0x3200, s30, s29, $0x38;
	[tilespmem:$0x3200] =	vst v63  }
0x67a: {  	_ = 	snop  }
0x67b: {  	[hbm4b:s19+s29] =	stream.strided.scatter [tilespmem:s3], [sflag:$0x1], $0x3200, s30, s29, $0x38;
	[tilespmem:$0x3200] =	vst v63  }
0x67c: {  	_ = 	snop  }
0x67d: {  	[hbm4b:s20+s29] =	stream.strided.scatter [tilespmem:s3], [sflag:$0x1], $0x3200, s30, s29, $0x38;
	[tilespmem:$0x3200] =	vst v63  }
0x67e: {  	_ = 	snop  }
0x67f: {  	[hbm4b:s21+s29] =	stream.strided.scatter [tilespmem:s3], [sflag:$0x1], $0x3200, s30, s29, $0x38;
	[tilespmem:$0x3200] =	vst v63  }
0x680: {  	_ = 	snop  }
0x681: {  	[hbm4b:s22+s29] =	stream.strided.scatter [tilespmem:s3], [sflag:$0x1], $0x3200, s30, s29, $0x38;
	[tilespmem:$0x3200] =	vst v63  }
0x682: {  	_ = 	snop  }
0x683: {  	[hbm4b:s23+s29] =	stream.strided.scatter [tilespmem:s3], [sflag:$0x1], $0x3200, s30, s29, $0x38;
	[tilespmem:$0x3200] =	vst v63  }
0x684: {  	_ = 	snop  }
0x685: {  	[hbm4b:s24+s29] =	stream.strided.scatter [tilespmem:s3], [sflag:$0x1], $0x3200, s30, s29, $0x38;
	[tilespmem:$0x3200] =	vst v63  }
0x686: {  	_ = 	snop  }
0x687: {  	[hbm4b:s25+s29] =	stream.strided.scatter [tilespmem:s3], [sflag:$0x1], $0x3200, s30, s29, $0x38;
	[tilespmem:$0x3200] =	vst v63  }
0x688: {  	_ = 	snop  }
0x689: {  	[hbm4b:s26+s29] =	stream.strided.scatter [tilespmem:s3], [sflag:$0x1], $0x3200, s30, s29, $0x38;
	[tilespmem:$0x3200] =	vst v63  }
0x68a: {  	_ = 	snop  }
0x68b: {  	[hbm4b:s28+s29] =	stream.strided.scatter [tilespmem:s3], [sflag:$0x1], $0x3200, s30, s29, $0x38;
	[tilespmem:$0x3200] =	vst v63  }
0x68c: {  	_ =	swait.ge [sflag:s2], $0x3200  }
0x68d: {  	[sflag:s2] =	ssyncset.done $0x0  }
0x68e: {  	[sflag:s2] =	ssyncadd.s32 $0xFFFFCE00  }
0x68f: {  	_ =	swait.ge [sflag:s2], $0x3200  }
0x690: {  	[sflag:s2] =	ssyncset.done $0x0  }
0x691: {  	[sflag:s2] =	ssyncadd.s32 $0xFFFFCE00  }
0x692: {  	_ =	swait.ge [sflag:s2], $0x3200  }
0x693: {  	[sflag:s2] =	ssyncset.done $0x0  }
0x694: {  	[sflag:s2] =	ssyncadd.s32 $0xFFFFCE00  }
0x695: {  	_ =	swait.ge [sflag:s2], $0x3200  }
0x696: {  	[sflag:s2] =	ssyncset.done $0x0  }
0x697: {  	[sflag:s2] =	ssyncadd.s32 $0xFFFFCE00  }
0x698: {  	_ =	swait.ge [sflag:s2], $0x3200  }
0x699: {  	[sflag:s2] =	ssyncset.done $0x0  }
0x69a: {  	[sflag:s2] =	ssyncadd.s32 $0xFFFFCE00  }
0x69b: {  	_ =	swait.ge [sflag:s2], $0x3200  }
0x69c: {  	[sflag:s2] =	ssyncset.done $0x0  }
0x69d: {  	[sflag:s2] =	ssyncadd.s32 $0xFFFFCE00  }
0x69e: {  	_ =	swait.ge [sflag:s2], $0x3200  }
0x69f: {  	[sflag:s2] =	ssyncset.done $0x0  }
0x6a0: {  	[sflag:s2] =	ssyncadd.s32 $0xFFFFCE00  }
0x6a1: {  	_ =	swait.ge [sflag:s2], $0x3200  }
0x6a2: {  	[sflag:s2] =	ssyncset.done $0x0  }
0x6a3: {  	[sflag:s2] =	ssyncadd.s32 $0xFFFFCE00  }
0x6a4: {  	_ =	swait.ge [sflag:s2], $0x3200  }
0x6a5: {  	[sflag:s2] =	ssyncset.done $0x0  }
0x6a6: {  	[sflag:s2] =	ssyncadd.s32 $0xFFFFCE00  }
0x6a7: {  	_ =	swait.ge [sflag:s2], $0x3200  }
0x6a8: {  	[sflag:s2] =	ssyncset.done $0x0  }
0x6a9: {  	[sflag:s2] =	ssyncadd.s32 $0xFFFFCE00  }
0x6aa: {  	_ =	swait.ge [sflag:s2], $0x3200  }
0x6ab: {  	[sflag:s2] =	ssyncset.done $0x0  }
0x6ac: {  	[sflag:s2] =	ssyncadd.s32 $0xFFFFCE00  }
0x6ad: {  	_ =	swait.ge [sflag:s2], $0x3200  }
0x6ae: {  	[sflag:s2] =	ssyncset.done $0x0  }
0x6af: {  	[sflag:s2] =	ssyncadd.s32 $0xFFFFCE00  }
0x6b0: {  	_ =	swait.ge [sflag:s2], $0x3200  }
0x6b1: {  	[sflag:s2] =	ssyncset.done $0x0  }
0x6b2: {  	[sflag:s2] =	ssyncadd.s32 $0xFFFFCE00  }
0x6b3: {  	_ =	swait.ge [sflag:s2], $0x3200  }
0x6b4: {  	[sflag:s2] =	ssyncset.done $0x0  }
0x6b5: {  	[sflag:s2] =	ssyncadd.s32 $0xFFFFCE00  }
0x6b6: {  	_ =	swait.ge [sflag:s2], $0x3200  }
0x6b7: {  	[sflag:s2] =	ssyncset.done $0x0  }
0x6b8: {  	[sflag:s2] =	ssyncadd.s32 $0xFFFFCE00  }
0x6b9: {  	_ =	swait.ge [sflag:s2], $0x3200  }
0x6ba: {  	[sflag:s2] =	ssyncset.done $0x0  }
0x6bb: {  	[sflag:s2] =	ssyncadd.s32 $0xFFFFCE00  }
0x6bc: {  	_ =	swait.ge [sflag:s2], $0x3200  }
0x6bd: {  	[sflag:s2] =	ssyncset.done $0x0  }
0x6be: {  	[sflag:s2] =	ssyncadd.s32 $0xFFFFCE00  }
0x6bf: {  	_ =	swait.ge [sflag:s2], $0x3200  }
0x6c0: {  	[sflag:s2] =	ssyncset.done $0x0  }
0x6c1: {  	[sflag:s2] =	ssyncadd.s32 $0xFFFFCE00  }
0x6c2: {  	_ =	swait.ge [sflag:s2], $0x3200  }
0x6c3: {  	[sflag:s2] =	ssyncset.done $0x0  }
0x6c4: {  	[sflag:s2] =	ssyncadd.s32 $0xFFFFCE00  }
0x6c5: {  	_ =	swait.ge [sflag:s2], $0x3200  }
0x6c6: {  	[sflag:s2] =	ssyncset.done $0x0  }
0x6c7: {  	[sflag:s2] =	ssyncadd.s32 $0xFFFFCE00  }
0x6c8: {  	_ =	swait.ge [sflag:s2], $0x3200  }
0x6c9: {  	[sflag:s2] =	ssyncset.done $0x0  }
0x6ca: {  	[sflag:s2] =	ssyncadd.s32 $0xFFFFCE00  }
0x6cb: {  	_ =	swait.ge [sflag:s2], $0x3200  }
0x6cc: {  	[sflag:s2] =	ssyncset.done $0x0  }
0x6cd: {  	[sflag:s2] =	ssyncadd.s32 $0xFFFFCE00  }
0x6ce: {  	_ =	swait.ge [sflag:s2], $0x3200  }
0x6cf: {  	[sflag:s2] =	ssyncset.done $0x0  }
0x6d0: {  	[sflag:s2] =	ssyncadd.s32 $0xFFFFCE00  }
0x6d1: {  	_ =	swait.ge [sflag:s2], $0x3200  }
0x6d2: {  	[sflag:s2] =	ssyncset.done $0x0  }
0x6d3: {  	[sflag:s2] =	ssyncadd.s32 $0xFFFFCE00  }
0x6d4: {  	_ =	swait.ge [sflag:s2], $0x3200  }
0x6d5: {  	[sflag:s2] =	ssyncset.done $0x0  }
0x6d6: {  	[sflag:s2] =	ssyncadd.s32 $0xFFFFCE00  }
0x6d7: {  	_ =	swait.ge [sflag:s2], $0x3200  }
0x6d8: {  	[sflag:s2] =	ssyncset.done $0x0  }
0x6d9: {  	[sflag:s2] =	ssyncadd.s32 $0xFFFFCE00  }
0x6da: {  	_ =	swait.ge [sflag:s2], $0x3200  }
0x6db: {  	[sflag:s2] =	ssyncset.done $0x0  }
0x6dc: {  	[sflag:s2] =	ssyncadd.s32 $0xFFFFCE00  }
0x6dd: {  	_ =	swait.ge [sflag:s2], $0x3200  }
0x6de: {  	[sflag:s2] =	ssyncset.done $0x0  }
0x6df: {  	[sflag:s2] =	ssyncadd.s32 $0xFFFFCE00  }
0x6e0: {  	_ =	swait.ge [sflag:s2], $0x3200  }
0x6e1: {  	[sflag:s2] =	ssyncset.done $0x0  }
0x6e2: {  	[sflag:s2] =	ssyncadd.s32 $0xFFFFCE00  }
0x6e3: {  	_ =	swait.ge [sflag:s2], $0x3200  }
0x6e4: {  	[sflag:s2] =	ssyncset.done $0x0  }
0x6e5: {  	[sflag:s2] =	ssyncadd.s32 $0xFFFFCE00  }
0x6e6: {  	_ =	swait.ge [sflag:s2], $0x3200  }
0x6e7: {  	[sflag:s2] =	ssyncset.done $0x0  }
0x6e8: {  	[sflag:s2] =	ssyncadd.s32 $0xFFFFCE00  }
0x6e9: {  	_ =	swait.ge [sflag:s2], $0x3200  }
0x6ea: {  	[sflag:s2] =	ssyncset.done $0x0  }
0x6eb: {  	[sflag:s2] =	ssyncadd.s32 $0xFFFFCE00  }
0x6ec: {  	_ =	swait.ge [sflag:s2], $0x3200  }
0x6ed: {  	[sflag:s2] =	ssyncset.done $0x0  }
0x6ee: {  	[sflag:s2] =	ssyncadd.s32 $0xFFFFCE00  }
0x6ef: {  	_ =	swait.ge [sflag:s2], $0x3200  }
0x6f0: {  	[sflag:s2] =	ssyncset.done $0x0  }
0x6f1: {  	[sflag:s2] =	ssyncadd.s32 $0xFFFFCE00  }
0x6f2: {  	_ =	swait.ge [sflag:s2], $0x3200  }
0x6f3: {  	[sflag:s2] =	ssyncset.done $0x0  }
0x6f4: {  	[sflag:s2] =	ssyncadd.s32 $0xFFFFCE00  }
0x6f5: {  	_ =	swait.ge [sflag:s2], $0x3200  }
0x6f6: {  	[sflag:s2] =	ssyncset.done $0x0  }
0x6f7: {  	[sflag:s2] =	ssyncadd.s32 $0xFFFFCE00  }
0x6f8: {  	_ =	swait.ge [sflag:s2], $0x3200  }
0x6f9: {  	[sflag:s2] =	ssyncset.done $0x0  }
0x6fa: {  	[sflag:s2] =	ssyncadd.s32 $0xFFFFCE00  }
0x6fb: {  	_ =	swait.ge [sflag:s2], $0x3200  }
0x6fc: {  	[sflag:s2] =	ssyncset.done $0x0  }
0x6fd: {  	[sflag:s2] =	ssyncadd.s32 $0xFFFFCE00  }
0x6fe: {  	_ =	swait.ge [sflag:s2], $0x3200  }
0x6ff: {  	[sflag:s2] =	ssyncset.done $0x0  }
0x700: {  	[sflag:s2] =	ssyncadd.s32 $0xFFFFCE00  }
0x701: {  	_ =	swait.ge [sflag:s2], $0x3200  }
0x702: {  	[sflag:s2] =	ssyncset.done $0x0  }
0x703: {  	[sflag:s2] =	ssyncadd.s32 $0xFFFFCE00  }
0x704: {  	_ =	swait.ge [sflag:s2], $0x3200  }
0x705: {  	[sflag:s2] =	ssyncset.done $0x0  }
0x706: {  	[sflag:s2] =	ssyncadd.s32 $0xFFFFCE00  }
0x707: {  	_ =	swait.ge [sflag:s2], $0x3200  }
0x708: {  	[sflag:s2] =	ssyncset.done $0x0  }
0x709: {  	[sflag:s2] =	ssyncadd.s32 $0xFFFFCE00  }
0x70a: {  	_ =	swait.ge [sflag:s2], $0x3200  }
0x70b: {  	[sflag:s2] =	ssyncset.done $0x0  }
0x70c: {  	[sflag:s2] =	ssyncadd.s32 $0xFFFFCE00  }
0x70d: {  	_ =	swait.ge [sflag:s2], $0x3200  }
0x70e: {  	[sflag:s2] =	ssyncset.done $0x0  }
0x70f: {  	[sflag:s2] =	ssyncadd.s32 $0xFFFFCE00  }
0x710: {  	_ =	swait.ge [sflag:s2], $0x3200  }
0x711: {  	[sflag:s2] =	ssyncset.done $0x0  }
0x712: {  	[sflag:s2] =	ssyncadd.s32 $0xFFFFCE00  }
0x713: {  	_ =	swait.ge [sflag:s2], $0x3200  }
0x714: {  	[sflag:s2] =	ssyncset.done $0x0  }
0x715: {  	[sflag:s2] =	ssyncadd.s32 $0xFFFFCE00  }
0x716: {  	_ =	swait.ge [sflag:s2], $0x3200  }
0x717: {  	[sflag:s2] =	ssyncset.done $0x0  }
0x718: {  	[sflag:s2] =	ssyncadd.s32 $0xFFFFCE00  }
0x719: {  	_ =	swait.ge [sflag:s2], $0x3200  }
0x71a: {  	[sflag:s2] =	ssyncset.done $0x0  }
0x71b: {  	[sflag:s2] =	ssyncadd.s32 $0xFFFFCE00  }
0x71c: {  	_ =	swait.ge [sflag:s2], $0x3200  }
0x71d: {  	[sflag:s2] =	ssyncset.done $0x0  }
0x71e: {  	[sflag:s2] =	ssyncadd.s32 $0xFFFFCE00  }
0x71f: {  	_ =	swait.ge [sflag:s2], $0x3200  }
0x720: {  	[sflag:s2] =	ssyncset.done $0x0  }
0x721: {  	[sflag:s2] =	ssyncadd.s32 $0xFFFFCE00  }
0x722: {  	_ =	swait.ge [sflag:s2], $0x3200  }
0x723: {  	[sflag:s2] =	ssyncset.done $0x0  }
0x724: {  	[sflag:s2] =	ssyncadd.s32 $0xFFFFCE00  }
0x725: {  	_ =	swait.ge [sflag:s2], $0x3200  }
0x726: {  	[sflag:s2] =	ssyncset.done $0x0  }
0x727: {  	[sflag:s2] =	ssyncadd.s32 $0xFFFFCE00  }
0x728: {  	_ =	swait.ge [sflag:s2], $0x3200  }
0x729: {  	[sflag:s2] =	ssyncset.done $0x0  }
0x72a: {  	[sflag:s2] =	ssyncadd.s32 $0xFFFFCE00  }
0x72b: {  	_ =	swait.ge [sflag:s2], $0x3200  }
0x72c: {  	[sflag:s2] =	ssyncset.done $0x0  }
0x72d: {  	[sflag:s2] =	ssyncadd.s32 $0xFFFFCE00  }
0x72e: {  	_ =	swait.ge [sflag:s2], $0x3200  }
0x72f: {  	[sflag:s2] =	ssyncset.done $0x0  }
0x730: {  	[sflag:s2] =	ssyncadd.s32 $0xFFFFCE00  }
0x731: {  	_ =	swait.ge [sflag:s2], $0x3200  }
0x732: {  	[sflag:s2] =	ssyncset.done $0x0  }
0x733: {  	[sflag:s2] =	ssyncadd.s32 $0xFFFFCE00  }
0x734: {  	_ =	swait.ge [sflag:s2], $0x3200  }
0x735: {  	[sflag:s2] =	ssyncset.done $0x0  }
0x736: {  	[sflag:s2] =	ssyncadd.s32 $0xFFFFCE00  }
0x737: {  	_ =	swait.ge [sflag:s2], $0x3200  }
0x738: {  	[sflag:s2] =	ssyncset.done $0x0  }
0x739: {  	[sflag:s2] =	ssyncadd.s32 $0xFFFFCE00  }
0x73a: {  	_ =	swait.ge [sflag:s2], $0x3200  }
0x73b: {  	[sflag:s2] =	ssyncset.done $0x0  }
0x73c: {  	[sflag:s2] =	ssyncadd.s32 $0xFFFFCE00  }
0x73d: {  	_ =	swait.ge [sflag:s2], $0x3200  }
0x73e: {  	[sflag:s2] =	ssyncset.done $0x0  }
0x73f: {  	[sflag:s2] =	ssyncadd.s32 $0xFFFFCE00  }
0x740: {  	_ =	swait.ge [sflag:s2], $0x3200  }
0x741: {  	[sflag:s2] =	ssyncset.done $0x0  }
0x742: {  	[sflag:s2] =	ssyncadd.s32 $0xFFFFCE00  }
0x743: {  	_ =	swait.ge [sflag:s2], $0x3200  }
0x744: {  	[sflag:s2] =	ssyncset.done $0x0  }
0x745: {  	[sflag:s2] =	ssyncadd.s32 $0xFFFFCE00  }
0x746: {  	_ =	swait.ge [sflag:s2], $0x3200  }
0x747: {  	[sflag:s2] =	ssyncset.done $0x0  }
0x748: {  	[sflag:s2] =	ssyncadd.s32 $0xFFFFCE00  }
0x749: {  	_ =	swait.ge [sflag:s2], $0x3200  }
0x74a: {  	[sflag:s2] =	ssyncset.done $0x0  }
0x74b: {  	[sflag:s2] =	ssyncadd.s32 $0xFFFFCE00  }
0x74c: {  	_ =	swait.ge [sflag:s2], $0x3200  }
0x74d: {  	[sflag:s2] =	ssyncset.done $0x0  }
0x74e: {  	[sflag:s2] =	ssyncadd.s32 $0xFFFFCE00  }
0x74f: {  	_ =	swait.ge [sflag:s2], $0x3200  }
0x750: {  	[sflag:s2] =	ssyncset.done $0x0  }
0x751: {  	[sflag:s2] =	ssyncadd.s32 $0xFFFFCE00  }
0x752: {  	_ =	swait.ge [sflag:s2], $0x3200  }
0x753: {  	[sflag:s2] =	ssyncset.done $0x0  }
0x754: {  	[sflag:s2] =	ssyncadd.s32 $0xFFFFCE00  }
0x755: {  	_ =	swait.ge [sflag:s2], $0x3200  }
0x756: {  	[sflag:s2] =	ssyncset.done $0x0  }
0x757: {  	[sflag:s2] =	ssyncadd.s32 $0xFFFFCE00  }
0x758: {  	_ =	swait.ge [sflag:s2], $0x3200  }
0x759: {  	[sflag:s2] =	ssyncset.done $0x0  }
0x75a: {  	[sflag:s2] =	ssyncadd.s32 $0xFFFFCE00  }
0x75b: {  	_ =	swait.ge [sflag:s2], $0x3200  }
0x75c: {  	[sflag:s2] =	ssyncset.done $0x0  }
0x75d: {  	[sflag:s2] =	ssyncadd.s32 $0xFFFFCE00  }
0x75e: {  	_ =	swait.ge [sflag:s2], $0x3200  }
0x75f: {  	[sflag:s2] =	ssyncset.done $0x0  }
0x760: {  	[sflag:s2] =	ssyncadd.s32 $0xFFFFCE00  }
0x761: {  	_ =	swait.ge [sflag:s2], $0x3200  }
0x762: {  	[sflag:s2] =	ssyncset.done $0x0  }
0x763: {  	[sflag:s2] =	ssyncadd.s32 $0xFFFFCE00  }
0x764: {  	_ =	swait.ge [sflag:s2], $0x3200  }
0x765: {  	[sflag:s2] =	ssyncset.done $0x0  }
0x766: {  	[sflag:s2] =	ssyncadd.s32 $0xFFFFCE00  }
0x767: {  	_ =	swait.ge [sflag:s2], $0x3200  }
0x768: {  	[sflag:s2] =	ssyncset.done $0x0  }
0x769: {  	[sflag:s2] =	ssyncadd.s32 $0xFFFFCE00  }
0x76a: {  	_ =	swait.ge [sflag:s2], $0x3200  }
0x76b: {  	[sflag:s2] =	ssyncset.done $0x0  }
0x76c: {  	[sflag:s2] =	ssyncadd.s32 $0xFFFFCE00  }
0x76d: {  	_ =	swait.ge [sflag:s2], $0x3200  }
0x76e: {  	[sflag:s2] =	ssyncset.done $0x0  }
0x76f: {  	[sflag:s2] =	ssyncadd.s32 $0xFFFFCE00  }
0x770: {  	_ =	swait.ge [sflag:s2], $0x3200  }
0x771: {  	[sflag:s2] =	ssyncset.done $0x0  }
0x772: {  	[sflag:s2] =	ssyncadd.s32 $0xFFFFCE00  }
0x773: {  	_ =	swait.ge [sflag:s2], $0x3200  }
0x774: {  	[sflag:s2] =	ssyncset.done $0x0  }
0x775: {  	[sflag:s2] =	ssyncadd.s32 $0xFFFFCE00  }
0x776: {  	_ =	swait.ge [sflag:s2], $0x3200  }
0x777: {  	[sflag:s2] =	ssyncset.done $0x0  }
0x778: {  	[sflag:s2] =	ssyncadd.s32 $0xFFFFCE00  }
0x779: {  	_ =	swait.ge [sflag:s2], $0x3200  }
0x77a: {  	[sflag:s2] =	ssyncset.done $0x0  }
0x77b: {  	[sflag:s2] =	ssyncadd.s32 $0xFFFFCE00  }
0x77c: {  	_ =	swait.ge [sflag:s2], $0x3200  }
0x77d: {  	[sflag:s2] =	ssyncset.done $0x0  }
0x77e: {  	[sflag:s2] =	ssyncadd.s32 $0xFFFFCE00  }
0x77f: {  	_ =	swait.ge [sflag:s2], $0x3200  }
0x780: {  	[sflag:s2] =	ssyncset.done $0x0  }
0x781: {  	[sflag:s2] =	ssyncadd.s32 $0xFFFFCE00  }
0x782: {  	_ =	swait.ge [sflag:s2], $0x3200  }
0x783: {  	[sflag:s2] =	ssyncset.done $0x0  }
0x784: {  	[sflag:s2] =	ssyncadd.s32 $0xFFFFCE00  }
0x785: {  	_ =	swait.ge [sflag:s2], $0x3200  }
0x786: {  	[sflag:s2] =	ssyncset.done $0x0  }
0x787: {  	[sflag:s2] =	ssyncadd.s32 $0xFFFFCE00  }
0x788: {  	_ =	swait.ge [sflag:s2], $0x3200  }
0x789: {  	[sflag:s2] =	ssyncset.done $0x0  }
0x78a: {  	[sflag:s2] =	ssyncadd.s32 $0xFFFFCE00  }
0x78b: {  	_ =	swait.ge [sflag:s2], $0x3200  }
0x78c: {  	[sflag:s2] =	ssyncset.done $0x0  }
0x78d: {  	[sflag:s2] =	ssyncadd.s32 $0xFFFFCE00  }
0x78e: {  	_ =	swait.ge [sflag:s2], $0x3200  }
0x78f: {  	[sflag:s2] =	ssyncset.done $0x0  }
0x790: {  	[sflag:s2] =	ssyncadd.s32 $0xFFFFCE00  }
0x791: {  	_ =	swait.ge [sflag:s2], $0x3200  }
0x792: {  	[sflag:s2] =	ssyncset.done $0x0  }
0x793: {  	[sflag:s2] =	ssyncadd.s32 $0xFFFFCE00  }
0x794: {  	_ =	swait.ge [sflag:s2], $0x3200  }
0x795: {  	[sflag:s2] =	ssyncset.done $0x0  }
0x796: {  	[sflag:s2] =	ssyncadd.s32 $0xFFFFCE00  }
0x797: {  	_ =	swait.ge [sflag:s2], $0x3200  }
0x798: {  	[sflag:s2] =	ssyncset.done $0x0  }
0x799: {  	[sflag:s2] =	ssyncadd.s32 $0xFFFFCE00  }
0x79a: {  	_ =	swait.ge [sflag:s2], $0x3200  }
0x79b: {  	[sflag:s2] =	ssyncset.done $0x0  }
0x79c: {  	[sflag:s2] =	ssyncadd.s32 $0xFFFFCE00  }
0x79d: {  	_ =	swait.ge [sflag:s2], $0x3200  }
0x79e: {  	[sflag:s2] =	ssyncset.done $0x0  }
0x79f: {  	[sflag:s2] =	ssyncadd.s32 $0xFFFFCE00  }
0x7a0: {  	_ =	swait.ge [sflag:s2], $0x3200  }
0x7a1: {  	[sflag:s2] =	ssyncset.done $0x0  }
0x7a2: {  	[sflag:s2] =	ssyncadd.s32 $0xFFFFCE00  }
0x7a3: {  	_ =	swait.ge [sflag:s2], $0x3200  }
0x7a4: {  	[sflag:s2] =	ssyncset.done $0x0  }
0x7a5: {  	[sflag:s2] =	ssyncadd.s32 $0xFFFFCE00  }
0x7a6: {  	_ =	swait.ge [sflag:s2], $0x3200  }
0x7a7: {  	[sflag:s2] =	ssyncset.done $0x0  }
0x7a8: {  	[sflag:s2] =	ssyncadd.s32 $0xFFFFCE00  }
0x7a9: {  	_ =	swait.ge [sflag:s2], $0x3200  }
0x7aa: {  	[sflag:s2] =	ssyncset.done $0x0  }
0x7ab: {  	[sflag:s2] =	ssyncadd.s32 $0xFFFFCE00  }
0x7ac: {  	_ =	swait.ge [sflag:s2], $0x3200  }
0x7ad: {  	[sflag:s2] =	ssyncset.done $0x0  }
0x7ae: {  	[sflag:s2] =	ssyncadd.s32 $0xFFFFCE00  }
0x7af: {  	_ =	swait.ge [sflag:s2], $0x3200  }
0x7b0: {  	[sflag:s2] =	ssyncset.done $0x0  }
0x7b1: {  	[sflag:s2] =	ssyncadd.s32 $0xFFFFCE00  }
0x7b2: {  	_ =	swait.ge [sflag:s2], $0x3200  }
0x7b3: {  	[sflag:s2] =	ssyncset.done $0x0  }
0x7b4: {  	[sflag:s2] =	ssyncadd.s32 $0xFFFFCE00  }
0x7b5: {  	_ =	swait.ge [sflag:s2], $0x3200  }
0x7b6: {  	[sflag:s2] =	ssyncset.done $0x0  }
0x7b7: {  	[sflag:s2] =	ssyncadd.s32 $0xFFFFCE00  }
0x7b8: {  	_ =	swait.ge [sflag:s2], $0x3200  }
0x7b9: {  	[sflag:s2] =	ssyncset.done $0x0  }
0x7ba: {  	[sflag:s2] =	ssyncadd.s32 $0xFFFFCE00  }
0x7bb: {  	_ =	swait.ge [sflag:s2], $0x3200  }
0x7bc: {  	[sflag:s2] =	ssyncset.done $0x0  }
0x7bd: {  	[sflag:s2] =	ssyncadd.s32 $0xFFFFCE00  }
0x7be: {  	_ =	swait.ge [sflag:s2], $0x3200  }
0x7bf: {  	[sflag:s2] =	ssyncset.done $0x0  }
0x7c0: {  	[sflag:s2] =	ssyncadd.s32 $0xFFFFCE00  }
0x7c1: {  	_ =	swait.ge [sflag:s2], $0x3200  }
0x7c2: {  	[sflag:s2] =	ssyncset.done $0x0  }
0x7c3: {  	[sflag:s2] =	ssyncadd.s32 $0xFFFFCE00  }
0x7c4: {  	_ =	swait.ge [sflag:s2], $0x3200  }
0x7c5: {  	[sflag:s2] =	ssyncset.done $0x0  }
0x7c6: {  	[sflag:s2] =	ssyncadd.s32 $0xFFFFCE00  }
0x7c7: {  	_ =	swait.ge [sflag:s2], $0x3200  }
0x7c8: {  	[sflag:s2] =	ssyncset.done $0x0  }
0x7c9: {  	[sflag:s2] =	ssyncadd.s32 $0xFFFFCE00  }
0x7ca: {  	_ =	swait.ge [sflag:s2], $0x3200  }
0x7cb: {  	[sflag:s2] =	ssyncset.done $0x0  }
0x7cc: {  	[sflag:s2] =	ssyncadd.s32 $0xFFFFCE00  }
0x7cd: {  	_ =	swait.ge [sflag:s2], $0x3200  }
0x7ce: {  	[sflag:s2] =	ssyncset.done $0x0  }
0x7cf: {  	[sflag:s2] =	ssyncadd.s32 $0xFFFFCE00  }
0x7d0: {  	_ =	swait.ge [sflag:s2], $0x3200  }
0x7d1: {  	[sflag:s2] =	ssyncset.done $0x0  }
0x7d2: {  	[sflag:s2] =	ssyncadd.s32 $0xFFFFCE00  }
0x7d3: {  	_ =	swait.ge [sflag:s2], $0x3200  }
0x7d4: {  	[sflag:s2] =	ssyncset.done $0x0  }
0x7d5: {  	[sflag:s2] =	ssyncadd.s32 $0xFFFFCE00  }
0x7d6: {  	_ =	swait.ge [sflag:s2], $0x3200  }
0x7d7: {  	[sflag:s2] =	ssyncset.done $0x0  }
0x7d8: {  	[sflag:s2] =	ssyncadd.s32 $0xFFFFCE00  }
0x7d9: {  	_ =	swait.ge [sflag:s2], $0x3200  }
0x7da: {  	[sflag:s2] =	ssyncset.done $0x0  }
0x7db: {  	[sflag:s2] =	ssyncadd.s32 $0xFFFFCE00  }
0x7dc: {  	_ =	swait.ge [sflag:s2], $0x3200  }
0x7dd: {  	[sflag:s2] =	ssyncset.done $0x0  }
0x7de: {  	[sflag:s2] =	ssyncadd.s32 $0xFFFFCE00  }
0x7df: {  	_ =	swait.ge [sflag:s2], $0x3200  }
0x7e0: {  	[sflag:s2] =	ssyncset.done $0x0  }
0x7e1: {  	[sflag:s2] =	ssyncadd.s32 $0xFFFFCE00  }
0x7e2: {  	_ =	swait.ge [sflag:s2], $0x3200  }
0x7e3: {  	[sflag:s2] =	ssyncset.done $0x0  }
0x7e4: {  	[sflag:s2] =	ssyncadd.s32 $0xFFFFCE00  }
0x7e5: {  	_ =	swait.ge [sflag:s2], $0x3200  }
0x7e6: {  	[sflag:s2] =	ssyncset.done $0x0  }
0x7e7: {  	[sflag:s2] =	ssyncadd.s32 $0xFFFFCE00  }
0x7e8: {  	_ =	swait.ge [sflag:s2], $0x3200  }
0x7e9: {  	[sflag:s2] =	ssyncset.done $0x0  }
0x7ea: {  	[sflag:s2] =	ssyncadd.s32 $0xFFFFCE00  }
0x7eb: {  	_ =	swait.ge [sflag:s2], $0x3200  }
0x7ec: {  	[sflag:s2] =	ssyncset.done $0x0  }
0x7ed: {  	[sflag:s2] =	ssyncadd.s32 $0xFFFFCE00  }
0x7ee: {  	_ =	swait.ge [sflag:s2], $0x3200  }
0x7ef: {  	[sflag:s2] =	ssyncset.done $0x0  }
0x7f0: {  	[sflag:s2] =	ssyncadd.s32 $0xFFFFCE00  }
0x7f1: {  	_ =	swait.ge [sflag:s2], $0x3200  }
0x7f2: {  	[sflag:s2] =	ssyncset.done $0x0  }
0x7f3: {  	[sflag:s2] =	ssyncadd.s32 $0xFFFFCE00  }
0x7f4: {  	_ =	swait.ge [sflag:s2], $0x3200  }
0x7f5: {  	[sflag:s2] =	ssyncset.done $0x0  }
0x7f6: {  	[sflag:s2] =	ssyncadd.s32 $0xFFFFCE00  }
0x7f7: {  	_ =	swait.ge [sflag:s2], $0x3200  }
0x7f8: {  	[sflag:s2] =	ssyncset.done $0x0  }
0x7f9: {  	[sflag:s2] =	ssyncadd.s32 $0xFFFFCE00  }
0x7fa: {  	_ =	swait.ge [sflag:s2], $0x3200  }
0x7fb: {  	[sflag:s2] =	ssyncset.done $0x0  }
0x7fc: {  	[sflag:s2] =	ssyncadd.s32 $0xFFFFCE00  }
0x7fd: {  	_ =	swait.ge [sflag:s2], $0x3200  }
0x7fe: {  	[sflag:s2] =	ssyncset.done $0x0  }
0x7ff: {  	[sflag:s2] =	ssyncadd.s32 $0xFFFFCE00  }
0x800: {  	_ =	swait.ge [sflag:s2], $0x3200  }
0x801: {  	[sflag:s2] =	ssyncset.done $0x0  }
0x802: {  	[sflag:s2] =	ssyncadd.s32 $0xFFFFCE00  }
0x803: {  	_ =	swait.ge [sflag:s2], $0x3200  }
0x804: {  	[sflag:s2] =	ssyncset.done $0x0  }
0x805: {  	[sflag:s2] =	ssyncadd.s32 $0xFFFFCE00  }
0x806: {  	_ =	swait.ge [sflag:s2], $0x3200  }
0x807: {  	[sflag:s2] =	ssyncset.done $0x0  }
0x808: {  	[sflag:s2] =	ssyncadd.s32 $0xFFFFCE00  }
0x809: {  	_ =	swait.ge [sflag:s2], $0x3200  }
0x80a: {  	[sflag:s2] =	ssyncset.done $0x0  }
0x80b: {  	[sflag:s2] =	ssyncadd.s32 $0xFFFFCE00  }
0x80c: {  	_ =	sfence.sel $0x180000  }
0x80d: {  	[bflag:$0x0] =	sbarrier.arrive $0xFFFF  }
0x80e: {  	_ =	strace $0x90000047  }
0x80f: {  	s31 =	stileid.u32;
	[bflag:$0x2] =	sbarrier.arrive $0xFFFF  }
0x810: {  	p0 =	sne.s32 s31, $0x0;
	s0 =	rddreg [dreg:$0x2]  }
0x811: {  	s0 =	sadd.s32 @!p0 $0x100000, s0  }
0x812: {  	[sflag:s0] =	ssyncadd.tile.s32 @!p0 $0x1;
	_ =	shalt  }
.Lfunc_end2:
_tile_overlayer_lowered:
.L_overlay_start_2:
0x813: {  	(tag) =	ssettag $0x2  }
0x814: {  	s0 =	rddreg [dreg:$0x0];
	s2 =	stileid.u32  }
0x815: {  	s1 =	rddreg [dreg:$0x1];
	p0 =	sne.s32 s2, $0x0  }
0x816: {  	s3 =	rddreg [dreg:$0x2];
	[bflag:$0x3] =	sbarrier.arrive $0xFFFF;
	s2 =	simm.s32 @!p0 $0x1C02  }
0x817: {  	[timem:s3], [sflag:s2] =	dma.local @!p0 [hbm:s0], s1  }
0x818: {  	s0 =	simm.s32 @!p0 $0x2  }
0x819: {  	_ =	swait.ge @!p0 [sflag:s0], s1  }
0x81a: {  	s1 =	ssub.s32 @!p0 $0x0, s1;
	[sflag:s0] =	ssyncset.done @!p0 $0x0  }
0x81b: {  	[sflag:s0] =	ssyncadd.s32 @!p0 s1  }
0x81c: {  	[bflag:$0x3] =	sbarrier.arrive $0xFFFF  }
0x81d: {  	_ =	shalt  }

</sc_bundles>
